<compile_context>
chip_gen: v7x
topology: tpu7x:2x2x1
jax: 0.10.2.dev20260603
libtpu: 0.0.44.dev20260713+nightly
codegen_flags: <defaults>
</compile_context>

<pallas_src>
import functools

import jax
import jax.numpy as jnp
from jax import lax
from jax.experimental import pallas as pl
from jax.experimental.pallas import tpu as pltpu
from jax.experimental.pallas import tpu_sc as plsc

NB_CLASSES = 1000
EMB = 50
V = 20
NC, NS, L = 2, 16, 16
NW = NC * NS

N_ROWS = 1024 * 50
ROWS_PER_W = N_ROWS // NW
CHUNK = 800
N_CHUNKS = ROWS_PER_W // CHUNK
GROUPS = CHUNK // L


def _tree_sum(terms):
    while len(terms) > 1:
        nxt = [terms[i] + terms[i + 1] for i in range(0, len(terms) - 1, 2)]
        if len(terms) % 2:
            nxt.append(terms[-1])
        terms = nxt
    return terms[0]


def _sc_body(x_hbm, table_hbm, out_hbm, xbuf, tbuf, obuf):
    wid = lax.axis_index("s") * NC + lax.axis_index("c")
    pltpu.sync_copy(table_hbm, tbuf)
    lane = lax.iota(jnp.int32, L)

    def chunk_body(c, carry):
        base = wid * ROWS_PER_W + c * CHUNK
        pltpu.sync_copy(x_hbm.at[pl.ds(base, CHUNK), :], xbuf)

        def group_body(g, carry):
            rows = g * L + lane
            idx = [
                plsc.load_gather(xbuf, [rows, jnp.full((L,), v, jnp.int32)])
                for v in range(V)
            ]
            w = []
            for a in range(V):
                m = jnp.full((L,), 0.0, jnp.float32)
                for b in range(V):
                    m = m + jnp.where(idx[a] == idx[b], 1.0, 0.0)
                w.append(1.0 / m)
            inv_u = 1.0 / _tree_sum(list(w))
            wn = [wv * inv_u for wv in w]

            addrs0 = tuple(iv * EMB for iv in idx) + (rows * EMB,)

            @plsc.parallel_loop(0, EMB, carry=addrs0, unroll=1)
            def e_body(e, cr):
                acc = _tree_sum(
                    [wn[a] * plsc.load_gather(tbuf, [cr[a]]) for a in range(V)]
                )
                plsc.store_scatter(obuf, [cr[V]], acc)
                return tuple(a + 1 for a in cr)

            return carry

        carry = lax.fori_loop(0, GROUPS, group_body, carry)
        pltpu.sync_copy(obuf, out_hbm.at[pl.ds(base * EMB, CHUNK * EMB)])
        return carry

    lax.fori_loop(0, N_CHUNKS, chunk_body, 0)


_sc_kernel = functools.partial(
    pl.kernel,
    out_type=jax.ShapeDtypeStruct((N_ROWS * EMB,), jnp.float32),
    mesh=plsc.VectorSubcoreMesh(
        core_axis_name="c", subcore_axis_name="s", num_cores=NC, num_subcores=NS
    ),
    scratch_types=[
        pltpu.VMEM((CHUNK, V), jnp.int32),
        pltpu.VMEM((NB_CLASSES * EMB,), jnp.float32),
        pltpu.VMEM((CHUNK * EMB,), jnp.float32),
    ],
    compiler_params=pltpu.CompilerParams(
        needs_layout_passes=False, use_tc_tiling_on_sc=False
    ),
)(_sc_body)


def kernel(x, table):
    b, l, v = x.shape
    xf = x.reshape(b * l, v).astype(jnp.int32)
    out = _sc_kernel(xf, table.reshape(NB_CLASSES * EMB))
    return out.reshape(b, l, EMB)

# --- scband reference (transcript-rebuilt; emitter-appended) ---
"""Pipeline reference for scband-character-language-model-31233002176717 (READ-ONLY COPY).

The authoritative reference and input builder live on the scoring server;
editing this copy changes nothing except your own understanding.
"""

import jax, jax.numpy as jnp
import numpy as np

NB_CLASSES = 1000
MAX_SENTENCE = 50
EMB = 50
B = 1024
V = 20


def setup_inputs(seed: int = 0) -> dict:
    key = jax.random.key(seed)
    k1, k2 = jax.random.split(key)
    x = jax.random.randint(k1, (B, MAX_SENTENCE, V), 0, NB_CLASSES).astype(jnp.int64)
    table = jax.random.normal(k2, (NB_CLASSES, EMB), dtype=jnp.float32)
    return {"x": x, "table": table}


def reference(x, table):
    # emulate: for each (i, j): vec = unique(x[i, j]); mean(embedding(vec), 0)
    # mean over unique values == mean over first-occurrence-masked embeddings
    emb = jnp.take(table, x, axis=0)  # [B, L, V, E]
    eq = x[..., :, None] == x[..., None, :]  # [B, L, V, V]
    v = x.shape[-1]
    earlier = jnp.arange(v)[None, :] < jnp.arange(v)[:, None]  # earlier[p, u] = u < p
    dup = jnp.any(eq & earlier, axis=-1)  # has an equal element earlier in the row
    first = (~dup).astype(emb.dtype)[..., None]  # [B, L, V, 1]
    summed = jnp.sum(emb * first, axis=-2)  # [B, L, E]
    cnt = jnp.sum(first, axis=-2)  # [B, L, 1]
    return summed / cnt

if __name__ == "__main__":
    import jax
    _d = setup_inputs()
    print(jax.jit(kernel)(*tuple(_d.values())))

</pallas_src>

<mosaic_0001>
#map = affine_map<(d0, d1) -> (0, 0)>
#map1 = affine_map<(d0, d1) -> (0)>
module attributes {stable_mosaic.version = 14 : i64} {
  func.func @_sc_body(%arg0: i32, %arg1: i32, %arg2: memref<51200x20xi32, #tpu.memory_space<hbm>>, %arg3: memref<50000xf32, #tpu.memory_space<hbm>>, %arg4: memref<2560000xf32, #tpu.memory_space<hbm>>, %arg5: memref<800x20xi32, #tpu.memory_space<vmem>>, %arg6: memref<50000xf32, #tpu.memory_space<vmem>>, %arg7: memref<40000xf32, #tpu.memory_space<vmem>>) attributes {dimension_semantics = [#tpu.dimension_semantics<core_parallel>, #tpu.dimension_semantics<subcore_parallel>], iteration_bounds = array<i64: 2, 16>, scalar_prefetch = 0 : i64, scratch_operands = 3 : i64, tpu.core_type = #tpu.core_type<sc_vector_subcore>, window_params = [{transform_indices = #map}, {transform_indices = #map1}, {transform_indices = #map1}]} {
    %mul3A = arith.constant 2 : i32
    %mul3A_0 = arith.muli %arg1, %mul3A : i32
    %add3A = arith.addi %mul3A_0, %arg0 : i32
    "tpu.region"() ({
      %run_scoped3A = tpu.sem_alloc : memref<!tpu.dma_semaphore, #tpu.memory_space<semaphore_mem>>
      tpu.enqueue_dma source(%arg3 : memref<50000xf32, #tpu.memory_space<hbm>>) target(%arg6 : memref<50000xf32, #tpu.memory_space<vmem>>) target_semaphore(%run_scoped3A : memref<!tpu.dma_semaphore, #tpu.memory_space<semaphore_mem>>)
      tpu.wait_dma2 semaphore(%run_scoped3A : memref<!tpu.dma_semaphore, #tpu.memory_space<semaphore_mem>>) src(%arg3 : memref<50000xf32, #tpu.memory_space<hbm>>) dst(%arg6 : memref<50000xf32, #tpu.memory_space<vmem>>)
      tpu.yield
    }) : () -> ()
    %iota3A = tpu.iota {dimensions = array<i32: 0>} : vector<16xi32>
    %scan3A = arith.constant 0 : i32
    %scan3A_1 = arith.constant 0 : i32
    %scan3A_2 = arith.constant 2 : i32
    %scan3A_3 = arith.addi %scan3A_1, %scan3A_2 : i32
    %scan3A_4 = arith.constant 1 : i32
    scf.for %scan3A_6 = %scan3A_1 to %scan3A_3 step %scan3A_4  : i32 {
      %mul3A_7 = arith.constant 1600 : i32
      %mul3A_8 = arith.muli %add3A, %mul3A_7 : i32
      %mul3A_9 = arith.constant 800 : i32
      %mul3A_10 = arith.muli %scan3A_6, %mul3A_9 : i32
      %add3A_11 = arith.addi %mul3A_8, %mul3A_10 : i32
      "tpu.region"() ({
        %run_scoped3A = tpu.sem_alloc : memref<!tpu.dma_semaphore, #tpu.memory_space<semaphore_mem>>
        %dma_start3A = arith.constant 0 : i32
        %dma_start3A_19 = tpu.memref_slice %arg2[%add3A_11, %dma_start3A] : memref<51200x20xi32, #tpu.memory_space<hbm>> -> memref<800x20xi32, #tpu.memory_space<hbm>>
        %dma_start3A_20 = arith.constant 0 : i32
        %dma_start3A_21 = tpu.memref_slice %arg2[%add3A_11, %dma_start3A_20] : memref<51200x20xi32, #tpu.memory_space<hbm>> -> memref<800x20xi32, #tpu.memory_space<hbm>>
        tpu.enqueue_dma source(%dma_start3A_21 : memref<800x20xi32, #tpu.memory_space<hbm>>) target(%arg5 : memref<800x20xi32, #tpu.memory_space<vmem>>) target_semaphore(%run_scoped3A : memref<!tpu.dma_semaphore, #tpu.memory_space<semaphore_mem>>)
        %dma_wait3A = arith.constant 0 : i32
        %dma_wait3A_22 = tpu.memref_slice %arg2[%add3A_11, %dma_wait3A] : memref<51200x20xi32, #tpu.memory_space<hbm>> -> memref<800x20xi32, #tpu.memory_space<hbm>>
        %dma_wait3A_23 = arith.constant 0 : i32
        %dma_wait3A_24 = tpu.memref_slice %arg2[%add3A_11, %dma_wait3A_23] : memref<51200x20xi32, #tpu.memory_space<hbm>> -> memref<800x20xi32, #tpu.memory_space<hbm>>
        tpu.wait_dma2 semaphore(%run_scoped3A : memref<!tpu.dma_semaphore, #tpu.memory_space<semaphore_mem>>) src(%dma_wait3A_24 : memref<800x20xi32, #tpu.memory_space<hbm>>) dst(%arg5 : memref<800x20xi32, #tpu.memory_space<vmem>>)
        tpu.yield
      }) : () -> ()
      %scan3A_12 = arith.constant 0 : i32
      %scan3A_13 = arith.constant 50 : i32
      %scan3A_14 = arith.addi %scan3A_12, %scan3A_13 : i32
      %scan3A_15 = arith.constant 1 : i32
      scf.for %scan3A_19 = %scan3A_12 to %scan3A_14 step %scan3A_15  : i32 {
        %mul3A_20 = arith.constant 16 : i32
        %mul3A_21 = arith.muli %scan3A_19, %mul3A_20 : i32
        %add3A_22 = vector.broadcast %mul3A_21 : i32 to vector<16xi32>
        %add3A_23 = arith.addi %add3A_22, %iota3A : vector<16xi32>
        %broadcast_in_dim3A = arith.constant 0 : i32
        %broadcast_in_dim3A_24 = vector.broadcast %broadcast_in_dim3A : i32 to vector<16xi32>
        %gather3A = tpu.vector_load_idx %arg5[%add3A_23, %broadcast_in_dim3A_24] : memref<800x20xi32, #tpu.memory_space<vmem>>[vector<16xi32>, vector<16xi32>], vector<16xi32>,
        %broadcast_in_dim3A_25 = arith.constant 1 : i32
        %broadcast_in_dim3A_26 = vector.broadcast %broadcast_in_dim3A_25 : i32 to vector<16xi32>
        %gather3A_27 = tpu.vector_load_idx %arg5[%add3A_23, %broadcast_in_dim3A_26] : memref<800x20xi32, #tpu.memory_space<vmem>>[vector<16xi32>, vector<16xi32>], vector<16xi32>,
        %broadcast_in_dim3A_28 = arith.constant 2 : i32
        %broadcast_in_dim3A_29 = vector.broadcast %broadcast_in_dim3A_28 : i32 to vector<16xi32>
        %gather3A_30 = tpu.vector_load_idx %arg5[%add3A_23, %broadcast_in_dim3A_29] : memref<800x20xi32, #tpu.memory_space<vmem>>[vector<16xi32>, vector<16xi32>], vector<16xi32>,
        %broadcast_in_dim3A_31 = arith.constant 3 : i32
        %broadcast_in_dim3A_32 = vector.broadcast %broadcast_in_dim3A_31 : i32 to vector<16xi32>
        %gather3A_33 = tpu.vector_load_idx %arg5[%add3A_23, %broadcast_in_dim3A_32] : memref<800x20xi32, #tpu.memory_space<vmem>>[vector<16xi32>, vector<16xi32>], vector<16xi32>,
        %broadcast_in_dim3A_34 = arith.constant 4 : i32
        %broadcast_in_dim3A_35 = vector.broadcast %broadcast_in_dim3A_34 : i32 to vector<16xi32>
        %gather3A_36 = tpu.vector_load_idx %arg5[%add3A_23, %broadcast_in_dim3A_35] : memref<800x20xi32, #tpu.memory_space<vmem>>[vector<16xi32>, vector<16xi32>], vector<16xi32>,
        %broadcast_in_dim3A_37 = arith.constant 5 : i32
        %broadcast_in_dim3A_38 = vector.broadcast %broadcast_in_dim3A_37 : i32 to vector<16xi32>
        %gather3A_39 = tpu.vector_load_idx %arg5[%add3A_23, %broadcast_in_dim3A_38] : memref<800x20xi32, #tpu.memory_space<vmem>>[vector<16xi32>, vector<16xi32>], vector<16xi32>,
        %broadcast_in_dim3A_40 = arith.constant 6 : i32
        %broadcast_in_dim3A_41 = vector.broadcast %broadcast_in_dim3A_40 : i32 to vector<16xi32>
        %gather3A_42 = tpu.vector_load_idx %arg5[%add3A_23, %broadcast_in_dim3A_41] : memref<800x20xi32, #tpu.memory_space<vmem>>[vector<16xi32>, vector<16xi32>], vector<16xi32>,
        %broadcast_in_dim3A_43 = arith.constant 7 : i32
        %broadcast_in_dim3A_44 = vector.broadcast %broadcast_in_dim3A_43 : i32 to vector<16xi32>
        %gather3A_45 = tpu.vector_load_idx %arg5[%add3A_23, %broadcast_in_dim3A_44] : memref<800x20xi32, #tpu.memory_space<vmem>>[vector<16xi32>, vector<16xi32>], vector<16xi32>,
        %broadcast_in_dim3A_46 = arith.constant 8 : i32
        %broadcast_in_dim3A_47 = vector.broadcast %broadcast_in_dim3A_46 : i32 to vector<16xi32>
        %gather3A_48 = tpu.vector_load_idx %arg5[%add3A_23, %broadcast_in_dim3A_47] : memref<800x20xi32, #tpu.memory_space<vmem>>[vector<16xi32>, vector<16xi32>], vector<16xi32>,
        %broadcast_in_dim3A_49 = arith.constant 9 : i32
        %broadcast_in_dim3A_50 = vector.broadcast %broadcast_in_dim3A_49 : i32 to vector<16xi32>
        %gather3A_51 = tpu.vector_load_idx %arg5[%add3A_23, %broadcast_in_dim3A_50] : memref<800x20xi32, #tpu.memory_space<vmem>>[vector<16xi32>, vector<16xi32>], vector<16xi32>,
        %broadcast_in_dim3A_52 = arith.constant 10 : i32
        %broadcast_in_dim3A_53 = vector.broadcast %broadcast_in_dim3A_52 : i32 to vector<16xi32>
        %gather3A_54 = tpu.vector_load_idx %arg5[%add3A_23, %broadcast_in_dim3A_53] : memref<800x20xi32, #tpu.memory_space<vmem>>[vector<16xi32>, vector<16xi32>], vector<16xi32>,
        %broadcast_in_dim3A_55 = arith.constant 11 : i32
        %broadcast_in_dim3A_56 = vector.broadcast %broadcast_in_dim3A_55 : i32 to vector<16xi32>
        %gather3A_57 = tpu.vector_load_idx %arg5[%add3A_23, %broadcast_in_dim3A_56] : memref<800x20xi32, #tpu.memory_space<vmem>>[vector<16xi32>, vector<16xi32>], vector<16xi32>,
        %broadcast_in_dim3A_58 = arith.constant 12 : i32
        %broadcast_in_dim3A_59 = vector.broadcast %broadcast_in_dim3A_58 : i32 to vector<16xi32>
        %gather3A_60 = tpu.vector_load_idx %arg5[%add3A_23, %broadcast_in_dim3A_59] : memref<800x20xi32, #tpu.memory_space<vmem>>[vector<16xi32>, vector<16xi32>], vector<16xi32>,
        %broadcast_in_dim3A_61 = arith.constant 13 : i32
        %broadcast_in_dim3A_62 = vector.broadcast %broadcast_in_dim3A_61 : i32 to vector<16xi32>
        %gather3A_63 = tpu.vector_load_idx %arg5[%add3A_23, %broadcast_in_dim3A_62] : memref<800x20xi32, #tpu.memory_space<vmem>>[vector<16xi32>, vector<16xi32>], vector<16xi32>,
        %broadcast_in_dim3A_64 = arith.constant 14 : i32
        %broadcast_in_dim3A_65 = vector.broadcast %broadcast_in_dim3A_64 : i32 to vector<16xi32>
        %gather3A_66 = tpu.vector_load_idx %arg5[%add3A_23, %broadcast_in_dim3A_65] : memref<800x20xi32, #tpu.memory_space<vmem>>[vector<16xi32>, vector<16xi32>], vector<16xi32>,
        %broadcast_in_dim3A_67 = arith.constant 15 : i32
        %broadcast_in_dim3A_68 = vector.broadcast %broadcast_in_dim3A_67 : i32 to vector<16xi32>
        %gather3A_69 = tpu.vector_load_idx %arg5[%add3A_23, %broadcast_in_dim3A_68] : memref<800x20xi32, #tpu.memory_space<vmem>>[vector<16xi32>, vector<16xi32>], vector<16xi32>,
        %broadcast_in_dim3A_70 = arith.constant 16 : i32
        %broadcast_in_dim3A_71 = vector.broadcast %broadcast_in_dim3A_70 : i32 to vector<16xi32>
        %gather3A_72 = tpu.vector_load_idx %arg5[%add3A_23, %broadcast_in_dim3A_71] : memref<800x20xi32, #tpu.memory_space<vmem>>[vector<16xi32>, vector<16xi32>], vector<16xi32>,
        %broadcast_in_dim3A_73 = arith.constant 17 : i32
        %broadcast_in_dim3A_74 = vector.broadcast %broadcast_in_dim3A_73 : i32 to vector<16xi32>
        %gather3A_75 = tpu.vector_load_idx %arg5[%add3A_23, %broadcast_in_dim3A_74] : memref<800x20xi32, #tpu.memory_space<vmem>>[vector<16xi32>, vector<16xi32>], vector<16xi32>,
        %broadcast_in_dim3A_76 = arith.constant 18 : i32
        %broadcast_in_dim3A_77 = vector.broadcast %broadcast_in_dim3A_76 : i32 to vector<16xi32>
        %gather3A_78 = tpu.vector_load_idx %arg5[%add3A_23, %broadcast_in_dim3A_77] : memref<800x20xi32, #tpu.memory_space<vmem>>[vector<16xi32>, vector<16xi32>], vector<16xi32>,
        %broadcast_in_dim3A_79 = arith.constant 19 : i32
        %broadcast_in_dim3A_80 = vector.broadcast %broadcast_in_dim3A_79 : i32 to vector<16xi32>
        %gather3A_81 = tpu.vector_load_idx %arg5[%add3A_23, %broadcast_in_dim3A_80] : memref<800x20xi32, #tpu.memory_space<vmem>>[vector<16xi32>, vector<16xi32>], vector<16xi32>,
        %broadcast_in_dim3A_82 = arith.constant 0.000000e+00 : f32
        %broadcast_in_dim3A_83 = vector.broadcast %broadcast_in_dim3A_82 : f32 to vector<16xf32>
        %eq3A = arith.cmpi eq, %gather3A, %gather3A : vector<16xi32>
        %jit3A = arith.constant 1.000000e+00 : f32
        %jit3A_84 = arith.constant 0.000000e+00 : f32
        %broadcast_in_dim3A_85 = vector.broadcast %jit3A : f32 to vector<16xf32>
        %broadcast_in_dim3A_86 = vector.broadcast %jit3A_84 : f32 to vector<16xf32>
        %select_n3A = arith.select %eq3A, %broadcast_in_dim3A_85, %broadcast_in_dim3A_86 : vector<16xi1>, vector<16xf32>
        %add3A_87 = arith.addf %broadcast_in_dim3A_83, %select_n3A : vector<16xf32>
        %eq3A_88 = arith.cmpi eq, %gather3A, %gather3A_27 : vector<16xi32>
        %jit3A_89 = arith.constant 1.000000e+00 : f32
        %jit3A_90 = arith.constant 0.000000e+00 : f32
        %broadcast_in_dim3A_91 = vector.broadcast %jit3A_89 : f32 to vector<16xf32>
        %broadcast_in_dim3A_92 = vector.broadcast %jit3A_90 : f32 to vector<16xf32>
        %select_n3A_93 = arith.select %eq3A_88, %broadcast_in_dim3A_91, %broadcast_in_dim3A_92 : vector<16xi1>, vector<16xf32>
        %add3A_94 = arith.addf %add3A_87, %select_n3A_93 : vector<16xf32>
        %eq3A_95 = arith.cmpi eq, %gather3A, %gather3A_30 : vector<16xi32>
        %jit3A_96 = arith.constant 1.000000e+00 : f32
        %jit3A_97 = arith.constant 0.000000e+00 : f32
        %broadcast_in_dim3A_98 = vector.broadcast %jit3A_96 : f32 to vector<16xf32>
        %broadcast_in_dim3A_99 = vector.broadcast %jit3A_97 : f32 to vector<16xf32>
        %select_n3A_100 = arith.select %eq3A_95, %broadcast_in_dim3A_98, %broadcast_in_dim3A_99 : vector<16xi1>, vector<16xf32>
        %add3A_101 = arith.addf %add3A_94, %select_n3A_100 : vector<16xf32>
        %eq3A_102 = arith.cmpi eq, %gather3A, %gather3A_33 : vector<16xi32>
        %jit3A_103 = arith.constant 1.000000e+00 : f32
        %jit3A_104 = arith.constant 0.000000e+00 : f32
        %broadcast_in_dim3A_105 = vector.broadcast %jit3A_103 : f32 to vector<16xf32>
        %broadcast_in_dim3A_106 = vector.broadcast %jit3A_104 : f32 to vector<16xf32>
        %select_n3A_107 = arith.select %eq3A_102, %broadcast_in_dim3A_105, %broadcast_in_dim3A_106 : vector<16xi1>, vector<16xf32>
        %add3A_108 = arith.addf %add3A_101, %select_n3A_107 : vector<16xf32>
        %eq3A_109 = arith.cmpi eq, %gather3A, %gather3A_36 : vector<16xi32>
        %jit3A_110 = arith.constant 1.000000e+00 : f32
        %jit3A_111 = arith.constant 0.000000e+00 : f32
        %broadcast_in_dim3A_112 = vector.broadcast %jit3A_110 : f32 to vector<16xf32>
        %broadcast_in_dim3A_113 = vector.broadcast %jit3A_111 : f32 to vector<16xf32>
        %select_n3A_114 = arith.select %eq3A_109, %broadcast_in_dim3A_112, %broadcast_in_dim3A_113 : vector<16xi1>, vector<16xf32>
        %add3A_115 = arith.addf %add3A_108, %select_n3A_114 : vector<16xf32>
        %eq3A_116 = arith.cmpi eq, %gather3A, %gather3A_39 : vector<16xi32>
        %jit3A_117 = arith.constant 1.000000e+00 : f32
        %jit3A_118 = arith.constant 0.000000e+00 : f32
        %broadcast_in_dim3A_119 = vector.broadcast %jit3A_117 : f32 to vector<16xf32>
        %broadcast_in_dim3A_120 = vector.broadcast %jit3A_118 : f32 to vector<16xf32>
        %select_n3A_121 = arith.select %eq3A_116, %broadcast_in_dim3A_119, %broadcast_in_dim3A_120 : vector<16xi1>, vector<16xf32>
        %add3A_122 = arith.addf %add3A_115, %select_n3A_121 : vector<16xf32>
        %eq3A_123 = arith.cmpi eq, %gather3A, %gather3A_42 : vector<16xi32>
        %jit3A_124 = arith.constant 1.000000e+00 : f32
        %jit3A_125 = arith.constant 0.000000e+00 : f32
        %broadcast_in_dim3A_126 = vector.broadcast %jit3A_124 : f32 to vector<16xf32>
        %broadcast_in_dim3A_127 = vector.broadcast %jit3A_125 : f32 to vector<16xf32>
        %select_n3A_128 = arith.select %eq3A_123, %broadcast_in_dim3A_126, %broadcast_in_dim3A_127 : vector<16xi1>, vector<16xf32>
        %add3A_129 = arith.addf %add3A_122, %select_n3A_128 : vector<16xf32>
        %eq3A_130 = arith.cmpi eq, %gather3A, %gather3A_45 : vector<16xi32>
        %jit3A_131 = arith.constant 1.000000e+00 : f32
        %jit3A_132 = arith.constant 0.000000e+00 : f32
        %broadcast_in_dim3A_133 = vector.broadcast %jit3A_131 : f32 to vector<16xf32>
        %broadcast_in_dim3A_134 = vector.broadcast %jit3A_132 : f32 to vector<16xf32>
        %select_n3A_135 = arith.select %eq3A_130, %broadcast_in_dim3A_133, %broadcast_in_dim3A_134 : vector<16xi1>, vector<16xf32>
        %add3A_136 = arith.addf %add3A_129, %select_n3A_135 : vector<16xf32>
        %eq3A_137 = arith.cmpi eq, %gather3A, %gather3A_48 : vector<16xi32>
        %jit3A_138 = arith.constant 1.000000e+00 : f32
        %jit3A_139 = arith.constant 0.000000e+00 : f32
        %broadcast_in_dim3A_140 = vector.broadcast %jit3A_138 : f32 to vector<16xf32>
        %broadcast_in_dim3A_141 = vector.broadcast %jit3A_139 : f32 to vector<16xf32>
        %select_n3A_142 = arith.select %eq3A_137, %broadcast_in_dim3A_140, %broadcast_in_dim3A_141 : vector<16xi1>, vector<16xf32>
        %add3A_143 = arith.addf %add3A_136, %select_n3A_142 : vector<16xf32>
        %eq3A_144 = arith.cmpi eq, %gather3A, %gather3A_51 : vector<16xi32>
        %jit3A_145 = arith.constant 1.000000e+00 : f32
        %jit3A_146 = arith.constant 0.000000e+00 : f32
        %broadcast_in_dim3A_147 = vector.broadcast %jit3A_145 : f32 to vector<16xf32>
        %broadcast_in_dim3A_148 = vector.broadcast %jit3A_146 : f32 to vector<16xf32>
        %select_n3A_149 = arith.select %eq3A_144, %broadcast_in_dim3A_147, %broadcast_in_dim3A_148 : vector<16xi1>, vector<16xf32>
        %add3A_150 = arith.addf %add3A_143, %select_n3A_149 : vector<16xf32>
        %eq3A_151 = arith.cmpi eq, %gather3A, %gather3A_54 : vector<16xi32>
        %jit3A_152 = arith.constant 1.000000e+00 : f32
        %jit3A_153 = arith.constant 0.000000e+00 : f32
        %broadcast_in_dim3A_154 = vector.broadcast %jit3A_152 : f32 to vector<16xf32>
        %broadcast_in_dim3A_155 = vector.broadcast %jit3A_153 : f32 to vector<16xf32>
        %select_n3A_156 = arith.select %eq3A_151, %broadcast_in_dim3A_154, %broadcast_in_dim3A_155 : vector<16xi1>, vector<16xf32>
        %add3A_157 = arith.addf %add3A_150, %select_n3A_156 : vector<16xf32>
        %eq3A_158 = arith.cmpi eq, %gather3A, %gather3A_57 : vector<16xi32>
        %jit3A_159 = arith.constant 1.000000e+00 : f32
        %jit3A_160 = arith.constant 0.000000e+00 : f32
        %broadcast_in_dim3A_161 = vector.broadcast %jit3A_159 : f32 to vector<16xf32>
        %broadcast_in_dim3A_162 = vector.broadcast %jit3A_160 : f32 to vector<16xf32>
        %select_n3A_163 = arith.select %eq3A_158, %broadcast_in_dim3A_161, %broadcast_in_dim3A_162 : vector<16xi1>, vector<16xf32>
        %add3A_164 = arith.addf %add3A_157, %select_n3A_163 : vector<16xf32>
        %eq3A_165 = arith.cmpi eq, %gather3A, %gather3A_60 : vector<16xi32>
        %jit3A_166 = arith.constant 1.000000e+00 : f32
        %jit3A_167 = arith.constant 0.000000e+00 : f32
        %broadcast_in_dim3A_168 = vector.broadcast %jit3A_166 : f32 to vector<16xf32>
        %broadcast_in_dim3A_169 = vector.broadcast %jit3A_167 : f32 to vector<16xf32>
        %select_n3A_170 = arith.select %eq3A_165, %broadcast_in_dim3A_168, %broadcast_in_dim3A_169 : vector<16xi1>, vector<16xf32>
        %add3A_171 = arith.addf %add3A_164, %select_n3A_170 : vector<16xf32>
        %eq3A_172 = arith.cmpi eq, %gather3A, %gather3A_63 : vector<16xi32>
        %jit3A_173 = arith.constant 1.000000e+00 : f32
        %jit3A_174 = arith.constant 0.000000e+00 : f32
        %broadcast_in_dim3A_175 = vector.broadcast %jit3A_173 : f32 to vector<16xf32>
        %broadcast_in_dim3A_176 = vector.broadcast %jit3A_174 : f32 to vector<16xf32>
        %select_n3A_177 = arith.select %eq3A_172, %broadcast_in_dim3A_175, %broadcast_in_dim3A_176 : vector<16xi1>, vector<16xf32>
        %add3A_178 = arith.addf %add3A_171, %select_n3A_177 : vector<16xf32>
        %eq3A_179 = arith.cmpi eq, %gather3A, %gather3A_66 : vector<16xi32>
        %jit3A_180 = arith.constant 1.000000e+00 : f32
        %jit3A_181 = arith.constant 0.000000e+00 : f32
        %broadcast_in_dim3A_182 = vector.broadcast %jit3A_180 : f32 to vector<16xf32>
        %broadcast_in_dim3A_183 = vector.broadcast %jit3A_181 : f32 to vector<16xf32>
        %select_n3A_184 = arith.select %eq3A_179, %broadcast_in_dim3A_182, %broadcast_in_dim3A_183 : vector<16xi1>, vector<16xf32>
        %add3A_185 = arith.addf %add3A_178, %select_n3A_184 : vector<16xf32>
        %eq3A_186 = arith.cmpi eq, %gather3A, %gather3A_69 : vector<16xi32>
        %jit3A_187 = arith.constant 1.000000e+00 : f32
        %jit3A_188 = arith.constant 0.000000e+00 : f32
        %broadcast_in_dim3A_189 = vector.broadcast %jit3A_187 : f32 to vector<16xf32>
        %broadcast_in_dim3A_190 = vector.broadcast %jit3A_188 : f32 to vector<16xf32>
        %select_n3A_191 = arith.select %eq3A_186, %broadcast_in_dim3A_189, %broadcast_in_dim3A_190 : vector<16xi1>, vector<16xf32>
        %add3A_192 = arith.addf %add3A_185, %select_n3A_191 : vector<16xf32>
        %eq3A_193 = arith.cmpi eq, %gather3A, %gather3A_72 : vector<16xi32>
        %jit3A_194 = arith.constant 1.000000e+00 : f32
        %jit3A_195 = arith.constant 0.000000e+00 : f32
        %broadcast_in_dim3A_196 = vector.broadcast %jit3A_194 : f32 to vector<16xf32>
        %broadcast_in_dim3A_197 = vector.broadcast %jit3A_195 : f32 to vector<16xf32>
        %select_n3A_198 = arith.select %eq3A_193, %broadcast_in_dim3A_196, %broadcast_in_dim3A_197 : vector<16xi1>, vector<16xf32>
        %add3A_199 = arith.addf %add3A_192, %select_n3A_198 : vector<16xf32>
        %eq3A_200 = arith.cmpi eq, %gather3A, %gather3A_75 : vector<16xi32>
        %jit3A_201 = arith.constant 1.000000e+00 : f32
        %jit3A_202 = arith.constant 0.000000e+00 : f32
        %broadcast_in_dim3A_203 = vector.broadcast %jit3A_201 : f32 to vector<16xf32>
        %broadcast_in_dim3A_204 = vector.broadcast %jit3A_202 : f32 to vector<16xf32>
        %select_n3A_205 = arith.select %eq3A_200, %broadcast_in_dim3A_203, %broadcast_in_dim3A_204 : vector<16xi1>, vector<16xf32>
        %add3A_206 = arith.addf %add3A_199, %select_n3A_205 : vector<16xf32>
        %eq3A_207 = arith.cmpi eq, %gather3A, %gather3A_78 : vector<16xi32>
        %jit3A_208 = arith.constant 1.000000e+00 : f32
        %jit3A_209 = arith.constant 0.000000e+00 : f32
        %broadcast_in_dim3A_210 = vector.broadcast %jit3A_208 : f32 to vector<16xf32>
        %broadcast_in_dim3A_211 = vector.broadcast %jit3A_209 : f32 to vector<16xf32>
        %select_n3A_212 = arith.select %eq3A_207, %broadcast_in_dim3A_210, %broadcast_in_dim3A_211 : vector<16xi1>, vector<16xf32>
        %add3A_213 = arith.addf %add3A_206, %select_n3A_212 : vector<16xf32>
        %eq3A_214 = arith.cmpi eq, %gather3A, %gather3A_81 : vector<16xi32>
        %jit3A_215 = arith.constant 1.000000e+00 : f32
        %jit3A_216 = arith.constant 0.000000e+00 : f32
        %broadcast_in_dim3A_217 = vector.broadcast %jit3A_215 : f32 to vector<16xf32>
        %broadcast_in_dim3A_218 = vector.broadcast %jit3A_216 : f32 to vector<16xf32>
        %select_n3A_219 = arith.select %eq3A_214, %broadcast_in_dim3A_217, %broadcast_in_dim3A_218 : vector<16xi1>, vector<16xf32>
        %add3A_220 = arith.addf %add3A_213, %select_n3A_219 : vector<16xf32>
        %div3A = arith.constant 1.000000e+00 : f32
        %div3A_221 = vector.broadcast %div3A : f32 to vector<16xf32>
        %div3A_222 = arith.divf %div3A_221, %add3A_220 : vector<16xf32>
        %broadcast_in_dim3A_223 = arith.constant 0.000000e+00 : f32
        %broadcast_in_dim3A_224 = vector.broadcast %broadcast_in_dim3A_223 : f32 to vector<16xf32>
        %eq3A_225 = arith.cmpi eq, %gather3A_27, %gather3A : vector<16xi32>
        %jit3A_226 = arith.constant 1.000000e+00 : f32
        %jit3A_227 = arith.constant 0.000000e+00 : f32
        %broadcast_in_dim3A_228 = vector.broadcast %jit3A_226 : f32 to vector<16xf32>
        %broadcast_in_dim3A_229 = vector.broadcast %jit3A_227 : f32 to vector<16xf32>
        %select_n3A_230 = arith.select %eq3A_225, %broadcast_in_dim3A_228, %broadcast_in_dim3A_229 : vector<16xi1>, vector<16xf32>
        %add3A_231 = arith.addf %broadcast_in_dim3A_224, %select_n3A_230 : vector<16xf32>
        %eq3A_232 = arith.cmpi eq, %gather3A_27, %gather3A_27 : vector<16xi32>
        %jit3A_233 = arith.constant 1.000000e+00 : f32
        %jit3A_234 = arith.constant 0.000000e+00 : f32
        %broadcast_in_dim3A_235 = vector.broadcast %jit3A_233 : f32 to vector<16xf32>
        %broadcast_in_dim3A_236 = vector.broadcast %jit3A_234 : f32 to vector<16xf32>
        %select_n3A_237 = arith.select %eq3A_232, %broadcast_in_dim3A_235, %broadcast_in_dim3A_236 : vector<16xi1>, vector<16xf32>
        %add3A_238 = arith.addf %add3A_231, %select_n3A_237 : vector<16xf32>
        %eq3A_239 = arith.cmpi eq, %gather3A_27, %gather3A_30 : vector<16xi32>
        %jit3A_240 = arith.constant 1.000000e+00 : f32
        %jit3A_241 = arith.constant 0.000000e+00 : f32
        %broadcast_in_dim3A_242 = vector.broadcast %jit3A_240 : f32 to vector<16xf32>
        %broadcast_in_dim3A_243 = vector.broadcast %jit3A_241 : f32 to vector<16xf32>
        %select_n3A_244 = arith.select %eq3A_239, %broadcast_in_dim3A_242, %broadcast_in_dim3A_243 : vector<16xi1>, vector<16xf32>
        %add3A_245 = arith.addf %add3A_238, %select_n3A_244 : vector<16xf32>
        %eq3A_246 = arith.cmpi eq, %gather3A_27, %gather3A_33 : vector<16xi32>
        %jit3A_247 = arith.constant 1.000000e+00 : f32
        %jit3A_248 = arith.constant 0.000000e+00 : f32
        %broadcast_in_dim3A_249 = vector.broadcast %jit3A_247 : f32 to vector<16xf32>
        %broadcast_in_dim3A_250 = vector.broadcast %jit3A_248 : f32 to vector<16xf32>
        %select_n3A_251 = arith.select %eq3A_246, %broadcast_in_dim3A_249, %broadcast_in_dim3A_250 : vector<16xi1>, vector<16xf32>
        %add3A_252 = arith.addf %add3A_245, %select_n3A_251 : vector<16xf32>
        %eq3A_253 = arith.cmpi eq, %gather3A_27, %gather3A_36 : vector<16xi32>
        %jit3A_254 = arith.constant 1.000000e+00 : f32
        %jit3A_255 = arith.constant 0.000000e+00 : f32
        %broadcast_in_dim3A_256 = vector.broadcast %jit3A_254 : f32 to vector<16xf32>
        %broadcast_in_dim3A_257 = vector.broadcast %jit3A_255 : f32 to vector<16xf32>
        %select_n3A_258 = arith.select %eq3A_253, %broadcast_in_dim3A_256, %broadcast_in_dim3A_257 : vector<16xi1>, vector<16xf32>
        %add3A_259 = arith.addf %add3A_252, %select_n3A_258 : vector<16xf32>
        %eq3A_260 = arith.cmpi eq, %gather3A_27, %gather3A_39 : vector<16xi32>
        %jit3A_261 = arith.constant 1.000000e+00 : f32
        %jit3A_262 = arith.constant 0.000000e+00 : f32
        %broadcast_in_dim3A_263 = vector.broadcast %jit3A_261 : f32 to vector<16xf32>
        %broadcast_in_dim3A_264 = vector.broadcast %jit3A_262 : f32 to vector<16xf32>
        %select_n3A_265 = arith.select %eq3A_260, %broadcast_in_dim3A_263, %broadcast_in_dim3A_264 : vector<16xi1>, vector<16xf32>
        %add3A_266 = arith.addf %add3A_259, %select_n3A_265 : vector<16xf32>
        %eq3A_267 = arith.cmpi eq, %gather3A_27, %gather3A_42 : vector<16xi32>
        %jit3A_268 = arith.constant 1.000000e+00 : f32
        %jit3A_269 = arith.constant 0.000000e+00 : f32
        %broadcast_in_dim3A_270 = vector.broadcast %jit3A_268 : f32 to vector<16xf32>
        %broadcast_in_dim3A_271 = vector.broadcast %jit3A_269 : f32 to vector<16xf32>
        %select_n3A_272 = arith.select %eq3A_267, %broadcast_in_dim3A_270, %broadcast_in_dim3A_271 : vector<16xi1>, vector<16xf32>
        %add3A_273 = arith.addf %add3A_266, %select_n3A_272 : vector<16xf32>
        %eq3A_274 = arith.cmpi eq, %gather3A_27, %gather3A_45 : vector<16xi32>
        %jit3A_275 = arith.constant 1.000000e+00 : f32
        %jit3A_276 = arith.constant 0.000000e+00 : f32
        %broadcast_in_dim3A_277 = vector.broadcast %jit3A_275 : f32 to vector<16xf32>
        %broadcast_in_dim3A_278 = vector.broadcast %jit3A_276 : f32 to vector<16xf32>
        %select_n3A_279 = arith.select %eq3A_274, %broadcast_in_dim3A_277, %broadcast_in_dim3A_278 : vector<16xi1>, vector<16xf32>
        %add3A_280 = arith.addf %add3A_273, %select_n3A_279 : vector<16xf32>
        %eq3A_281 = arith.cmpi eq, %gather3A_27, %gather3A_48 : vector<16xi32>
        %jit3A_282 = arith.constant 1.000000e+00 : f32
        %jit3A_283 = arith.constant 0.000000e+00 : f32
        %broadcast_in_dim3A_284 = vector.broadcast %jit3A_282 : f32 to vector<16xf32>
        %broadcast_in_dim3A_285 = vector.broadcast %jit3A_283 : f32 to vector<16xf32>
        %select_n3A_286 = arith.select %eq3A_281, %broadcast_in_dim3A_284, %broadcast_in_dim3A_285 : vector<16xi1>, vector<16xf32>
        %add3A_287 = arith.addf %add3A_280, %select_n3A_286 : vector<16xf32>
        %eq3A_288 = arith.cmpi eq, %gather3A_27, %gather3A_51 : vector<16xi32>
        %jit3A_289 = arith.constant 1.000000e+00 : f32
        %jit3A_290 = arith.constant 0.000000e+00 : f32
        %broadcast_in_dim3A_291 = vector.broadcast %jit3A_289 : f32 to vector<16xf32>
        %broadcast_in_dim3A_292 = vector.broadcast %jit3A_290 : f32 to vector<16xf32>
        %select_n3A_293 = arith.select %eq3A_288, %broadcast_in_dim3A_291, %broadcast_in_dim3A_292 : vector<16xi1>, vector<16xf32>
        %add3A_294 = arith.addf %add3A_287, %select_n3A_293 : vector<16xf32>
        %eq3A_295 = arith.cmpi eq, %gather3A_27, %gather3A_54 : vector<16xi32>
        %jit3A_296 = arith.constant 1.000000e+00 : f32
        %jit3A_297 = arith.constant 0.000000e+00 : f32
        %broadcast_in_dim3A_298 = vector.broadcast %jit3A_296 : f32 to vector<16xf32>
        %broadcast_in_dim3A_299 = vector.broadcast %jit3A_297 : f32 to vector<16xf32>
        %select_n3A_300 = arith.select %eq3A_295, %broadcast_in_dim3A_298, %broadcast_in_dim3A_299 : vector<16xi1>, vector<16xf32>
        %add3A_301 = arith.addf %add3A_294, %select_n3A_300 : vector<16xf32>
        %eq3A_302 = arith.cmpi eq, %gather3A_27, %gather3A_57 : vector<16xi32>
        %jit3A_303 = arith.constant 1.000000e+00 : f32
        %jit3A_304 = arith.constant 0.000000e+00 : f32
        %broadcast_in_dim3A_305 = vector.broadcast %jit3A_303 : f32 to vector<16xf32>
        %broadcast_in_dim3A_306 = vector.broadcast %jit3A_304 : f32 to vector<16xf32>
        %select_n3A_307 = arith.select %eq3A_302, %broadcast_in_dim3A_305, %broadcast_in_dim3A_306 : vector<16xi1>, vector<16xf32>
        %add3A_308 = arith.addf %add3A_301, %select_n3A_307 : vector<16xf32>
        %eq3A_309 = arith.cmpi eq, %gather3A_27, %gather3A_60 : vector<16xi32>
        %jit3A_310 = arith.constant 1.000000e+00 : f32
        %jit3A_311 = arith.constant 0.000000e+00 : f32
        %broadcast_in_dim3A_312 = vector.broadcast %jit3A_310 : f32 to vector<16xf32>
        %broadcast_in_dim3A_313 = vector.broadcast %jit3A_311 : f32 to vector<16xf32>
        %select_n3A_314 = arith.select %eq3A_309, %broadcast_in_dim3A_312, %broadcast_in_dim3A_313 : vector<16xi1>, vector<16xf32>
        %add3A_315 = arith.addf %add3A_308, %select_n3A_314 : vector<16xf32>
        %eq3A_316 = arith.cmpi eq, %gather3A_27, %gather3A_63 : vector<16xi32>
        %jit3A_317 = arith.constant 1.000000e+00 : f32
        %jit3A_318 = arith.constant 0.000000e+00 : f32
        %broadcast_in_dim3A_319 = vector.broadcast %jit3A_317 : f32 to vector<16xf32>
        %broadcast_in_dim3A_320 = vector.broadcast %jit3A_318 : f32 to vector<16xf32>
        %select_n3A_321 = arith.select %eq3A_316, %broadcast_in_dim3A_319, %broadcast_in_dim3A_320 : vector<16xi1>, vector<16xf32>
        %add3A_322 = arith.addf %add3A_315, %select_n3A_321 : vector<16xf32>
        %eq3A_323 = arith.cmpi eq, %gather3A_27, %gather3A_66 : vector<16xi32>
        %jit3A_324 = arith.constant 1.000000e+00 : f32
        %jit3A_325 = arith.constant 0.000000e+00 : f32
        %broadcast_in_dim3A_326 = vector.broadcast %jit3A_324 : f32 to vector<16xf32>
        %broadcast_in_dim3A_327 = vector.broadcast %jit3A_325 : f32 to vector<16xf32>
        %select_n3A_328 = arith.select %eq3A_323, %broadcast_in_dim3A_326, %broadcast_in_dim3A_327 : vector<16xi1>, vector<16xf32>
        %add3A_329 = arith.addf %add3A_322, %select_n3A_328 : vector<16xf32>
        %eq3A_330 = arith.cmpi eq, %gather3A_27, %gather3A_69 : vector<16xi32>
        %jit3A_331 = arith.constant 1.000000e+00 : f32
        %jit3A_332 = arith.constant 0.000000e+00 : f32
        %broadcast_in_dim3A_333 = vector.broadcast %jit3A_331 : f32 to vector<16xf32>
        %broadcast_in_dim3A_334 = vector.broadcast %jit3A_332 : f32 to vector<16xf32>
        %select_n3A_335 = arith.select %eq3A_330, %broadcast_in_dim3A_333, %broadcast_in_dim3A_334 : vector<16xi1>, vector<16xf32>
        %add3A_336 = arith.addf %add3A_329, %select_n3A_335 : vector<16xf32>
        %eq3A_337 = arith.cmpi eq, %gather3A_27, %gather3A_72 : vector<16xi32>
        %jit3A_338 = arith.constant 1.000000e+00 : f32
        %jit3A_339 = arith.constant 0.000000e+00 : f32
        %broadcast_in_dim3A_340 = vector.broadcast %jit3A_338 : f32 to vector<16xf32>
        %broadcast_in_dim3A_341 = vector.broadcast %jit3A_339 : f32 to vector<16xf32>
        %select_n3A_342 = arith.select %eq3A_337, %broadcast_in_dim3A_340, %broadcast_in_dim3A_341 : vector<16xi1>, vector<16xf32>
        %add3A_343 = arith.addf %add3A_336, %select_n3A_342 : vector<16xf32>
        %eq3A_344 = arith.cmpi eq, %gather3A_27, %gather3A_75 : vector<16xi32>
        %jit3A_345 = arith.constant 1.000000e+00 : f32
        %jit3A_346 = arith.constant 0.000000e+00 : f32
        %broadcast_in_dim3A_347 = vector.broadcast %jit3A_345 : f32 to vector<16xf32>
        %broadcast_in_dim3A_348 = vector.broadcast %jit3A_346 : f32 to vector<16xf32>
        %select_n3A_349 = arith.select %eq3A_344, %broadcast_in_dim3A_347, %broadcast_in_dim3A_348 : vector<16xi1>, vector<16xf32>
        %add3A_350 = arith.addf %add3A_343, %select_n3A_349 : vector<16xf32>
        %eq3A_351 = arith.cmpi eq, %gather3A_27, %gather3A_78 : vector<16xi32>
        %jit3A_352 = arith.constant 1.000000e+00 : f32
        %jit3A_353 = arith.constant 0.000000e+00 : f32
        %broadcast_in_dim3A_354 = vector.broadcast %jit3A_352 : f32 to vector<16xf32>
        %broadcast_in_dim3A_355 = vector.broadcast %jit3A_353 : f32 to vector<16xf32>
        %select_n3A_356 = arith.select %eq3A_351, %broadcast_in_dim3A_354, %broadcast_in_dim3A_355 : vector<16xi1>, vector<16xf32>
        %add3A_357 = arith.addf %add3A_350, %select_n3A_356 : vector<16xf32>
        %eq3A_358 = arith.cmpi eq, %gather3A_27, %gather3A_81 : vector<16xi32>
        %jit3A_359 = arith.constant 1.000000e+00 : f32
        %jit3A_360 = arith.constant 0.000000e+00 : f32
        %broadcast_in_dim3A_361 = vector.broadcast %jit3A_359 : f32 to vector<16xf32>
        %broadcast_in_dim3A_362 = vector.broadcast %jit3A_360 : f32 to vector<16xf32>
        %select_n3A_363 = arith.select %eq3A_358, %broadcast_in_dim3A_361, %broadcast_in_dim3A_362 : vector<16xi1>, vector<16xf32>
        %add3A_364 = arith.addf %add3A_357, %select_n3A_363 : vector<16xf32>
        %div3A_365 = arith.constant 1.000000e+00 : f32
        %div3A_366 = vector.broadcast %div3A_365 : f32 to vector<16xf32>
        %div3A_367 = arith.divf %div3A_366, %add3A_364 : vector<16xf32>
        %broadcast_in_dim3A_368 = arith.constant 0.000000e+00 : f32
        %broadcast_in_dim3A_369 = vector.broadcast %broadcast_in_dim3A_368 : f32 to vector<16xf32>
        %eq3A_370 = arith.cmpi eq, %gather3A_30, %gather3A : vector<16xi32>
        %jit3A_371 = arith.constant 1.000000e+00 : f32
        %jit3A_372 = arith.constant 0.000000e+00 : f32
        %broadcast_in_dim3A_373 = vector.broadcast %jit3A_371 : f32 to vector<16xf32>
        %broadcast_in_dim3A_374 = vector.broadcast %jit3A_372 : f32 to vector<16xf32>
        %select_n3A_375 = arith.select %eq3A_370, %broadcast_in_dim3A_373, %broadcast_in_dim3A_374 : vector<16xi1>, vector<16xf32>
        %add3A_376 = arith.addf %broadcast_in_dim3A_369, %select_n3A_375 : vector<16xf32>
        %eq3A_377 = arith.cmpi eq, %gather3A_30, %gather3A_27 : vector<16xi32>
        %jit3A_378 = arith.constant 1.000000e+00 : f32
        %jit3A_379 = arith.constant 0.000000e+00 : f32
        %broadcast_in_dim3A_380 = vector.broadcast %jit3A_378 : f32 to vector<16xf32>
        %broadcast_in_dim3A_381 = vector.broadcast %jit3A_379 : f32 to vector<16xf32>
        %select_n3A_382 = arith.select %eq3A_377, %broadcast_in_dim3A_380, %broadcast_in_dim3A_381 : vector<16xi1>, vector<16xf32>
        %add3A_383 = arith.addf %add3A_376, %select_n3A_382 : vector<16xf32>
        %eq3A_384 = arith.cmpi eq, %gather3A_30, %gather3A_30 : vector<16xi32>
        %jit3A_385 = arith.constant 1.000000e+00 : f32
        %jit3A_386 = arith.constant 0.000000e+00 : f32
        %broadcast_in_dim3A_387 = vector.broadcast %jit3A_385 : f32 to vector<16xf32>
        %broadcast_in_dim3A_388 = vector.broadcast %jit3A_386 : f32 to vector<16xf32>
        %select_n3A_389 = arith.select %eq3A_384, %broadcast_in_dim3A_387, %broadcast_in_dim3A_388 : vector<16xi1>, vector<16xf32>
        %add3A_390 = arith.addf %add3A_383, %select_n3A_389 : vector<16xf32>
        %eq3A_391 = arith.cmpi eq, %gather3A_30, %gather3A_33 : vector<16xi32>
        %jit3A_392 = arith.constant 1.000000e+00 : f32
        %jit3A_393 = arith.constant 0.000000e+00 : f32
        %broadcast_in_dim3A_394 = vector.broadcast %jit3A_392 : f32 to vector<16xf32>
        %broadcast_in_dim3A_395 = vector.broadcast %jit3A_393 : f32 to vector<16xf32>
        %select_n3A_396 = arith.select %eq3A_391, %broadcast_in_dim3A_394, %broadcast_in_dim3A_395 : vector<16xi1>, vector<16xf32>
        %add3A_397 = arith.addf %add3A_390, %select_n3A_396 : vector<16xf32>
        %eq3A_398 = arith.cmpi eq, %gather3A_30, %gather3A_36 : vector<16xi32>
        %jit3A_399 = arith.constant 1.000000e+00 : f32
        %jit3A_400 = arith.constant 0.000000e+00 : f32
        %broadcast_in_dim3A_401 = vector.broadcast %jit3A_399 : f32 to vector<16xf32>
        %broadcast_in_dim3A_402 = vector.broadcast %jit3A_400 : f32 to vector<16xf32>
        %select_n3A_403 = arith.select %eq3A_398, %broadcast_in_dim3A_401, %broadcast_in_dim3A_402 : vector<16xi1>, vector<16xf32>
        %add3A_404 = arith.addf %add3A_397, %select_n3A_403 : vector<16xf32>
        %eq3A_405 = arith.cmpi eq, %gather3A_30, %gather3A_39 : vector<16xi32>
        %jit3A_406 = arith.constant 1.000000e+00 : f32
        %jit3A_407 = arith.constant 0.000000e+00 : f32
        %broadcast_in_dim3A_408 = vector.broadcast %jit3A_406 : f32 to vector<16xf32>
        %broadcast_in_dim3A_409 = vector.broadcast %jit3A_407 : f32 to vector<16xf32>
        %select_n3A_410 = arith.select %eq3A_405, %broadcast_in_dim3A_408, %broadcast_in_dim3A_409 : vector<16xi1>, vector<16xf32>
        %add3A_411 = arith.addf %add3A_404, %select_n3A_410 : vector<16xf32>
        %eq3A_412 = arith.cmpi eq, %gather3A_30, %gather3A_42 : vector<16xi32>
        %jit3A_413 = arith.constant 1.000000e+00 : f32
        %jit3A_414 = arith.constant 0.000000e+00 : f32
        %broadcast_in_dim3A_415 = vector.broadcast %jit3A_413 : f32 to vector<16xf32>
        %broadcast_in_dim3A_416 = vector.broadcast %jit3A_414 : f32 to vector<16xf32>
        %select_n3A_417 = arith.select %eq3A_412, %broadcast_in_dim3A_415, %broadcast_in_dim3A_416 : vector<16xi1>, vector<16xf32>
        %add3A_418 = arith.addf %add3A_411, %select_n3A_417 : vector<16xf32>
        %eq3A_419 = arith.cmpi eq, %gather3A_30, %gather3A_45 : vector<16xi32>
        %jit3A_420 = arith.constant 1.000000e+00 : f32
        %jit3A_421 = arith.constant 0.000000e+00 : f32
        %broadcast_in_dim3A_422 = vector.broadcast %jit3A_420 : f32 to vector<16xf32>
        %broadcast_in_dim3A_423 = vector.broadcast %jit3A_421 : f32 to vector<16xf32>
        %select_n3A_424 = arith.select %eq3A_419, %broadcast_in_dim3A_422, %broadcast_in_dim3A_423 : vector<16xi1>, vector<16xf32>
        %add3A_425 = arith.addf %add3A_418, %select_n3A_424 : vector<16xf32>
        %eq3A_426 = arith.cmpi eq, %gather3A_30, %gather3A_48 : vector<16xi32>
        %jit3A_427 = arith.constant 1.000000e+00 : f32
        %jit3A_428 = arith.constant 0.000000e+00 : f32
        %broadcast_in_dim3A_429 = vector.broadcast %jit3A_427 : f32 to vector<16xf32>
        %broadcast_in_dim3A_430 = vector.broadcast %jit3A_428 : f32 to vector<16xf32>
        %select_n3A_431 = arith.select %eq3A_426, %broadcast_in_dim3A_429, %broadcast_in_dim3A_430 : vector<16xi1>, vector<16xf32>
        %add3A_432 = arith.addf %add3A_425, %select_n3A_431 : vector<16xf32>
        %eq3A_433 = arith.cmpi eq, %gather3A_30, %gather3A_51 : vector<16xi32>
        %jit3A_434 = arith.constant 1.000000e+00 : f32
        %jit3A_435 = arith.constant 0.000000e+00 : f32
        %broadcast_in_dim3A_436 = vector.broadcast %jit3A_434 : f32 to vector<16xf32>
        %broadcast_in_dim3A_437 = vector.broadcast %jit3A_435 : f32 to vector<16xf32>
        %select_n3A_438 = arith.select %eq3A_433, %broadcast_in_dim3A_436, %broadcast_in_dim3A_437 : vector<16xi1>, vector<16xf32>
        %add3A_439 = arith.addf %add3A_432, %select_n3A_438 : vector<16xf32>
        %eq3A_440 = arith.cmpi eq, %gather3A_30, %gather3A_54 : vector<16xi32>
        %jit3A_441 = arith.constant 1.000000e+00 : f32
        %jit3A_442 = arith.constant 0.000000e+00 : f32
        %broadcast_in_dim3A_443 = vector.broadcast %jit3A_441 : f32 to vector<16xf32>
        %broadcast_in_dim3A_444 = vector.broadcast %jit3A_442 : f32 to vector<16xf32>
        %select_n3A_445 = arith.select %eq3A_440, %broadcast_in_dim3A_443, %broadcast_in_dim3A_444 : vector<16xi1>, vector<16xf32>
        %add3A_446 = arith.addf %add3A_439, %select_n3A_445 : vector<16xf32>
        %eq3A_447 = arith.cmpi eq, %gather3A_30, %gather3A_57 : vector<16xi32>
        %jit3A_448 = arith.constant 1.000000e+00 : f32
        %jit3A_449 = arith.constant 0.000000e+00 : f32
        %broadcast_in_dim3A_450 = vector.broadcast %jit3A_448 : f32 to vector<16xf32>
        %broadcast_in_dim3A_451 = vector.broadcast %jit3A_449 : f32 to vector<16xf32>
        %select_n3A_452 = arith.select %eq3A_447, %broadcast_in_dim3A_450, %broadcast_in_dim3A_451 : vector<16xi1>, vector<16xf32>
        %add3A_453 = arith.addf %add3A_446, %select_n3A_452 : vector<16xf32>
        %eq3A_454 = arith.cmpi eq, %gather3A_30, %gather3A_60 : vector<16xi32>
        %jit3A_455 = arith.constant 1.000000e+00 : f32
        %jit3A_456 = arith.constant 0.000000e+00 : f32
        %broadcast_in_dim3A_457 = vector.broadcast %jit3A_455 : f32 to vector<16xf32>
        %broadcast_in_dim3A_458 = vector.broadcast %jit3A_456 : f32 to vector<16xf32>
        %select_n3A_459 = arith.select %eq3A_454, %broadcast_in_dim3A_457, %broadcast_in_dim3A_458 : vector<16xi1>, vector<16xf32>
        %add3A_460 = arith.addf %add3A_453, %select_n3A_459 : vector<16xf32>
        %eq3A_461 = arith.cmpi eq, %gather3A_30, %gather3A_63 : vector<16xi32>
        %jit3A_462 = arith.constant 1.000000e+00 : f32
        %jit3A_463 = arith.constant 0.000000e+00 : f32
        %broadcast_in_dim3A_464 = vector.broadcast %jit3A_462 : f32 to vector<16xf32>
        %broadcast_in_dim3A_465 = vector.broadcast %jit3A_463 : f32 to vector<16xf32>
        %select_n3A_466 = arith.select %eq3A_461, %broadcast_in_dim3A_464, %broadcast_in_dim3A_465 : vector<16xi1>, vector<16xf32>
        %add3A_467 = arith.addf %add3A_460, %select_n3A_466 : vector<16xf32>
        %eq3A_468 = arith.cmpi eq, %gather3A_30, %gather3A_66 : vector<16xi32>
        %jit3A_469 = arith.constant 1.000000e+00 : f32
        %jit3A_470 = arith.constant 0.000000e+00 : f32
        %broadcast_in_dim3A_471 = vector.broadcast %jit3A_469 : f32 to vector<16xf32>
        %broadcast_in_dim3A_472 = vector.broadcast %jit3A_470 : f32 to vector<16xf32>
        %select_n3A_473 = arith.select %eq3A_468, %broadcast_in_dim3A_471, %broadcast_in_dim3A_472 : vector<16xi1>, vector<16xf32>
        %add3A_474 = arith.addf %add3A_467, %select_n3A_473 : vector<16xf32>
        %eq3A_475 = arith.cmpi eq, %gather3A_30, %gather3A_69 : vector<16xi32>
        %jit3A_476 = arith.constant 1.000000e+00 : f32
        %jit3A_477 = arith.constant 0.000000e+00 : f32
        %broadcast_in_dim3A_478 = vector.broadcast %jit3A_476 : f32 to vector<16xf32>
        %broadcast_in_dim3A_479 = vector.broadcast %jit3A_477 : f32 to vector<16xf32>
        %select_n3A_480 = arith.select %eq3A_475, %broadcast_in_dim3A_478, %broadcast_in_dim3A_479 : vector<16xi1>, vector<16xf32>
        %add3A_481 = arith.addf %add3A_474, %select_n3A_480 : vector<16xf32>
        %eq3A_482 = arith.cmpi eq, %gather3A_30, %gather3A_72 : vector<16xi32>
        %jit3A_483 = arith.constant 1.000000e+00 : f32
        %jit3A_484 = arith.constant 0.000000e+00 : f32
        %broadcast_in_dim3A_485 = vector.broadcast %jit3A_483 : f32 to vector<16xf32>
        %broadcast_in_dim3A_486 = vector.broadcast %jit3A_484 : f32 to vector<16xf32>
        %select_n3A_487 = arith.select %eq3A_482, %broadcast_in_dim3A_485, %broadcast_in_dim3A_486 : vector<16xi1>, vector<16xf32>
        %add3A_488 = arith.addf %add3A_481, %select_n3A_487 : vector<16xf32>
        %eq3A_489 = arith.cmpi eq, %gather3A_30, %gather3A_75 : vector<16xi32>
        %jit3A_490 = arith.constant 1.000000e+00 : f32
        %jit3A_491 = arith.constant 0.000000e+00 : f32
        %broadcast_in_dim3A_492 = vector.broadcast %jit3A_490 : f32 to vector<16xf32>
        %broadcast_in_dim3A_493 = vector.broadcast %jit3A_491 : f32 to vector<16xf32>
        %select_n3A_494 = arith.select %eq3A_489, %broadcast_in_dim3A_492, %broadcast_in_dim3A_493 : vector<16xi1>, vector<16xf32>
        %add3A_495 = arith.addf %add3A_488, %select_n3A_494 : vector<16xf32>
        %eq3A_496 = arith.cmpi eq, %gather3A_30, %gather3A_78 : vector<16xi32>
        %jit3A_497 = arith.constant 1.000000e+00 : f32
        %jit3A_498 = arith.constant 0.000000e+00 : f32
        %broadcast_in_dim3A_499 = vector.broadcast %jit3A_497 : f32 to vector<16xf32>
        %broadcast_in_dim3A_500 = vector.broadcast %jit3A_498 : f32 to vector<16xf32>
        %select_n3A_501 = arith.select %eq3A_496, %broadcast_in_dim3A_499, %broadcast_in_dim3A_500 : vector<16xi1>, vector<16xf32>
        %add3A_502 = arith.addf %add3A_495, %select_n3A_501 : vector<16xf32>
        %eq3A_503 = arith.cmpi eq, %gather3A_30, %gather3A_81 : vector<16xi32>
        %jit3A_504 = arith.constant 1.000000e+00 : f32
        %jit3A_505 = arith.constant 0.000000e+00 : f32
        %broadcast_in_dim3A_506 = vector.broadcast %jit3A_504 : f32 to vector<16xf32>
        %broadcast_in_dim3A_507 = vector.broadcast %jit3A_505 : f32 to vector<16xf32>
        %select_n3A_508 = arith.select %eq3A_503, %broadcast_in_dim3A_506, %broadcast_in_dim3A_507 : vector<16xi1>, vector<16xf32>
        %add3A_509 = arith.addf %add3A_502, %select_n3A_508 : vector<16xf32>
        %div3A_510 = arith.constant 1.000000e+00 : f32
        %div3A_511 = vector.broadcast %div3A_510 : f32 to vector<16xf32>
        %div3A_512 = arith.divf %div3A_511, %add3A_509 : vector<16xf32>
        %broadcast_in_dim3A_513 = arith.constant 0.000000e+00 : f32
        %broadcast_in_dim3A_514 = vector.broadcast %broadcast_in_dim3A_513 : f32 to vector<16xf32>
        %eq3A_515 = arith.cmpi eq, %gather3A_33, %gather3A : vector<16xi32>
        %jit3A_516 = arith.constant 1.000000e+00 : f32
        %jit3A_517 = arith.constant 0.000000e+00 : f32
        %broadcast_in_dim3A_518 = vector.broadcast %jit3A_516 : f32 to vector<16xf32>
        %broadcast_in_dim3A_519 = vector.broadcast %jit3A_517 : f32 to vector<16xf32>
        %select_n3A_520 = arith.select %eq3A_515, %broadcast_in_dim3A_518, %broadcast_in_dim3A_519 : vector<16xi1>, vector<16xf32>
        %add3A_521 = arith.addf %broadcast_in_dim3A_514, %select_n3A_520 : vector<16xf32>
        %eq3A_522 = arith.cmpi eq, %gather3A_33, %gather3A_27 : vector<16xi32>
        %jit3A_523 = arith.constant 1.000000e+00 : f32
        %jit3A_524 = arith.constant 0.000000e+00 : f32
        %broadcast_in_dim3A_525 = vector.broadcast %jit3A_523 : f32 to vector<16xf32>
        %broadcast_in_dim3A_526 = vector.broadcast %jit3A_524 : f32 to vector<16xf32>
        %select_n3A_527 = arith.select %eq3A_522, %broadcast_in_dim3A_525, %broadcast_in_dim3A_526 : vector<16xi1>, vector<16xf32>
        %add3A_528 = arith.addf %add3A_521, %select_n3A_527 : vector<16xf32>
        %eq3A_529 = arith.cmpi eq, %gather3A_33, %gather3A_30 : vector<16xi32>
        %jit3A_530 = arith.constant 1.000000e+00 : f32
        %jit3A_531 = arith.constant 0.000000e+00 : f32
        %broadcast_in_dim3A_532 = vector.broadcast %jit3A_530 : f32 to vector<16xf32>
        %broadcast_in_dim3A_533 = vector.broadcast %jit3A_531 : f32 to vector<16xf32>
        %select_n3A_534 = arith.select %eq3A_529, %broadcast_in_dim3A_532, %broadcast_in_dim3A_533 : vector<16xi1>, vector<16xf32>
        %add3A_535 = arith.addf %add3A_528, %select_n3A_534 : vector<16xf32>
        %eq3A_536 = arith.cmpi eq, %gather3A_33, %gather3A_33 : vector<16xi32>
        %jit3A_537 = arith.constant 1.000000e+00 : f32
        %jit3A_538 = arith.constant 0.000000e+00 : f32
        %broadcast_in_dim3A_539 = vector.broadcast %jit3A_537 : f32 to vector<16xf32>
        %broadcast_in_dim3A_540 = vector.broadcast %jit3A_538 : f32 to vector<16xf32>
        %select_n3A_541 = arith.select %eq3A_536, %broadcast_in_dim3A_539, %broadcast_in_dim3A_540 : vector<16xi1>, vector<16xf32>
        %add3A_542 = arith.addf %add3A_535, %select_n3A_541 : vector<16xf32>
        %eq3A_543 = arith.cmpi eq, %gather3A_33, %gather3A_36 : vector<16xi32>
        %jit3A_544 = arith.constant 1.000000e+00 : f32
        %jit3A_545 = arith.constant 0.000000e+00 : f32
        %broadcast_in_dim3A_546 = vector.broadcast %jit3A_544 : f32 to vector<16xf32>
        %broadcast_in_dim3A_547 = vector.broadcast %jit3A_545 : f32 to vector<16xf32>
        %select_n3A_548 = arith.select %eq3A_543, %broadcast_in_dim3A_546, %broadcast_in_dim3A_547 : vector<16xi1>, vector<16xf32>
        %add3A_549 = arith.addf %add3A_542, %select_n3A_548 : vector<16xf32>
        %eq3A_550 = arith.cmpi eq, %gather3A_33, %gather3A_39 : vector<16xi32>
        %jit3A_551 = arith.constant 1.000000e+00 : f32
        %jit3A_552 = arith.constant 0.000000e+00 : f32
        %broadcast_in_dim3A_553 = vector.broadcast %jit3A_551 : f32 to vector<16xf32>
        %broadcast_in_dim3A_554 = vector.broadcast %jit3A_552 : f32 to vector<16xf32>
        %select_n3A_555 = arith.select %eq3A_550, %broadcast_in_dim3A_553, %broadcast_in_dim3A_554 : vector<16xi1>, vector<16xf32>
        %add3A_556 = arith.addf %add3A_549, %select_n3A_555 : vector<16xf32>
        %eq3A_557 = arith.cmpi eq, %gather3A_33, %gather3A_42 : vector<16xi32>
        %jit3A_558 = arith.constant 1.000000e+00 : f32
        %jit3A_559 = arith.constant 0.000000e+00 : f32
        %broadcast_in_dim3A_560 = vector.broadcast %jit3A_558 : f32 to vector<16xf32>
        %broadcast_in_dim3A_561 = vector.broadcast %jit3A_559 : f32 to vector<16xf32>
        %select_n3A_562 = arith.select %eq3A_557, %broadcast_in_dim3A_560, %broadcast_in_dim3A_561 : vector<16xi1>, vector<16xf32>
        %add3A_563 = arith.addf %add3A_556, %select_n3A_562 : vector<16xf32>
        %eq3A_564 = arith.cmpi eq, %gather3A_33, %gather3A_45 : vector<16xi32>
        %jit3A_565 = arith.constant 1.000000e+00 : f32
        %jit3A_566 = arith.constant 0.000000e+00 : f32
        %broadcast_in_dim3A_567 = vector.broadcast %jit3A_565 : f32 to vector<16xf32>
        %broadcast_in_dim3A_568 = vector.broadcast %jit3A_566 : f32 to vector<16xf32>
        %select_n3A_569 = arith.select %eq3A_564, %broadcast_in_dim3A_567, %broadcast_in_dim3A_568 : vector<16xi1>, vector<16xf32>
        %add3A_570 = arith.addf %add3A_563, %select_n3A_569 : vector<16xf32>
        %eq3A_571 = arith.cmpi eq, %gather3A_33, %gather3A_48 : vector<16xi32>
        %jit3A_572 = arith.constant 1.000000e+00 : f32
        %jit3A_573 = arith.constant 0.000000e+00 : f32
        %broadcast_in_dim3A_574 = vector.broadcast %jit3A_572 : f32 to vector<16xf32>
        %broadcast_in_dim3A_575 = vector.broadcast %jit3A_573 : f32 to vector<16xf32>
        %select_n3A_576 = arith.select %eq3A_571, %broadcast_in_dim3A_574, %broadcast_in_dim3A_575 : vector<16xi1>, vector<16xf32>
        %add3A_577 = arith.addf %add3A_570, %select_n3A_576 : vector<16xf32>
        %eq3A_578 = arith.cmpi eq, %gather3A_33, %gather3A_51 : vector<16xi32>
        %jit3A_579 = arith.constant 1.000000e+00 : f32
        %jit3A_580 = arith.constant 0.000000e+00 : f32
        %broadcast_in_dim3A_581 = vector.broadcast %jit3A_579 : f32 to vector<16xf32>
        %broadcast_in_dim3A_582 = vector.broadcast %jit3A_580 : f32 to vector<16xf32>
        %select_n3A_583 = arith.select %eq3A_578, %broadcast_in_dim3A_581, %broadcast_in_dim3A_582 : vector<16xi1>, vector<16xf32>
        %add3A_584 = arith.addf %add3A_577, %select_n3A_583 : vector<16xf32>
        %eq3A_585 = arith.cmpi eq, %gather3A_33, %gather3A_54 : vector<16xi32>
        %jit3A_586 = arith.constant 1.000000e+00 : f32
        %jit3A_587 = arith.constant 0.000000e+00 : f32
        %broadcast_in_dim3A_588 = vector.broadcast %jit3A_586 : f32 to vector<16xf32>
        %broadcast_in_dim3A_589 = vector.broadcast %jit3A_587 : f32 to vector<16xf32>
        %select_n3A_590 = arith.select %eq3A_585, %broadcast_in_dim3A_588, %broadcast_in_dim3A_589 : vector<16xi1>, vector<16xf32>
        %add3A_591 = arith.addf %add3A_584, %select_n3A_590 : vector<16xf32>
        %eq3A_592 = arith.cmpi eq, %gather3A_33, %gather3A_57 : vector<16xi32>
        %jit3A_593 = arith.constant 1.000000e+00 : f32
        %jit3A_594 = arith.constant 0.000000e+00 : f32
        %broadcast_in_dim3A_595 = vector.broadcast %jit3A_593 : f32 to vector<16xf32>
        %broadcast_in_dim3A_596 = vector.broadcast %jit3A_594 : f32 to vector<16xf32>
        %select_n3A_597 = arith.select %eq3A_592, %broadcast_in_dim3A_595, %broadcast_in_dim3A_596 : vector<16xi1>, vector<16xf32>
        %add3A_598 = arith.addf %add3A_591, %select_n3A_597 : vector<16xf32>
        %eq3A_599 = arith.cmpi eq, %gather3A_33, %gather3A_60 : vector<16xi32>
        %jit3A_600 = arith.constant 1.000000e+00 : f32
        %jit3A_601 = arith.constant 0.000000e+00 : f32
        %broadcast_in_dim3A_602 = vector.broadcast %jit3A_600 : f32 to vector<16xf32>
        %broadcast_in_dim3A_603 = vector.broadcast %jit3A_601 : f32 to vector<16xf32>
        %select_n3A_604 = arith.select %eq3A_599, %broadcast_in_dim3A_602, %broadcast_in_dim3A_603 : vector<16xi1>, vector<16xf32>
        %add3A_605 = arith.addf %add3A_598, %select_n3A_604 : vector<16xf32>
        %eq3A_606 = arith.cmpi eq, %gather3A_33, %gather3A_63 : vector<16xi32>
        %jit3A_607 = arith.constant 1.000000e+00 : f32
        %jit3A_608 = arith.constant 0.000000e+00 : f32
        %broadcast_in_dim3A_609 = vector.broadcast %jit3A_607 : f32 to vector<16xf32>
        %broadcast_in_dim3A_610 = vector.broadcast %jit3A_608 : f32 to vector<16xf32>
        %select_n3A_611 = arith.select %eq3A_606, %broadcast_in_dim3A_609, %broadcast_in_dim3A_610 : vector<16xi1>, vector<16xf32>
        %add3A_612 = arith.addf %add3A_605, %select_n3A_611 : vector<16xf32>
        %eq3A_613 = arith.cmpi eq, %gather3A_33, %gather3A_66 : vector<16xi32>
        %jit3A_614 = arith.constant 1.000000e+00 : f32
        %jit3A_615 = arith.constant 0.000000e+00 : f32
        %broadcast_in_dim3A_616 = vector.broadcast %jit3A_614 : f32 to vector<16xf32>
        %broadcast_in_dim3A_617 = vector.broadcast %jit3A_615 : f32 to vector<16xf32>
        %select_n3A_618 = arith.select %eq3A_613, %broadcast_in_dim3A_616, %broadcast_in_dim3A_617 : vector<16xi1>, vector<16xf32>
        %add3A_619 = arith.addf %add3A_612, %select_n3A_618 : vector<16xf32>
        %eq3A_620 = arith.cmpi eq, %gather3A_33, %gather3A_69 : vector<16xi32>
        %jit3A_621 = arith.constant 1.000000e+00 : f32
        %jit3A_622 = arith.constant 0.000000e+00 : f32
        %broadcast_in_dim3A_623 = vector.broadcast %jit3A_621 : f32 to vector<16xf32>
        %broadcast_in_dim3A_624 = vector.broadcast %jit3A_622 : f32 to vector<16xf32>
        %select_n3A_625 = arith.select %eq3A_620, %broadcast_in_dim3A_623, %broadcast_in_dim3A_624 : vector<16xi1>, vector<16xf32>
        %add3A_626 = arith.addf %add3A_619, %select_n3A_625 : vector<16xf32>
        %eq3A_627 = arith.cmpi eq, %gather3A_33, %gather3A_72 : vector<16xi32>
        %jit3A_628 = arith.constant 1.000000e+00 : f32
        %jit3A_629 = arith.constant 0.000000e+00 : f32
        %broadcast_in_dim3A_630 = vector.broadcast %jit3A_628 : f32 to vector<16xf32>
        %broadcast_in_dim3A_631 = vector.broadcast %jit3A_629 : f32 to vector<16xf32>
        %select_n3A_632 = arith.select %eq3A_627, %broadcast_in_dim3A_630, %broadcast_in_dim3A_631 : vector<16xi1>, vector<16xf32>
        %add3A_633 = arith.addf %add3A_626, %select_n3A_632 : vector<16xf32>
        %eq3A_634 = arith.cmpi eq, %gather3A_33, %gather3A_75 : vector<16xi32>
        %jit3A_635 = arith.constant 1.000000e+00 : f32
        %jit3A_636 = arith.constant 0.000000e+00 : f32
        %broadcast_in_dim3A_637 = vector.broadcast %jit3A_635 : f32 to vector<16xf32>
        %broadcast_in_dim3A_638 = vector.broadcast %jit3A_636 : f32 to vector<16xf32>
        %select_n3A_639 = arith.select %eq3A_634, %broadcast_in_dim3A_637, %broadcast_in_dim3A_638 : vector<16xi1>, vector<16xf32>
        %add3A_640 = arith.addf %add3A_633, %select_n3A_639 : vector<16xf32>
        %eq3A_641 = arith.cmpi eq, %gather3A_33, %gather3A_78 : vector<16xi32>
        %jit3A_642 = arith.constant 1.000000e+00 : f32
        %jit3A_643 = arith.constant 0.000000e+00 : f32
        %broadcast_in_dim3A_644 = vector.broadcast %jit3A_642 : f32 to vector<16xf32>
        %broadcast_in_dim3A_645 = vector.broadcast %jit3A_643 : f32 to vector<16xf32>
        %select_n3A_646 = arith.select %eq3A_641, %broadcast_in_dim3A_644, %broadcast_in_dim3A_645 : vector<16xi1>, vector<16xf32>
        %add3A_647 = arith.addf %add3A_640, %select_n3A_646 : vector<16xf32>
        %eq3A_648 = arith.cmpi eq, %gather3A_33, %gather3A_81 : vector<16xi32>
        %jit3A_649 = arith.constant 1.000000e+00 : f32
        %jit3A_650 = arith.constant 0.000000e+00 : f32
        %broadcast_in_dim3A_651 = vector.broadcast %jit3A_649 : f32 to vector<16xf32>
        %broadcast_in_dim3A_652 = vector.broadcast %jit3A_650 : f32 to vector<16xf32>
        %select_n3A_653 = arith.select %eq3A_648, %broadcast_in_dim3A_651, %broadcast_in_dim3A_652 : vector<16xi1>, vector<16xf32>
        %add3A_654 = arith.addf %add3A_647, %select_n3A_653 : vector<16xf32>
        %div3A_655 = arith.constant 1.000000e+00 : f32
        %div3A_656 = vector.broadcast %div3A_655 : f32 to vector<16xf32>
        %div3A_657 = arith.divf %div3A_656, %add3A_654 : vector<16xf32>
        %broadcast_in_dim3A_658 = arith.constant 0.000000e+00 : f32
        %broadcast_in_dim3A_659 = vector.broadcast %broadcast_in_dim3A_658 : f32 to vector<16xf32>
        %eq3A_660 = arith.cmpi eq, %gather3A_36, %gather3A : vector<16xi32>
        %jit3A_661 = arith.constant 1.000000e+00 : f32
        %jit3A_662 = arith.constant 0.000000e+00 : f32
        %broadcast_in_dim3A_663 = vector.broadcast %jit3A_661 : f32 to vector<16xf32>
        %broadcast_in_dim3A_664 = vector.broadcast %jit3A_662 : f32 to vector<16xf32>
        %select_n3A_665 = arith.select %eq3A_660, %broadcast_in_dim3A_663, %broadcast_in_dim3A_664 : vector<16xi1>, vector<16xf32>
        %add3A_666 = arith.addf %broadcast_in_dim3A_659, %select_n3A_665 : vector<16xf32>
        %eq3A_667 = arith.cmpi eq, %gather3A_36, %gather3A_27 : vector<16xi32>
        %jit3A_668 = arith.constant 1.000000e+00 : f32
        %jit3A_669 = arith.constant 0.000000e+00 : f32
        %broadcast_in_dim3A_670 = vector.broadcast %jit3A_668 : f32 to vector<16xf32>
        %broadcast_in_dim3A_671 = vector.broadcast %jit3A_669 : f32 to vector<16xf32>
        %select_n3A_672 = arith.select %eq3A_667, %broadcast_in_dim3A_670, %broadcast_in_dim3A_671 : vector<16xi1>, vector<16xf32>
        %add3A_673 = arith.addf %add3A_666, %select_n3A_672 : vector<16xf32>
        %eq3A_674 = arith.cmpi eq, %gather3A_36, %gather3A_30 : vector<16xi32>
        %jit3A_675 = arith.constant 1.000000e+00 : f32
        %jit3A_676 = arith.constant 0.000000e+00 : f32
        %broadcast_in_dim3A_677 = vector.broadcast %jit3A_675 : f32 to vector<16xf32>
        %broadcast_in_dim3A_678 = vector.broadcast %jit3A_676 : f32 to vector<16xf32>
        %select_n3A_679 = arith.select %eq3A_674, %broadcast_in_dim3A_677, %broadcast_in_dim3A_678 : vector<16xi1>, vector<16xf32>
        %add3A_680 = arith.addf %add3A_673, %select_n3A_679 : vector<16xf32>
        %eq3A_681 = arith.cmpi eq, %gather3A_36, %gather3A_33 : vector<16xi32>
        %jit3A_682 = arith.constant 1.000000e+00 : f32
        %jit3A_683 = arith.constant 0.000000e+00 : f32
        %broadcast_in_dim3A_684 = vector.broadcast %jit3A_682 : f32 to vector<16xf32>
        %broadcast_in_dim3A_685 = vector.broadcast %jit3A_683 : f32 to vector<16xf32>
        %select_n3A_686 = arith.select %eq3A_681, %broadcast_in_dim3A_684, %broadcast_in_dim3A_685 : vector<16xi1>, vector<16xf32>
        %add3A_687 = arith.addf %add3A_680, %select_n3A_686 : vector<16xf32>
        %eq3A_688 = arith.cmpi eq, %gather3A_36, %gather3A_36 : vector<16xi32>
        %jit3A_689 = arith.constant 1.000000e+00 : f32
        %jit3A_690 = arith.constant 0.000000e+00 : f32
        %broadcast_in_dim3A_691 = vector.broadcast %jit3A_689 : f32 to vector<16xf32>
        %broadcast_in_dim3A_692 = vector.broadcast %jit3A_690 : f32 to vector<16xf32>
        %select_n3A_693 = arith.select %eq3A_688, %broadcast_in_dim3A_691, %broadcast_in_dim3A_692 : vector<16xi1>, vector<16xf32>
        %add3A_694 = arith.addf %add3A_687, %select_n3A_693 : vector<16xf32>
        %eq3A_695 = arith.cmpi eq, %gather3A_36, %gather3A_39 : vector<16xi32>
        %jit3A_696 = arith.constant 1.000000e+00 : f32
        %jit3A_697 = arith.constant 0.000000e+00 : f32
        %broadcast_in_dim3A_698 = vector.broadcast %jit3A_696 : f32 to vector<16xf32>
        %broadcast_in_dim3A_699 = vector.broadcast %jit3A_697 : f32 to vector<16xf32>
        %select_n3A_700 = arith.select %eq3A_695, %broadcast_in_dim3A_698, %broadcast_in_dim3A_699 : vector<16xi1>, vector<16xf32>
        %add3A_701 = arith.addf %add3A_694, %select_n3A_700 : vector<16xf32>
        %eq3A_702 = arith.cmpi eq, %gather3A_36, %gather3A_42 : vector<16xi32>
        %jit3A_703 = arith.constant 1.000000e+00 : f32
        %jit3A_704 = arith.constant 0.000000e+00 : f32
        %broadcast_in_dim3A_705 = vector.broadcast %jit3A_703 : f32 to vector<16xf32>
        %broadcast_in_dim3A_706 = vector.broadcast %jit3A_704 : f32 to vector<16xf32>
        %select_n3A_707 = arith.select %eq3A_702, %broadcast_in_dim3A_705, %broadcast_in_dim3A_706 : vector<16xi1>, vector<16xf32>
        %add3A_708 = arith.addf %add3A_701, %select_n3A_707 : vector<16xf32>
        %eq3A_709 = arith.cmpi eq, %gather3A_36, %gather3A_45 : vector<16xi32>
        %jit3A_710 = arith.constant 1.000000e+00 : f32
        %jit3A_711 = arith.constant 0.000000e+00 : f32
        %broadcast_in_dim3A_712 = vector.broadcast %jit3A_710 : f32 to vector<16xf32>
        %broadcast_in_dim3A_713 = vector.broadcast %jit3A_711 : f32 to vector<16xf32>
        %select_n3A_714 = arith.select %eq3A_709, %broadcast_in_dim3A_712, %broadcast_in_dim3A_713 : vector<16xi1>, vector<16xf32>
        %add3A_715 = arith.addf %add3A_708, %select_n3A_714 : vector<16xf32>
        %eq3A_716 = arith.cmpi eq, %gather3A_36, %gather3A_48 : vector<16xi32>
        %jit3A_717 = arith.constant 1.000000e+00 : f32
        %jit3A_718 = arith.constant 0.000000e+00 : f32
        %broadcast_in_dim3A_719 = vector.broadcast %jit3A_717 : f32 to vector<16xf32>
        %broadcast_in_dim3A_720 = vector.broadcast %jit3A_718 : f32 to vector<16xf32>
        %select_n3A_721 = arith.select %eq3A_716, %broadcast_in_dim3A_719, %broadcast_in_dim3A_720 : vector<16xi1>, vector<16xf32>
        %add3A_722 = arith.addf %add3A_715, %select_n3A_721 : vector<16xf32>
        %eq3A_723 = arith.cmpi eq, %gather3A_36, %gather3A_51 : vector<16xi32>
        %jit3A_724 = arith.constant 1.000000e+00 : f32
        %jit3A_725 = arith.constant 0.000000e+00 : f32
        %broadcast_in_dim3A_726 = vector.broadcast %jit3A_724 : f32 to vector<16xf32>
        %broadcast_in_dim3A_727 = vector.broadcast %jit3A_725 : f32 to vector<16xf32>
        %select_n3A_728 = arith.select %eq3A_723, %broadcast_in_dim3A_726, %broadcast_in_dim3A_727 : vector<16xi1>, vector<16xf32>
        %add3A_729 = arith.addf %add3A_722, %select_n3A_728 : vector<16xf32>
        %eq3A_730 = arith.cmpi eq, %gather3A_36, %gather3A_54 : vector<16xi32>
        %jit3A_731 = arith.constant 1.000000e+00 : f32
        %jit3A_732 = arith.constant 0.000000e+00 : f32
        %broadcast_in_dim3A_733 = vector.broadcast %jit3A_731 : f32 to vector<16xf32>
        %broadcast_in_dim3A_734 = vector.broadcast %jit3A_732 : f32 to vector<16xf32>
        %select_n3A_735 = arith.select %eq3A_730, %broadcast_in_dim3A_733, %broadcast_in_dim3A_734 : vector<16xi1>, vector<16xf32>
        %add3A_736 = arith.addf %add3A_729, %select_n3A_735 : vector<16xf32>
        %eq3A_737 = arith.cmpi eq, %gather3A_36, %gather3A_57 : vector<16xi32>
        %jit3A_738 = arith.constant 1.000000e+00 : f32
        %jit3A_739 = arith.constant 0.000000e+00 : f32
        %broadcast_in_dim3A_740 = vector.broadcast %jit3A_738 : f32 to vector<16xf32>
        %broadcast_in_dim3A_741 = vector.broadcast %jit3A_739 : f32 to vector<16xf32>
        %select_n3A_742 = arith.select %eq3A_737, %broadcast_in_dim3A_740, %broadcast_in_dim3A_741 : vector<16xi1>, vector<16xf32>
        %add3A_743 = arith.addf %add3A_736, %select_n3A_742 : vector<16xf32>
        %eq3A_744 = arith.cmpi eq, %gather3A_36, %gather3A_60 : vector<16xi32>
        %jit3A_745 = arith.constant 1.000000e+00 : f32
        %jit3A_746 = arith.constant 0.000000e+00 : f32
        %broadcast_in_dim3A_747 = vector.broadcast %jit3A_745 : f32 to vector<16xf32>
        %broadcast_in_dim3A_748 = vector.broadcast %jit3A_746 : f32 to vector<16xf32>
        %select_n3A_749 = arith.select %eq3A_744, %broadcast_in_dim3A_747, %broadcast_in_dim3A_748 : vector<16xi1>, vector<16xf32>
        %add3A_750 = arith.addf %add3A_743, %select_n3A_749 : vector<16xf32>
        %eq3A_751 = arith.cmpi eq, %gather3A_36, %gather3A_63 : vector<16xi32>
        %jit3A_752 = arith.constant 1.000000e+00 : f32
        %jit3A_753 = arith.constant 0.000000e+00 : f32
        %broadcast_in_dim3A_754 = vector.broadcast %jit3A_752 : f32 to vector<16xf32>
        %broadcast_in_dim3A_755 = vector.broadcast %jit3A_753 : f32 to vector<16xf32>
        %select_n3A_756 = arith.select %eq3A_751, %broadcast_in_dim3A_754, %broadcast_in_dim3A_755 : vector<16xi1>, vector<16xf32>
        %add3A_757 = arith.addf %add3A_750, %select_n3A_756 : vector<16xf32>
        %eq3A_758 = arith.cmpi eq, %gather3A_36, %gather3A_66 : vector<16xi32>
        %jit3A_759 = arith.constant 1.000000e+00 : f32
        %jit3A_760 = arith.constant 0.000000e+00 : f32
        %broadcast_in_dim3A_761 = vector.broadcast %jit3A_759 : f32 to vector<16xf32>
        %broadcast_in_dim3A_762 = vector.broadcast %jit3A_760 : f32 to vector<16xf32>
        %select_n3A_763 = arith.select %eq3A_758, %broadcast_in_dim3A_761, %broadcast_in_dim3A_762 : vector<16xi1>, vector<16xf32>
        %add3A_764 = arith.addf %add3A_757, %select_n3A_763 : vector<16xf32>
        %eq3A_765 = arith.cmpi eq, %gather3A_36, %gather3A_69 : vector<16xi32>
        %jit3A_766 = arith.constant 1.000000e+00 : f32
        %jit3A_767 = arith.constant 0.000000e+00 : f32
        %broadcast_in_dim3A_768 = vector.broadcast %jit3A_766 : f32 to vector<16xf32>
        %broadcast_in_dim3A_769 = vector.broadcast %jit3A_767 : f32 to vector<16xf32>
        %select_n3A_770 = arith.select %eq3A_765, %broadcast_in_dim3A_768, %broadcast_in_dim3A_769 : vector<16xi1>, vector<16xf32>
        %add3A_771 = arith.addf %add3A_764, %select_n3A_770 : vector<16xf32>
        %eq3A_772 = arith.cmpi eq, %gather3A_36, %gather3A_72 : vector<16xi32>
        %jit3A_773 = arith.constant 1.000000e+00 : f32
        %jit3A_774 = arith.constant 0.000000e+00 : f32
        %broadcast_in_dim3A_775 = vector.broadcast %jit3A_773 : f32 to vector<16xf32>
        %broadcast_in_dim3A_776 = vector.broadcast %jit3A_774 : f32 to vector<16xf32>
        %select_n3A_777 = arith.select %eq3A_772, %broadcast_in_dim3A_775, %broadcast_in_dim3A_776 : vector<16xi1>, vector<16xf32>
        %add3A_778 = arith.addf %add3A_771, %select_n3A_777 : vector<16xf32>
        %eq3A_779 = arith.cmpi eq, %gather3A_36, %gather3A_75 : vector<16xi32>
        %jit3A_780 = arith.constant 1.000000e+00 : f32
        %jit3A_781 = arith.constant 0.000000e+00 : f32
        %broadcast_in_dim3A_782 = vector.broadcast %jit3A_780 : f32 to vector<16xf32>
        %broadcast_in_dim3A_783 = vector.broadcast %jit3A_781 : f32 to vector<16xf32>
        %select_n3A_784 = arith.select %eq3A_779, %broadcast_in_dim3A_782, %broadcast_in_dim3A_783 : vector<16xi1>, vector<16xf32>
        %add3A_785 = arith.addf %add3A_778, %select_n3A_784 : vector<16xf32>
        %eq3A_786 = arith.cmpi eq, %gather3A_36, %gather3A_78 : vector<16xi32>
        %jit3A_787 = arith.constant 1.000000e+00 : f32
        %jit3A_788 = arith.constant 0.000000e+00 : f32
        %broadcast_in_dim3A_789 = vector.broadcast %jit3A_787 : f32 to vector<16xf32>
        %broadcast_in_dim3A_790 = vector.broadcast %jit3A_788 : f32 to vector<16xf32>
        %select_n3A_791 = arith.select %eq3A_786, %broadcast_in_dim3A_789, %broadcast_in_dim3A_790 : vector<16xi1>, vector<16xf32>
        %add3A_792 = arith.addf %add3A_785, %select_n3A_791 : vector<16xf32>
        %eq3A_793 = arith.cmpi eq, %gather3A_36, %gather3A_81 : vector<16xi32>
        %jit3A_794 = arith.constant 1.000000e+00 : f32
        %jit3A_795 = arith.constant 0.000000e+00 : f32
        %broadcast_in_dim3A_796 = vector.broadcast %jit3A_794 : f32 to vector<16xf32>
        %broadcast_in_dim3A_797 = vector.broadcast %jit3A_795 : f32 to vector<16xf32>
        %select_n3A_798 = arith.select %eq3A_793, %broadcast_in_dim3A_796, %broadcast_in_dim3A_797 : vector<16xi1>, vector<16xf32>
        %add3A_799 = arith.addf %add3A_792, %select_n3A_798 : vector<16xf32>
        %div3A_800 = arith.constant 1.000000e+00 : f32
        %div3A_801 = vector.broadcast %div3A_800 : f32 to vector<16xf32>
        %div3A_802 = arith.divf %div3A_801, %add3A_799 : vector<16xf32>
        %broadcast_in_dim3A_803 = arith.constant 0.000000e+00 : f32
        %broadcast_in_dim3A_804 = vector.broadcast %broadcast_in_dim3A_803 : f32 to vector<16xf32>
        %eq3A_805 = arith.cmpi eq, %gather3A_39, %gather3A : vector<16xi32>
        %jit3A_806 = arith.constant 1.000000e+00 : f32
        %jit3A_807 = arith.constant 0.000000e+00 : f32
        %broadcast_in_dim3A_808 = vector.broadcast %jit3A_806 : f32 to vector<16xf32>
        %broadcast_in_dim3A_809 = vector.broadcast %jit3A_807 : f32 to vector<16xf32>
        %select_n3A_810 = arith.select %eq3A_805, %broadcast_in_dim3A_808, %broadcast_in_dim3A_809 : vector<16xi1>, vector<16xf32>
        %add3A_811 = arith.addf %broadcast_in_dim3A_804, %select_n3A_810 : vector<16xf32>
        %eq3A_812 = arith.cmpi eq, %gather3A_39, %gather3A_27 : vector<16xi32>
        %jit3A_813 = arith.constant 1.000000e+00 : f32
        %jit3A_814 = arith.constant 0.000000e+00 : f32
        %broadcast_in_dim3A_815 = vector.broadcast %jit3A_813 : f32 to vector<16xf32>
        %broadcast_in_dim3A_816 = vector.broadcast %jit3A_814 : f32 to vector<16xf32>
        %select_n3A_817 = arith.select %eq3A_812, %broadcast_in_dim3A_815, %broadcast_in_dim3A_816 : vector<16xi1>, vector<16xf32>
        %add3A_818 = arith.addf %add3A_811, %select_n3A_817 : vector<16xf32>
        %eq3A_819 = arith.cmpi eq, %gather3A_39, %gather3A_30 : vector<16xi32>
        %jit3A_820 = arith.constant 1.000000e+00 : f32
        %jit3A_821 = arith.constant 0.000000e+00 : f32
        %broadcast_in_dim3A_822 = vector.broadcast %jit3A_820 : f32 to vector<16xf32>
        %broadcast_in_dim3A_823 = vector.broadcast %jit3A_821 : f32 to vector<16xf32>
        %select_n3A_824 = arith.select %eq3A_819, %broadcast_in_dim3A_822, %broadcast_in_dim3A_823 : vector<16xi1>, vector<16xf32>
        %add3A_825 = arith.addf %add3A_818, %select_n3A_824 : vector<16xf32>
        %eq3A_826 = arith.cmpi eq, %gather3A_39, %gather3A_33 : vector<16xi32>
        %jit3A_827 = arith.constant 1.000000e+00 : f32
        %jit3A_828 = arith.constant 0.000000e+00 : f32
        %broadcast_in_dim3A_829 = vector.broadcast %jit3A_827 : f32 to vector<16xf32>
        %broadcast_in_dim3A_830 = vector.broadcast %jit3A_828 : f32 to vector<16xf32>
        %select_n3A_831 = arith.select %eq3A_826, %broadcast_in_dim3A_829, %broadcast_in_dim3A_830 : vector<16xi1>, vector<16xf32>
        %add3A_832 = arith.addf %add3A_825, %select_n3A_831 : vector<16xf32>
        %eq3A_833 = arith.cmpi eq, %gather3A_39, %gather3A_36 : vector<16xi32>
        %jit3A_834 = arith.constant 1.000000e+00 : f32
        %jit3A_835 = arith.constant 0.000000e+00 : f32
        %broadcast_in_dim3A_836 = vector.broadcast %jit3A_834 : f32 to vector<16xf32>
        %broadcast_in_dim3A_837 = vector.broadcast %jit3A_835 : f32 to vector<16xf32>
        %select_n3A_838 = arith.select %eq3A_833, %broadcast_in_dim3A_836, %broadcast_in_dim3A_837 : vector<16xi1>, vector<16xf32>
        %add3A_839 = arith.addf %add3A_832, %select_n3A_838 : vector<16xf32>
        %eq3A_840 = arith.cmpi eq, %gather3A_39, %gather3A_39 : vector<16xi32>
        %jit3A_841 = arith.constant 1.000000e+00 : f32
        %jit3A_842 = arith.constant 0.000000e+00 : f32
        %broadcast_in_dim3A_843 = vector.broadcast %jit3A_841 : f32 to vector<16xf32>
        %broadcast_in_dim3A_844 = vector.broadcast %jit3A_842 : f32 to vector<16xf32>
        %select_n3A_845 = arith.select %eq3A_840, %broadcast_in_dim3A_843, %broadcast_in_dim3A_844 : vector<16xi1>, vector<16xf32>
        %add3A_846 = arith.addf %add3A_839, %select_n3A_845 : vector<16xf32>
        %eq3A_847 = arith.cmpi eq, %gather3A_39, %gather3A_42 : vector<16xi32>
        %jit3A_848 = arith.constant 1.000000e+00 : f32
        %jit3A_849 = arith.constant 0.000000e+00 : f32
        %broadcast_in_dim3A_850 = vector.broadcast %jit3A_848 : f32 to vector<16xf32>
        %broadcast_in_dim3A_851 = vector.broadcast %jit3A_849 : f32 to vector<16xf32>
        %select_n3A_852 = arith.select %eq3A_847, %broadcast_in_dim3A_850, %broadcast_in_dim3A_851 : vector<16xi1>, vector<16xf32>
        %add3A_853 = arith.addf %add3A_846, %select_n3A_852 : vector<16xf32>
        %eq3A_854 = arith.cmpi eq, %gather3A_39, %gather3A_45 : vector<16xi32>
        %jit3A_855 = arith.constant 1.000000e+00 : f32
        %jit3A_856 = arith.constant 0.000000e+00 : f32
        %broadcast_in_dim3A_857 = vector.broadcast %jit3A_855 : f32 to vector<16xf32>
        %broadcast_in_dim3A_858 = vector.broadcast %jit3A_856 : f32 to vector<16xf32>
        %select_n3A_859 = arith.select %eq3A_854, %broadcast_in_dim3A_857, %broadcast_in_dim3A_858 : vector<16xi1>, vector<16xf32>
        %add3A_860 = arith.addf %add3A_853, %select_n3A_859 : vector<16xf32>
        %eq3A_861 = arith.cmpi eq, %gather3A_39, %gather3A_48 : vector<16xi32>
        %jit3A_862 = arith.constant 1.000000e+00 : f32
        %jit3A_863 = arith.constant 0.000000e+00 : f32
        %broadcast_in_dim3A_864 = vector.broadcast %jit3A_862 : f32 to vector<16xf32>
        %broadcast_in_dim3A_865 = vector.broadcast %jit3A_863 : f32 to vector<16xf32>
        %select_n3A_866 = arith.select %eq3A_861, %broadcast_in_dim3A_864, %broadcast_in_dim3A_865 : vector<16xi1>, vector<16xf32>
        %add3A_867 = arith.addf %add3A_860, %select_n3A_866 : vector<16xf32>
        %eq3A_868 = arith.cmpi eq, %gather3A_39, %gather3A_51 : vector<16xi32>
        %jit3A_869 = arith.constant 1.000000e+00 : f32
        %jit3A_870 = arith.constant 0.000000e+00 : f32
        %broadcast_in_dim3A_871 = vector.broadcast %jit3A_869 : f32 to vector<16xf32>
        %broadcast_in_dim3A_872 = vector.broadcast %jit3A_870 : f32 to vector<16xf32>
        %select_n3A_873 = arith.select %eq3A_868, %broadcast_in_dim3A_871, %broadcast_in_dim3A_872 : vector<16xi1>, vector<16xf32>
        %add3A_874 = arith.addf %add3A_867, %select_n3A_873 : vector<16xf32>
        %eq3A_875 = arith.cmpi eq, %gather3A_39, %gather3A_54 : vector<16xi32>
        %jit3A_876 = arith.constant 1.000000e+00 : f32
        %jit3A_877 = arith.constant 0.000000e+00 : f32
        %broadcast_in_dim3A_878 = vector.broadcast %jit3A_876 : f32 to vector<16xf32>
        %broadcast_in_dim3A_879 = vector.broadcast %jit3A_877 : f32 to vector<16xf32>
        %select_n3A_880 = arith.select %eq3A_875, %broadcast_in_dim3A_878, %broadcast_in_dim3A_879 : vector<16xi1>, vector<16xf32>
        %add3A_881 = arith.addf %add3A_874, %select_n3A_880 : vector<16xf32>
        %eq3A_882 = arith.cmpi eq, %gather3A_39, %gather3A_57 : vector<16xi32>
        %jit3A_883 = arith.constant 1.000000e+00 : f32
        %jit3A_884 = arith.constant 0.000000e+00 : f32
        %broadcast_in_dim3A_885 = vector.broadcast %jit3A_883 : f32 to vector<16xf32>
        %broadcast_in_dim3A_886 = vector.broadcast %jit3A_884 : f32 to vector<16xf32>
        %select_n3A_887 = arith.select %eq3A_882, %broadcast_in_dim3A_885, %broadcast_in_dim3A_886 : vector<16xi1>, vector<16xf32>
        %add3A_888 = arith.addf %add3A_881, %select_n3A_887 : vector<16xf32>
        %eq3A_889 = arith.cmpi eq, %gather3A_39, %gather3A_60 : vector<16xi32>
        %jit3A_890 = arith.constant 1.000000e+00 : f32
        %jit3A_891 = arith.constant 0.000000e+00 : f32
        %broadcast_in_dim3A_892 = vector.broadcast %jit3A_890 : f32 to vector<16xf32>
        %broadcast_in_dim3A_893 = vector.broadcast %jit3A_891 : f32 to vector<16xf32>
        %select_n3A_894 = arith.select %eq3A_889, %broadcast_in_dim3A_892, %broadcast_in_dim3A_893 : vector<16xi1>, vector<16xf32>
        %add3A_895 = arith.addf %add3A_888, %select_n3A_894 : vector<16xf32>
        %eq3A_896 = arith.cmpi eq, %gather3A_39, %gather3A_63 : vector<16xi32>
        %jit3A_897 = arith.constant 1.000000e+00 : f32
        %jit3A_898 = arith.constant 0.000000e+00 : f32
        %broadcast_in_dim3A_899 = vector.broadcast %jit3A_897 : f32 to vector<16xf32>
        %broadcast_in_dim3A_900 = vector.broadcast %jit3A_898 : f32 to vector<16xf32>
        %select_n3A_901 = arith.select %eq3A_896, %broadcast_in_dim3A_899, %broadcast_in_dim3A_900 : vector<16xi1>, vector<16xf32>
        %add3A_902 = arith.addf %add3A_895, %select_n3A_901 : vector<16xf32>
        %eq3A_903 = arith.cmpi eq, %gather3A_39, %gather3A_66 : vector<16xi32>
        %jit3A_904 = arith.constant 1.000000e+00 : f32
        %jit3A_905 = arith.constant 0.000000e+00 : f32
        %broadcast_in_dim3A_906 = vector.broadcast %jit3A_904 : f32 to vector<16xf32>
        %broadcast_in_dim3A_907 = vector.broadcast %jit3A_905 : f32 to vector<16xf32>
        %select_n3A_908 = arith.select %eq3A_903, %broadcast_in_dim3A_906, %broadcast_in_dim3A_907 : vector<16xi1>, vector<16xf32>
        %add3A_909 = arith.addf %add3A_902, %select_n3A_908 : vector<16xf32>
        %eq3A_910 = arith.cmpi eq, %gather3A_39, %gather3A_69 : vector<16xi32>
        %jit3A_911 = arith.constant 1.000000e+00 : f32
        %jit3A_912 = arith.constant 0.000000e+00 : f32
        %broadcast_in_dim3A_913 = vector.broadcast %jit3A_911 : f32 to vector<16xf32>
        %broadcast_in_dim3A_914 = vector.broadcast %jit3A_912 : f32 to vector<16xf32>
        %select_n3A_915 = arith.select %eq3A_910, %broadcast_in_dim3A_913, %broadcast_in_dim3A_914 : vector<16xi1>, vector<16xf32>
        %add3A_916 = arith.addf %add3A_909, %select_n3A_915 : vector<16xf32>
        %eq3A_917 = arith.cmpi eq, %gather3A_39, %gather3A_72 : vector<16xi32>
        %jit3A_918 = arith.constant 1.000000e+00 : f32
        %jit3A_919 = arith.constant 0.000000e+00 : f32
        %broadcast_in_dim3A_920 = vector.broadcast %jit3A_918 : f32 to vector<16xf32>
        %broadcast_in_dim3A_921 = vector.broadcast %jit3A_919 : f32 to vector<16xf32>
        %select_n3A_922 = arith.select %eq3A_917, %broadcast_in_dim3A_920, %broadcast_in_dim3A_921 : vector<16xi1>, vector<16xf32>
        %add3A_923 = arith.addf %add3A_916, %select_n3A_922 : vector<16xf32>
        %eq3A_924 = arith.cmpi eq, %gather3A_39, %gather3A_75 : vector<16xi32>
        %jit3A_925 = arith.constant 1.000000e+00 : f32
        %jit3A_926 = arith.constant 0.000000e+00 : f32
        %broadcast_in_dim3A_927 = vector.broadcast %jit3A_925 : f32 to vector<16xf32>
        %broadcast_in_dim3A_928 = vector.broadcast %jit3A_926 : f32 to vector<16xf32>
        %select_n3A_929 = arith.select %eq3A_924, %broadcast_in_dim3A_927, %broadcast_in_dim3A_928 : vector<16xi1>, vector<16xf32>
        %add3A_930 = arith.addf %add3A_923, %select_n3A_929 : vector<16xf32>
        %eq3A_931 = arith.cmpi eq, %gather3A_39, %gather3A_78 : vector<16xi32>
        %jit3A_932 = arith.constant 1.000000e+00 : f32
        %jit3A_933 = arith.constant 0.000000e+00 : f32
        %broadcast_in_dim3A_934 = vector.broadcast %jit3A_932 : f32 to vector<16xf32>
        %broadcast_in_dim3A_935 = vector.broadcast %jit3A_933 : f32 to vector<16xf32>
        %select_n3A_936 = arith.select %eq3A_931, %broadcast_in_dim3A_934, %broadcast_in_dim3A_935 : vector<16xi1>, vector<16xf32>
        %add3A_937 = arith.addf %add3A_930, %select_n3A_936 : vector<16xf32>
        %eq3A_938 = arith.cmpi eq, %gather3A_39, %gather3A_81 : vector<16xi32>
        %jit3A_939 = arith.constant 1.000000e+00 : f32
        %jit3A_940 = arith.constant 0.000000e+00 : f32
        %broadcast_in_dim3A_941 = vector.broadcast %jit3A_939 : f32 to vector<16xf32>
        %broadcast_in_dim3A_942 = vector.broadcast %jit3A_940 : f32 to vector<16xf32>
        %select_n3A_943 = arith.select %eq3A_938, %broadcast_in_dim3A_941, %broadcast_in_dim3A_942 : vector<16xi1>, vector<16xf32>
        %add3A_944 = arith.addf %add3A_937, %select_n3A_943 : vector<16xf32>
        %div3A_945 = arith.constant 1.000000e+00 : f32
        %div3A_946 = vector.broadcast %div3A_945 : f32 to vector<16xf32>
        %div3A_947 = arith.divf %div3A_946, %add3A_944 : vector<16xf32>
        %broadcast_in_dim3A_948 = arith.constant 0.000000e+00 : f32
        %broadcast_in_dim3A_949 = vector.broadcast %broadcast_in_dim3A_948 : f32 to vector<16xf32>
        %eq3A_950 = arith.cmpi eq, %gather3A_42, %gather3A : vector<16xi32>
        %jit3A_951 = arith.constant 1.000000e+00 : f32
        %jit3A_952 = arith.constant 0.000000e+00 : f32
        %broadcast_in_dim3A_953 = vector.broadcast %jit3A_951 : f32 to vector<16xf32>
        %broadcast_in_dim3A_954 = vector.broadcast %jit3A_952 : f32 to vector<16xf32>
        %select_n3A_955 = arith.select %eq3A_950, %broadcast_in_dim3A_953, %broadcast_in_dim3A_954 : vector<16xi1>, vector<16xf32>
        %add3A_956 = arith.addf %broadcast_in_dim3A_949, %select_n3A_955 : vector<16xf32>
        %eq3A_957 = arith.cmpi eq, %gather3A_42, %gather3A_27 : vector<16xi32>
        %jit3A_958 = arith.constant 1.000000e+00 : f32
        %jit3A_959 = arith.constant 0.000000e+00 : f32
        %broadcast_in_dim3A_960 = vector.broadcast %jit3A_958 : f32 to vector<16xf32>
        %broadcast_in_dim3A_961 = vector.broadcast %jit3A_959 : f32 to vector<16xf32>
        %select_n3A_962 = arith.select %eq3A_957, %broadcast_in_dim3A_960, %broadcast_in_dim3A_961 : vector<16xi1>, vector<16xf32>
        %add3A_963 = arith.addf %add3A_956, %select_n3A_962 : vector<16xf32>
        %eq3A_964 = arith.cmpi eq, %gather3A_42, %gather3A_30 : vector<16xi32>
        %jit3A_965 = arith.constant 1.000000e+00 : f32
        %jit3A_966 = arith.constant 0.000000e+00 : f32
        %broadcast_in_dim3A_967 = vector.broadcast %jit3A_965 : f32 to vector<16xf32>
        %broadcast_in_dim3A_968 = vector.broadcast %jit3A_966 : f32 to vector<16xf32>
        %select_n3A_969 = arith.select %eq3A_964, %broadcast_in_dim3A_967, %broadcast_in_dim3A_968 : vector<16xi1>, vector<16xf32>
        %add3A_970 = arith.addf %add3A_963, %select_n3A_969 : vector<16xf32>
        %eq3A_971 = arith.cmpi eq, %gather3A_42, %gather3A_33 : vector<16xi32>
        %jit3A_972 = arith.constant 1.000000e+00 : f32
        %jit3A_973 = arith.constant 0.000000e+00 : f32
        %broadcast_in_dim3A_974 = vector.broadcast %jit3A_972 : f32 to vector<16xf32>
        %broadcast_in_dim3A_975 = vector.broadcast %jit3A_973 : f32 to vector<16xf32>
        %select_n3A_976 = arith.select %eq3A_971, %broadcast_in_dim3A_974, %broadcast_in_dim3A_975 : vector<16xi1>, vector<16xf32>
        %add3A_977 = arith.addf %add3A_970, %select_n3A_976 : vector<16xf32>
        %eq3A_978 = arith.cmpi eq, %gather3A_42, %gather3A_36 : vector<16xi32>
        %jit3A_979 = arith.constant 1.000000e+00 : f32
        %jit3A_980 = arith.constant 0.000000e+00 : f32
        %broadcast_in_dim3A_981 = vector.broadcast %jit3A_979 : f32 to vector<16xf32>
        %broadcast_in_dim3A_982 = vector.broadcast %jit3A_980 : f32 to vector<16xf32>
        %select_n3A_983 = arith.select %eq3A_978, %broadcast_in_dim3A_981, %broadcast_in_dim3A_982 : vector<16xi1>, vector<16xf32>
        %add3A_984 = arith.addf %add3A_977, %select_n3A_983 : vector<16xf32>
        %eq3A_985 = arith.cmpi eq, %gather3A_42, %gather3A_39 : vector<16xi32>
        %jit3A_986 = arith.constant 1.000000e+00 : f32
        %jit3A_987 = arith.constant 0.000000e+00 : f32
        %broadcast_in_dim3A_988 = vector.broadcast %jit3A_986 : f32 to vector<16xf32>
        %broadcast_in_dim3A_989 = vector.broadcast %jit3A_987 : f32 to vector<16xf32>
        %select_n3A_990 = arith.select %eq3A_985, %broadcast_in_dim3A_988, %broadcast_in_dim3A_989 : vector<16xi1>, vector<16xf32>
        %add3A_991 = arith.addf %add3A_984, %select_n3A_990 : vector<16xf32>
        %eq3A_992 = arith.cmpi eq, %gather3A_42, %gather3A_42 : vector<16xi32>
        %jit3A_993 = arith.constant 1.000000e+00 : f32
        %jit3A_994 = arith.constant 0.000000e+00 : f32
        %broadcast_in_dim3A_995 = vector.broadcast %jit3A_993 : f32 to vector<16xf32>
        %broadcast_in_dim3A_996 = vector.broadcast %jit3A_994 : f32 to vector<16xf32>
        %select_n3A_997 = arith.select %eq3A_992, %broadcast_in_dim3A_995, %broadcast_in_dim3A_996 : vector<16xi1>, vector<16xf32>
        %add3A_998 = arith.addf %add3A_991, %select_n3A_997 : vector<16xf32>
        %eq3A_999 = arith.cmpi eq, %gather3A_42, %gather3A_45 : vector<16xi32>
        %jit3A_1000 = arith.constant 1.000000e+00 : f32
        %jit3A_1001 = arith.constant 0.000000e+00 : f32
        %broadcast_in_dim3A_1002 = vector.broadcast %jit3A_1000 : f32 to vector<16xf32>
        %broadcast_in_dim3A_1003 = vector.broadcast %jit3A_1001 : f32 to vector<16xf32>
        %select_n3A_1004 = arith.select %eq3A_999, %broadcast_in_dim3A_1002, %broadcast_in_dim3A_1003 : vector<16xi1>, vector<16xf32>
        %add3A_1005 = arith.addf %add3A_998, %select_n3A_1004 : vector<16xf32>
        %eq3A_1006 = arith.cmpi eq, %gather3A_42, %gather3A_48 : vector<16xi32>
        %jit3A_1007 = arith.constant 1.000000e+00 : f32
        %jit3A_1008 = arith.constant 0.000000e+00 : f32
        %broadcast_in_dim3A_1009 = vector.broadcast %jit3A_1007 : f32 to vector<16xf32>
        %broadcast_in_dim3A_1010 = vector.broadcast %jit3A_1008 : f32 to vector<16xf32>
        %select_n3A_1011 = arith.select %eq3A_1006, %broadcast_in_dim3A_1009, %broadcast_in_dim3A_1010 : vector<16xi1>, vector<16xf32>
        %add3A_1012 = arith.addf %add3A_1005, %select_n3A_1011 : vector<16xf32>
        %eq3A_1013 = arith.cmpi eq, %gather3A_42, %gather3A_51 : vector<16xi32>
        %jit3A_1014 = arith.constant 1.000000e+00 : f32
        %jit3A_1015 = arith.constant 0.000000e+00 : f32
        %broadcast_in_dim3A_1016 = vector.broadcast %jit3A_1014 : f32 to vector<16xf32>
        %broadcast_in_dim3A_1017 = vector.broadcast %jit3A_1015 : f32 to vector<16xf32>
        %select_n3A_1018 = arith.select %eq3A_1013, %broadcast_in_dim3A_1016, %broadcast_in_dim3A_1017 : vector<16xi1>, vector<16xf32>
        %add3A_1019 = arith.addf %add3A_1012, %select_n3A_1018 : vector<16xf32>
        %eq3A_1020 = arith.cmpi eq, %gather3A_42, %gather3A_54 : vector<16xi32>
        %jit3A_1021 = arith.constant 1.000000e+00 : f32
        %jit3A_1022 = arith.constant 0.000000e+00 : f32
        %broadcast_in_dim3A_1023 = vector.broadcast %jit3A_1021 : f32 to vector<16xf32>
        %broadcast_in_dim3A_1024 = vector.broadcast %jit3A_1022 : f32 to vector<16xf32>
        %select_n3A_1025 = arith.select %eq3A_1020, %broadcast_in_dim3A_1023, %broadcast_in_dim3A_1024 : vector<16xi1>, vector<16xf32>
        %add3A_1026 = arith.addf %add3A_1019, %select_n3A_1025 : vector<16xf32>
        %eq3A_1027 = arith.cmpi eq, %gather3A_42, %gather3A_57 : vector<16xi32>
        %jit3A_1028 = arith.constant 1.000000e+00 : f32
        %jit3A_1029 = arith.constant 0.000000e+00 : f32
        %broadcast_in_dim3A_1030 = vector.broadcast %jit3A_1028 : f32 to vector<16xf32>
        %broadcast_in_dim3A_1031 = vector.broadcast %jit3A_1029 : f32 to vector<16xf32>
        %select_n3A_1032 = arith.select %eq3A_1027, %broadcast_in_dim3A_1030, %broadcast_in_dim3A_1031 : vector<16xi1>, vector<16xf32>
        %add3A_1033 = arith.addf %add3A_1026, %select_n3A_1032 : vector<16xf32>
        %eq3A_1034 = arith.cmpi eq, %gather3A_42, %gather3A_60 : vector<16xi32>
        %jit3A_1035 = arith.constant 1.000000e+00 : f32
        %jit3A_1036 = arith.constant 0.000000e+00 : f32
        %broadcast_in_dim3A_1037 = vector.broadcast %jit3A_1035 : f32 to vector<16xf32>
        %broadcast_in_dim3A_1038 = vector.broadcast %jit3A_1036 : f32 to vector<16xf32>
        %select_n3A_1039 = arith.select %eq3A_1034, %broadcast_in_dim3A_1037, %broadcast_in_dim3A_1038 : vector<16xi1>, vector<16xf32>
        %add3A_1040 = arith.addf %add3A_1033, %select_n3A_1039 : vector<16xf32>
        %eq3A_1041 = arith.cmpi eq, %gather3A_42, %gather3A_63 : vector<16xi32>
        %jit3A_1042 = arith.constant 1.000000e+00 : f32
        %jit3A_1043 = arith.constant 0.000000e+00 : f32
        %broadcast_in_dim3A_1044 = vector.broadcast %jit3A_1042 : f32 to vector<16xf32>
        %broadcast_in_dim3A_1045 = vector.broadcast %jit3A_1043 : f32 to vector<16xf32>
        %select_n3A_1046 = arith.select %eq3A_1041, %broadcast_in_dim3A_1044, %broadcast_in_dim3A_1045 : vector<16xi1>, vector<16xf32>
        %add3A_1047 = arith.addf %add3A_1040, %select_n3A_1046 : vector<16xf32>
        %eq3A_1048 = arith.cmpi eq, %gather3A_42, %gather3A_66 : vector<16xi32>
        %jit3A_1049 = arith.constant 1.000000e+00 : f32
        %jit3A_1050 = arith.constant 0.000000e+00 : f32
        %broadcast_in_dim3A_1051 = vector.broadcast %jit3A_1049 : f32 to vector<16xf32>
        %broadcast_in_dim3A_1052 = vector.broadcast %jit3A_1050 : f32 to vector<16xf32>
        %select_n3A_1053 = arith.select %eq3A_1048, %broadcast_in_dim3A_1051, %broadcast_in_dim3A_1052 : vector<16xi1>, vector<16xf32>
        %add3A_1054 = arith.addf %add3A_1047, %select_n3A_1053 : vector<16xf32>
        %eq3A_1055 = arith.cmpi eq, %gather3A_42, %gather3A_69 : vector<16xi32>
        %jit3A_1056 = arith.constant 1.000000e+00 : f32
        %jit3A_1057 = arith.constant 0.000000e+00 : f32
        %broadcast_in_dim3A_1058 = vector.broadcast %jit3A_1056 : f32 to vector<16xf32>
        %broadcast_in_dim3A_1059 = vector.broadcast %jit3A_1057 : f32 to vector<16xf32>
        %select_n3A_1060 = arith.select %eq3A_1055, %broadcast_in_dim3A_1058, %broadcast_in_dim3A_1059 : vector<16xi1>, vector<16xf32>
        %add3A_1061 = arith.addf %add3A_1054, %select_n3A_1060 : vector<16xf32>
        %eq3A_1062 = arith.cmpi eq, %gather3A_42, %gather3A_72 : vector<16xi32>
        %jit3A_1063 = arith.constant 1.000000e+00 : f32
        %jit3A_1064 = arith.constant 0.000000e+00 : f32
        %broadcast_in_dim3A_1065 = vector.broadcast %jit3A_1063 : f32 to vector<16xf32>
        %broadcast_in_dim3A_1066 = vector.broadcast %jit3A_1064 : f32 to vector<16xf32>
        %select_n3A_1067 = arith.select %eq3A_1062, %broadcast_in_dim3A_1065, %broadcast_in_dim3A_1066 : vector<16xi1>, vector<16xf32>
        %add3A_1068 = arith.addf %add3A_1061, %select_n3A_1067 : vector<16xf32>
        %eq3A_1069 = arith.cmpi eq, %gather3A_42, %gather3A_75 : vector<16xi32>
        %jit3A_1070 = arith.constant 1.000000e+00 : f32
        %jit3A_1071 = arith.constant 0.000000e+00 : f32
        %broadcast_in_dim3A_1072 = vector.broadcast %jit3A_1070 : f32 to vector<16xf32>
        %broadcast_in_dim3A_1073 = vector.broadcast %jit3A_1071 : f32 to vector<16xf32>
        %select_n3A_1074 = arith.select %eq3A_1069, %broadcast_in_dim3A_1072, %broadcast_in_dim3A_1073 : vector<16xi1>, vector<16xf32>
        %add3A_1075 = arith.addf %add3A_1068, %select_n3A_1074 : vector<16xf32>
        %eq3A_1076 = arith.cmpi eq, %gather3A_42, %gather3A_78 : vector<16xi32>
        %jit3A_1077 = arith.constant 1.000000e+00 : f32
        %jit3A_1078 = arith.constant 0.000000e+00 : f32
        %broadcast_in_dim3A_1079 = vector.broadcast %jit3A_1077 : f32 to vector<16xf32>
        %broadcast_in_dim3A_1080 = vector.broadcast %jit3A_1078 : f32 to vector<16xf32>
        %select_n3A_1081 = arith.select %eq3A_1076, %broadcast_in_dim3A_1079, %broadcast_in_dim3A_1080 : vector<16xi1>, vector<16xf32>
        %add3A_1082 = arith.addf %add3A_1075, %select_n3A_1081 : vector<16xf32>
        %eq3A_1083 = arith.cmpi eq, %gather3A_42, %gather3A_81 : vector<16xi32>
        %jit3A_1084 = arith.constant 1.000000e+00 : f32
        %jit3A_1085 = arith.constant 0.000000e+00 : f32
        %broadcast_in_dim3A_1086 = vector.broadcast %jit3A_1084 : f32 to vector<16xf32>
        %broadcast_in_dim3A_1087 = vector.broadcast %jit3A_1085 : f32 to vector<16xf32>
        %select_n3A_1088 = arith.select %eq3A_1083, %broadcast_in_dim3A_1086, %broadcast_in_dim3A_1087 : vector<16xi1>, vector<16xf32>
        %add3A_1089 = arith.addf %add3A_1082, %select_n3A_1088 : vector<16xf32>
        %div3A_1090 = arith.constant 1.000000e+00 : f32
        %div3A_1091 = vector.broadcast %div3A_1090 : f32 to vector<16xf32>
        %div3A_1092 = arith.divf %div3A_1091, %add3A_1089 : vector<16xf32>
        %broadcast_in_dim3A_1093 = arith.constant 0.000000e+00 : f32
        %broadcast_in_dim3A_1094 = vector.broadcast %broadcast_in_dim3A_1093 : f32 to vector<16xf32>
        %eq3A_1095 = arith.cmpi eq, %gather3A_45, %gather3A : vector<16xi32>
        %jit3A_1096 = arith.constant 1.000000e+00 : f32
        %jit3A_1097 = arith.constant 0.000000e+00 : f32
        %broadcast_in_dim3A_1098 = vector.broadcast %jit3A_1096 : f32 to vector<16xf32>
        %broadcast_in_dim3A_1099 = vector.broadcast %jit3A_1097 : f32 to vector<16xf32>
        %select_n3A_1100 = arith.select %eq3A_1095, %broadcast_in_dim3A_1098, %broadcast_in_dim3A_1099 : vector<16xi1>, vector<16xf32>
        %add3A_1101 = arith.addf %broadcast_in_dim3A_1094, %select_n3A_1100 : vector<16xf32>
        %eq3A_1102 = arith.cmpi eq, %gather3A_45, %gather3A_27 : vector<16xi32>
        %jit3A_1103 = arith.constant 1.000000e+00 : f32
        %jit3A_1104 = arith.constant 0.000000e+00 : f32
        %broadcast_in_dim3A_1105 = vector.broadcast %jit3A_1103 : f32 to vector<16xf32>
        %broadcast_in_dim3A_1106 = vector.broadcast %jit3A_1104 : f32 to vector<16xf32>
        %select_n3A_1107 = arith.select %eq3A_1102, %broadcast_in_dim3A_1105, %broadcast_in_dim3A_1106 : vector<16xi1>, vector<16xf32>
        %add3A_1108 = arith.addf %add3A_1101, %select_n3A_1107 : vector<16xf32>
        %eq3A_1109 = arith.cmpi eq, %gather3A_45, %gather3A_30 : vector<16xi32>
        %jit3A_1110 = arith.constant 1.000000e+00 : f32
        %jit3A_1111 = arith.constant 0.000000e+00 : f32
        %broadcast_in_dim3A_1112 = vector.broadcast %jit3A_1110 : f32 to vector<16xf32>
        %broadcast_in_dim3A_1113 = vector.broadcast %jit3A_1111 : f32 to vector<16xf32>
        %select_n3A_1114 = arith.select %eq3A_1109, %broadcast_in_dim3A_1112, %broadcast_in_dim3A_1113 : vector<16xi1>, vector<16xf32>
        %add3A_1115 = arith.addf %add3A_1108, %select_n3A_1114 : vector<16xf32>
        %eq3A_1116 = arith.cmpi eq, %gather3A_45, %gather3A_33 : vector<16xi32>
        %jit3A_1117 = arith.constant 1.000000e+00 : f32
        %jit3A_1118 = arith.constant 0.000000e+00 : f32
        %broadcast_in_dim3A_1119 = vector.broadcast %jit3A_1117 : f32 to vector<16xf32>
        %broadcast_in_dim3A_1120 = vector.broadcast %jit3A_1118 : f32 to vector<16xf32>
        %select_n3A_1121 = arith.select %eq3A_1116, %broadcast_in_dim3A_1119, %broadcast_in_dim3A_1120 : vector<16xi1>, vector<16xf32>
        %add3A_1122 = arith.addf %add3A_1115, %select_n3A_1121 : vector<16xf32>
        %eq3A_1123 = arith.cmpi eq, %gather3A_45, %gather3A_36 : vector<16xi32>
        %jit3A_1124 = arith.constant 1.000000e+00 : f32
        %jit3A_1125 = arith.constant 0.000000e+00 : f32
        %broadcast_in_dim3A_1126 = vector.broadcast %jit3A_1124 : f32 to vector<16xf32>
        %broadcast_in_dim3A_1127 = vector.broadcast %jit3A_1125 : f32 to vector<16xf32>
        %select_n3A_1128 = arith.select %eq3A_1123, %broadcast_in_dim3A_1126, %broadcast_in_dim3A_1127 : vector<16xi1>, vector<16xf32>
        %add3A_1129 = arith.addf %add3A_1122, %select_n3A_1128 : vector<16xf32>
        %eq3A_1130 = arith.cmpi eq, %gather3A_45, %gather3A_39 : vector<16xi32>
        %jit3A_1131 = arith.constant 1.000000e+00 : f32
        %jit3A_1132 = arith.constant 0.000000e+00 : f32
        %broadcast_in_dim3A_1133 = vector.broadcast %jit3A_1131 : f32 to vector<16xf32>
        %broadcast_in_dim3A_1134 = vector.broadcast %jit3A_1132 : f32 to vector<16xf32>
        %select_n3A_1135 = arith.select %eq3A_1130, %broadcast_in_dim3A_1133, %broadcast_in_dim3A_1134 : vector<16xi1>, vector<16xf32>
        %add3A_1136 = arith.addf %add3A_1129, %select_n3A_1135 : vector<16xf32>
        %eq3A_1137 = arith.cmpi eq, %gather3A_45, %gather3A_42 : vector<16xi32>
        %jit3A_1138 = arith.constant 1.000000e+00 : f32
        %jit3A_1139 = arith.constant 0.000000e+00 : f32
        %broadcast_in_dim3A_1140 = vector.broadcast %jit3A_1138 : f32 to vector<16xf32>
        %broadcast_in_dim3A_1141 = vector.broadcast %jit3A_1139 : f32 to vector<16xf32>
        %select_n3A_1142 = arith.select %eq3A_1137, %broadcast_in_dim3A_1140, %broadcast_in_dim3A_1141 : vector<16xi1>, vector<16xf32>
        %add3A_1143 = arith.addf %add3A_1136, %select_n3A_1142 : vector<16xf32>
        %eq3A_1144 = arith.cmpi eq, %gather3A_45, %gather3A_45 : vector<16xi32>
        %jit3A_1145 = arith.constant 1.000000e+00 : f32
        %jit3A_1146 = arith.constant 0.000000e+00 : f32
        %broadcast_in_dim3A_1147 = vector.broadcast %jit3A_1145 : f32 to vector<16xf32>
        %broadcast_in_dim3A_1148 = vector.broadcast %jit3A_1146 : f32 to vector<16xf32>
        %select_n3A_1149 = arith.select %eq3A_1144, %broadcast_in_dim3A_1147, %broadcast_in_dim3A_1148 : vector<16xi1>, vector<16xf32>
        %add3A_1150 = arith.addf %add3A_1143, %select_n3A_1149 : vector<16xf32>
        %eq3A_1151 = arith.cmpi eq, %gather3A_45, %gather3A_48 : vector<16xi32>
        %jit3A_1152 = arith.constant 1.000000e+00 : f32
        %jit3A_1153 = arith.constant 0.000000e+00 : f32
        %broadcast_in_dim3A_1154 = vector.broadcast %jit3A_1152 : f32 to vector<16xf32>
        %broadcast_in_dim3A_1155 = vector.broadcast %jit3A_1153 : f32 to vector<16xf32>
        %select_n3A_1156 = arith.select %eq3A_1151, %broadcast_in_dim3A_1154, %broadcast_in_dim3A_1155 : vector<16xi1>, vector<16xf32>
        %add3A_1157 = arith.addf %add3A_1150, %select_n3A_1156 : vector<16xf32>
        %eq3A_1158 = arith.cmpi eq, %gather3A_45, %gather3A_51 : vector<16xi32>
        %jit3A_1159 = arith.constant 1.000000e+00 : f32
        %jit3A_1160 = arith.constant 0.000000e+00 : f32
        %broadcast_in_dim3A_1161 = vector.broadcast %jit3A_1159 : f32 to vector<16xf32>
        %broadcast_in_dim3A_1162 = vector.broadcast %jit3A_1160 : f32 to vector<16xf32>
        %select_n3A_1163 = arith.select %eq3A_1158, %broadcast_in_dim3A_1161, %broadcast_in_dim3A_1162 : vector<16xi1>, vector<16xf32>
        %add3A_1164 = arith.addf %add3A_1157, %select_n3A_1163 : vector<16xf32>
        %eq3A_1165 = arith.cmpi eq, %gather3A_45, %gather3A_54 : vector<16xi32>
        %jit3A_1166 = arith.constant 1.000000e+00 : f32
        %jit3A_1167 = arith.constant 0.000000e+00 : f32
        %broadcast_in_dim3A_1168 = vector.broadcast %jit3A_1166 : f32 to vector<16xf32>
        %broadcast_in_dim3A_1169 = vector.broadcast %jit3A_1167 : f32 to vector<16xf32>
        %select_n3A_1170 = arith.select %eq3A_1165, %broadcast_in_dim3A_1168, %broadcast_in_dim3A_1169 : vector<16xi1>, vector<16xf32>
        %add3A_1171 = arith.addf %add3A_1164, %select_n3A_1170 : vector<16xf32>
        %eq3A_1172 = arith.cmpi eq, %gather3A_45, %gather3A_57 : vector<16xi32>
        %jit3A_1173 = arith.constant 1.000000e+00 : f32
        %jit3A_1174 = arith.constant 0.000000e+00 : f32
        %broadcast_in_dim3A_1175 = vector.broadcast %jit3A_1173 : f32 to vector<16xf32>
        %broadcast_in_dim3A_1176 = vector.broadcast %jit3A_1174 : f32 to vector<16xf32>
        %select_n3A_1177 = arith.select %eq3A_1172, %broadcast_in_dim3A_1175, %broadcast_in_dim3A_1176 : vector<16xi1>, vector<16xf32>
        %add3A_1178 = arith.addf %add3A_1171, %select_n3A_1177 : vector<16xf32>
        %eq3A_1179 = arith.cmpi eq, %gather3A_45, %gather3A_60 : vector<16xi32>
        %jit3A_1180 = arith.constant 1.000000e+00 : f32
        %jit3A_1181 = arith.constant 0.000000e+00 : f32
        %broadcast_in_dim3A_1182 = vector.broadcast %jit3A_1180 : f32 to vector<16xf32>
        %broadcast_in_dim3A_1183 = vector.broadcast %jit3A_1181 : f32 to vector<16xf32>
        %select_n3A_1184 = arith.select %eq3A_1179, %broadcast_in_dim3A_1182, %broadcast_in_dim3A_1183 : vector<16xi1>, vector<16xf32>
        %add3A_1185 = arith.addf %add3A_1178, %select_n3A_1184 : vector<16xf32>
        %eq3A_1186 = arith.cmpi eq, %gather3A_45, %gather3A_63 : vector<16xi32>
        %jit3A_1187 = arith.constant 1.000000e+00 : f32
        %jit3A_1188 = arith.constant 0.000000e+00 : f32
        %broadcast_in_dim3A_1189 = vector.broadcast %jit3A_1187 : f32 to vector<16xf32>
        %broadcast_in_dim3A_1190 = vector.broadcast %jit3A_1188 : f32 to vector<16xf32>
        %select_n3A_1191 = arith.select %eq3A_1186, %broadcast_in_dim3A_1189, %broadcast_in_dim3A_1190 : vector<16xi1>, vector<16xf32>
        %add3A_1192 = arith.addf %add3A_1185, %select_n3A_1191 : vector<16xf32>
        %eq3A_1193 = arith.cmpi eq, %gather3A_45, %gather3A_66 : vector<16xi32>
        %jit3A_1194 = arith.constant 1.000000e+00 : f32
        %jit3A_1195 = arith.constant 0.000000e+00 : f32
        %broadcast_in_dim3A_1196 = vector.broadcast %jit3A_1194 : f32 to vector<16xf32>
        %broadcast_in_dim3A_1197 = vector.broadcast %jit3A_1195 : f32 to vector<16xf32>
        %select_n3A_1198 = arith.select %eq3A_1193, %broadcast_in_dim3A_1196, %broadcast_in_dim3A_1197 : vector<16xi1>, vector<16xf32>
        %add3A_1199 = arith.addf %add3A_1192, %select_n3A_1198 : vector<16xf32>
        %eq3A_1200 = arith.cmpi eq, %gather3A_45, %gather3A_69 : vector<16xi32>
        %jit3A_1201 = arith.constant 1.000000e+00 : f32
        %jit3A_1202 = arith.constant 0.000000e+00 : f32
        %broadcast_in_dim3A_1203 = vector.broadcast %jit3A_1201 : f32 to vector<16xf32>
        %broadcast_in_dim3A_1204 = vector.broadcast %jit3A_1202 : f32 to vector<16xf32>
        %select_n3A_1205 = arith.select %eq3A_1200, %broadcast_in_dim3A_1203, %broadcast_in_dim3A_1204 : vector<16xi1>, vector<16xf32>
        %add3A_1206 = arith.addf %add3A_1199, %select_n3A_1205 : vector<16xf32>
        %eq3A_1207 = arith.cmpi eq, %gather3A_45, %gather3A_72 : vector<16xi32>
        %jit3A_1208 = arith.constant 1.000000e+00 : f32
        %jit3A_1209 = arith.constant 0.000000e+00 : f32
        %broadcast_in_dim3A_1210 = vector.broadcast %jit3A_1208 : f32 to vector<16xf32>
        %broadcast_in_dim3A_1211 = vector.broadcast %jit3A_1209 : f32 to vector<16xf32>
        %select_n3A_1212 = arith.select %eq3A_1207, %broadcast_in_dim3A_1210, %broadcast_in_dim3A_1211 : vector<16xi1>, vector<16xf32>
        %add3A_1213 = arith.addf %add3A_1206, %select_n3A_1212 : vector<16xf32>
        %eq3A_1214 = arith.cmpi eq, %gather3A_45, %gather3A_75 : vector<16xi32>
        %jit3A_1215 = arith.constant 1.000000e+00 : f32
        %jit3A_1216 = arith.constant 0.000000e+00 : f32
        %broadcast_in_dim3A_1217 = vector.broadcast %jit3A_1215 : f32 to vector<16xf32>
        %broadcast_in_dim3A_1218 = vector.broadcast %jit3A_1216 : f32 to vector<16xf32>
        %select_n3A_1219 = arith.select %eq3A_1214, %broadcast_in_dim3A_1217, %broadcast_in_dim3A_1218 : vector<16xi1>, vector<16xf32>
        %add3A_1220 = arith.addf %add3A_1213, %select_n3A_1219 : vector<16xf32>
        %eq3A_1221 = arith.cmpi eq, %gather3A_45, %gather3A_78 : vector<16xi32>
        %jit3A_1222 = arith.constant 1.000000e+00 : f32
        %jit3A_1223 = arith.constant 0.000000e+00 : f32
        %broadcast_in_dim3A_1224 = vector.broadcast %jit3A_1222 : f32 to vector<16xf32>
        %broadcast_in_dim3A_1225 = vector.broadcast %jit3A_1223 : f32 to vector<16xf32>
        %select_n3A_1226 = arith.select %eq3A_1221, %broadcast_in_dim3A_1224, %broadcast_in_dim3A_1225 : vector<16xi1>, vector<16xf32>
        %add3A_1227 = arith.addf %add3A_1220, %select_n3A_1226 : vector<16xf32>
        %eq3A_1228 = arith.cmpi eq, %gather3A_45, %gather3A_81 : vector<16xi32>
        %jit3A_1229 = arith.constant 1.000000e+00 : f32
        %jit3A_1230 = arith.constant 0.000000e+00 : f32
        %broadcast_in_dim3A_1231 = vector.broadcast %jit3A_1229 : f32 to vector<16xf32>
        %broadcast_in_dim3A_1232 = vector.broadcast %jit3A_1230 : f32 to vector<16xf32>
        %select_n3A_1233 = arith.select %eq3A_1228, %broadcast_in_dim3A_1231, %broadcast_in_dim3A_1232 : vector<16xi1>, vector<16xf32>
        %add3A_1234 = arith.addf %add3A_1227, %select_n3A_1233 : vector<16xf32>
        %div3A_1235 = arith.constant 1.000000e+00 : f32
        %div3A_1236 = vector.broadcast %div3A_1235 : f32 to vector<16xf32>
        %div3A_1237 = arith.divf %div3A_1236, %add3A_1234 : vector<16xf32>
        %broadcast_in_dim3A_1238 = arith.constant 0.000000e+00 : f32
        %broadcast_in_dim3A_1239 = vector.broadcast %broadcast_in_dim3A_1238 : f32 to vector<16xf32>
        %eq3A_1240 = arith.cmpi eq, %gather3A_48, %gather3A : vector<16xi32>
        %jit3A_1241 = arith.constant 1.000000e+00 : f32
        %jit3A_1242 = arith.constant 0.000000e+00 : f32
        %broadcast_in_dim3A_1243 = vector.broadcast %jit3A_1241 : f32 to vector<16xf32>
        %broadcast_in_dim3A_1244 = vector.broadcast %jit3A_1242 : f32 to vector<16xf32>
        %select_n3A_1245 = arith.select %eq3A_1240, %broadcast_in_dim3A_1243, %broadcast_in_dim3A_1244 : vector<16xi1>, vector<16xf32>
        %add3A_1246 = arith.addf %broadcast_in_dim3A_1239, %select_n3A_1245 : vector<16xf32>
        %eq3A_1247 = arith.cmpi eq, %gather3A_48, %gather3A_27 : vector<16xi32>
        %jit3A_1248 = arith.constant 1.000000e+00 : f32
        %jit3A_1249 = arith.constant 0.000000e+00 : f32
        %broadcast_in_dim3A_1250 = vector.broadcast %jit3A_1248 : f32 to vector<16xf32>
        %broadcast_in_dim3A_1251 = vector.broadcast %jit3A_1249 : f32 to vector<16xf32>
        %select_n3A_1252 = arith.select %eq3A_1247, %broadcast_in_dim3A_1250, %broadcast_in_dim3A_1251 : vector<16xi1>, vector<16xf32>
        %add3A_1253 = arith.addf %add3A_1246, %select_n3A_1252 : vector<16xf32>
        %eq3A_1254 = arith.cmpi eq, %gather3A_48, %gather3A_30 : vector<16xi32>
        %jit3A_1255 = arith.constant 1.000000e+00 : f32
        %jit3A_1256 = arith.constant 0.000000e+00 : f32
        %broadcast_in_dim3A_1257 = vector.broadcast %jit3A_1255 : f32 to vector<16xf32>
        %broadcast_in_dim3A_1258 = vector.broadcast %jit3A_1256 : f32 to vector<16xf32>
        %select_n3A_1259 = arith.select %eq3A_1254, %broadcast_in_dim3A_1257, %broadcast_in_dim3A_1258 : vector<16xi1>, vector<16xf32>
        %add3A_1260 = arith.addf %add3A_1253, %select_n3A_1259 : vector<16xf32>
        %eq3A_1261 = arith.cmpi eq, %gather3A_48, %gather3A_33 : vector<16xi32>
        %jit3A_1262 = arith.constant 1.000000e+00 : f32
        %jit3A_1263 = arith.constant 0.000000e+00 : f32
        %broadcast_in_dim3A_1264 = vector.broadcast %jit3A_1262 : f32 to vector<16xf32>
        %broadcast_in_dim3A_1265 = vector.broadcast %jit3A_1263 : f32 to vector<16xf32>
        %select_n3A_1266 = arith.select %eq3A_1261, %broadcast_in_dim3A_1264, %broadcast_in_dim3A_1265 : vector<16xi1>, vector<16xf32>
        %add3A_1267 = arith.addf %add3A_1260, %select_n3A_1266 : vector<16xf32>
        %eq3A_1268 = arith.cmpi eq, %gather3A_48, %gather3A_36 : vector<16xi32>
        %jit3A_1269 = arith.constant 1.000000e+00 : f32
        %jit3A_1270 = arith.constant 0.000000e+00 : f32
        %broadcast_in_dim3A_1271 = vector.broadcast %jit3A_1269 : f32 to vector<16xf32>
        %broadcast_in_dim3A_1272 = vector.broadcast %jit3A_1270 : f32 to vector<16xf32>
        %select_n3A_1273 = arith.select %eq3A_1268, %broadcast_in_dim3A_1271, %broadcast_in_dim3A_1272 : vector<16xi1>, vector<16xf32>
        %add3A_1274 = arith.addf %add3A_1267, %select_n3A_1273 : vector<16xf32>
        %eq3A_1275 = arith.cmpi eq, %gather3A_48, %gather3A_39 : vector<16xi32>
        %jit3A_1276 = arith.constant 1.000000e+00 : f32
        %jit3A_1277 = arith.constant 0.000000e+00 : f32
        %broadcast_in_dim3A_1278 = vector.broadcast %jit3A_1276 : f32 to vector<16xf32>
        %broadcast_in_dim3A_1279 = vector.broadcast %jit3A_1277 : f32 to vector<16xf32>
        %select_n3A_1280 = arith.select %eq3A_1275, %broadcast_in_dim3A_1278, %broadcast_in_dim3A_1279 : vector<16xi1>, vector<16xf32>
        %add3A_1281 = arith.addf %add3A_1274, %select_n3A_1280 : vector<16xf32>
        %eq3A_1282 = arith.cmpi eq, %gather3A_48, %gather3A_42 : vector<16xi32>
        %jit3A_1283 = arith.constant 1.000000e+00 : f32
        %jit3A_1284 = arith.constant 0.000000e+00 : f32
        %broadcast_in_dim3A_1285 = vector.broadcast %jit3A_1283 : f32 to vector<16xf32>
        %broadcast_in_dim3A_1286 = vector.broadcast %jit3A_1284 : f32 to vector<16xf32>
        %select_n3A_1287 = arith.select %eq3A_1282, %broadcast_in_dim3A_1285, %broadcast_in_dim3A_1286 : vector<16xi1>, vector<16xf32>
        %add3A_1288 = arith.addf %add3A_1281, %select_n3A_1287 : vector<16xf32>
        %eq3A_1289 = arith.cmpi eq, %gather3A_48, %gather3A_45 : vector<16xi32>
        %jit3A_1290 = arith.constant 1.000000e+00 : f32
        %jit3A_1291 = arith.constant 0.000000e+00 : f32
        %broadcast_in_dim3A_1292 = vector.broadcast %jit3A_1290 : f32 to vector<16xf32>
        %broadcast_in_dim3A_1293 = vector.broadcast %jit3A_1291 : f32 to vector<16xf32>
        %select_n3A_1294 = arith.select %eq3A_1289, %broadcast_in_dim3A_1292, %broadcast_in_dim3A_1293 : vector<16xi1>, vector<16xf32>
        %add3A_1295 = arith.addf %add3A_1288, %select_n3A_1294 : vector<16xf32>
        %eq3A_1296 = arith.cmpi eq, %gather3A_48, %gather3A_48 : vector<16xi32>
        %jit3A_1297 = arith.constant 1.000000e+00 : f32
        %jit3A_1298 = arith.constant 0.000000e+00 : f32
        %broadcast_in_dim3A_1299 = vector.broadcast %jit3A_1297 : f32 to vector<16xf32>
        %broadcast_in_dim3A_1300 = vector.broadcast %jit3A_1298 : f32 to vector<16xf32>
        %select_n3A_1301 = arith.select %eq3A_1296, %broadcast_in_dim3A_1299, %broadcast_in_dim3A_1300 : vector<16xi1>, vector<16xf32>
        %add3A_1302 = arith.addf %add3A_1295, %select_n3A_1301 : vector<16xf32>
        %eq3A_1303 = arith.cmpi eq, %gather3A_48, %gather3A_51 : vector<16xi32>
        %jit3A_1304 = arith.constant 1.000000e+00 : f32
        %jit3A_1305 = arith.constant 0.000000e+00 : f32
        %broadcast_in_dim3A_1306 = vector.broadcast %jit3A_1304 : f32 to vector<16xf32>
        %broadcast_in_dim3A_1307 = vector.broadcast %jit3A_1305 : f32 to vector<16xf32>
        %select_n3A_1308 = arith.select %eq3A_1303, %broadcast_in_dim3A_1306, %broadcast_in_dim3A_1307 : vector<16xi1>, vector<16xf32>
        %add3A_1309 = arith.addf %add3A_1302, %select_n3A_1308 : vector<16xf32>
        %eq3A_1310 = arith.cmpi eq, %gather3A_48, %gather3A_54 : vector<16xi32>
        %jit3A_1311 = arith.constant 1.000000e+00 : f32
        %jit3A_1312 = arith.constant 0.000000e+00 : f32
        %broadcast_in_dim3A_1313 = vector.broadcast %jit3A_1311 : f32 to vector<16xf32>
        %broadcast_in_dim3A_1314 = vector.broadcast %jit3A_1312 : f32 to vector<16xf32>
        %select_n3A_1315 = arith.select %eq3A_1310, %broadcast_in_dim3A_1313, %broadcast_in_dim3A_1314 : vector<16xi1>, vector<16xf32>
        %add3A_1316 = arith.addf %add3A_1309, %select_n3A_1315 : vector<16xf32>
        %eq3A_1317 = arith.cmpi eq, %gather3A_48, %gather3A_57 : vector<16xi32>
        %jit3A_1318 = arith.constant 1.000000e+00 : f32
        %jit3A_1319 = arith.constant 0.000000e+00 : f32
        %broadcast_in_dim3A_1320 = vector.broadcast %jit3A_1318 : f32 to vector<16xf32>
        %broadcast_in_dim3A_1321 = vector.broadcast %jit3A_1319 : f32 to vector<16xf32>
        %select_n3A_1322 = arith.select %eq3A_1317, %broadcast_in_dim3A_1320, %broadcast_in_dim3A_1321 : vector<16xi1>, vector<16xf32>
        %add3A_1323 = arith.addf %add3A_1316, %select_n3A_1322 : vector<16xf32>
        %eq3A_1324 = arith.cmpi eq, %gather3A_48, %gather3A_60 : vector<16xi32>
        %jit3A_1325 = arith.constant 1.000000e+00 : f32
        %jit3A_1326 = arith.constant 0.000000e+00 : f32
        %broadcast_in_dim3A_1327 = vector.broadcast %jit3A_1325 : f32 to vector<16xf32>
        %broadcast_in_dim3A_1328 = vector.broadcast %jit3A_1326 : f32 to vector<16xf32>
        %select_n3A_1329 = arith.select %eq3A_1324, %broadcast_in_dim3A_1327, %broadcast_in_dim3A_1328 : vector<16xi1>, vector<16xf32>
        %add3A_1330 = arith.addf %add3A_1323, %select_n3A_1329 : vector<16xf32>
        %eq3A_1331 = arith.cmpi eq, %gather3A_48, %gather3A_63 : vector<16xi32>
        %jit3A_1332 = arith.constant 1.000000e+00 : f32
        %jit3A_1333 = arith.constant 0.000000e+00 : f32
        %broadcast_in_dim3A_1334 = vector.broadcast %jit3A_1332 : f32 to vector<16xf32>
        %broadcast_in_dim3A_1335 = vector.broadcast %jit3A_1333 : f32 to vector<16xf32>
        %select_n3A_1336 = arith.select %eq3A_1331, %broadcast_in_dim3A_1334, %broadcast_in_dim3A_1335 : vector<16xi1>, vector<16xf32>
        %add3A_1337 = arith.addf %add3A_1330, %select_n3A_1336 : vector<16xf32>
        %eq3A_1338 = arith.cmpi eq, %gather3A_48, %gather3A_66 : vector<16xi32>
        %jit3A_1339 = arith.constant 1.000000e+00 : f32
        %jit3A_1340 = arith.constant 0.000000e+00 : f32
        %broadcast_in_dim3A_1341 = vector.broadcast %jit3A_1339 : f32 to vector<16xf32>
        %broadcast_in_dim3A_1342 = vector.broadcast %jit3A_1340 : f32 to vector<16xf32>
        %select_n3A_1343 = arith.select %eq3A_1338, %broadcast_in_dim3A_1341, %broadcast_in_dim3A_1342 : vector<16xi1>, vector<16xf32>
        %add3A_1344 = arith.addf %add3A_1337, %select_n3A_1343 : vector<16xf32>
        %eq3A_1345 = arith.cmpi eq, %gather3A_48, %gather3A_69 : vector<16xi32>
        %jit3A_1346 = arith.constant 1.000000e+00 : f32
        %jit3A_1347 = arith.constant 0.000000e+00 : f32
        %broadcast_in_dim3A_1348 = vector.broadcast %jit3A_1346 : f32 to vector<16xf32>
        %broadcast_in_dim3A_1349 = vector.broadcast %jit3A_1347 : f32 to vector<16xf32>
        %select_n3A_1350 = arith.select %eq3A_1345, %broadcast_in_dim3A_1348, %broadcast_in_dim3A_1349 : vector<16xi1>, vector<16xf32>
        %add3A_1351 = arith.addf %add3A_1344, %select_n3A_1350 : vector<16xf32>
        %eq3A_1352 = arith.cmpi eq, %gather3A_48, %gather3A_72 : vector<16xi32>
        %jit3A_1353 = arith.constant 1.000000e+00 : f32
        %jit3A_1354 = arith.constant 0.000000e+00 : f32
        %broadcast_in_dim3A_1355 = vector.broadcast %jit3A_1353 : f32 to vector<16xf32>
        %broadcast_in_dim3A_1356 = vector.broadcast %jit3A_1354 : f32 to vector<16xf32>
        %select_n3A_1357 = arith.select %eq3A_1352, %broadcast_in_dim3A_1355, %broadcast_in_dim3A_1356 : vector<16xi1>, vector<16xf32>
        %add3A_1358 = arith.addf %add3A_1351, %select_n3A_1357 : vector<16xf32>
        %eq3A_1359 = arith.cmpi eq, %gather3A_48, %gather3A_75 : vector<16xi32>
        %jit3A_1360 = arith.constant 1.000000e+00 : f32
        %jit3A_1361 = arith.constant 0.000000e+00 : f32
        %broadcast_in_dim3A_1362 = vector.broadcast %jit3A_1360 : f32 to vector<16xf32>
        %broadcast_in_dim3A_1363 = vector.broadcast %jit3A_1361 : f32 to vector<16xf32>
        %select_n3A_1364 = arith.select %eq3A_1359, %broadcast_in_dim3A_1362, %broadcast_in_dim3A_1363 : vector<16xi1>, vector<16xf32>
        %add3A_1365 = arith.addf %add3A_1358, %select_n3A_1364 : vector<16xf32>
        %eq3A_1366 = arith.cmpi eq, %gather3A_48, %gather3A_78 : vector<16xi32>
        %jit3A_1367 = arith.constant 1.000000e+00 : f32
        %jit3A_1368 = arith.constant 0.000000e+00 : f32
        %broadcast_in_dim3A_1369 = vector.broadcast %jit3A_1367 : f32 to vector<16xf32>
        %broadcast_in_dim3A_1370 = vector.broadcast %jit3A_1368 : f32 to vector<16xf32>
        %select_n3A_1371 = arith.select %eq3A_1366, %broadcast_in_dim3A_1369, %broadcast_in_dim3A_1370 : vector<16xi1>, vector<16xf32>
        %add3A_1372 = arith.addf %add3A_1365, %select_n3A_1371 : vector<16xf32>
        %eq3A_1373 = arith.cmpi eq, %gather3A_48, %gather3A_81 : vector<16xi32>
        %jit3A_1374 = arith.constant 1.000000e+00 : f32
        %jit3A_1375 = arith.constant 0.000000e+00 : f32
        %broadcast_in_dim3A_1376 = vector.broadcast %jit3A_1374 : f32 to vector<16xf32>
        %broadcast_in_dim3A_1377 = vector.broadcast %jit3A_1375 : f32 to vector<16xf32>
        %select_n3A_1378 = arith.select %eq3A_1373, %broadcast_in_dim3A_1376, %broadcast_in_dim3A_1377 : vector<16xi1>, vector<16xf32>
        %add3A_1379 = arith.addf %add3A_1372, %select_n3A_1378 : vector<16xf32>
        %div3A_1380 = arith.constant 1.000000e+00 : f32
        %div3A_1381 = vector.broadcast %div3A_1380 : f32 to vector<16xf32>
        %div3A_1382 = arith.divf %div3A_1381, %add3A_1379 : vector<16xf32>
        %broadcast_in_dim3A_1383 = arith.constant 0.000000e+00 : f32
        %broadcast_in_dim3A_1384 = vector.broadcast %broadcast_in_dim3A_1383 : f32 to vector<16xf32>
        %eq3A_1385 = arith.cmpi eq, %gather3A_51, %gather3A : vector<16xi32>
        %jit3A_1386 = arith.constant 1.000000e+00 : f32
        %jit3A_1387 = arith.constant 0.000000e+00 : f32
        %broadcast_in_dim3A_1388 = vector.broadcast %jit3A_1386 : f32 to vector<16xf32>
        %broadcast_in_dim3A_1389 = vector.broadcast %jit3A_1387 : f32 to vector<16xf32>
        %select_n3A_1390 = arith.select %eq3A_1385, %broadcast_in_dim3A_1388, %broadcast_in_dim3A_1389 : vector<16xi1>, vector<16xf32>
        %add3A_1391 = arith.addf %broadcast_in_dim3A_1384, %select_n3A_1390 : vector<16xf32>
        %eq3A_1392 = arith.cmpi eq, %gather3A_51, %gather3A_27 : vector<16xi32>
        %jit3A_1393 = arith.constant 1.000000e+00 : f32
        %jit3A_1394 = arith.constant 0.000000e+00 : f32
        %broadcast_in_dim3A_1395 = vector.broadcast %jit3A_1393 : f32 to vector<16xf32>
        %broadcast_in_dim3A_1396 = vector.broadcast %jit3A_1394 : f32 to vector<16xf32>
        %select_n3A_1397 = arith.select %eq3A_1392, %broadcast_in_dim3A_1395, %broadcast_in_dim3A_1396 : vector<16xi1>, vector<16xf32>
        %add3A_1398 = arith.addf %add3A_1391, %select_n3A_1397 : vector<16xf32>
        %eq3A_1399 = arith.cmpi eq, %gather3A_51, %gather3A_30 : vector<16xi32>
        %jit3A_1400 = arith.constant 1.000000e+00 : f32
        %jit3A_1401 = arith.constant 0.000000e+00 : f32
        %broadcast_in_dim3A_1402 = vector.broadcast %jit3A_1400 : f32 to vector<16xf32>
        %broadcast_in_dim3A_1403 = vector.broadcast %jit3A_1401 : f32 to vector<16xf32>
        %select_n3A_1404 = arith.select %eq3A_1399, %broadcast_in_dim3A_1402, %broadcast_in_dim3A_1403 : vector<16xi1>, vector<16xf32>
        %add3A_1405 = arith.addf %add3A_1398, %select_n3A_1404 : vector<16xf32>
        %eq3A_1406 = arith.cmpi eq, %gather3A_51, %gather3A_33 : vector<16xi32>
        %jit3A_1407 = arith.constant 1.000000e+00 : f32
        %jit3A_1408 = arith.constant 0.000000e+00 : f32
        %broadcast_in_dim3A_1409 = vector.broadcast %jit3A_1407 : f32 to vector<16xf32>
        %broadcast_in_dim3A_1410 = vector.broadcast %jit3A_1408 : f32 to vector<16xf32>
        %select_n3A_1411 = arith.select %eq3A_1406, %broadcast_in_dim3A_1409, %broadcast_in_dim3A_1410 : vector<16xi1>, vector<16xf32>
        %add3A_1412 = arith.addf %add3A_1405, %select_n3A_1411 : vector<16xf32>
        %eq3A_1413 = arith.cmpi eq, %gather3A_51, %gather3A_36 : vector<16xi32>
        %jit3A_1414 = arith.constant 1.000000e+00 : f32
        %jit3A_1415 = arith.constant 0.000000e+00 : f32
        %broadcast_in_dim3A_1416 = vector.broadcast %jit3A_1414 : f32 to vector<16xf32>
        %broadcast_in_dim3A_1417 = vector.broadcast %jit3A_1415 : f32 to vector<16xf32>
        %select_n3A_1418 = arith.select %eq3A_1413, %broadcast_in_dim3A_1416, %broadcast_in_dim3A_1417 : vector<16xi1>, vector<16xf32>
        %add3A_1419 = arith.addf %add3A_1412, %select_n3A_1418 : vector<16xf32>
        %eq3A_1420 = arith.cmpi eq, %gather3A_51, %gather3A_39 : vector<16xi32>
        %jit3A_1421 = arith.constant 1.000000e+00 : f32
        %jit3A_1422 = arith.constant 0.000000e+00 : f32
        %broadcast_in_dim3A_1423 = vector.broadcast %jit3A_1421 : f32 to vector<16xf32>
        %broadcast_in_dim3A_1424 = vector.broadcast %jit3A_1422 : f32 to vector<16xf32>
        %select_n3A_1425 = arith.select %eq3A_1420, %broadcast_in_dim3A_1423, %broadcast_in_dim3A_1424 : vector<16xi1>, vector<16xf32>
        %add3A_1426 = arith.addf %add3A_1419, %select_n3A_1425 : vector<16xf32>
        %eq3A_1427 = arith.cmpi eq, %gather3A_51, %gather3A_42 : vector<16xi32>
        %jit3A_1428 = arith.constant 1.000000e+00 : f32
        %jit3A_1429 = arith.constant 0.000000e+00 : f32
        %broadcast_in_dim3A_1430 = vector.broadcast %jit3A_1428 : f32 to vector<16xf32>
        %broadcast_in_dim3A_1431 = vector.broadcast %jit3A_1429 : f32 to vector<16xf32>
        %select_n3A_1432 = arith.select %eq3A_1427, %broadcast_in_dim3A_1430, %broadcast_in_dim3A_1431 : vector<16xi1>, vector<16xf32>
        %add3A_1433 = arith.addf %add3A_1426, %select_n3A_1432 : vector<16xf32>
        %eq3A_1434 = arith.cmpi eq, %gather3A_51, %gather3A_45 : vector<16xi32>
        %jit3A_1435 = arith.constant 1.000000e+00 : f32
        %jit3A_1436 = arith.constant 0.000000e+00 : f32
        %broadcast_in_dim3A_1437 = vector.broadcast %jit3A_1435 : f32 to vector<16xf32>
        %broadcast_in_dim3A_1438 = vector.broadcast %jit3A_1436 : f32 to vector<16xf32>
        %select_n3A_1439 = arith.select %eq3A_1434, %broadcast_in_dim3A_1437, %broadcast_in_dim3A_1438 : vector<16xi1>, vector<16xf32>
        %add3A_1440 = arith.addf %add3A_1433, %select_n3A_1439 : vector<16xf32>
        %eq3A_1441 = arith.cmpi eq, %gather3A_51, %gather3A_48 : vector<16xi32>
        %jit3A_1442 = arith.constant 1.000000e+00 : f32
        %jit3A_1443 = arith.constant 0.000000e+00 : f32
        %broadcast_in_dim3A_1444 = vector.broadcast %jit3A_1442 : f32 to vector<16xf32>
        %broadcast_in_dim3A_1445 = vector.broadcast %jit3A_1443 : f32 to vector<16xf32>
        %select_n3A_1446 = arith.select %eq3A_1441, %broadcast_in_dim3A_1444, %broadcast_in_dim3A_1445 : vector<16xi1>, vector<16xf32>
        %add3A_1447 = arith.addf %add3A_1440, %select_n3A_1446 : vector<16xf32>
        %eq3A_1448 = arith.cmpi eq, %gather3A_51, %gather3A_51 : vector<16xi32>
        %jit3A_1449 = arith.constant 1.000000e+00 : f32
        %jit3A_1450 = arith.constant 0.000000e+00 : f32
        %broadcast_in_dim3A_1451 = vector.broadcast %jit3A_1449 : f32 to vector<16xf32>
        %broadcast_in_dim3A_1452 = vector.broadcast %jit3A_1450 : f32 to vector<16xf32>
        %select_n3A_1453 = arith.select %eq3A_1448, %broadcast_in_dim3A_1451, %broadcast_in_dim3A_1452 : vector<16xi1>, vector<16xf32>
        %add3A_1454 = arith.addf %add3A_1447, %select_n3A_1453 : vector<16xf32>
        %eq3A_1455 = arith.cmpi eq, %gather3A_51, %gather3A_54 : vector<16xi32>
        %jit3A_1456 = arith.constant 1.000000e+00 : f32
        %jit3A_1457 = arith.constant 0.000000e+00 : f32
        %broadcast_in_dim3A_1458 = vector.broadcast %jit3A_1456 : f32 to vector<16xf32>
        %broadcast_in_dim3A_1459 = vector.broadcast %jit3A_1457 : f32 to vector<16xf32>
        %select_n3A_1460 = arith.select %eq3A_1455, %broadcast_in_dim3A_1458, %broadcast_in_dim3A_1459 : vector<16xi1>, vector<16xf32>
        %add3A_1461 = arith.addf %add3A_1454, %select_n3A_1460 : vector<16xf32>
        %eq3A_1462 = arith.cmpi eq, %gather3A_51, %gather3A_57 : vector<16xi32>
        %jit3A_1463 = arith.constant 1.000000e+00 : f32
        %jit3A_1464 = arith.constant 0.000000e+00 : f32
        %broadcast_in_dim3A_1465 = vector.broadcast %jit3A_1463 : f32 to vector<16xf32>
        %broadcast_in_dim3A_1466 = vector.broadcast %jit3A_1464 : f32 to vector<16xf32>
        %select_n3A_1467 = arith.select %eq3A_1462, %broadcast_in_dim3A_1465, %broadcast_in_dim3A_1466 : vector<16xi1>, vector<16xf32>
        %add3A_1468 = arith.addf %add3A_1461, %select_n3A_1467 : vector<16xf32>
        %eq3A_1469 = arith.cmpi eq, %gather3A_51, %gather3A_60 : vector<16xi32>
        %jit3A_1470 = arith.constant 1.000000e+00 : f32
        %jit3A_1471 = arith.constant 0.000000e+00 : f32
        %broadcast_in_dim3A_1472 = vector.broadcast %jit3A_1470 : f32 to vector<16xf32>
        %broadcast_in_dim3A_1473 = vector.broadcast %jit3A_1471 : f32 to vector<16xf32>
        %select_n3A_1474 = arith.select %eq3A_1469, %broadcast_in_dim3A_1472, %broadcast_in_dim3A_1473 : vector<16xi1>, vector<16xf32>
        %add3A_1475 = arith.addf %add3A_1468, %select_n3A_1474 : vector<16xf32>
        %eq3A_1476 = arith.cmpi eq, %gather3A_51, %gather3A_63 : vector<16xi32>
        %jit3A_1477 = arith.constant 1.000000e+00 : f32
        %jit3A_1478 = arith.constant 0.000000e+00 : f32
        %broadcast_in_dim3A_1479 = vector.broadcast %jit3A_1477 : f32 to vector<16xf32>
        %broadcast_in_dim3A_1480 = vector.broadcast %jit3A_1478 : f32 to vector<16xf32>
        %select_n3A_1481 = arith.select %eq3A_1476, %broadcast_in_dim3A_1479, %broadcast_in_dim3A_1480 : vector<16xi1>, vector<16xf32>
        %add3A_1482 = arith.addf %add3A_1475, %select_n3A_1481 : vector<16xf32>
        %eq3A_1483 = arith.cmpi eq, %gather3A_51, %gather3A_66 : vector<16xi32>
        %jit3A_1484 = arith.constant 1.000000e+00 : f32
        %jit3A_1485 = arith.constant 0.000000e+00 : f32
        %broadcast_in_dim3A_1486 = vector.broadcast %jit3A_1484 : f32 to vector<16xf32>
        %broadcast_in_dim3A_1487 = vector.broadcast %jit3A_1485 : f32 to vector<16xf32>
        %select_n3A_1488 = arith.select %eq3A_1483, %broadcast_in_dim3A_1486, %broadcast_in_dim3A_1487 : vector<16xi1>, vector<16xf32>
        %add3A_1489 = arith.addf %add3A_1482, %select_n3A_1488 : vector<16xf32>
        %eq3A_1490 = arith.cmpi eq, %gather3A_51, %gather3A_69 : vector<16xi32>
        %jit3A_1491 = arith.constant 1.000000e+00 : f32
        %jit3A_1492 = arith.constant 0.000000e+00 : f32
        %broadcast_in_dim3A_1493 = vector.broadcast %jit3A_1491 : f32 to vector<16xf32>
        %broadcast_in_dim3A_1494 = vector.broadcast %jit3A_1492 : f32 to vector<16xf32>
        %select_n3A_1495 = arith.select %eq3A_1490, %broadcast_in_dim3A_1493, %broadcast_in_dim3A_1494 : vector<16xi1>, vector<16xf32>
        %add3A_1496 = arith.addf %add3A_1489, %select_n3A_1495 : vector<16xf32>
        %eq3A_1497 = arith.cmpi eq, %gather3A_51, %gather3A_72 : vector<16xi32>
        %jit3A_1498 = arith.constant 1.000000e+00 : f32
        %jit3A_1499 = arith.constant 0.000000e+00 : f32
        %broadcast_in_dim3A_1500 = vector.broadcast %jit3A_1498 : f32 to vector<16xf32>
        %broadcast_in_dim3A_1501 = vector.broadcast %jit3A_1499 : f32 to vector<16xf32>
        %select_n3A_1502 = arith.select %eq3A_1497, %broadcast_in_dim3A_1500, %broadcast_in_dim3A_1501 : vector<16xi1>, vector<16xf32>
        %add3A_1503 = arith.addf %add3A_1496, %select_n3A_1502 : vector<16xf32>
        %eq3A_1504 = arith.cmpi eq, %gather3A_51, %gather3A_75 : vector<16xi32>
        %jit3A_1505 = arith.constant 1.000000e+00 : f32
        %jit3A_1506 = arith.constant 0.000000e+00 : f32
        %broadcast_in_dim3A_1507 = vector.broadcast %jit3A_1505 : f32 to vector<16xf32>
        %broadcast_in_dim3A_1508 = vector.broadcast %jit3A_1506 : f32 to vector<16xf32>
        %select_n3A_1509 = arith.select %eq3A_1504, %broadcast_in_dim3A_1507, %broadcast_in_dim3A_1508 : vector<16xi1>, vector<16xf32>
        %add3A_1510 = arith.addf %add3A_1503, %select_n3A_1509 : vector<16xf32>
        %eq3A_1511 = arith.cmpi eq, %gather3A_51, %gather3A_78 : vector<16xi32>
        %jit3A_1512 = arith.constant 1.000000e+00 : f32
        %jit3A_1513 = arith.constant 0.000000e+00 : f32
        %broadcast_in_dim3A_1514 = vector.broadcast %jit3A_1512 : f32 to vector<16xf32>
        %broadcast_in_dim3A_1515 = vector.broadcast %jit3A_1513 : f32 to vector<16xf32>
        %select_n3A_1516 = arith.select %eq3A_1511, %broadcast_in_dim3A_1514, %broadcast_in_dim3A_1515 : vector<16xi1>, vector<16xf32>
        %add3A_1517 = arith.addf %add3A_1510, %select_n3A_1516 : vector<16xf32>
        %eq3A_1518 = arith.cmpi eq, %gather3A_51, %gather3A_81 : vector<16xi32>
        %jit3A_1519 = arith.constant 1.000000e+00 : f32
        %jit3A_1520 = arith.constant 0.000000e+00 : f32
        %broadcast_in_dim3A_1521 = vector.broadcast %jit3A_1519 : f32 to vector<16xf32>
        %broadcast_in_dim3A_1522 = vector.broadcast %jit3A_1520 : f32 to vector<16xf32>
        %select_n3A_1523 = arith.select %eq3A_1518, %broadcast_in_dim3A_1521, %broadcast_in_dim3A_1522 : vector<16xi1>, vector<16xf32>
        %add3A_1524 = arith.addf %add3A_1517, %select_n3A_1523 : vector<16xf32>
        %div3A_1525 = arith.constant 1.000000e+00 : f32
        %div3A_1526 = vector.broadcast %div3A_1525 : f32 to vector<16xf32>
        %div3A_1527 = arith.divf %div3A_1526, %add3A_1524 : vector<16xf32>
        %broadcast_in_dim3A_1528 = arith.constant 0.000000e+00 : f32
        %broadcast_in_dim3A_1529 = vector.broadcast %broadcast_in_dim3A_1528 : f32 to vector<16xf32>
        %eq3A_1530 = arith.cmpi eq, %gather3A_54, %gather3A : vector<16xi32>
        %jit3A_1531 = arith.constant 1.000000e+00 : f32
        %jit3A_1532 = arith.constant 0.000000e+00 : f32
        %broadcast_in_dim3A_1533 = vector.broadcast %jit3A_1531 : f32 to vector<16xf32>
        %broadcast_in_dim3A_1534 = vector.broadcast %jit3A_1532 : f32 to vector<16xf32>
        %select_n3A_1535 = arith.select %eq3A_1530, %broadcast_in_dim3A_1533, %broadcast_in_dim3A_1534 : vector<16xi1>, vector<16xf32>
        %add3A_1536 = arith.addf %broadcast_in_dim3A_1529, %select_n3A_1535 : vector<16xf32>
        %eq3A_1537 = arith.cmpi eq, %gather3A_54, %gather3A_27 : vector<16xi32>
        %jit3A_1538 = arith.constant 1.000000e+00 : f32
        %jit3A_1539 = arith.constant 0.000000e+00 : f32
        %broadcast_in_dim3A_1540 = vector.broadcast %jit3A_1538 : f32 to vector<16xf32>
        %broadcast_in_dim3A_1541 = vector.broadcast %jit3A_1539 : f32 to vector<16xf32>
        %select_n3A_1542 = arith.select %eq3A_1537, %broadcast_in_dim3A_1540, %broadcast_in_dim3A_1541 : vector<16xi1>, vector<16xf32>
        %add3A_1543 = arith.addf %add3A_1536, %select_n3A_1542 : vector<16xf32>
        %eq3A_1544 = arith.cmpi eq, %gather3A_54, %gather3A_30 : vector<16xi32>
        %jit3A_1545 = arith.constant 1.000000e+00 : f32
        %jit3A_1546 = arith.constant 0.000000e+00 : f32
        %broadcast_in_dim3A_1547 = vector.broadcast %jit3A_1545 : f32 to vector<16xf32>
        %broadcast_in_dim3A_1548 = vector.broadcast %jit3A_1546 : f32 to vector<16xf32>
        %select_n3A_1549 = arith.select %eq3A_1544, %broadcast_in_dim3A_1547, %broadcast_in_dim3A_1548 : vector<16xi1>, vector<16xf32>
        %add3A_1550 = arith.addf %add3A_1543, %select_n3A_1549 : vector<16xf32>
        %eq3A_1551 = arith.cmpi eq, %gather3A_54, %gather3A_33 : vector<16xi32>
        %jit3A_1552 = arith.constant 1.000000e+00 : f32
        %jit3A_1553 = arith.constant 0.000000e+00 : f32
        %broadcast_in_dim3A_1554 = vector.broadcast %jit3A_1552 : f32 to vector<16xf32>
        %broadcast_in_dim3A_1555 = vector.broadcast %jit3A_1553 : f32 to vector<16xf32>
        %select_n3A_1556 = arith.select %eq3A_1551, %broadcast_in_dim3A_1554, %broadcast_in_dim3A_1555 : vector<16xi1>, vector<16xf32>
        %add3A_1557 = arith.addf %add3A_1550, %select_n3A_1556 : vector<16xf32>
        %eq3A_1558 = arith.cmpi eq, %gather3A_54, %gather3A_36 : vector<16xi32>
        %jit3A_1559 = arith.constant 1.000000e+00 : f32
        %jit3A_1560 = arith.constant 0.000000e+00 : f32
        %broadcast_in_dim3A_1561 = vector.broadcast %jit3A_1559 : f32 to vector<16xf32>
        %broadcast_in_dim3A_1562 = vector.broadcast %jit3A_1560 : f32 to vector<16xf32>
        %select_n3A_1563 = arith.select %eq3A_1558, %broadcast_in_dim3A_1561, %broadcast_in_dim3A_1562 : vector<16xi1>, vector<16xf32>
        %add3A_1564 = arith.addf %add3A_1557, %select_n3A_1563 : vector<16xf32>
        %eq3A_1565 = arith.cmpi eq, %gather3A_54, %gather3A_39 : vector<16xi32>
        %jit3A_1566 = arith.constant 1.000000e+00 : f32
        %jit3A_1567 = arith.constant 0.000000e+00 : f32
        %broadcast_in_dim3A_1568 = vector.broadcast %jit3A_1566 : f32 to vector<16xf32>
        %broadcast_in_dim3A_1569 = vector.broadcast %jit3A_1567 : f32 to vector<16xf32>
        %select_n3A_1570 = arith.select %eq3A_1565, %broadcast_in_dim3A_1568, %broadcast_in_dim3A_1569 : vector<16xi1>, vector<16xf32>
        %add3A_1571 = arith.addf %add3A_1564, %select_n3A_1570 : vector<16xf32>
        %eq3A_1572 = arith.cmpi eq, %gather3A_54, %gather3A_42 : vector<16xi32>
        %jit3A_1573 = arith.constant 1.000000e+00 : f32
        %jit3A_1574 = arith.constant 0.000000e+00 : f32
        %broadcast_in_dim3A_1575 = vector.broadcast %jit3A_1573 : f32 to vector<16xf32>
        %broadcast_in_dim3A_1576 = vector.broadcast %jit3A_1574 : f32 to vector<16xf32>
        %select_n3A_1577 = arith.select %eq3A_1572, %broadcast_in_dim3A_1575, %broadcast_in_dim3A_1576 : vector<16xi1>, vector<16xf32>
        %add3A_1578 = arith.addf %add3A_1571, %select_n3A_1577 : vector<16xf32>
        %eq3A_1579 = arith.cmpi eq, %gather3A_54, %gather3A_45 : vector<16xi32>
        %jit3A_1580 = arith.constant 1.000000e+00 : f32
        %jit3A_1581 = arith.constant 0.000000e+00 : f32
        %broadcast_in_dim3A_1582 = vector.broadcast %jit3A_1580 : f32 to vector<16xf32>
        %broadcast_in_dim3A_1583 = vector.broadcast %jit3A_1581 : f32 to vector<16xf32>
        %select_n3A_1584 = arith.select %eq3A_1579, %broadcast_in_dim3A_1582, %broadcast_in_dim3A_1583 : vector<16xi1>, vector<16xf32>
        %add3A_1585 = arith.addf %add3A_1578, %select_n3A_1584 : vector<16xf32>
        %eq3A_1586 = arith.cmpi eq, %gather3A_54, %gather3A_48 : vector<16xi32>
        %jit3A_1587 = arith.constant 1.000000e+00 : f32
        %jit3A_1588 = arith.constant 0.000000e+00 : f32
        %broadcast_in_dim3A_1589 = vector.broadcast %jit3A_1587 : f32 to vector<16xf32>
        %broadcast_in_dim3A_1590 = vector.broadcast %jit3A_1588 : f32 to vector<16xf32>
        %select_n3A_1591 = arith.select %eq3A_1586, %broadcast_in_dim3A_1589, %broadcast_in_dim3A_1590 : vector<16xi1>, vector<16xf32>
        %add3A_1592 = arith.addf %add3A_1585, %select_n3A_1591 : vector<16xf32>
        %eq3A_1593 = arith.cmpi eq, %gather3A_54, %gather3A_51 : vector<16xi32>
        %jit3A_1594 = arith.constant 1.000000e+00 : f32
        %jit3A_1595 = arith.constant 0.000000e+00 : f32
        %broadcast_in_dim3A_1596 = vector.broadcast %jit3A_1594 : f32 to vector<16xf32>
        %broadcast_in_dim3A_1597 = vector.broadcast %jit3A_1595 : f32 to vector<16xf32>
        %select_n3A_1598 = arith.select %eq3A_1593, %broadcast_in_dim3A_1596, %broadcast_in_dim3A_1597 : vector<16xi1>, vector<16xf32>
        %add3A_1599 = arith.addf %add3A_1592, %select_n3A_1598 : vector<16xf32>
        %eq3A_1600 = arith.cmpi eq, %gather3A_54, %gather3A_54 : vector<16xi32>
        %jit3A_1601 = arith.constant 1.000000e+00 : f32
        %jit3A_1602 = arith.constant 0.000000e+00 : f32
        %broadcast_in_dim3A_1603 = vector.broadcast %jit3A_1601 : f32 to vector<16xf32>
        %broadcast_in_dim3A_1604 = vector.broadcast %jit3A_1602 : f32 to vector<16xf32>
        %select_n3A_1605 = arith.select %eq3A_1600, %broadcast_in_dim3A_1603, %broadcast_in_dim3A_1604 : vector<16xi1>, vector<16xf32>
        %add3A_1606 = arith.addf %add3A_1599, %select_n3A_1605 : vector<16xf32>
        %eq3A_1607 = arith.cmpi eq, %gather3A_54, %gather3A_57 : vector<16xi32>
        %jit3A_1608 = arith.constant 1.000000e+00 : f32
        %jit3A_1609 = arith.constant 0.000000e+00 : f32
        %broadcast_in_dim3A_1610 = vector.broadcast %jit3A_1608 : f32 to vector<16xf32>
        %broadcast_in_dim3A_1611 = vector.broadcast %jit3A_1609 : f32 to vector<16xf32>
        %select_n3A_1612 = arith.select %eq3A_1607, %broadcast_in_dim3A_1610, %broadcast_in_dim3A_1611 : vector<16xi1>, vector<16xf32>
        %add3A_1613 = arith.addf %add3A_1606, %select_n3A_1612 : vector<16xf32>
        %eq3A_1614 = arith.cmpi eq, %gather3A_54, %gather3A_60 : vector<16xi32>
        %jit3A_1615 = arith.constant 1.000000e+00 : f32
        %jit3A_1616 = arith.constant 0.000000e+00 : f32
        %broadcast_in_dim3A_1617 = vector.broadcast %jit3A_1615 : f32 to vector<16xf32>
        %broadcast_in_dim3A_1618 = vector.broadcast %jit3A_1616 : f32 to vector<16xf32>
        %select_n3A_1619 = arith.select %eq3A_1614, %broadcast_in_dim3A_1617, %broadcast_in_dim3A_1618 : vector<16xi1>, vector<16xf32>
        %add3A_1620 = arith.addf %add3A_1613, %select_n3A_1619 : vector<16xf32>
        %eq3A_1621 = arith.cmpi eq, %gather3A_54, %gather3A_63 : vector<16xi32>
        %jit3A_1622 = arith.constant 1.000000e+00 : f32
        %jit3A_1623 = arith.constant 0.000000e+00 : f32
        %broadcast_in_dim3A_1624 = vector.broadcast %jit3A_1622 : f32 to vector<16xf32>
        %broadcast_in_dim3A_1625 = vector.broadcast %jit3A_1623 : f32 to vector<16xf32>
        %select_n3A_1626 = arith.select %eq3A_1621, %broadcast_in_dim3A_1624, %broadcast_in_dim3A_1625 : vector<16xi1>, vector<16xf32>
        %add3A_1627 = arith.addf %add3A_1620, %select_n3A_1626 : vector<16xf32>
        %eq3A_1628 = arith.cmpi eq, %gather3A_54, %gather3A_66 : vector<16xi32>
        %jit3A_1629 = arith.constant 1.000000e+00 : f32
        %jit3A_1630 = arith.constant 0.000000e+00 : f32
        %broadcast_in_dim3A_1631 = vector.broadcast %jit3A_1629 : f32 to vector<16xf32>
        %broadcast_in_dim3A_1632 = vector.broadcast %jit3A_1630 : f32 to vector<16xf32>
        %select_n3A_1633 = arith.select %eq3A_1628, %broadcast_in_dim3A_1631, %broadcast_in_dim3A_1632 : vector<16xi1>, vector<16xf32>
        %add3A_1634 = arith.addf %add3A_1627, %select_n3A_1633 : vector<16xf32>
        %eq3A_1635 = arith.cmpi eq, %gather3A_54, %gather3A_69 : vector<16xi32>
        %jit3A_1636 = arith.constant 1.000000e+00 : f32
        %jit3A_1637 = arith.constant 0.000000e+00 : f32
        %broadcast_in_dim3A_1638 = vector.broadcast %jit3A_1636 : f32 to vector<16xf32>
        %broadcast_in_dim3A_1639 = vector.broadcast %jit3A_1637 : f32 to vector<16xf32>
        %select_n3A_1640 = arith.select %eq3A_1635, %broadcast_in_dim3A_1638, %broadcast_in_dim3A_1639 : vector<16xi1>, vector<16xf32>
        %add3A_1641 = arith.addf %add3A_1634, %select_n3A_1640 : vector<16xf32>
        %eq3A_1642 = arith.cmpi eq, %gather3A_54, %gather3A_72 : vector<16xi32>
        %jit3A_1643 = arith.constant 1.000000e+00 : f32
        %jit3A_1644 = arith.constant 0.000000e+00 : f32
        %broadcast_in_dim3A_1645 = vector.broadcast %jit3A_1643 : f32 to vector<16xf32>
        %broadcast_in_dim3A_1646 = vector.broadcast %jit3A_1644 : f32 to vector<16xf32>
        %select_n3A_1647 = arith.select %eq3A_1642, %broadcast_in_dim3A_1645, %broadcast_in_dim3A_1646 : vector<16xi1>, vector<16xf32>
        %add3A_1648 = arith.addf %add3A_1641, %select_n3A_1647 : vector<16xf32>
        %eq3A_1649 = arith.cmpi eq, %gather3A_54, %gather3A_75 : vector<16xi32>
        %jit3A_1650 = arith.constant 1.000000e+00 : f32
        %jit3A_1651 = arith.constant 0.000000e+00 : f32
        %broadcast_in_dim3A_1652 = vector.broadcast %jit3A_1650 : f32 to vector<16xf32>
        %broadcast_in_dim3A_1653 = vector.broadcast %jit3A_1651 : f32 to vector<16xf32>
        %select_n3A_1654 = arith.select %eq3A_1649, %broadcast_in_dim3A_1652, %broadcast_in_dim3A_1653 : vector<16xi1>, vector<16xf32>
        %add3A_1655 = arith.addf %add3A_1648, %select_n3A_1654 : vector<16xf32>
        %eq3A_1656 = arith.cmpi eq, %gather3A_54, %gather3A_78 : vector<16xi32>
        %jit3A_1657 = arith.constant 1.000000e+00 : f32
        %jit3A_1658 = arith.constant 0.000000e+00 : f32
        %broadcast_in_dim3A_1659 = vector.broadcast %jit3A_1657 : f32 to vector<16xf32>
        %broadcast_in_dim3A_1660 = vector.broadcast %jit3A_1658 : f32 to vector<16xf32>
        %select_n3A_1661 = arith.select %eq3A_1656, %broadcast_in_dim3A_1659, %broadcast_in_dim3A_1660 : vector<16xi1>, vector<16xf32>
        %add3A_1662 = arith.addf %add3A_1655, %select_n3A_1661 : vector<16xf32>
        %eq3A_1663 = arith.cmpi eq, %gather3A_54, %gather3A_81 : vector<16xi32>
        %jit3A_1664 = arith.constant 1.000000e+00 : f32
        %jit3A_1665 = arith.constant 0.000000e+00 : f32
        %broadcast_in_dim3A_1666 = vector.broadcast %jit3A_1664 : f32 to vector<16xf32>
        %broadcast_in_dim3A_1667 = vector.broadcast %jit3A_1665 : f32 to vector<16xf32>
        %select_n3A_1668 = arith.select %eq3A_1663, %broadcast_in_dim3A_1666, %broadcast_in_dim3A_1667 : vector<16xi1>, vector<16xf32>
        %add3A_1669 = arith.addf %add3A_1662, %select_n3A_1668 : vector<16xf32>
        %div3A_1670 = arith.constant 1.000000e+00 : f32
        %div3A_1671 = vector.broadcast %div3A_1670 : f32 to vector<16xf32>
        %div3A_1672 = arith.divf %div3A_1671, %add3A_1669 : vector<16xf32>
        %broadcast_in_dim3A_1673 = arith.constant 0.000000e+00 : f32
        %broadcast_in_dim3A_1674 = vector.broadcast %broadcast_in_dim3A_1673 : f32 to vector<16xf32>
        %eq3A_1675 = arith.cmpi eq, %gather3A_57, %gather3A : vector<16xi32>
        %jit3A_1676 = arith.constant 1.000000e+00 : f32
        %jit3A_1677 = arith.constant 0.000000e+00 : f32
        %broadcast_in_dim3A_1678 = vector.broadcast %jit3A_1676 : f32 to vector<16xf32>
        %broadcast_in_dim3A_1679 = vector.broadcast %jit3A_1677 : f32 to vector<16xf32>
        %select_n3A_1680 = arith.select %eq3A_1675, %broadcast_in_dim3A_1678, %broadcast_in_dim3A_1679 : vector<16xi1>, vector<16xf32>
        %add3A_1681 = arith.addf %broadcast_in_dim3A_1674, %select_n3A_1680 : vector<16xf32>
        %eq3A_1682 = arith.cmpi eq, %gather3A_57, %gather3A_27 : vector<16xi32>
        %jit3A_1683 = arith.constant 1.000000e+00 : f32
        %jit3A_1684 = arith.constant 0.000000e+00 : f32
        %broadcast_in_dim3A_1685 = vector.broadcast %jit3A_1683 : f32 to vector<16xf32>
        %broadcast_in_dim3A_1686 = vector.broadcast %jit3A_1684 : f32 to vector<16xf32>
        %select_n3A_1687 = arith.select %eq3A_1682, %broadcast_in_dim3A_1685, %broadcast_in_dim3A_1686 : vector<16xi1>, vector<16xf32>
        %add3A_1688 = arith.addf %add3A_1681, %select_n3A_1687 : vector<16xf32>
        %eq3A_1689 = arith.cmpi eq, %gather3A_57, %gather3A_30 : vector<16xi32>
        %jit3A_1690 = arith.constant 1.000000e+00 : f32
        %jit3A_1691 = arith.constant 0.000000e+00 : f32
        %broadcast_in_dim3A_1692 = vector.broadcast %jit3A_1690 : f32 to vector<16xf32>
        %broadcast_in_dim3A_1693 = vector.broadcast %jit3A_1691 : f32 to vector<16xf32>
        %select_n3A_1694 = arith.select %eq3A_1689, %broadcast_in_dim3A_1692, %broadcast_in_dim3A_1693 : vector<16xi1>, vector<16xf32>
        %add3A_1695 = arith.addf %add3A_1688, %select_n3A_1694 : vector<16xf32>
        %eq3A_1696 = arith.cmpi eq, %gather3A_57, %gather3A_33 : vector<16xi32>
        %jit3A_1697 = arith.constant 1.000000e+00 : f32
        %jit3A_1698 = arith.constant 0.000000e+00 : f32
        %broadcast_in_dim3A_1699 = vector.broadcast %jit3A_1697 : f32 to vector<16xf32>
        %broadcast_in_dim3A_1700 = vector.broadcast %jit3A_1698 : f32 to vector<16xf32>
        %select_n3A_1701 = arith.select %eq3A_1696, %broadcast_in_dim3A_1699, %broadcast_in_dim3A_1700 : vector<16xi1>, vector<16xf32>
        %add3A_1702 = arith.addf %add3A_1695, %select_n3A_1701 : vector<16xf32>
        %eq3A_1703 = arith.cmpi eq, %gather3A_57, %gather3A_36 : vector<16xi32>
        %jit3A_1704 = arith.constant 1.000000e+00 : f32
        %jit3A_1705 = arith.constant 0.000000e+00 : f32
        %broadcast_in_dim3A_1706 = vector.broadcast %jit3A_1704 : f32 to vector<16xf32>
        %broadcast_in_dim3A_1707 = vector.broadcast %jit3A_1705 : f32 to vector<16xf32>
        %select_n3A_1708 = arith.select %eq3A_1703, %broadcast_in_dim3A_1706, %broadcast_in_dim3A_1707 : vector<16xi1>, vector<16xf32>
        %add3A_1709 = arith.addf %add3A_1702, %select_n3A_1708 : vector<16xf32>
        %eq3A_1710 = arith.cmpi eq, %gather3A_57, %gather3A_39 : vector<16xi32>
        %jit3A_1711 = arith.constant 1.000000e+00 : f32
        %jit3A_1712 = arith.constant 0.000000e+00 : f32
        %broadcast_in_dim3A_1713 = vector.broadcast %jit3A_1711 : f32 to vector<16xf32>
        %broadcast_in_dim3A_1714 = vector.broadcast %jit3A_1712 : f32 to vector<16xf32>
        %select_n3A_1715 = arith.select %eq3A_1710, %broadcast_in_dim3A_1713, %broadcast_in_dim3A_1714 : vector<16xi1>, vector<16xf32>
        %add3A_1716 = arith.addf %add3A_1709, %select_n3A_1715 : vector<16xf32>
        %eq3A_1717 = arith.cmpi eq, %gather3A_57, %gather3A_42 : vector<16xi32>
        %jit3A_1718 = arith.constant 1.000000e+00 : f32
        %jit3A_1719 = arith.constant 0.000000e+00 : f32
        %broadcast_in_dim3A_1720 = vector.broadcast %jit3A_1718 : f32 to vector<16xf32>
        %broadcast_in_dim3A_1721 = vector.broadcast %jit3A_1719 : f32 to vector<16xf32>
        %select_n3A_1722 = arith.select %eq3A_1717, %broadcast_in_dim3A_1720, %broadcast_in_dim3A_1721 : vector<16xi1>, vector<16xf32>
        %add3A_1723 = arith.addf %add3A_1716, %select_n3A_1722 : vector<16xf32>
        %eq3A_1724 = arith.cmpi eq, %gather3A_57, %gather3A_45 : vector<16xi32>
        %jit3A_1725 = arith.constant 1.000000e+00 : f32
        %jit3A_1726 = arith.constant 0.000000e+00 : f32
        %broadcast_in_dim3A_1727 = vector.broadcast %jit3A_1725 : f32 to vector<16xf32>
        %broadcast_in_dim3A_1728 = vector.broadcast %jit3A_1726 : f32 to vector<16xf32>
        %select_n3A_1729 = arith.select %eq3A_1724, %broadcast_in_dim3A_1727, %broadcast_in_dim3A_1728 : vector<16xi1>, vector<16xf32>
        %add3A_1730 = arith.addf %add3A_1723, %select_n3A_1729 : vector<16xf32>
        %eq3A_1731 = arith.cmpi eq, %gather3A_57, %gather3A_48 : vector<16xi32>
        %jit3A_1732 = arith.constant 1.000000e+00 : f32
        %jit3A_1733 = arith.constant 0.000000e+00 : f32
        %broadcast_in_dim3A_1734 = vector.broadcast %jit3A_1732 : f32 to vector<16xf32>
        %broadcast_in_dim3A_1735 = vector.broadcast %jit3A_1733 : f32 to vector<16xf32>
        %select_n3A_1736 = arith.select %eq3A_1731, %broadcast_in_dim3A_1734, %broadcast_in_dim3A_1735 : vector<16xi1>, vector<16xf32>
        %add3A_1737 = arith.addf %add3A_1730, %select_n3A_1736 : vector<16xf32>
        %eq3A_1738 = arith.cmpi eq, %gather3A_57, %gather3A_51 : vector<16xi32>
        %jit3A_1739 = arith.constant 1.000000e+00 : f32
        %jit3A_1740 = arith.constant 0.000000e+00 : f32
        %broadcast_in_dim3A_1741 = vector.broadcast %jit3A_1739 : f32 to vector<16xf32>
        %broadcast_in_dim3A_1742 = vector.broadcast %jit3A_1740 : f32 to vector<16xf32>
        %select_n3A_1743 = arith.select %eq3A_1738, %broadcast_in_dim3A_1741, %broadcast_in_dim3A_1742 : vector<16xi1>, vector<16xf32>
        %add3A_1744 = arith.addf %add3A_1737, %select_n3A_1743 : vector<16xf32>
        %eq3A_1745 = arith.cmpi eq, %gather3A_57, %gather3A_54 : vector<16xi32>
        %jit3A_1746 = arith.constant 1.000000e+00 : f32
        %jit3A_1747 = arith.constant 0.000000e+00 : f32
        %broadcast_in_dim3A_1748 = vector.broadcast %jit3A_1746 : f32 to vector<16xf32>
        %broadcast_in_dim3A_1749 = vector.broadcast %jit3A_1747 : f32 to vector<16xf32>
        %select_n3A_1750 = arith.select %eq3A_1745, %broadcast_in_dim3A_1748, %broadcast_in_dim3A_1749 : vector<16xi1>, vector<16xf32>
        %add3A_1751 = arith.addf %add3A_1744, %select_n3A_1750 : vector<16xf32>
        %eq3A_1752 = arith.cmpi eq, %gather3A_57, %gather3A_57 : vector<16xi32>
        %jit3A_1753 = arith.constant 1.000000e+00 : f32
        %jit3A_1754 = arith.constant 0.000000e+00 : f32
        %broadcast_in_dim3A_1755 = vector.broadcast %jit3A_1753 : f32 to vector<16xf32>
        %broadcast_in_dim3A_1756 = vector.broadcast %jit3A_1754 : f32 to vector<16xf32>
        %select_n3A_1757 = arith.select %eq3A_1752, %broadcast_in_dim3A_1755, %broadcast_in_dim3A_1756 : vector<16xi1>, vector<16xf32>
        %add3A_1758 = arith.addf %add3A_1751, %select_n3A_1757 : vector<16xf32>
        %eq3A_1759 = arith.cmpi eq, %gather3A_57, %gather3A_60 : vector<16xi32>
        %jit3A_1760 = arith.constant 1.000000e+00 : f32
        %jit3A_1761 = arith.constant 0.000000e+00 : f32
        %broadcast_in_dim3A_1762 = vector.broadcast %jit3A_1760 : f32 to vector<16xf32>
        %broadcast_in_dim3A_1763 = vector.broadcast %jit3A_1761 : f32 to vector<16xf32>
        %select_n3A_1764 = arith.select %eq3A_1759, %broadcast_in_dim3A_1762, %broadcast_in_dim3A_1763 : vector<16xi1>, vector<16xf32>
        %add3A_1765 = arith.addf %add3A_1758, %select_n3A_1764 : vector<16xf32>
        %eq3A_1766 = arith.cmpi eq, %gather3A_57, %gather3A_63 : vector<16xi32>
        %jit3A_1767 = arith.constant 1.000000e+00 : f32
        %jit3A_1768 = arith.constant 0.000000e+00 : f32
        %broadcast_in_dim3A_1769 = vector.broadcast %jit3A_1767 : f32 to vector<16xf32>
        %broadcast_in_dim3A_1770 = vector.broadcast %jit3A_1768 : f32 to vector<16xf32>
        %select_n3A_1771 = arith.select %eq3A_1766, %broadcast_in_dim3A_1769, %broadcast_in_dim3A_1770 : vector<16xi1>, vector<16xf32>
        %add3A_1772 = arith.addf %add3A_1765, %select_n3A_1771 : vector<16xf32>
        %eq3A_1773 = arith.cmpi eq, %gather3A_57, %gather3A_66 : vector<16xi32>
        %jit3A_1774 = arith.constant 1.000000e+00 : f32
        %jit3A_1775 = arith.constant 0.000000e+00 : f32
        %broadcast_in_dim3A_1776 = vector.broadcast %jit3A_1774 : f32 to vector<16xf32>
        %broadcast_in_dim3A_1777 = vector.broadcast %jit3A_1775 : f32 to vector<16xf32>
        %select_n3A_1778 = arith.select %eq3A_1773, %broadcast_in_dim3A_1776, %broadcast_in_dim3A_1777 : vector<16xi1>, vector<16xf32>
        %add3A_1779 = arith.addf %add3A_1772, %select_n3A_1778 : vector<16xf32>
        %eq3A_1780 = arith.cmpi eq, %gather3A_57, %gather3A_69 : vector<16xi32>
        %jit3A_1781 = arith.constant 1.000000e+00 : f32
        %jit3A_1782 = arith.constant 0.000000e+00 : f32
        %broadcast_in_dim3A_1783 = vector.broadcast %jit3A_1781 : f32 to vector<16xf32>
        %broadcast_in_dim3A_1784 = vector.broadcast %jit3A_1782 : f32 to vector<16xf32>
        %select_n3A_1785 = arith.select %eq3A_1780, %broadcast_in_dim3A_1783, %broadcast_in_dim3A_1784 : vector<16xi1>, vector<16xf32>
        %add3A_1786 = arith.addf %add3A_1779, %select_n3A_1785 : vector<16xf32>
        %eq3A_1787 = arith.cmpi eq, %gather3A_57, %gather3A_72 : vector<16xi32>
        %jit3A_1788 = arith.constant 1.000000e+00 : f32
        %jit3A_1789 = arith.constant 0.000000e+00 : f32
        %broadcast_in_dim3A_1790 = vector.broadcast %jit3A_1788 : f32 to vector<16xf32>
        %broadcast_in_dim3A_1791 = vector.broadcast %jit3A_1789 : f32 to vector<16xf32>
        %select_n3A_1792 = arith.select %eq3A_1787, %broadcast_in_dim3A_1790, %broadcast_in_dim3A_1791 : vector<16xi1>, vector<16xf32>
        %add3A_1793 = arith.addf %add3A_1786, %select_n3A_1792 : vector<16xf32>
        %eq3A_1794 = arith.cmpi eq, %gather3A_57, %gather3A_75 : vector<16xi32>
        %jit3A_1795 = arith.constant 1.000000e+00 : f32
        %jit3A_1796 = arith.constant 0.000000e+00 : f32
        %broadcast_in_dim3A_1797 = vector.broadcast %jit3A_1795 : f32 to vector<16xf32>
        %broadcast_in_dim3A_1798 = vector.broadcast %jit3A_1796 : f32 to vector<16xf32>
        %select_n3A_1799 = arith.select %eq3A_1794, %broadcast_in_dim3A_1797, %broadcast_in_dim3A_1798 : vector<16xi1>, vector<16xf32>
        %add3A_1800 = arith.addf %add3A_1793, %select_n3A_1799 : vector<16xf32>
        %eq3A_1801 = arith.cmpi eq, %gather3A_57, %gather3A_78 : vector<16xi32>
        %jit3A_1802 = arith.constant 1.000000e+00 : f32
        %jit3A_1803 = arith.constant 0.000000e+00 : f32
        %broadcast_in_dim3A_1804 = vector.broadcast %jit3A_1802 : f32 to vector<16xf32>
        %broadcast_in_dim3A_1805 = vector.broadcast %jit3A_1803 : f32 to vector<16xf32>
        %select_n3A_1806 = arith.select %eq3A_1801, %broadcast_in_dim3A_1804, %broadcast_in_dim3A_1805 : vector<16xi1>, vector<16xf32>
        %add3A_1807 = arith.addf %add3A_1800, %select_n3A_1806 : vector<16xf32>
        %eq3A_1808 = arith.cmpi eq, %gather3A_57, %gather3A_81 : vector<16xi32>
        %jit3A_1809 = arith.constant 1.000000e+00 : f32
        %jit3A_1810 = arith.constant 0.000000e+00 : f32
        %broadcast_in_dim3A_1811 = vector.broadcast %jit3A_1809 : f32 to vector<16xf32>
        %broadcast_in_dim3A_1812 = vector.broadcast %jit3A_1810 : f32 to vector<16xf32>
        %select_n3A_1813 = arith.select %eq3A_1808, %broadcast_in_dim3A_1811, %broadcast_in_dim3A_1812 : vector<16xi1>, vector<16xf32>
        %add3A_1814 = arith.addf %add3A_1807, %select_n3A_1813 : vector<16xf32>
        %div3A_1815 = arith.constant 1.000000e+00 : f32
        %div3A_1816 = vector.broadcast %div3A_1815 : f32 to vector<16xf32>
        %div3A_1817 = arith.divf %div3A_1816, %add3A_1814 : vector<16xf32>
        %broadcast_in_dim3A_1818 = arith.constant 0.000000e+00 : f32
        %broadcast_in_dim3A_1819 = vector.broadcast %broadcast_in_dim3A_1818 : f32 to vector<16xf32>
        %eq3A_1820 = arith.cmpi eq, %gather3A_60, %gather3A : vector<16xi32>
        %jit3A_1821 = arith.constant 1.000000e+00 : f32
        %jit3A_1822 = arith.constant 0.000000e+00 : f32
        %broadcast_in_dim3A_1823 = vector.broadcast %jit3A_1821 : f32 to vector<16xf32>
        %broadcast_in_dim3A_1824 = vector.broadcast %jit3A_1822 : f32 to vector<16xf32>
        %select_n3A_1825 = arith.select %eq3A_1820, %broadcast_in_dim3A_1823, %broadcast_in_dim3A_1824 : vector<16xi1>, vector<16xf32>
        %add3A_1826 = arith.addf %broadcast_in_dim3A_1819, %select_n3A_1825 : vector<16xf32>
        %eq3A_1827 = arith.cmpi eq, %gather3A_60, %gather3A_27 : vector<16xi32>
        %jit3A_1828 = arith.constant 1.000000e+00 : f32
        %jit3A_1829 = arith.constant 0.000000e+00 : f32
        %broadcast_in_dim3A_1830 = vector.broadcast %jit3A_1828 : f32 to vector<16xf32>
        %broadcast_in_dim3A_1831 = vector.broadcast %jit3A_1829 : f32 to vector<16xf32>
        %select_n3A_1832 = arith.select %eq3A_1827, %broadcast_in_dim3A_1830, %broadcast_in_dim3A_1831 : vector<16xi1>, vector<16xf32>
        %add3A_1833 = arith.addf %add3A_1826, %select_n3A_1832 : vector<16xf32>
        %eq3A_1834 = arith.cmpi eq, %gather3A_60, %gather3A_30 : vector<16xi32>
        %jit3A_1835 = arith.constant 1.000000e+00 : f32
        %jit3A_1836 = arith.constant 0.000000e+00 : f32
        %broadcast_in_dim3A_1837 = vector.broadcast %jit3A_1835 : f32 to vector<16xf32>
        %broadcast_in_dim3A_1838 = vector.broadcast %jit3A_1836 : f32 to vector<16xf32>
        %select_n3A_1839 = arith.select %eq3A_1834, %broadcast_in_dim3A_1837, %broadcast_in_dim3A_1838 : vector<16xi1>, vector<16xf32>
        %add3A_1840 = arith.addf %add3A_1833, %select_n3A_1839 : vector<16xf32>
        %eq3A_1841 = arith.cmpi eq, %gather3A_60, %gather3A_33 : vector<16xi32>
        %jit3A_1842 = arith.constant 1.000000e+00 : f32
        %jit3A_1843 = arith.constant 0.000000e+00 : f32
        %broadcast_in_dim3A_1844 = vector.broadcast %jit3A_1842 : f32 to vector<16xf32>
        %broadcast_in_dim3A_1845 = vector.broadcast %jit3A_1843 : f32 to vector<16xf32>
        %select_n3A_1846 = arith.select %eq3A_1841, %broadcast_in_dim3A_1844, %broadcast_in_dim3A_1845 : vector<16xi1>, vector<16xf32>
        %add3A_1847 = arith.addf %add3A_1840, %select_n3A_1846 : vector<16xf32>
        %eq3A_1848 = arith.cmpi eq, %gather3A_60, %gather3A_36 : vector<16xi32>
        %jit3A_1849 = arith.constant 1.000000e+00 : f32
        %jit3A_1850 = arith.constant 0.000000e+00 : f32
        %broadcast_in_dim3A_1851 = vector.broadcast %jit3A_1849 : f32 to vector<16xf32>
        %broadcast_in_dim3A_1852 = vector.broadcast %jit3A_1850 : f32 to vector<16xf32>
        %select_n3A_1853 = arith.select %eq3A_1848, %broadcast_in_dim3A_1851, %broadcast_in_dim3A_1852 : vector<16xi1>, vector<16xf32>
        %add3A_1854 = arith.addf %add3A_1847, %select_n3A_1853 : vector<16xf32>
        %eq3A_1855 = arith.cmpi eq, %gather3A_60, %gather3A_39 : vector<16xi32>
        %jit3A_1856 = arith.constant 1.000000e+00 : f32
        %jit3A_1857 = arith.constant 0.000000e+00 : f32
        %broadcast_in_dim3A_1858 = vector.broadcast %jit3A_1856 : f32 to vector<16xf32>
        %broadcast_in_dim3A_1859 = vector.broadcast %jit3A_1857 : f32 to vector<16xf32>
        %select_n3A_1860 = arith.select %eq3A_1855, %broadcast_in_dim3A_1858, %broadcast_in_dim3A_1859 : vector<16xi1>, vector<16xf32>
        %add3A_1861 = arith.addf %add3A_1854, %select_n3A_1860 : vector<16xf32>
        %eq3A_1862 = arith.cmpi eq, %gather3A_60, %gather3A_42 : vector<16xi32>
        %jit3A_1863 = arith.constant 1.000000e+00 : f32
        %jit3A_1864 = arith.constant 0.000000e+00 : f32
        %broadcast_in_dim3A_1865 = vector.broadcast %jit3A_1863 : f32 to vector<16xf32>
        %broadcast_in_dim3A_1866 = vector.broadcast %jit3A_1864 : f32 to vector<16xf32>
        %select_n3A_1867 = arith.select %eq3A_1862, %broadcast_in_dim3A_1865, %broadcast_in_dim3A_1866 : vector<16xi1>, vector<16xf32>
        %add3A_1868 = arith.addf %add3A_1861, %select_n3A_1867 : vector<16xf32>
        %eq3A_1869 = arith.cmpi eq, %gather3A_60, %gather3A_45 : vector<16xi32>
        %jit3A_1870 = arith.constant 1.000000e+00 : f32
        %jit3A_1871 = arith.constant 0.000000e+00 : f32
        %broadcast_in_dim3A_1872 = vector.broadcast %jit3A_1870 : f32 to vector<16xf32>
        %broadcast_in_dim3A_1873 = vector.broadcast %jit3A_1871 : f32 to vector<16xf32>
        %select_n3A_1874 = arith.select %eq3A_1869, %broadcast_in_dim3A_1872, %broadcast_in_dim3A_1873 : vector<16xi1>, vector<16xf32>
        %add3A_1875 = arith.addf %add3A_1868, %select_n3A_1874 : vector<16xf32>
        %eq3A_1876 = arith.cmpi eq, %gather3A_60, %gather3A_48 : vector<16xi32>
        %jit3A_1877 = arith.constant 1.000000e+00 : f32
        %jit3A_1878 = arith.constant 0.000000e+00 : f32
        %broadcast_in_dim3A_1879 = vector.broadcast %jit3A_1877 : f32 to vector<16xf32>
        %broadcast_in_dim3A_1880 = vector.broadcast %jit3A_1878 : f32 to vector<16xf32>
        %select_n3A_1881 = arith.select %eq3A_1876, %broadcast_in_dim3A_1879, %broadcast_in_dim3A_1880 : vector<16xi1>, vector<16xf32>
        %add3A_1882 = arith.addf %add3A_1875, %select_n3A_1881 : vector<16xf32>
        %eq3A_1883 = arith.cmpi eq, %gather3A_60, %gather3A_51 : vector<16xi32>
        %jit3A_1884 = arith.constant 1.000000e+00 : f32
        %jit3A_1885 = arith.constant 0.000000e+00 : f32
        %broadcast_in_dim3A_1886 = vector.broadcast %jit3A_1884 : f32 to vector<16xf32>
        %broadcast_in_dim3A_1887 = vector.broadcast %jit3A_1885 : f32 to vector<16xf32>
        %select_n3A_1888 = arith.select %eq3A_1883, %broadcast_in_dim3A_1886, %broadcast_in_dim3A_1887 : vector<16xi1>, vector<16xf32>
        %add3A_1889 = arith.addf %add3A_1882, %select_n3A_1888 : vector<16xf32>
        %eq3A_1890 = arith.cmpi eq, %gather3A_60, %gather3A_54 : vector<16xi32>
        %jit3A_1891 = arith.constant 1.000000e+00 : f32
        %jit3A_1892 = arith.constant 0.000000e+00 : f32
        %broadcast_in_dim3A_1893 = vector.broadcast %jit3A_1891 : f32 to vector<16xf32>
        %broadcast_in_dim3A_1894 = vector.broadcast %jit3A_1892 : f32 to vector<16xf32>
        %select_n3A_1895 = arith.select %eq3A_1890, %broadcast_in_dim3A_1893, %broadcast_in_dim3A_1894 : vector<16xi1>, vector<16xf32>
        %add3A_1896 = arith.addf %add3A_1889, %select_n3A_1895 : vector<16xf32>
        %eq3A_1897 = arith.cmpi eq, %gather3A_60, %gather3A_57 : vector<16xi32>
        %jit3A_1898 = arith.constant 1.000000e+00 : f32
        %jit3A_1899 = arith.constant 0.000000e+00 : f32
        %broadcast_in_dim3A_1900 = vector.broadcast %jit3A_1898 : f32 to vector<16xf32>
        %broadcast_in_dim3A_1901 = vector.broadcast %jit3A_1899 : f32 to vector<16xf32>
        %select_n3A_1902 = arith.select %eq3A_1897, %broadcast_in_dim3A_1900, %broadcast_in_dim3A_1901 : vector<16xi1>, vector<16xf32>
        %add3A_1903 = arith.addf %add3A_1896, %select_n3A_1902 : vector<16xf32>
        %eq3A_1904 = arith.cmpi eq, %gather3A_60, %gather3A_60 : vector<16xi32>
        %jit3A_1905 = arith.constant 1.000000e+00 : f32
        %jit3A_1906 = arith.constant 0.000000e+00 : f32
        %broadcast_in_dim3A_1907 = vector.broadcast %jit3A_1905 : f32 to vector<16xf32>
        %broadcast_in_dim3A_1908 = vector.broadcast %jit3A_1906 : f32 to vector<16xf32>
        %select_n3A_1909 = arith.select %eq3A_1904, %broadcast_in_dim3A_1907, %broadcast_in_dim3A_1908 : vector<16xi1>, vector<16xf32>
        %add3A_1910 = arith.addf %add3A_1903, %select_n3A_1909 : vector<16xf32>
        %eq3A_1911 = arith.cmpi eq, %gather3A_60, %gather3A_63 : vector<16xi32>
        %jit3A_1912 = arith.constant 1.000000e+00 : f32
        %jit3A_1913 = arith.constant 0.000000e+00 : f32
        %broadcast_in_dim3A_1914 = vector.broadcast %jit3A_1912 : f32 to vector<16xf32>
        %broadcast_in_dim3A_1915 = vector.broadcast %jit3A_1913 : f32 to vector<16xf32>
        %select_n3A_1916 = arith.select %eq3A_1911, %broadcast_in_dim3A_1914, %broadcast_in_dim3A_1915 : vector<16xi1>, vector<16xf32>
        %add3A_1917 = arith.addf %add3A_1910, %select_n3A_1916 : vector<16xf32>
        %eq3A_1918 = arith.cmpi eq, %gather3A_60, %gather3A_66 : vector<16xi32>
        %jit3A_1919 = arith.constant 1.000000e+00 : f32
        %jit3A_1920 = arith.constant 0.000000e+00 : f32
        %broadcast_in_dim3A_1921 = vector.broadcast %jit3A_1919 : f32 to vector<16xf32>
        %broadcast_in_dim3A_1922 = vector.broadcast %jit3A_1920 : f32 to vector<16xf32>
        %select_n3A_1923 = arith.select %eq3A_1918, %broadcast_in_dim3A_1921, %broadcast_in_dim3A_1922 : vector<16xi1>, vector<16xf32>
        %add3A_1924 = arith.addf %add3A_1917, %select_n3A_1923 : vector<16xf32>
        %eq3A_1925 = arith.cmpi eq, %gather3A_60, %gather3A_69 : vector<16xi32>
        %jit3A_1926 = arith.constant 1.000000e+00 : f32
        %jit3A_1927 = arith.constant 0.000000e+00 : f32
        %broadcast_in_dim3A_1928 = vector.broadcast %jit3A_1926 : f32 to vector<16xf32>
        %broadcast_in_dim3A_1929 = vector.broadcast %jit3A_1927 : f32 to vector<16xf32>
        %select_n3A_1930 = arith.select %eq3A_1925, %broadcast_in_dim3A_1928, %broadcast_in_dim3A_1929 : vector<16xi1>, vector<16xf32>
        %add3A_1931 = arith.addf %add3A_1924, %select_n3A_1930 : vector<16xf32>
        %eq3A_1932 = arith.cmpi eq, %gather3A_60, %gather3A_72 : vector<16xi32>
        %jit3A_1933 = arith.constant 1.000000e+00 : f32
        %jit3A_1934 = arith.constant 0.000000e+00 : f32
        %broadcast_in_dim3A_1935 = vector.broadcast %jit3A_1933 : f32 to vector<16xf32>
        %broadcast_in_dim3A_1936 = vector.broadcast %jit3A_1934 : f32 to vector<16xf32>
        %select_n3A_1937 = arith.select %eq3A_1932, %broadcast_in_dim3A_1935, %broadcast_in_dim3A_1936 : vector<16xi1>, vector<16xf32>
        %add3A_1938 = arith.addf %add3A_1931, %select_n3A_1937 : vector<16xf32>
        %eq3A_1939 = arith.cmpi eq, %gather3A_60, %gather3A_75 : vector<16xi32>
        %jit3A_1940 = arith.constant 1.000000e+00 : f32
        %jit3A_1941 = arith.constant 0.000000e+00 : f32
        %broadcast_in_dim3A_1942 = vector.broadcast %jit3A_1940 : f32 to vector<16xf32>
        %broadcast_in_dim3A_1943 = vector.broadcast %jit3A_1941 : f32 to vector<16xf32>
        %select_n3A_1944 = arith.select %eq3A_1939, %broadcast_in_dim3A_1942, %broadcast_in_dim3A_1943 : vector<16xi1>, vector<16xf32>
        %add3A_1945 = arith.addf %add3A_1938, %select_n3A_1944 : vector<16xf32>
        %eq3A_1946 = arith.cmpi eq, %gather3A_60, %gather3A_78 : vector<16xi32>
        %jit3A_1947 = arith.constant 1.000000e+00 : f32
        %jit3A_1948 = arith.constant 0.000000e+00 : f32
        %broadcast_in_dim3A_1949 = vector.broadcast %jit3A_1947 : f32 to vector<16xf32>
        %broadcast_in_dim3A_1950 = vector.broadcast %jit3A_1948 : f32 to vector<16xf32>
        %select_n3A_1951 = arith.select %eq3A_1946, %broadcast_in_dim3A_1949, %broadcast_in_dim3A_1950 : vector<16xi1>, vector<16xf32>
        %add3A_1952 = arith.addf %add3A_1945, %select_n3A_1951 : vector<16xf32>
        %eq3A_1953 = arith.cmpi eq, %gather3A_60, %gather3A_81 : vector<16xi32>
        %jit3A_1954 = arith.constant 1.000000e+00 : f32
        %jit3A_1955 = arith.constant 0.000000e+00 : f32
        %broadcast_in_dim3A_1956 = vector.broadcast %jit3A_1954 : f32 to vector<16xf32>
        %broadcast_in_dim3A_1957 = vector.broadcast %jit3A_1955 : f32 to vector<16xf32>
        %select_n3A_1958 = arith.select %eq3A_1953, %broadcast_in_dim3A_1956, %broadcast_in_dim3A_1957 : vector<16xi1>, vector<16xf32>
        %add3A_1959 = arith.addf %add3A_1952, %select_n3A_1958 : vector<16xf32>
        %div3A_1960 = arith.constant 1.000000e+00 : f32
        %div3A_1961 = vector.broadcast %div3A_1960 : f32 to vector<16xf32>
        %div3A_1962 = arith.divf %div3A_1961, %add3A_1959 : vector<16xf32>
        %broadcast_in_dim3A_1963 = arith.constant 0.000000e+00 : f32
        %broadcast_in_dim3A_1964 = vector.broadcast %broadcast_in_dim3A_1963 : f32 to vector<16xf32>
        %eq3A_1965 = arith.cmpi eq, %gather3A_63, %gather3A : vector<16xi32>
        %jit3A_1966 = arith.constant 1.000000e+00 : f32
        %jit3A_1967 = arith.constant 0.000000e+00 : f32
        %broadcast_in_dim3A_1968 = vector.broadcast %jit3A_1966 : f32 to vector<16xf32>
        %broadcast_in_dim3A_1969 = vector.broadcast %jit3A_1967 : f32 to vector<16xf32>
        %select_n3A_1970 = arith.select %eq3A_1965, %broadcast_in_dim3A_1968, %broadcast_in_dim3A_1969 : vector<16xi1>, vector<16xf32>
        %add3A_1971 = arith.addf %broadcast_in_dim3A_1964, %select_n3A_1970 : vector<16xf32>
        %eq3A_1972 = arith.cmpi eq, %gather3A_63, %gather3A_27 : vector<16xi32>
        %jit3A_1973 = arith.constant 1.000000e+00 : f32
        %jit3A_1974 = arith.constant 0.000000e+00 : f32
        %broadcast_in_dim3A_1975 = vector.broadcast %jit3A_1973 : f32 to vector<16xf32>
        %broadcast_in_dim3A_1976 = vector.broadcast %jit3A_1974 : f32 to vector<16xf32>
        %select_n3A_1977 = arith.select %eq3A_1972, %broadcast_in_dim3A_1975, %broadcast_in_dim3A_1976 : vector<16xi1>, vector<16xf32>
        %add3A_1978 = arith.addf %add3A_1971, %select_n3A_1977 : vector<16xf32>
        %eq3A_1979 = arith.cmpi eq, %gather3A_63, %gather3A_30 : vector<16xi32>
        %jit3A_1980 = arith.constant 1.000000e+00 : f32
        %jit3A_1981 = arith.constant 0.000000e+00 : f32
        %broadcast_in_dim3A_1982 = vector.broadcast %jit3A_1980 : f32 to vector<16xf32>
        %broadcast_in_dim3A_1983 = vector.broadcast %jit3A_1981 : f32 to vector<16xf32>
        %select_n3A_1984 = arith.select %eq3A_1979, %broadcast_in_dim3A_1982, %broadcast_in_dim3A_1983 : vector<16xi1>, vector<16xf32>
        %add3A_1985 = arith.addf %add3A_1978, %select_n3A_1984 : vector<16xf32>
        %eq3A_1986 = arith.cmpi eq, %gather3A_63, %gather3A_33 : vector<16xi32>
        %jit3A_1987 = arith.constant 1.000000e+00 : f32
        %jit3A_1988 = arith.constant 0.000000e+00 : f32
        %broadcast_in_dim3A_1989 = vector.broadcast %jit3A_1987 : f32 to vector<16xf32>
        %broadcast_in_dim3A_1990 = vector.broadcast %jit3A_1988 : f32 to vector<16xf32>
        %select_n3A_1991 = arith.select %eq3A_1986, %broadcast_in_dim3A_1989, %broadcast_in_dim3A_1990 : vector<16xi1>, vector<16xf32>
        %add3A_1992 = arith.addf %add3A_1985, %select_n3A_1991 : vector<16xf32>
        %eq3A_1993 = arith.cmpi eq, %gather3A_63, %gather3A_36 : vector<16xi32>
        %jit3A_1994 = arith.constant 1.000000e+00 : f32
        %jit3A_1995 = arith.constant 0.000000e+00 : f32
        %broadcast_in_dim3A_1996 = vector.broadcast %jit3A_1994 : f32 to vector<16xf32>
        %broadcast_in_dim3A_1997 = vector.broadcast %jit3A_1995 : f32 to vector<16xf32>
        %select_n3A_1998 = arith.select %eq3A_1993, %broadcast_in_dim3A_1996, %broadcast_in_dim3A_1997 : vector<16xi1>, vector<16xf32>
        %add3A_1999 = arith.addf %add3A_1992, %select_n3A_1998 : vector<16xf32>
        %eq3A_2000 = arith.cmpi eq, %gather3A_63, %gather3A_39 : vector<16xi32>
        %jit3A_2001 = arith.constant 1.000000e+00 : f32
        %jit3A_2002 = arith.constant 0.000000e+00 : f32
        %broadcast_in_dim3A_2003 = vector.broadcast %jit3A_2001 : f32 to vector<16xf32>
        %broadcast_in_dim3A_2004 = vector.broadcast %jit3A_2002 : f32 to vector<16xf32>
        %select_n3A_2005 = arith.select %eq3A_2000, %broadcast_in_dim3A_2003, %broadcast_in_dim3A_2004 : vector<16xi1>, vector<16xf32>
        %add3A_2006 = arith.addf %add3A_1999, %select_n3A_2005 : vector<16xf32>
        %eq3A_2007 = arith.cmpi eq, %gather3A_63, %gather3A_42 : vector<16xi32>
        %jit3A_2008 = arith.constant 1.000000e+00 : f32
        %jit3A_2009 = arith.constant 0.000000e+00 : f32
        %broadcast_in_dim3A_2010 = vector.broadcast %jit3A_2008 : f32 to vector<16xf32>
        %broadcast_in_dim3A_2011 = vector.broadcast %jit3A_2009 : f32 to vector<16xf32>
        %select_n3A_2012 = arith.select %eq3A_2007, %broadcast_in_dim3A_2010, %broadcast_in_dim3A_2011 : vector<16xi1>, vector<16xf32>
        %add3A_2013 = arith.addf %add3A_2006, %select_n3A_2012 : vector<16xf32>
        %eq3A_2014 = arith.cmpi eq, %gather3A_63, %gather3A_45 : vector<16xi32>
        %jit3A_2015 = arith.constant 1.000000e+00 : f32
        %jit3A_2016 = arith.constant 0.000000e+00 : f32
        %broadcast_in_dim3A_2017 = vector.broadcast %jit3A_2015 : f32 to vector<16xf32>
        %broadcast_in_dim3A_2018 = vector.broadcast %jit3A_2016 : f32 to vector<16xf32>
        %select_n3A_2019 = arith.select %eq3A_2014, %broadcast_in_dim3A_2017, %broadcast_in_dim3A_2018 : vector<16xi1>, vector<16xf32>
        %add3A_2020 = arith.addf %add3A_2013, %select_n3A_2019 : vector<16xf32>
        %eq3A_2021 = arith.cmpi eq, %gather3A_63, %gather3A_48 : vector<16xi32>
        %jit3A_2022 = arith.constant 1.000000e+00 : f32
        %jit3A_2023 = arith.constant 0.000000e+00 : f32
        %broadcast_in_dim3A_2024 = vector.broadcast %jit3A_2022 : f32 to vector<16xf32>
        %broadcast_in_dim3A_2025 = vector.broadcast %jit3A_2023 : f32 to vector<16xf32>
        %select_n3A_2026 = arith.select %eq3A_2021, %broadcast_in_dim3A_2024, %broadcast_in_dim3A_2025 : vector<16xi1>, vector<16xf32>
        %add3A_2027 = arith.addf %add3A_2020, %select_n3A_2026 : vector<16xf32>
        %eq3A_2028 = arith.cmpi eq, %gather3A_63, %gather3A_51 : vector<16xi32>
        %jit3A_2029 = arith.constant 1.000000e+00 : f32
        %jit3A_2030 = arith.constant 0.000000e+00 : f32
        %broadcast_in_dim3A_2031 = vector.broadcast %jit3A_2029 : f32 to vector<16xf32>
        %broadcast_in_dim3A_2032 = vector.broadcast %jit3A_2030 : f32 to vector<16xf32>
        %select_n3A_2033 = arith.select %eq3A_2028, %broadcast_in_dim3A_2031, %broadcast_in_dim3A_2032 : vector<16xi1>, vector<16xf32>
        %add3A_2034 = arith.addf %add3A_2027, %select_n3A_2033 : vector<16xf32>
        %eq3A_2035 = arith.cmpi eq, %gather3A_63, %gather3A_54 : vector<16xi32>
        %jit3A_2036 = arith.constant 1.000000e+00 : f32
        %jit3A_2037 = arith.constant 0.000000e+00 : f32
        %broadcast_in_dim3A_2038 = vector.broadcast %jit3A_2036 : f32 to vector<16xf32>
        %broadcast_in_dim3A_2039 = vector.broadcast %jit3A_2037 : f32 to vector<16xf32>
        %select_n3A_2040 = arith.select %eq3A_2035, %broadcast_in_dim3A_2038, %broadcast_in_dim3A_2039 : vector<16xi1>, vector<16xf32>
        %add3A_2041 = arith.addf %add3A_2034, %select_n3A_2040 : vector<16xf32>
        %eq3A_2042 = arith.cmpi eq, %gather3A_63, %gather3A_57 : vector<16xi32>
        %jit3A_2043 = arith.constant 1.000000e+00 : f32
        %jit3A_2044 = arith.constant 0.000000e+00 : f32
        %broadcast_in_dim3A_2045 = vector.broadcast %jit3A_2043 : f32 to vector<16xf32>
        %broadcast_in_dim3A_2046 = vector.broadcast %jit3A_2044 : f32 to vector<16xf32>
        %select_n3A_2047 = arith.select %eq3A_2042, %broadcast_in_dim3A_2045, %broadcast_in_dim3A_2046 : vector<16xi1>, vector<16xf32>
        %add3A_2048 = arith.addf %add3A_2041, %select_n3A_2047 : vector<16xf32>
        %eq3A_2049 = arith.cmpi eq, %gather3A_63, %gather3A_60 : vector<16xi32>
        %jit3A_2050 = arith.constant 1.000000e+00 : f32
        %jit3A_2051 = arith.constant 0.000000e+00 : f32
        %broadcast_in_dim3A_2052 = vector.broadcast %jit3A_2050 : f32 to vector<16xf32>
        %broadcast_in_dim3A_2053 = vector.broadcast %jit3A_2051 : f32 to vector<16xf32>
        %select_n3A_2054 = arith.select %eq3A_2049, %broadcast_in_dim3A_2052, %broadcast_in_dim3A_2053 : vector<16xi1>, vector<16xf32>
        %add3A_2055 = arith.addf %add3A_2048, %select_n3A_2054 : vector<16xf32>
        %eq3A_2056 = arith.cmpi eq, %gather3A_63, %gather3A_63 : vector<16xi32>
        %jit3A_2057 = arith.constant 1.000000e+00 : f32
        %jit3A_2058 = arith.constant 0.000000e+00 : f32
        %broadcast_in_dim3A_2059 = vector.broadcast %jit3A_2057 : f32 to vector<16xf32>
        %broadcast_in_dim3A_2060 = vector.broadcast %jit3A_2058 : f32 to vector<16xf32>
        %select_n3A_2061 = arith.select %eq3A_2056, %broadcast_in_dim3A_2059, %broadcast_in_dim3A_2060 : vector<16xi1>, vector<16xf32>
        %add3A_2062 = arith.addf %add3A_2055, %select_n3A_2061 : vector<16xf32>
        %eq3A_2063 = arith.cmpi eq, %gather3A_63, %gather3A_66 : vector<16xi32>
        %jit3A_2064 = arith.constant 1.000000e+00 : f32
        %jit3A_2065 = arith.constant 0.000000e+00 : f32
        %broadcast_in_dim3A_2066 = vector.broadcast %jit3A_2064 : f32 to vector<16xf32>
        %broadcast_in_dim3A_2067 = vector.broadcast %jit3A_2065 : f32 to vector<16xf32>
        %select_n3A_2068 = arith.select %eq3A_2063, %broadcast_in_dim3A_2066, %broadcast_in_dim3A_2067 : vector<16xi1>, vector<16xf32>
        %add3A_2069 = arith.addf %add3A_2062, %select_n3A_2068 : vector<16xf32>
        %eq3A_2070 = arith.cmpi eq, %gather3A_63, %gather3A_69 : vector<16xi32>
        %jit3A_2071 = arith.constant 1.000000e+00 : f32
        %jit3A_2072 = arith.constant 0.000000e+00 : f32
        %broadcast_in_dim3A_2073 = vector.broadcast %jit3A_2071 : f32 to vector<16xf32>
        %broadcast_in_dim3A_2074 = vector.broadcast %jit3A_2072 : f32 to vector<16xf32>
        %select_n3A_2075 = arith.select %eq3A_2070, %broadcast_in_dim3A_2073, %broadcast_in_dim3A_2074 : vector<16xi1>, vector<16xf32>
        %add3A_2076 = arith.addf %add3A_2069, %select_n3A_2075 : vector<16xf32>
        %eq3A_2077 = arith.cmpi eq, %gather3A_63, %gather3A_72 : vector<16xi32>
        %jit3A_2078 = arith.constant 1.000000e+00 : f32
        %jit3A_2079 = arith.constant 0.000000e+00 : f32
        %broadcast_in_dim3A_2080 = vector.broadcast %jit3A_2078 : f32 to vector<16xf32>
        %broadcast_in_dim3A_2081 = vector.broadcast %jit3A_2079 : f32 to vector<16xf32>
        %select_n3A_2082 = arith.select %eq3A_2077, %broadcast_in_dim3A_2080, %broadcast_in_dim3A_2081 : vector<16xi1>, vector<16xf32>
        %add3A_2083 = arith.addf %add3A_2076, %select_n3A_2082 : vector<16xf32>
        %eq3A_2084 = arith.cmpi eq, %gather3A_63, %gather3A_75 : vector<16xi32>
        %jit3A_2085 = arith.constant 1.000000e+00 : f32
        %jit3A_2086 = arith.constant 0.000000e+00 : f32
        %broadcast_in_dim3A_2087 = vector.broadcast %jit3A_2085 : f32 to vector<16xf32>
        %broadcast_in_dim3A_2088 = vector.broadcast %jit3A_2086 : f32 to vector<16xf32>
        %select_n3A_2089 = arith.select %eq3A_2084, %broadcast_in_dim3A_2087, %broadcast_in_dim3A_2088 : vector<16xi1>, vector<16xf32>
        %add3A_2090 = arith.addf %add3A_2083, %select_n3A_2089 : vector<16xf32>
        %eq3A_2091 = arith.cmpi eq, %gather3A_63, %gather3A_78 : vector<16xi32>
        %jit3A_2092 = arith.constant 1.000000e+00 : f32
        %jit3A_2093 = arith.constant 0.000000e+00 : f32
        %broadcast_in_dim3A_2094 = vector.broadcast %jit3A_2092 : f32 to vector<16xf32>
        %broadcast_in_dim3A_2095 = vector.broadcast %jit3A_2093 : f32 to vector<16xf32>
        %select_n3A_2096 = arith.select %eq3A_2091, %broadcast_in_dim3A_2094, %broadcast_in_dim3A_2095 : vector<16xi1>, vector<16xf32>
        %add3A_2097 = arith.addf %add3A_2090, %select_n3A_2096 : vector<16xf32>
        %eq3A_2098 = arith.cmpi eq, %gather3A_63, %gather3A_81 : vector<16xi32>
        %jit3A_2099 = arith.constant 1.000000e+00 : f32
        %jit3A_2100 = arith.constant 0.000000e+00 : f32
        %broadcast_in_dim3A_2101 = vector.broadcast %jit3A_2099 : f32 to vector<16xf32>
        %broadcast_in_dim3A_2102 = vector.broadcast %jit3A_2100 : f32 to vector<16xf32>
        %select_n3A_2103 = arith.select %eq3A_2098, %broadcast_in_dim3A_2101, %broadcast_in_dim3A_2102 : vector<16xi1>, vector<16xf32>
        %add3A_2104 = arith.addf %add3A_2097, %select_n3A_2103 : vector<16xf32>
        %div3A_2105 = arith.constant 1.000000e+00 : f32
        %div3A_2106 = vector.broadcast %div3A_2105 : f32 to vector<16xf32>
        %div3A_2107 = arith.divf %div3A_2106, %add3A_2104 : vector<16xf32>
        %broadcast_in_dim3A_2108 = arith.constant 0.000000e+00 : f32
        %broadcast_in_dim3A_2109 = vector.broadcast %broadcast_in_dim3A_2108 : f32 to vector<16xf32>
        %eq3A_2110 = arith.cmpi eq, %gather3A_66, %gather3A : vector<16xi32>
        %jit3A_2111 = arith.constant 1.000000e+00 : f32
        %jit3A_2112 = arith.constant 0.000000e+00 : f32
        %broadcast_in_dim3A_2113 = vector.broadcast %jit3A_2111 : f32 to vector<16xf32>
        %broadcast_in_dim3A_2114 = vector.broadcast %jit3A_2112 : f32 to vector<16xf32>
        %select_n3A_2115 = arith.select %eq3A_2110, %broadcast_in_dim3A_2113, %broadcast_in_dim3A_2114 : vector<16xi1>, vector<16xf32>
        %add3A_2116 = arith.addf %broadcast_in_dim3A_2109, %select_n3A_2115 : vector<16xf32>
        %eq3A_2117 = arith.cmpi eq, %gather3A_66, %gather3A_27 : vector<16xi32>
        %jit3A_2118 = arith.constant 1.000000e+00 : f32
        %jit3A_2119 = arith.constant 0.000000e+00 : f32
        %broadcast_in_dim3A_2120 = vector.broadcast %jit3A_2118 : f32 to vector<16xf32>
        %broadcast_in_dim3A_2121 = vector.broadcast %jit3A_2119 : f32 to vector<16xf32>
        %select_n3A_2122 = arith.select %eq3A_2117, %broadcast_in_dim3A_2120, %broadcast_in_dim3A_2121 : vector<16xi1>, vector<16xf32>
        %add3A_2123 = arith.addf %add3A_2116, %select_n3A_2122 : vector<16xf32>
        %eq3A_2124 = arith.cmpi eq, %gather3A_66, %gather3A_30 : vector<16xi32>
        %jit3A_2125 = arith.constant 1.000000e+00 : f32
        %jit3A_2126 = arith.constant 0.000000e+00 : f32
        %broadcast_in_dim3A_2127 = vector.broadcast %jit3A_2125 : f32 to vector<16xf32>
        %broadcast_in_dim3A_2128 = vector.broadcast %jit3A_2126 : f32 to vector<16xf32>
        %select_n3A_2129 = arith.select %eq3A_2124, %broadcast_in_dim3A_2127, %broadcast_in_dim3A_2128 : vector<16xi1>, vector<16xf32>
        %add3A_2130 = arith.addf %add3A_2123, %select_n3A_2129 : vector<16xf32>
        %eq3A_2131 = arith.cmpi eq, %gather3A_66, %gather3A_33 : vector<16xi32>
        %jit3A_2132 = arith.constant 1.000000e+00 : f32
        %jit3A_2133 = arith.constant 0.000000e+00 : f32
        %broadcast_in_dim3A_2134 = vector.broadcast %jit3A_2132 : f32 to vector<16xf32>
        %broadcast_in_dim3A_2135 = vector.broadcast %jit3A_2133 : f32 to vector<16xf32>
        %select_n3A_2136 = arith.select %eq3A_2131, %broadcast_in_dim3A_2134, %broadcast_in_dim3A_2135 : vector<16xi1>, vector<16xf32>
        %add3A_2137 = arith.addf %add3A_2130, %select_n3A_2136 : vector<16xf32>
        %eq3A_2138 = arith.cmpi eq, %gather3A_66, %gather3A_36 : vector<16xi32>
        %jit3A_2139 = arith.constant 1.000000e+00 : f32
        %jit3A_2140 = arith.constant 0.000000e+00 : f32
        %broadcast_in_dim3A_2141 = vector.broadcast %jit3A_2139 : f32 to vector<16xf32>
        %broadcast_in_dim3A_2142 = vector.broadcast %jit3A_2140 : f32 to vector<16xf32>
        %select_n3A_2143 = arith.select %eq3A_2138, %broadcast_in_dim3A_2141, %broadcast_in_dim3A_2142 : vector<16xi1>, vector<16xf32>
        %add3A_2144 = arith.addf %add3A_2137, %select_n3A_2143 : vector<16xf32>
        %eq3A_2145 = arith.cmpi eq, %gather3A_66, %gather3A_39 : vector<16xi32>
        %jit3A_2146 = arith.constant 1.000000e+00 : f32
        %jit3A_2147 = arith.constant 0.000000e+00 : f32
        %broadcast_in_dim3A_2148 = vector.broadcast %jit3A_2146 : f32 to vector<16xf32>
        %broadcast_in_dim3A_2149 = vector.broadcast %jit3A_2147 : f32 to vector<16xf32>
        %select_n3A_2150 = arith.select %eq3A_2145, %broadcast_in_dim3A_2148, %broadcast_in_dim3A_2149 : vector<16xi1>, vector<16xf32>
        %add3A_2151 = arith.addf %add3A_2144, %select_n3A_2150 : vector<16xf32>
        %eq3A_2152 = arith.cmpi eq, %gather3A_66, %gather3A_42 : vector<16xi32>
        %jit3A_2153 = arith.constant 1.000000e+00 : f32
        %jit3A_2154 = arith.constant 0.000000e+00 : f32
        %broadcast_in_dim3A_2155 = vector.broadcast %jit3A_2153 : f32 to vector<16xf32>
        %broadcast_in_dim3A_2156 = vector.broadcast %jit3A_2154 : f32 to vector<16xf32>
        %select_n3A_2157 = arith.select %eq3A_2152, %broadcast_in_dim3A_2155, %broadcast_in_dim3A_2156 : vector<16xi1>, vector<16xf32>
        %add3A_2158 = arith.addf %add3A_2151, %select_n3A_2157 : vector<16xf32>
        %eq3A_2159 = arith.cmpi eq, %gather3A_66, %gather3A_45 : vector<16xi32>
        %jit3A_2160 = arith.constant 1.000000e+00 : f32
        %jit3A_2161 = arith.constant 0.000000e+00 : f32
        %broadcast_in_dim3A_2162 = vector.broadcast %jit3A_2160 : f32 to vector<16xf32>
        %broadcast_in_dim3A_2163 = vector.broadcast %jit3A_2161 : f32 to vector<16xf32>
        %select_n3A_2164 = arith.select %eq3A_2159, %broadcast_in_dim3A_2162, %broadcast_in_dim3A_2163 : vector<16xi1>, vector<16xf32>
        %add3A_2165 = arith.addf %add3A_2158, %select_n3A_2164 : vector<16xf32>
        %eq3A_2166 = arith.cmpi eq, %gather3A_66, %gather3A_48 : vector<16xi32>
        %jit3A_2167 = arith.constant 1.000000e+00 : f32
        %jit3A_2168 = arith.constant 0.000000e+00 : f32
        %broadcast_in_dim3A_2169 = vector.broadcast %jit3A_2167 : f32 to vector<16xf32>
        %broadcast_in_dim3A_2170 = vector.broadcast %jit3A_2168 : f32 to vector<16xf32>
        %select_n3A_2171 = arith.select %eq3A_2166, %broadcast_in_dim3A_2169, %broadcast_in_dim3A_2170 : vector<16xi1>, vector<16xf32>
        %add3A_2172 = arith.addf %add3A_2165, %select_n3A_2171 : vector<16xf32>
        %eq3A_2173 = arith.cmpi eq, %gather3A_66, %gather3A_51 : vector<16xi32>
        %jit3A_2174 = arith.constant 1.000000e+00 : f32
        %jit3A_2175 = arith.constant 0.000000e+00 : f32
        %broadcast_in_dim3A_2176 = vector.broadcast %jit3A_2174 : f32 to vector<16xf32>
        %broadcast_in_dim3A_2177 = vector.broadcast %jit3A_2175 : f32 to vector<16xf32>
        %select_n3A_2178 = arith.select %eq3A_2173, %broadcast_in_dim3A_2176, %broadcast_in_dim3A_2177 : vector<16xi1>, vector<16xf32>
        %add3A_2179 = arith.addf %add3A_2172, %select_n3A_2178 : vector<16xf32>
        %eq3A_2180 = arith.cmpi eq, %gather3A_66, %gather3A_54 : vector<16xi32>
        %jit3A_2181 = arith.constant 1.000000e+00 : f32
        %jit3A_2182 = arith.constant 0.000000e+00 : f32
        %broadcast_in_dim3A_2183 = vector.broadcast %jit3A_2181 : f32 to vector<16xf32>
        %broadcast_in_dim3A_2184 = vector.broadcast %jit3A_2182 : f32 to vector<16xf32>
        %select_n3A_2185 = arith.select %eq3A_2180, %broadcast_in_dim3A_2183, %broadcast_in_dim3A_2184 : vector<16xi1>, vector<16xf32>
        %add3A_2186 = arith.addf %add3A_2179, %select_n3A_2185 : vector<16xf32>
        %eq3A_2187 = arith.cmpi eq, %gather3A_66, %gather3A_57 : vector<16xi32>
        %jit3A_2188 = arith.constant 1.000000e+00 : f32
        %jit3A_2189 = arith.constant 0.000000e+00 : f32
        %broadcast_in_dim3A_2190 = vector.broadcast %jit3A_2188 : f32 to vector<16xf32>
        %broadcast_in_dim3A_2191 = vector.broadcast %jit3A_2189 : f32 to vector<16xf32>
        %select_n3A_2192 = arith.select %eq3A_2187, %broadcast_in_dim3A_2190, %broadcast_in_dim3A_2191 : vector<16xi1>, vector<16xf32>
        %add3A_2193 = arith.addf %add3A_2186, %select_n3A_2192 : vector<16xf32>
        %eq3A_2194 = arith.cmpi eq, %gather3A_66, %gather3A_60 : vector<16xi32>
        %jit3A_2195 = arith.constant 1.000000e+00 : f32
        %jit3A_2196 = arith.constant 0.000000e+00 : f32
        %broadcast_in_dim3A_2197 = vector.broadcast %jit3A_2195 : f32 to vector<16xf32>
        %broadcast_in_dim3A_2198 = vector.broadcast %jit3A_2196 : f32 to vector<16xf32>
        %select_n3A_2199 = arith.select %eq3A_2194, %broadcast_in_dim3A_2197, %broadcast_in_dim3A_2198 : vector<16xi1>, vector<16xf32>
        %add3A_2200 = arith.addf %add3A_2193, %select_n3A_2199 : vector<16xf32>
        %eq3A_2201 = arith.cmpi eq, %gather3A_66, %gather3A_63 : vector<16xi32>
        %jit3A_2202 = arith.constant 1.000000e+00 : f32
        %jit3A_2203 = arith.constant 0.000000e+00 : f32
        %broadcast_in_dim3A_2204 = vector.broadcast %jit3A_2202 : f32 to vector<16xf32>
        %broadcast_in_dim3A_2205 = vector.broadcast %jit3A_2203 : f32 to vector<16xf32>
        %select_n3A_2206 = arith.select %eq3A_2201, %broadcast_in_dim3A_2204, %broadcast_in_dim3A_2205 : vector<16xi1>, vector<16xf32>
        %add3A_2207 = arith.addf %add3A_2200, %select_n3A_2206 : vector<16xf32>
        %eq3A_2208 = arith.cmpi eq, %gather3A_66, %gather3A_66 : vector<16xi32>
        %jit3A_2209 = arith.constant 1.000000e+00 : f32
        %jit3A_2210 = arith.constant 0.000000e+00 : f32
        %broadcast_in_dim3A_2211 = vector.broadcast %jit3A_2209 : f32 to vector<16xf32>
        %broadcast_in_dim3A_2212 = vector.broadcast %jit3A_2210 : f32 to vector<16xf32>
        %select_n3A_2213 = arith.select %eq3A_2208, %broadcast_in_dim3A_2211, %broadcast_in_dim3A_2212 : vector<16xi1>, vector<16xf32>
        %add3A_2214 = arith.addf %add3A_2207, %select_n3A_2213 : vector<16xf32>
        %eq3A_2215 = arith.cmpi eq, %gather3A_66, %gather3A_69 : vector<16xi32>
        %jit3A_2216 = arith.constant 1.000000e+00 : f32
        %jit3A_2217 = arith.constant 0.000000e+00 : f32
        %broadcast_in_dim3A_2218 = vector.broadcast %jit3A_2216 : f32 to vector<16xf32>
        %broadcast_in_dim3A_2219 = vector.broadcast %jit3A_2217 : f32 to vector<16xf32>
        %select_n3A_2220 = arith.select %eq3A_2215, %broadcast_in_dim3A_2218, %broadcast_in_dim3A_2219 : vector<16xi1>, vector<16xf32>
        %add3A_2221 = arith.addf %add3A_2214, %select_n3A_2220 : vector<16xf32>
        %eq3A_2222 = arith.cmpi eq, %gather3A_66, %gather3A_72 : vector<16xi32>
        %jit3A_2223 = arith.constant 1.000000e+00 : f32
        %jit3A_2224 = arith.constant 0.000000e+00 : f32
        %broadcast_in_dim3A_2225 = vector.broadcast %jit3A_2223 : f32 to vector<16xf32>
        %broadcast_in_dim3A_2226 = vector.broadcast %jit3A_2224 : f32 to vector<16xf32>
        %select_n3A_2227 = arith.select %eq3A_2222, %broadcast_in_dim3A_2225, %broadcast_in_dim3A_2226 : vector<16xi1>, vector<16xf32>
        %add3A_2228 = arith.addf %add3A_2221, %select_n3A_2227 : vector<16xf32>
        %eq3A_2229 = arith.cmpi eq, %gather3A_66, %gather3A_75 : vector<16xi32>
        %jit3A_2230 = arith.constant 1.000000e+00 : f32
        %jit3A_2231 = arith.constant 0.000000e+00 : f32
        %broadcast_in_dim3A_2232 = vector.broadcast %jit3A_2230 : f32 to vector<16xf32>
        %broadcast_in_dim3A_2233 = vector.broadcast %jit3A_2231 : f32 to vector<16xf32>
        %select_n3A_2234 = arith.select %eq3A_2229, %broadcast_in_dim3A_2232, %broadcast_in_dim3A_2233 : vector<16xi1>, vector<16xf32>
        %add3A_2235 = arith.addf %add3A_2228, %select_n3A_2234 : vector<16xf32>
        %eq3A_2236 = arith.cmpi eq, %gather3A_66, %gather3A_78 : vector<16xi32>
        %jit3A_2237 = arith.constant 1.000000e+00 : f32
        %jit3A_2238 = arith.constant 0.000000e+00 : f32
        %broadcast_in_dim3A_2239 = vector.broadcast %jit3A_2237 : f32 to vector<16xf32>
        %broadcast_in_dim3A_2240 = vector.broadcast %jit3A_2238 : f32 to vector<16xf32>
        %select_n3A_2241 = arith.select %eq3A_2236, %broadcast_in_dim3A_2239, %broadcast_in_dim3A_2240 : vector<16xi1>, vector<16xf32>
        %add3A_2242 = arith.addf %add3A_2235, %select_n3A_2241 : vector<16xf32>
        %eq3A_2243 = arith.cmpi eq, %gather3A_66, %gather3A_81 : vector<16xi32>
        %jit3A_2244 = arith.constant 1.000000e+00 : f32
        %jit3A_2245 = arith.constant 0.000000e+00 : f32
        %broadcast_in_dim3A_2246 = vector.broadcast %jit3A_2244 : f32 to vector<16xf32>
        %broadcast_in_dim3A_2247 = vector.broadcast %jit3A_2245 : f32 to vector<16xf32>
        %select_n3A_2248 = arith.select %eq3A_2243, %broadcast_in_dim3A_2246, %broadcast_in_dim3A_2247 : vector<16xi1>, vector<16xf32>
        %add3A_2249 = arith.addf %add3A_2242, %select_n3A_2248 : vector<16xf32>
        %div3A_2250 = arith.constant 1.000000e+00 : f32
        %div3A_2251 = vector.broadcast %div3A_2250 : f32 to vector<16xf32>
        %div3A_2252 = arith.divf %div3A_2251, %add3A_2249 : vector<16xf32>
        %broadcast_in_dim3A_2253 = arith.constant 0.000000e+00 : f32
        %broadcast_in_dim3A_2254 = vector.broadcast %broadcast_in_dim3A_2253 : f32 to vector<16xf32>
        %eq3A_2255 = arith.cmpi eq, %gather3A_69, %gather3A : vector<16xi32>
        %jit3A_2256 = arith.constant 1.000000e+00 : f32
        %jit3A_2257 = arith.constant 0.000000e+00 : f32
        %broadcast_in_dim3A_2258 = vector.broadcast %jit3A_2256 : f32 to vector<16xf32>
        %broadcast_in_dim3A_2259 = vector.broadcast %jit3A_2257 : f32 to vector<16xf32>
        %select_n3A_2260 = arith.select %eq3A_2255, %broadcast_in_dim3A_2258, %broadcast_in_dim3A_2259 : vector<16xi1>, vector<16xf32>
        %add3A_2261 = arith.addf %broadcast_in_dim3A_2254, %select_n3A_2260 : vector<16xf32>
        %eq3A_2262 = arith.cmpi eq, %gather3A_69, %gather3A_27 : vector<16xi32>
        %jit3A_2263 = arith.constant 1.000000e+00 : f32
        %jit3A_2264 = arith.constant 0.000000e+00 : f32
        %broadcast_in_dim3A_2265 = vector.broadcast %jit3A_2263 : f32 to vector<16xf32>
        %broadcast_in_dim3A_2266 = vector.broadcast %jit3A_2264 : f32 to vector<16xf32>
        %select_n3A_2267 = arith.select %eq3A_2262, %broadcast_in_dim3A_2265, %broadcast_in_dim3A_2266 : vector<16xi1>, vector<16xf32>
        %add3A_2268 = arith.addf %add3A_2261, %select_n3A_2267 : vector<16xf32>
        %eq3A_2269 = arith.cmpi eq, %gather3A_69, %gather3A_30 : vector<16xi32>
        %jit3A_2270 = arith.constant 1.000000e+00 : f32
        %jit3A_2271 = arith.constant 0.000000e+00 : f32
        %broadcast_in_dim3A_2272 = vector.broadcast %jit3A_2270 : f32 to vector<16xf32>
        %broadcast_in_dim3A_2273 = vector.broadcast %jit3A_2271 : f32 to vector<16xf32>
        %select_n3A_2274 = arith.select %eq3A_2269, %broadcast_in_dim3A_2272, %broadcast_in_dim3A_2273 : vector<16xi1>, vector<16xf32>
        %add3A_2275 = arith.addf %add3A_2268, %select_n3A_2274 : vector<16xf32>
        %eq3A_2276 = arith.cmpi eq, %gather3A_69, %gather3A_33 : vector<16xi32>
        %jit3A_2277 = arith.constant 1.000000e+00 : f32
        %jit3A_2278 = arith.constant 0.000000e+00 : f32
        %broadcast_in_dim3A_2279 = vector.broadcast %jit3A_2277 : f32 to vector<16xf32>
        %broadcast_in_dim3A_2280 = vector.broadcast %jit3A_2278 : f32 to vector<16xf32>
        %select_n3A_2281 = arith.select %eq3A_2276, %broadcast_in_dim3A_2279, %broadcast_in_dim3A_2280 : vector<16xi1>, vector<16xf32>
        %add3A_2282 = arith.addf %add3A_2275, %select_n3A_2281 : vector<16xf32>
        %eq3A_2283 = arith.cmpi eq, %gather3A_69, %gather3A_36 : vector<16xi32>
        %jit3A_2284 = arith.constant 1.000000e+00 : f32
        %jit3A_2285 = arith.constant 0.000000e+00 : f32
        %broadcast_in_dim3A_2286 = vector.broadcast %jit3A_2284 : f32 to vector<16xf32>
        %broadcast_in_dim3A_2287 = vector.broadcast %jit3A_2285 : f32 to vector<16xf32>
        %select_n3A_2288 = arith.select %eq3A_2283, %broadcast_in_dim3A_2286, %broadcast_in_dim3A_2287 : vector<16xi1>, vector<16xf32>
        %add3A_2289 = arith.addf %add3A_2282, %select_n3A_2288 : vector<16xf32>
        %eq3A_2290 = arith.cmpi eq, %gather3A_69, %gather3A_39 : vector<16xi32>
        %jit3A_2291 = arith.constant 1.000000e+00 : f32
        %jit3A_2292 = arith.constant 0.000000e+00 : f32
        %broadcast_in_dim3A_2293 = vector.broadcast %jit3A_2291 : f32 to vector<16xf32>
        %broadcast_in_dim3A_2294 = vector.broadcast %jit3A_2292 : f32 to vector<16xf32>
        %select_n3A_2295 = arith.select %eq3A_2290, %broadcast_in_dim3A_2293, %broadcast_in_dim3A_2294 : vector<16xi1>, vector<16xf32>
        %add3A_2296 = arith.addf %add3A_2289, %select_n3A_2295 : vector<16xf32>
        %eq3A_2297 = arith.cmpi eq, %gather3A_69, %gather3A_42 : vector<16xi32>
        %jit3A_2298 = arith.constant 1.000000e+00 : f32
        %jit3A_2299 = arith.constant 0.000000e+00 : f32
        %broadcast_in_dim3A_2300 = vector.broadcast %jit3A_2298 : f32 to vector<16xf32>
        %broadcast_in_dim3A_2301 = vector.broadcast %jit3A_2299 : f32 to vector<16xf32>
        %select_n3A_2302 = arith.select %eq3A_2297, %broadcast_in_dim3A_2300, %broadcast_in_dim3A_2301 : vector<16xi1>, vector<16xf32>
        %add3A_2303 = arith.addf %add3A_2296, %select_n3A_2302 : vector<16xf32>
        %eq3A_2304 = arith.cmpi eq, %gather3A_69, %gather3A_45 : vector<16xi32>
        %jit3A_2305 = arith.constant 1.000000e+00 : f32
        %jit3A_2306 = arith.constant 0.000000e+00 : f32
        %broadcast_in_dim3A_2307 = vector.broadcast %jit3A_2305 : f32 to vector<16xf32>
        %broadcast_in_dim3A_2308 = vector.broadcast %jit3A_2306 : f32 to vector<16xf32>
        %select_n3A_2309 = arith.select %eq3A_2304, %broadcast_in_dim3A_2307, %broadcast_in_dim3A_2308 : vector<16xi1>, vector<16xf32>
        %add3A_2310 = arith.addf %add3A_2303, %select_n3A_2309 : vector<16xf32>
        %eq3A_2311 = arith.cmpi eq, %gather3A_69, %gather3A_48 : vector<16xi32>
        %jit3A_2312 = arith.constant 1.000000e+00 : f32
        %jit3A_2313 = arith.constant 0.000000e+00 : f32
        %broadcast_in_dim3A_2314 = vector.broadcast %jit3A_2312 : f32 to vector<16xf32>
        %broadcast_in_dim3A_2315 = vector.broadcast %jit3A_2313 : f32 to vector<16xf32>
        %select_n3A_2316 = arith.select %eq3A_2311, %broadcast_in_dim3A_2314, %broadcast_in_dim3A_2315 : vector<16xi1>, vector<16xf32>
        %add3A_2317 = arith.addf %add3A_2310, %select_n3A_2316 : vector<16xf32>
        %eq3A_2318 = arith.cmpi eq, %gather3A_69, %gather3A_51 : vector<16xi32>
        %jit3A_2319 = arith.constant 1.000000e+00 : f32
        %jit3A_2320 = arith.constant 0.000000e+00 : f32
        %broadcast_in_dim3A_2321 = vector.broadcast %jit3A_2319 : f32 to vector<16xf32>
        %broadcast_in_dim3A_2322 = vector.broadcast %jit3A_2320 : f32 to vector<16xf32>
        %select_n3A_2323 = arith.select %eq3A_2318, %broadcast_in_dim3A_2321, %broadcast_in_dim3A_2322 : vector<16xi1>, vector<16xf32>
        %add3A_2324 = arith.addf %add3A_2317, %select_n3A_2323 : vector<16xf32>
        %eq3A_2325 = arith.cmpi eq, %gather3A_69, %gather3A_54 : vector<16xi32>
        %jit3A_2326 = arith.constant 1.000000e+00 : f32
        %jit3A_2327 = arith.constant 0.000000e+00 : f32
        %broadcast_in_dim3A_2328 = vector.broadcast %jit3A_2326 : f32 to vector<16xf32>
        %broadcast_in_dim3A_2329 = vector.broadcast %jit3A_2327 : f32 to vector<16xf32>
        %select_n3A_2330 = arith.select %eq3A_2325, %broadcast_in_dim3A_2328, %broadcast_in_dim3A_2329 : vector<16xi1>, vector<16xf32>
        %add3A_2331 = arith.addf %add3A_2324, %select_n3A_2330 : vector<16xf32>
        %eq3A_2332 = arith.cmpi eq, %gather3A_69, %gather3A_57 : vector<16xi32>
        %jit3A_2333 = arith.constant 1.000000e+00 : f32
        %jit3A_2334 = arith.constant 0.000000e+00 : f32
        %broadcast_in_dim3A_2335 = vector.broadcast %jit3A_2333 : f32 to vector<16xf32>
        %broadcast_in_dim3A_2336 = vector.broadcast %jit3A_2334 : f32 to vector<16xf32>
        %select_n3A_2337 = arith.select %eq3A_2332, %broadcast_in_dim3A_2335, %broadcast_in_dim3A_2336 : vector<16xi1>, vector<16xf32>
        %add3A_2338 = arith.addf %add3A_2331, %select_n3A_2337 : vector<16xf32>
        %eq3A_2339 = arith.cmpi eq, %gather3A_69, %gather3A_60 : vector<16xi32>
        %jit3A_2340 = arith.constant 1.000000e+00 : f32
        %jit3A_2341 = arith.constant 0.000000e+00 : f32
        %broadcast_in_dim3A_2342 = vector.broadcast %jit3A_2340 : f32 to vector<16xf32>
        %broadcast_in_dim3A_2343 = vector.broadcast %jit3A_2341 : f32 to vector<16xf32>
        %select_n3A_2344 = arith.select %eq3A_2339, %broadcast_in_dim3A_2342, %broadcast_in_dim3A_2343 : vector<16xi1>, vector<16xf32>
        %add3A_2345 = arith.addf %add3A_2338, %select_n3A_2344 : vector<16xf32>
        %eq3A_2346 = arith.cmpi eq, %gather3A_69, %gather3A_63 : vector<16xi32>
        %jit3A_2347 = arith.constant 1.000000e+00 : f32
        %jit3A_2348 = arith.constant 0.000000e+00 : f32
        %broadcast_in_dim3A_2349 = vector.broadcast %jit3A_2347 : f32 to vector<16xf32>
        %broadcast_in_dim3A_2350 = vector.broadcast %jit3A_2348 : f32 to vector<16xf32>
        %select_n3A_2351 = arith.select %eq3A_2346, %broadcast_in_dim3A_2349, %broadcast_in_dim3A_2350 : vector<16xi1>, vector<16xf32>
        %add3A_2352 = arith.addf %add3A_2345, %select_n3A_2351 : vector<16xf32>
        %eq3A_2353 = arith.cmpi eq, %gather3A_69, %gather3A_66 : vector<16xi32>
        %jit3A_2354 = arith.constant 1.000000e+00 : f32
        %jit3A_2355 = arith.constant 0.000000e+00 : f32
        %broadcast_in_dim3A_2356 = vector.broadcast %jit3A_2354 : f32 to vector<16xf32>
        %broadcast_in_dim3A_2357 = vector.broadcast %jit3A_2355 : f32 to vector<16xf32>
        %select_n3A_2358 = arith.select %eq3A_2353, %broadcast_in_dim3A_2356, %broadcast_in_dim3A_2357 : vector<16xi1>, vector<16xf32>
        %add3A_2359 = arith.addf %add3A_2352, %select_n3A_2358 : vector<16xf32>
        %eq3A_2360 = arith.cmpi eq, %gather3A_69, %gather3A_69 : vector<16xi32>
        %jit3A_2361 = arith.constant 1.000000e+00 : f32
        %jit3A_2362 = arith.constant 0.000000e+00 : f32
        %broadcast_in_dim3A_2363 = vector.broadcast %jit3A_2361 : f32 to vector<16xf32>
        %broadcast_in_dim3A_2364 = vector.broadcast %jit3A_2362 : f32 to vector<16xf32>
        %select_n3A_2365 = arith.select %eq3A_2360, %broadcast_in_dim3A_2363, %broadcast_in_dim3A_2364 : vector<16xi1>, vector<16xf32>
        %add3A_2366 = arith.addf %add3A_2359, %select_n3A_2365 : vector<16xf32>
        %eq3A_2367 = arith.cmpi eq, %gather3A_69, %gather3A_72 : vector<16xi32>
        %jit3A_2368 = arith.constant 1.000000e+00 : f32
        %jit3A_2369 = arith.constant 0.000000e+00 : f32
        %broadcast_in_dim3A_2370 = vector.broadcast %jit3A_2368 : f32 to vector<16xf32>
        %broadcast_in_dim3A_2371 = vector.broadcast %jit3A_2369 : f32 to vector<16xf32>
        %select_n3A_2372 = arith.select %eq3A_2367, %broadcast_in_dim3A_2370, %broadcast_in_dim3A_2371 : vector<16xi1>, vector<16xf32>
        %add3A_2373 = arith.addf %add3A_2366, %select_n3A_2372 : vector<16xf32>
        %eq3A_2374 = arith.cmpi eq, %gather3A_69, %gather3A_75 : vector<16xi32>
        %jit3A_2375 = arith.constant 1.000000e+00 : f32
        %jit3A_2376 = arith.constant 0.000000e+00 : f32
        %broadcast_in_dim3A_2377 = vector.broadcast %jit3A_2375 : f32 to vector<16xf32>
        %broadcast_in_dim3A_2378 = vector.broadcast %jit3A_2376 : f32 to vector<16xf32>
        %select_n3A_2379 = arith.select %eq3A_2374, %broadcast_in_dim3A_2377, %broadcast_in_dim3A_2378 : vector<16xi1>, vector<16xf32>
        %add3A_2380 = arith.addf %add3A_2373, %select_n3A_2379 : vector<16xf32>
        %eq3A_2381 = arith.cmpi eq, %gather3A_69, %gather3A_78 : vector<16xi32>
        %jit3A_2382 = arith.constant 1.000000e+00 : f32
        %jit3A_2383 = arith.constant 0.000000e+00 : f32
        %broadcast_in_dim3A_2384 = vector.broadcast %jit3A_2382 : f32 to vector<16xf32>
        %broadcast_in_dim3A_2385 = vector.broadcast %jit3A_2383 : f32 to vector<16xf32>
        %select_n3A_2386 = arith.select %eq3A_2381, %broadcast_in_dim3A_2384, %broadcast_in_dim3A_2385 : vector<16xi1>, vector<16xf32>
        %add3A_2387 = arith.addf %add3A_2380, %select_n3A_2386 : vector<16xf32>
        %eq3A_2388 = arith.cmpi eq, %gather3A_69, %gather3A_81 : vector<16xi32>
        %jit3A_2389 = arith.constant 1.000000e+00 : f32
        %jit3A_2390 = arith.constant 0.000000e+00 : f32
        %broadcast_in_dim3A_2391 = vector.broadcast %jit3A_2389 : f32 to vector<16xf32>
        %broadcast_in_dim3A_2392 = vector.broadcast %jit3A_2390 : f32 to vector<16xf32>
        %select_n3A_2393 = arith.select %eq3A_2388, %broadcast_in_dim3A_2391, %broadcast_in_dim3A_2392 : vector<16xi1>, vector<16xf32>
        %add3A_2394 = arith.addf %add3A_2387, %select_n3A_2393 : vector<16xf32>
        %div3A_2395 = arith.constant 1.000000e+00 : f32
        %div3A_2396 = vector.broadcast %div3A_2395 : f32 to vector<16xf32>
        %div3A_2397 = arith.divf %div3A_2396, %add3A_2394 : vector<16xf32>
        %broadcast_in_dim3A_2398 = arith.constant 0.000000e+00 : f32
        %broadcast_in_dim3A_2399 = vector.broadcast %broadcast_in_dim3A_2398 : f32 to vector<16xf32>
        %eq3A_2400 = arith.cmpi eq, %gather3A_72, %gather3A : vector<16xi32>
        %jit3A_2401 = arith.constant 1.000000e+00 : f32
        %jit3A_2402 = arith.constant 0.000000e+00 : f32
        %broadcast_in_dim3A_2403 = vector.broadcast %jit3A_2401 : f32 to vector<16xf32>
        %broadcast_in_dim3A_2404 = vector.broadcast %jit3A_2402 : f32 to vector<16xf32>
        %select_n3A_2405 = arith.select %eq3A_2400, %broadcast_in_dim3A_2403, %broadcast_in_dim3A_2404 : vector<16xi1>, vector<16xf32>
        %add3A_2406 = arith.addf %broadcast_in_dim3A_2399, %select_n3A_2405 : vector<16xf32>
        %eq3A_2407 = arith.cmpi eq, %gather3A_72, %gather3A_27 : vector<16xi32>
        %jit3A_2408 = arith.constant 1.000000e+00 : f32
        %jit3A_2409 = arith.constant 0.000000e+00 : f32
        %broadcast_in_dim3A_2410 = vector.broadcast %jit3A_2408 : f32 to vector<16xf32>
        %broadcast_in_dim3A_2411 = vector.broadcast %jit3A_2409 : f32 to vector<16xf32>
        %select_n3A_2412 = arith.select %eq3A_2407, %broadcast_in_dim3A_2410, %broadcast_in_dim3A_2411 : vector<16xi1>, vector<16xf32>
        %add3A_2413 = arith.addf %add3A_2406, %select_n3A_2412 : vector<16xf32>
        %eq3A_2414 = arith.cmpi eq, %gather3A_72, %gather3A_30 : vector<16xi32>
        %jit3A_2415 = arith.constant 1.000000e+00 : f32
        %jit3A_2416 = arith.constant 0.000000e+00 : f32
        %broadcast_in_dim3A_2417 = vector.broadcast %jit3A_2415 : f32 to vector<16xf32>
        %broadcast_in_dim3A_2418 = vector.broadcast %jit3A_2416 : f32 to vector<16xf32>
        %select_n3A_2419 = arith.select %eq3A_2414, %broadcast_in_dim3A_2417, %broadcast_in_dim3A_2418 : vector<16xi1>, vector<16xf32>
        %add3A_2420 = arith.addf %add3A_2413, %select_n3A_2419 : vector<16xf32>
        %eq3A_2421 = arith.cmpi eq, %gather3A_72, %gather3A_33 : vector<16xi32>
        %jit3A_2422 = arith.constant 1.000000e+00 : f32
        %jit3A_2423 = arith.constant 0.000000e+00 : f32
        %broadcast_in_dim3A_2424 = vector.broadcast %jit3A_2422 : f32 to vector<16xf32>
        %broadcast_in_dim3A_2425 = vector.broadcast %jit3A_2423 : f32 to vector<16xf32>
        %select_n3A_2426 = arith.select %eq3A_2421, %broadcast_in_dim3A_2424, %broadcast_in_dim3A_2425 : vector<16xi1>, vector<16xf32>
        %add3A_2427 = arith.addf %add3A_2420, %select_n3A_2426 : vector<16xf32>
        %eq3A_2428 = arith.cmpi eq, %gather3A_72, %gather3A_36 : vector<16xi32>
        %jit3A_2429 = arith.constant 1.000000e+00 : f32
        %jit3A_2430 = arith.constant 0.000000e+00 : f32
        %broadcast_in_dim3A_2431 = vector.broadcast %jit3A_2429 : f32 to vector<16xf32>
        %broadcast_in_dim3A_2432 = vector.broadcast %jit3A_2430 : f32 to vector<16xf32>
        %select_n3A_2433 = arith.select %eq3A_2428, %broadcast_in_dim3A_2431, %broadcast_in_dim3A_2432 : vector<16xi1>, vector<16xf32>
        %add3A_2434 = arith.addf %add3A_2427, %select_n3A_2433 : vector<16xf32>
        %eq3A_2435 = arith.cmpi eq, %gather3A_72, %gather3A_39 : vector<16xi32>
        %jit3A_2436 = arith.constant 1.000000e+00 : f32
        %jit3A_2437 = arith.constant 0.000000e+00 : f32
        %broadcast_in_dim3A_2438 = vector.broadcast %jit3A_2436 : f32 to vector<16xf32>
        %broadcast_in_dim3A_2439 = vector.broadcast %jit3A_2437 : f32 to vector<16xf32>
        %select_n3A_2440 = arith.select %eq3A_2435, %broadcast_in_dim3A_2438, %broadcast_in_dim3A_2439 : vector<16xi1>, vector<16xf32>
        %add3A_2441 = arith.addf %add3A_2434, %select_n3A_2440 : vector<16xf32>
        %eq3A_2442 = arith.cmpi eq, %gather3A_72, %gather3A_42 : vector<16xi32>
        %jit3A_2443 = arith.constant 1.000000e+00 : f32
        %jit3A_2444 = arith.constant 0.000000e+00 : f32
        %broadcast_in_dim3A_2445 = vector.broadcast %jit3A_2443 : f32 to vector<16xf32>
        %broadcast_in_dim3A_2446 = vector.broadcast %jit3A_2444 : f32 to vector<16xf32>
        %select_n3A_2447 = arith.select %eq3A_2442, %broadcast_in_dim3A_2445, %broadcast_in_dim3A_2446 : vector<16xi1>, vector<16xf32>
        %add3A_2448 = arith.addf %add3A_2441, %select_n3A_2447 : vector<16xf32>
        %eq3A_2449 = arith.cmpi eq, %gather3A_72, %gather3A_45 : vector<16xi32>
        %jit3A_2450 = arith.constant 1.000000e+00 : f32
        %jit3A_2451 = arith.constant 0.000000e+00 : f32
        %broadcast_in_dim3A_2452 = vector.broadcast %jit3A_2450 : f32 to vector<16xf32>
        %broadcast_in_dim3A_2453 = vector.broadcast %jit3A_2451 : f32 to vector<16xf32>
        %select_n3A_2454 = arith.select %eq3A_2449, %broadcast_in_dim3A_2452, %broadcast_in_dim3A_2453 : vector<16xi1>, vector<16xf32>
        %add3A_2455 = arith.addf %add3A_2448, %select_n3A_2454 : vector<16xf32>
        %eq3A_2456 = arith.cmpi eq, %gather3A_72, %gather3A_48 : vector<16xi32>
        %jit3A_2457 = arith.constant 1.000000e+00 : f32
        %jit3A_2458 = arith.constant 0.000000e+00 : f32
        %broadcast_in_dim3A_2459 = vector.broadcast %jit3A_2457 : f32 to vector<16xf32>
        %broadcast_in_dim3A_2460 = vector.broadcast %jit3A_2458 : f32 to vector<16xf32>
        %select_n3A_2461 = arith.select %eq3A_2456, %broadcast_in_dim3A_2459, %broadcast_in_dim3A_2460 : vector<16xi1>, vector<16xf32>
        %add3A_2462 = arith.addf %add3A_2455, %select_n3A_2461 : vector<16xf32>
        %eq3A_2463 = arith.cmpi eq, %gather3A_72, %gather3A_51 : vector<16xi32>
        %jit3A_2464 = arith.constant 1.000000e+00 : f32
        %jit3A_2465 = arith.constant 0.000000e+00 : f32
        %broadcast_in_dim3A_2466 = vector.broadcast %jit3A_2464 : f32 to vector<16xf32>
        %broadcast_in_dim3A_2467 = vector.broadcast %jit3A_2465 : f32 to vector<16xf32>
        %select_n3A_2468 = arith.select %eq3A_2463, %broadcast_in_dim3A_2466, %broadcast_in_dim3A_2467 : vector<16xi1>, vector<16xf32>
        %add3A_2469 = arith.addf %add3A_2462, %select_n3A_2468 : vector<16xf32>
        %eq3A_2470 = arith.cmpi eq, %gather3A_72, %gather3A_54 : vector<16xi32>
        %jit3A_2471 = arith.constant 1.000000e+00 : f32
        %jit3A_2472 = arith.constant 0.000000e+00 : f32
        %broadcast_in_dim3A_2473 = vector.broadcast %jit3A_2471 : f32 to vector<16xf32>
        %broadcast_in_dim3A_2474 = vector.broadcast %jit3A_2472 : f32 to vector<16xf32>
        %select_n3A_2475 = arith.select %eq3A_2470, %broadcast_in_dim3A_2473, %broadcast_in_dim3A_2474 : vector<16xi1>, vector<16xf32>
        %add3A_2476 = arith.addf %add3A_2469, %select_n3A_2475 : vector<16xf32>
        %eq3A_2477 = arith.cmpi eq, %gather3A_72, %gather3A_57 : vector<16xi32>
        %jit3A_2478 = arith.constant 1.000000e+00 : f32
        %jit3A_2479 = arith.constant 0.000000e+00 : f32
        %broadcast_in_dim3A_2480 = vector.broadcast %jit3A_2478 : f32 to vector<16xf32>
        %broadcast_in_dim3A_2481 = vector.broadcast %jit3A_2479 : f32 to vector<16xf32>
        %select_n3A_2482 = arith.select %eq3A_2477, %broadcast_in_dim3A_2480, %broadcast_in_dim3A_2481 : vector<16xi1>, vector<16xf32>
        %add3A_2483 = arith.addf %add3A_2476, %select_n3A_2482 : vector<16xf32>
        %eq3A_2484 = arith.cmpi eq, %gather3A_72, %gather3A_60 : vector<16xi32>
        %jit3A_2485 = arith.constant 1.000000e+00 : f32
        %jit3A_2486 = arith.constant 0.000000e+00 : f32
        %broadcast_in_dim3A_2487 = vector.broadcast %jit3A_2485 : f32 to vector<16xf32>
        %broadcast_in_dim3A_2488 = vector.broadcast %jit3A_2486 : f32 to vector<16xf32>
        %select_n3A_2489 = arith.select %eq3A_2484, %broadcast_in_dim3A_2487, %broadcast_in_dim3A_2488 : vector<16xi1>, vector<16xf32>
        %add3A_2490 = arith.addf %add3A_2483, %select_n3A_2489 : vector<16xf32>
        %eq3A_2491 = arith.cmpi eq, %gather3A_72, %gather3A_63 : vector<16xi32>
        %jit3A_2492 = arith.constant 1.000000e+00 : f32
        %jit3A_2493 = arith.constant 0.000000e+00 : f32
        %broadcast_in_dim3A_2494 = vector.broadcast %jit3A_2492 : f32 to vector<16xf32>
        %broadcast_in_dim3A_2495 = vector.broadcast %jit3A_2493 : f32 to vector<16xf32>
        %select_n3A_2496 = arith.select %eq3A_2491, %broadcast_in_dim3A_2494, %broadcast_in_dim3A_2495 : vector<16xi1>, vector<16xf32>
        %add3A_2497 = arith.addf %add3A_2490, %select_n3A_2496 : vector<16xf32>
        %eq3A_2498 = arith.cmpi eq, %gather3A_72, %gather3A_66 : vector<16xi32>
        %jit3A_2499 = arith.constant 1.000000e+00 : f32
        %jit3A_2500 = arith.constant 0.000000e+00 : f32
        %broadcast_in_dim3A_2501 = vector.broadcast %jit3A_2499 : f32 to vector<16xf32>
        %broadcast_in_dim3A_2502 = vector.broadcast %jit3A_2500 : f32 to vector<16xf32>
        %select_n3A_2503 = arith.select %eq3A_2498, %broadcast_in_dim3A_2501, %broadcast_in_dim3A_2502 : vector<16xi1>, vector<16xf32>
        %add3A_2504 = arith.addf %add3A_2497, %select_n3A_2503 : vector<16xf32>
        %eq3A_2505 = arith.cmpi eq, %gather3A_72, %gather3A_69 : vector<16xi32>
        %jit3A_2506 = arith.constant 1.000000e+00 : f32
        %jit3A_2507 = arith.constant 0.000000e+00 : f32
        %broadcast_in_dim3A_2508 = vector.broadcast %jit3A_2506 : f32 to vector<16xf32>
        %broadcast_in_dim3A_2509 = vector.broadcast %jit3A_2507 : f32 to vector<16xf32>
        %select_n3A_2510 = arith.select %eq3A_2505, %broadcast_in_dim3A_2508, %broadcast_in_dim3A_2509 : vector<16xi1>, vector<16xf32>
        %add3A_2511 = arith.addf %add3A_2504, %select_n3A_2510 : vector<16xf32>
        %eq3A_2512 = arith.cmpi eq, %gather3A_72, %gather3A_72 : vector<16xi32>
        %jit3A_2513 = arith.constant 1.000000e+00 : f32
        %jit3A_2514 = arith.constant 0.000000e+00 : f32
        %broadcast_in_dim3A_2515 = vector.broadcast %jit3A_2513 : f32 to vector<16xf32>
        %broadcast_in_dim3A_2516 = vector.broadcast %jit3A_2514 : f32 to vector<16xf32>
        %select_n3A_2517 = arith.select %eq3A_2512, %broadcast_in_dim3A_2515, %broadcast_in_dim3A_2516 : vector<16xi1>, vector<16xf32>
        %add3A_2518 = arith.addf %add3A_2511, %select_n3A_2517 : vector<16xf32>
        %eq3A_2519 = arith.cmpi eq, %gather3A_72, %gather3A_75 : vector<16xi32>
        %jit3A_2520 = arith.constant 1.000000e+00 : f32
        %jit3A_2521 = arith.constant 0.000000e+00 : f32
        %broadcast_in_dim3A_2522 = vector.broadcast %jit3A_2520 : f32 to vector<16xf32>
        %broadcast_in_dim3A_2523 = vector.broadcast %jit3A_2521 : f32 to vector<16xf32>
        %select_n3A_2524 = arith.select %eq3A_2519, %broadcast_in_dim3A_2522, %broadcast_in_dim3A_2523 : vector<16xi1>, vector<16xf32>
        %add3A_2525 = arith.addf %add3A_2518, %select_n3A_2524 : vector<16xf32>
        %eq3A_2526 = arith.cmpi eq, %gather3A_72, %gather3A_78 : vector<16xi32>
        %jit3A_2527 = arith.constant 1.000000e+00 : f32
        %jit3A_2528 = arith.constant 0.000000e+00 : f32
        %broadcast_in_dim3A_2529 = vector.broadcast %jit3A_2527 : f32 to vector<16xf32>
        %broadcast_in_dim3A_2530 = vector.broadcast %jit3A_2528 : f32 to vector<16xf32>
        %select_n3A_2531 = arith.select %eq3A_2526, %broadcast_in_dim3A_2529, %broadcast_in_dim3A_2530 : vector<16xi1>, vector<16xf32>
        %add3A_2532 = arith.addf %add3A_2525, %select_n3A_2531 : vector<16xf32>
        %eq3A_2533 = arith.cmpi eq, %gather3A_72, %gather3A_81 : vector<16xi32>
        %jit3A_2534 = arith.constant 1.000000e+00 : f32
        %jit3A_2535 = arith.constant 0.000000e+00 : f32
        %broadcast_in_dim3A_2536 = vector.broadcast %jit3A_2534 : f32 to vector<16xf32>
        %broadcast_in_dim3A_2537 = vector.broadcast %jit3A_2535 : f32 to vector<16xf32>
        %select_n3A_2538 = arith.select %eq3A_2533, %broadcast_in_dim3A_2536, %broadcast_in_dim3A_2537 : vector<16xi1>, vector<16xf32>
        %add3A_2539 = arith.addf %add3A_2532, %select_n3A_2538 : vector<16xf32>
        %div3A_2540 = arith.constant 1.000000e+00 : f32
        %div3A_2541 = vector.broadcast %div3A_2540 : f32 to vector<16xf32>
        %div3A_2542 = arith.divf %div3A_2541, %add3A_2539 : vector<16xf32>
        %broadcast_in_dim3A_2543 = arith.constant 0.000000e+00 : f32
        %broadcast_in_dim3A_2544 = vector.broadcast %broadcast_in_dim3A_2543 : f32 to vector<16xf32>
        %eq3A_2545 = arith.cmpi eq, %gather3A_75, %gather3A : vector<16xi32>
        %jit3A_2546 = arith.constant 1.000000e+00 : f32
        %jit3A_2547 = arith.constant 0.000000e+00 : f32
        %broadcast_in_dim3A_2548 = vector.broadcast %jit3A_2546 : f32 to vector<16xf32>
        %broadcast_in_dim3A_2549 = vector.broadcast %jit3A_2547 : f32 to vector<16xf32>
        %select_n3A_2550 = arith.select %eq3A_2545, %broadcast_in_dim3A_2548, %broadcast_in_dim3A_2549 : vector<16xi1>, vector<16xf32>
        %add3A_2551 = arith.addf %broadcast_in_dim3A_2544, %select_n3A_2550 : vector<16xf32>
        %eq3A_2552 = arith.cmpi eq, %gather3A_75, %gather3A_27 : vector<16xi32>
        %jit3A_2553 = arith.constant 1.000000e+00 : f32
        %jit3A_2554 = arith.constant 0.000000e+00 : f32
        %broadcast_in_dim3A_2555 = vector.broadcast %jit3A_2553 : f32 to vector<16xf32>
        %broadcast_in_dim3A_2556 = vector.broadcast %jit3A_2554 : f32 to vector<16xf32>
        %select_n3A_2557 = arith.select %eq3A_2552, %broadcast_in_dim3A_2555, %broadcast_in_dim3A_2556 : vector<16xi1>, vector<16xf32>
        %add3A_2558 = arith.addf %add3A_2551, %select_n3A_2557 : vector<16xf32>
        %eq3A_2559 = arith.cmpi eq, %gather3A_75, %gather3A_30 : vector<16xi32>
        %jit3A_2560 = arith.constant 1.000000e+00 : f32
        %jit3A_2561 = arith.constant 0.000000e+00 : f32
        %broadcast_in_dim3A_2562 = vector.broadcast %jit3A_2560 : f32 to vector<16xf32>
        %broadcast_in_dim3A_2563 = vector.broadcast %jit3A_2561 : f32 to vector<16xf32>
        %select_n3A_2564 = arith.select %eq3A_2559, %broadcast_in_dim3A_2562, %broadcast_in_dim3A_2563 : vector<16xi1>, vector<16xf32>
        %add3A_2565 = arith.addf %add3A_2558, %select_n3A_2564 : vector<16xf32>
        %eq3A_2566 = arith.cmpi eq, %gather3A_75, %gather3A_33 : vector<16xi32>
        %jit3A_2567 = arith.constant 1.000000e+00 : f32
        %jit3A_2568 = arith.constant 0.000000e+00 : f32
        %broadcast_in_dim3A_2569 = vector.broadcast %jit3A_2567 : f32 to vector<16xf32>
        %broadcast_in_dim3A_2570 = vector.broadcast %jit3A_2568 : f32 to vector<16xf32>
        %select_n3A_2571 = arith.select %eq3A_2566, %broadcast_in_dim3A_2569, %broadcast_in_dim3A_2570 : vector<16xi1>, vector<16xf32>
        %add3A_2572 = arith.addf %add3A_2565, %select_n3A_2571 : vector<16xf32>
        %eq3A_2573 = arith.cmpi eq, %gather3A_75, %gather3A_36 : vector<16xi32>
        %jit3A_2574 = arith.constant 1.000000e+00 : f32
        %jit3A_2575 = arith.constant 0.000000e+00 : f32
        %broadcast_in_dim3A_2576 = vector.broadcast %jit3A_2574 : f32 to vector<16xf32>
        %broadcast_in_dim3A_2577 = vector.broadcast %jit3A_2575 : f32 to vector<16xf32>
        %select_n3A_2578 = arith.select %eq3A_2573, %broadcast_in_dim3A_2576, %broadcast_in_dim3A_2577 : vector<16xi1>, vector<16xf32>
        %add3A_2579 = arith.addf %add3A_2572, %select_n3A_2578 : vector<16xf32>
        %eq3A_2580 = arith.cmpi eq, %gather3A_75, %gather3A_39 : vector<16xi32>
        %jit3A_2581 = arith.constant 1.000000e+00 : f32
        %jit3A_2582 = arith.constant 0.000000e+00 : f32
        %broadcast_in_dim3A_2583 = vector.broadcast %jit3A_2581 : f32 to vector<16xf32>
        %broadcast_in_dim3A_2584 = vector.broadcast %jit3A_2582 : f32 to vector<16xf32>
        %select_n3A_2585 = arith.select %eq3A_2580, %broadcast_in_dim3A_2583, %broadcast_in_dim3A_2584 : vector<16xi1>, vector<16xf32>
        %add3A_2586 = arith.addf %add3A_2579, %select_n3A_2585 : vector<16xf32>
        %eq3A_2587 = arith.cmpi eq, %gather3A_75, %gather3A_42 : vector<16xi32>
        %jit3A_2588 = arith.constant 1.000000e+00 : f32
        %jit3A_2589 = arith.constant 0.000000e+00 : f32
        %broadcast_in_dim3A_2590 = vector.broadcast %jit3A_2588 : f32 to vector<16xf32>
        %broadcast_in_dim3A_2591 = vector.broadcast %jit3A_2589 : f32 to vector<16xf32>
        %select_n3A_2592 = arith.select %eq3A_2587, %broadcast_in_dim3A_2590, %broadcast_in_dim3A_2591 : vector<16xi1>, vector<16xf32>
        %add3A_2593 = arith.addf %add3A_2586, %select_n3A_2592 : vector<16xf32>
        %eq3A_2594 = arith.cmpi eq, %gather3A_75, %gather3A_45 : vector<16xi32>
        %jit3A_2595 = arith.constant 1.000000e+00 : f32
        %jit3A_2596 = arith.constant 0.000000e+00 : f32
        %broadcast_in_dim3A_2597 = vector.broadcast %jit3A_2595 : f32 to vector<16xf32>
        %broadcast_in_dim3A_2598 = vector.broadcast %jit3A_2596 : f32 to vector<16xf32>
        %select_n3A_2599 = arith.select %eq3A_2594, %broadcast_in_dim3A_2597, %broadcast_in_dim3A_2598 : vector<16xi1>, vector<16xf32>
        %add3A_2600 = arith.addf %add3A_2593, %select_n3A_2599 : vector<16xf32>
        %eq3A_2601 = arith.cmpi eq, %gather3A_75, %gather3A_48 : vector<16xi32>
        %jit3A_2602 = arith.constant 1.000000e+00 : f32
        %jit3A_2603 = arith.constant 0.000000e+00 : f32
        %broadcast_in_dim3A_2604 = vector.broadcast %jit3A_2602 : f32 to vector<16xf32>
        %broadcast_in_dim3A_2605 = vector.broadcast %jit3A_2603 : f32 to vector<16xf32>
        %select_n3A_2606 = arith.select %eq3A_2601, %broadcast_in_dim3A_2604, %broadcast_in_dim3A_2605 : vector<16xi1>, vector<16xf32>
        %add3A_2607 = arith.addf %add3A_2600, %select_n3A_2606 : vector<16xf32>
        %eq3A_2608 = arith.cmpi eq, %gather3A_75, %gather3A_51 : vector<16xi32>
        %jit3A_2609 = arith.constant 1.000000e+00 : f32
        %jit3A_2610 = arith.constant 0.000000e+00 : f32
        %broadcast_in_dim3A_2611 = vector.broadcast %jit3A_2609 : f32 to vector<16xf32>
        %broadcast_in_dim3A_2612 = vector.broadcast %jit3A_2610 : f32 to vector<16xf32>
        %select_n3A_2613 = arith.select %eq3A_2608, %broadcast_in_dim3A_2611, %broadcast_in_dim3A_2612 : vector<16xi1>, vector<16xf32>
        %add3A_2614 = arith.addf %add3A_2607, %select_n3A_2613 : vector<16xf32>
        %eq3A_2615 = arith.cmpi eq, %gather3A_75, %gather3A_54 : vector<16xi32>
        %jit3A_2616 = arith.constant 1.000000e+00 : f32
        %jit3A_2617 = arith.constant 0.000000e+00 : f32
        %broadcast_in_dim3A_2618 = vector.broadcast %jit3A_2616 : f32 to vector<16xf32>
        %broadcast_in_dim3A_2619 = vector.broadcast %jit3A_2617 : f32 to vector<16xf32>
        %select_n3A_2620 = arith.select %eq3A_2615, %broadcast_in_dim3A_2618, %broadcast_in_dim3A_2619 : vector<16xi1>, vector<16xf32>
        %add3A_2621 = arith.addf %add3A_2614, %select_n3A_2620 : vector<16xf32>
        %eq3A_2622 = arith.cmpi eq, %gather3A_75, %gather3A_57 : vector<16xi32>
        %jit3A_2623 = arith.constant 1.000000e+00 : f32
        %jit3A_2624 = arith.constant 0.000000e+00 : f32
        %broadcast_in_dim3A_2625 = vector.broadcast %jit3A_2623 : f32 to vector<16xf32>
        %broadcast_in_dim3A_2626 = vector.broadcast %jit3A_2624 : f32 to vector<16xf32>
        %select_n3A_2627 = arith.select %eq3A_2622, %broadcast_in_dim3A_2625, %broadcast_in_dim3A_2626 : vector<16xi1>, vector<16xf32>
        %add3A_2628 = arith.addf %add3A_2621, %select_n3A_2627 : vector<16xf32>
        %eq3A_2629 = arith.cmpi eq, %gather3A_75, %gather3A_60 : vector<16xi32>
        %jit3A_2630 = arith.constant 1.000000e+00 : f32
        %jit3A_2631 = arith.constant 0.000000e+00 : f32
        %broadcast_in_dim3A_2632 = vector.broadcast %jit3A_2630 : f32 to vector<16xf32>
        %broadcast_in_dim3A_2633 = vector.broadcast %jit3A_2631 : f32 to vector<16xf32>
        %select_n3A_2634 = arith.select %eq3A_2629, %broadcast_in_dim3A_2632, %broadcast_in_dim3A_2633 : vector<16xi1>, vector<16xf32>
        %add3A_2635 = arith.addf %add3A_2628, %select_n3A_2634 : vector<16xf32>
        %eq3A_2636 = arith.cmpi eq, %gather3A_75, %gather3A_63 : vector<16xi32>
        %jit3A_2637 = arith.constant 1.000000e+00 : f32
        %jit3A_2638 = arith.constant 0.000000e+00 : f32
        %broadcast_in_dim3A_2639 = vector.broadcast %jit3A_2637 : f32 to vector<16xf32>
        %broadcast_in_dim3A_2640 = vector.broadcast %jit3A_2638 : f32 to vector<16xf32>
        %select_n3A_2641 = arith.select %eq3A_2636, %broadcast_in_dim3A_2639, %broadcast_in_dim3A_2640 : vector<16xi1>, vector<16xf32>
        %add3A_2642 = arith.addf %add3A_2635, %select_n3A_2641 : vector<16xf32>
        %eq3A_2643 = arith.cmpi eq, %gather3A_75, %gather3A_66 : vector<16xi32>
        %jit3A_2644 = arith.constant 1.000000e+00 : f32
        %jit3A_2645 = arith.constant 0.000000e+00 : f32
        %broadcast_in_dim3A_2646 = vector.broadcast %jit3A_2644 : f32 to vector<16xf32>
        %broadcast_in_dim3A_2647 = vector.broadcast %jit3A_2645 : f32 to vector<16xf32>
        %select_n3A_2648 = arith.select %eq3A_2643, %broadcast_in_dim3A_2646, %broadcast_in_dim3A_2647 : vector<16xi1>, vector<16xf32>
        %add3A_2649 = arith.addf %add3A_2642, %select_n3A_2648 : vector<16xf32>
        %eq3A_2650 = arith.cmpi eq, %gather3A_75, %gather3A_69 : vector<16xi32>
        %jit3A_2651 = arith.constant 1.000000e+00 : f32
        %jit3A_2652 = arith.constant 0.000000e+00 : f32
        %broadcast_in_dim3A_2653 = vector.broadcast %jit3A_2651 : f32 to vector<16xf32>
        %broadcast_in_dim3A_2654 = vector.broadcast %jit3A_2652 : f32 to vector<16xf32>
        %select_n3A_2655 = arith.select %eq3A_2650, %broadcast_in_dim3A_2653, %broadcast_in_dim3A_2654 : vector<16xi1>, vector<16xf32>
        %add3A_2656 = arith.addf %add3A_2649, %select_n3A_2655 : vector<16xf32>
        %eq3A_2657 = arith.cmpi eq, %gather3A_75, %gather3A_72 : vector<16xi32>
        %jit3A_2658 = arith.constant 1.000000e+00 : f32
        %jit3A_2659 = arith.constant 0.000000e+00 : f32
        %broadcast_in_dim3A_2660 = vector.broadcast %jit3A_2658 : f32 to vector<16xf32>
        %broadcast_in_dim3A_2661 = vector.broadcast %jit3A_2659 : f32 to vector<16xf32>
        %select_n3A_2662 = arith.select %eq3A_2657, %broadcast_in_dim3A_2660, %broadcast_in_dim3A_2661 : vector<16xi1>, vector<16xf32>
        %add3A_2663 = arith.addf %add3A_2656, %select_n3A_2662 : vector<16xf32>
        %eq3A_2664 = arith.cmpi eq, %gather3A_75, %gather3A_75 : vector<16xi32>
        %jit3A_2665 = arith.constant 1.000000e+00 : f32
        %jit3A_2666 = arith.constant 0.000000e+00 : f32
        %broadcast_in_dim3A_2667 = vector.broadcast %jit3A_2665 : f32 to vector<16xf32>
        %broadcast_in_dim3A_2668 = vector.broadcast %jit3A_2666 : f32 to vector<16xf32>
        %select_n3A_2669 = arith.select %eq3A_2664, %broadcast_in_dim3A_2667, %broadcast_in_dim3A_2668 : vector<16xi1>, vector<16xf32>
        %add3A_2670 = arith.addf %add3A_2663, %select_n3A_2669 : vector<16xf32>
        %eq3A_2671 = arith.cmpi eq, %gather3A_75, %gather3A_78 : vector<16xi32>
        %jit3A_2672 = arith.constant 1.000000e+00 : f32
        %jit3A_2673 = arith.constant 0.000000e+00 : f32
        %broadcast_in_dim3A_2674 = vector.broadcast %jit3A_2672 : f32 to vector<16xf32>
        %broadcast_in_dim3A_2675 = vector.broadcast %jit3A_2673 : f32 to vector<16xf32>
        %select_n3A_2676 = arith.select %eq3A_2671, %broadcast_in_dim3A_2674, %broadcast_in_dim3A_2675 : vector<16xi1>, vector<16xf32>
        %add3A_2677 = arith.addf %add3A_2670, %select_n3A_2676 : vector<16xf32>
        %eq3A_2678 = arith.cmpi eq, %gather3A_75, %gather3A_81 : vector<16xi32>
        %jit3A_2679 = arith.constant 1.000000e+00 : f32
        %jit3A_2680 = arith.constant 0.000000e+00 : f32
        %broadcast_in_dim3A_2681 = vector.broadcast %jit3A_2679 : f32 to vector<16xf32>
        %broadcast_in_dim3A_2682 = vector.broadcast %jit3A_2680 : f32 to vector<16xf32>
        %select_n3A_2683 = arith.select %eq3A_2678, %broadcast_in_dim3A_2681, %broadcast_in_dim3A_2682 : vector<16xi1>, vector<16xf32>
        %add3A_2684 = arith.addf %add3A_2677, %select_n3A_2683 : vector<16xf32>
        %div3A_2685 = arith.constant 1.000000e+00 : f32
        %div3A_2686 = vector.broadcast %div3A_2685 : f32 to vector<16xf32>
        %div3A_2687 = arith.divf %div3A_2686, %add3A_2684 : vector<16xf32>
        %broadcast_in_dim3A_2688 = arith.constant 0.000000e+00 : f32
        %broadcast_in_dim3A_2689 = vector.broadcast %broadcast_in_dim3A_2688 : f32 to vector<16xf32>
        %eq3A_2690 = arith.cmpi eq, %gather3A_78, %gather3A : vector<16xi32>
        %jit3A_2691 = arith.constant 1.000000e+00 : f32
        %jit3A_2692 = arith.constant 0.000000e+00 : f32
        %broadcast_in_dim3A_2693 = vector.broadcast %jit3A_2691 : f32 to vector<16xf32>
        %broadcast_in_dim3A_2694 = vector.broadcast %jit3A_2692 : f32 to vector<16xf32>
        %select_n3A_2695 = arith.select %eq3A_2690, %broadcast_in_dim3A_2693, %broadcast_in_dim3A_2694 : vector<16xi1>, vector<16xf32>
        %add3A_2696 = arith.addf %broadcast_in_dim3A_2689, %select_n3A_2695 : vector<16xf32>
        %eq3A_2697 = arith.cmpi eq, %gather3A_78, %gather3A_27 : vector<16xi32>
        %jit3A_2698 = arith.constant 1.000000e+00 : f32
        %jit3A_2699 = arith.constant 0.000000e+00 : f32
        %broadcast_in_dim3A_2700 = vector.broadcast %jit3A_2698 : f32 to vector<16xf32>
        %broadcast_in_dim3A_2701 = vector.broadcast %jit3A_2699 : f32 to vector<16xf32>
        %select_n3A_2702 = arith.select %eq3A_2697, %broadcast_in_dim3A_2700, %broadcast_in_dim3A_2701 : vector<16xi1>, vector<16xf32>
        %add3A_2703 = arith.addf %add3A_2696, %select_n3A_2702 : vector<16xf32>
        %eq3A_2704 = arith.cmpi eq, %gather3A_78, %gather3A_30 : vector<16xi32>
        %jit3A_2705 = arith.constant 1.000000e+00 : f32
        %jit3A_2706 = arith.constant 0.000000e+00 : f32
        %broadcast_in_dim3A_2707 = vector.broadcast %jit3A_2705 : f32 to vector<16xf32>
        %broadcast_in_dim3A_2708 = vector.broadcast %jit3A_2706 : f32 to vector<16xf32>
        %select_n3A_2709 = arith.select %eq3A_2704, %broadcast_in_dim3A_2707, %broadcast_in_dim3A_2708 : vector<16xi1>, vector<16xf32>
        %add3A_2710 = arith.addf %add3A_2703, %select_n3A_2709 : vector<16xf32>
        %eq3A_2711 = arith.cmpi eq, %gather3A_78, %gather3A_33 : vector<16xi32>
        %jit3A_2712 = arith.constant 1.000000e+00 : f32
        %jit3A_2713 = arith.constant 0.000000e+00 : f32
        %broadcast_in_dim3A_2714 = vector.broadcast %jit3A_2712 : f32 to vector<16xf32>
        %broadcast_in_dim3A_2715 = vector.broadcast %jit3A_2713 : f32 to vector<16xf32>
        %select_n3A_2716 = arith.select %eq3A_2711, %broadcast_in_dim3A_2714, %broadcast_in_dim3A_2715 : vector<16xi1>, vector<16xf32>
        %add3A_2717 = arith.addf %add3A_2710, %select_n3A_2716 : vector<16xf32>
        %eq3A_2718 = arith.cmpi eq, %gather3A_78, %gather3A_36 : vector<16xi32>
        %jit3A_2719 = arith.constant 1.000000e+00 : f32
        %jit3A_2720 = arith.constant 0.000000e+00 : f32
        %broadcast_in_dim3A_2721 = vector.broadcast %jit3A_2719 : f32 to vector<16xf32>
        %broadcast_in_dim3A_2722 = vector.broadcast %jit3A_2720 : f32 to vector<16xf32>
        %select_n3A_2723 = arith.select %eq3A_2718, %broadcast_in_dim3A_2721, %broadcast_in_dim3A_2722 : vector<16xi1>, vector<16xf32>
        %add3A_2724 = arith.addf %add3A_2717, %select_n3A_2723 : vector<16xf32>
        %eq3A_2725 = arith.cmpi eq, %gather3A_78, %gather3A_39 : vector<16xi32>
        %jit3A_2726 = arith.constant 1.000000e+00 : f32
        %jit3A_2727 = arith.constant 0.000000e+00 : f32
        %broadcast_in_dim3A_2728 = vector.broadcast %jit3A_2726 : f32 to vector<16xf32>
        %broadcast_in_dim3A_2729 = vector.broadcast %jit3A_2727 : f32 to vector<16xf32>
        %select_n3A_2730 = arith.select %eq3A_2725, %broadcast_in_dim3A_2728, %broadcast_in_dim3A_2729 : vector<16xi1>, vector<16xf32>
        %add3A_2731 = arith.addf %add3A_2724, %select_n3A_2730 : vector<16xf32>
        %eq3A_2732 = arith.cmpi eq, %gather3A_78, %gather3A_42 : vector<16xi32>
        %jit3A_2733 = arith.constant 1.000000e+00 : f32
        %jit3A_2734 = arith.constant 0.000000e+00 : f32
        %broadcast_in_dim3A_2735 = vector.broadcast %jit3A_2733 : f32 to vector<16xf32>
        %broadcast_in_dim3A_2736 = vector.broadcast %jit3A_2734 : f32 to vector<16xf32>
        %select_n3A_2737 = arith.select %eq3A_2732, %broadcast_in_dim3A_2735, %broadcast_in_dim3A_2736 : vector<16xi1>, vector<16xf32>
        %add3A_2738 = arith.addf %add3A_2731, %select_n3A_2737 : vector<16xf32>
        %eq3A_2739 = arith.cmpi eq, %gather3A_78, %gather3A_45 : vector<16xi32>
        %jit3A_2740 = arith.constant 1.000000e+00 : f32
        %jit3A_2741 = arith.constant 0.000000e+00 : f32
        %broadcast_in_dim3A_2742 = vector.broadcast %jit3A_2740 : f32 to vector<16xf32>
        %broadcast_in_dim3A_2743 = vector.broadcast %jit3A_2741 : f32 to vector<16xf32>
        %select_n3A_2744 = arith.select %eq3A_2739, %broadcast_in_dim3A_2742, %broadcast_in_dim3A_2743 : vector<16xi1>, vector<16xf32>
        %add3A_2745 = arith.addf %add3A_2738, %select_n3A_2744 : vector<16xf32>
        %eq3A_2746 = arith.cmpi eq, %gather3A_78, %gather3A_48 : vector<16xi32>
        %jit3A_2747 = arith.constant 1.000000e+00 : f32
        %jit3A_2748 = arith.constant 0.000000e+00 : f32
        %broadcast_in_dim3A_2749 = vector.broadcast %jit3A_2747 : f32 to vector<16xf32>
        %broadcast_in_dim3A_2750 = vector.broadcast %jit3A_2748 : f32 to vector<16xf32>
        %select_n3A_2751 = arith.select %eq3A_2746, %broadcast_in_dim3A_2749, %broadcast_in_dim3A_2750 : vector<16xi1>, vector<16xf32>
        %add3A_2752 = arith.addf %add3A_2745, %select_n3A_2751 : vector<16xf32>
        %eq3A_2753 = arith.cmpi eq, %gather3A_78, %gather3A_51 : vector<16xi32>
        %jit3A_2754 = arith.constant 1.000000e+00 : f32
        %jit3A_2755 = arith.constant 0.000000e+00 : f32
        %broadcast_in_dim3A_2756 = vector.broadcast %jit3A_2754 : f32 to vector<16xf32>
        %broadcast_in_dim3A_2757 = vector.broadcast %jit3A_2755 : f32 to vector<16xf32>
        %select_n3A_2758 = arith.select %eq3A_2753, %broadcast_in_dim3A_2756, %broadcast_in_dim3A_2757 : vector<16xi1>, vector<16xf32>
        %add3A_2759 = arith.addf %add3A_2752, %select_n3A_2758 : vector<16xf32>
        %eq3A_2760 = arith.cmpi eq, %gather3A_78, %gather3A_54 : vector<16xi32>
        %jit3A_2761 = arith.constant 1.000000e+00 : f32
        %jit3A_2762 = arith.constant 0.000000e+00 : f32
        %broadcast_in_dim3A_2763 = vector.broadcast %jit3A_2761 : f32 to vector<16xf32>
        %broadcast_in_dim3A_2764 = vector.broadcast %jit3A_2762 : f32 to vector<16xf32>
        %select_n3A_2765 = arith.select %eq3A_2760, %broadcast_in_dim3A_2763, %broadcast_in_dim3A_2764 : vector<16xi1>, vector<16xf32>
        %add3A_2766 = arith.addf %add3A_2759, %select_n3A_2765 : vector<16xf32>
        %eq3A_2767 = arith.cmpi eq, %gather3A_78, %gather3A_57 : vector<16xi32>
        %jit3A_2768 = arith.constant 1.000000e+00 : f32
        %jit3A_2769 = arith.constant 0.000000e+00 : f32
        %broadcast_in_dim3A_2770 = vector.broadcast %jit3A_2768 : f32 to vector<16xf32>
        %broadcast_in_dim3A_2771 = vector.broadcast %jit3A_2769 : f32 to vector<16xf32>
        %select_n3A_2772 = arith.select %eq3A_2767, %broadcast_in_dim3A_2770, %broadcast_in_dim3A_2771 : vector<16xi1>, vector<16xf32>
        %add3A_2773 = arith.addf %add3A_2766, %select_n3A_2772 : vector<16xf32>
        %eq3A_2774 = arith.cmpi eq, %gather3A_78, %gather3A_60 : vector<16xi32>
        %jit3A_2775 = arith.constant 1.000000e+00 : f32
        %jit3A_2776 = arith.constant 0.000000e+00 : f32
        %broadcast_in_dim3A_2777 = vector.broadcast %jit3A_2775 : f32 to vector<16xf32>
        %broadcast_in_dim3A_2778 = vector.broadcast %jit3A_2776 : f32 to vector<16xf32>
        %select_n3A_2779 = arith.select %eq3A_2774, %broadcast_in_dim3A_2777, %broadcast_in_dim3A_2778 : vector<16xi1>, vector<16xf32>
        %add3A_2780 = arith.addf %add3A_2773, %select_n3A_2779 : vector<16xf32>
        %eq3A_2781 = arith.cmpi eq, %gather3A_78, %gather3A_63 : vector<16xi32>
        %jit3A_2782 = arith.constant 1.000000e+00 : f32
        %jit3A_2783 = arith.constant 0.000000e+00 : f32
        %broadcast_in_dim3A_2784 = vector.broadcast %jit3A_2782 : f32 to vector<16xf32>
        %broadcast_in_dim3A_2785 = vector.broadcast %jit3A_2783 : f32 to vector<16xf32>
        %select_n3A_2786 = arith.select %eq3A_2781, %broadcast_in_dim3A_2784, %broadcast_in_dim3A_2785 : vector<16xi1>, vector<16xf32>
        %add3A_2787 = arith.addf %add3A_2780, %select_n3A_2786 : vector<16xf32>
        %eq3A_2788 = arith.cmpi eq, %gather3A_78, %gather3A_66 : vector<16xi32>
        %jit3A_2789 = arith.constant 1.000000e+00 : f32
        %jit3A_2790 = arith.constant 0.000000e+00 : f32
        %broadcast_in_dim3A_2791 = vector.broadcast %jit3A_2789 : f32 to vector<16xf32>
        %broadcast_in_dim3A_2792 = vector.broadcast %jit3A_2790 : f32 to vector<16xf32>
        %select_n3A_2793 = arith.select %eq3A_2788, %broadcast_in_dim3A_2791, %broadcast_in_dim3A_2792 : vector<16xi1>, vector<16xf32>
        %add3A_2794 = arith.addf %add3A_2787, %select_n3A_2793 : vector<16xf32>
        %eq3A_2795 = arith.cmpi eq, %gather3A_78, %gather3A_69 : vector<16xi32>
        %jit3A_2796 = arith.constant 1.000000e+00 : f32
        %jit3A_2797 = arith.constant 0.000000e+00 : f32
        %broadcast_in_dim3A_2798 = vector.broadcast %jit3A_2796 : f32 to vector<16xf32>
        %broadcast_in_dim3A_2799 = vector.broadcast %jit3A_2797 : f32 to vector<16xf32>
        %select_n3A_2800 = arith.select %eq3A_2795, %broadcast_in_dim3A_2798, %broadcast_in_dim3A_2799 : vector<16xi1>, vector<16xf32>
        %add3A_2801 = arith.addf %add3A_2794, %select_n3A_2800 : vector<16xf32>
        %eq3A_2802 = arith.cmpi eq, %gather3A_78, %gather3A_72 : vector<16xi32>
        %jit3A_2803 = arith.constant 1.000000e+00 : f32
        %jit3A_2804 = arith.constant 0.000000e+00 : f32
        %broadcast_in_dim3A_2805 = vector.broadcast %jit3A_2803 : f32 to vector<16xf32>
        %broadcast_in_dim3A_2806 = vector.broadcast %jit3A_2804 : f32 to vector<16xf32>
        %select_n3A_2807 = arith.select %eq3A_2802, %broadcast_in_dim3A_2805, %broadcast_in_dim3A_2806 : vector<16xi1>, vector<16xf32>
        %add3A_2808 = arith.addf %add3A_2801, %select_n3A_2807 : vector<16xf32>
        %eq3A_2809 = arith.cmpi eq, %gather3A_78, %gather3A_75 : vector<16xi32>
        %jit3A_2810 = arith.constant 1.000000e+00 : f32
        %jit3A_2811 = arith.constant 0.000000e+00 : f32
        %broadcast_in_dim3A_2812 = vector.broadcast %jit3A_2810 : f32 to vector<16xf32>
        %broadcast_in_dim3A_2813 = vector.broadcast %jit3A_2811 : f32 to vector<16xf32>
        %select_n3A_2814 = arith.select %eq3A_2809, %broadcast_in_dim3A_2812, %broadcast_in_dim3A_2813 : vector<16xi1>, vector<16xf32>
        %add3A_2815 = arith.addf %add3A_2808, %select_n3A_2814 : vector<16xf32>
        %eq3A_2816 = arith.cmpi eq, %gather3A_78, %gather3A_78 : vector<16xi32>
        %jit3A_2817 = arith.constant 1.000000e+00 : f32
        %jit3A_2818 = arith.constant 0.000000e+00 : f32
        %broadcast_in_dim3A_2819 = vector.broadcast %jit3A_2817 : f32 to vector<16xf32>
        %broadcast_in_dim3A_2820 = vector.broadcast %jit3A_2818 : f32 to vector<16xf32>
        %select_n3A_2821 = arith.select %eq3A_2816, %broadcast_in_dim3A_2819, %broadcast_in_dim3A_2820 : vector<16xi1>, vector<16xf32>
        %add3A_2822 = arith.addf %add3A_2815, %select_n3A_2821 : vector<16xf32>
        %eq3A_2823 = arith.cmpi eq, %gather3A_78, %gather3A_81 : vector<16xi32>
        %jit3A_2824 = arith.constant 1.000000e+00 : f32
        %jit3A_2825 = arith.constant 0.000000e+00 : f32
        %broadcast_in_dim3A_2826 = vector.broadcast %jit3A_2824 : f32 to vector<16xf32>
        %broadcast_in_dim3A_2827 = vector.broadcast %jit3A_2825 : f32 to vector<16xf32>
        %select_n3A_2828 = arith.select %eq3A_2823, %broadcast_in_dim3A_2826, %broadcast_in_dim3A_2827 : vector<16xi1>, vector<16xf32>
        %add3A_2829 = arith.addf %add3A_2822, %select_n3A_2828 : vector<16xf32>
        %div3A_2830 = arith.constant 1.000000e+00 : f32
        %div3A_2831 = vector.broadcast %div3A_2830 : f32 to vector<16xf32>
        %div3A_2832 = arith.divf %div3A_2831, %add3A_2829 : vector<16xf32>
        %broadcast_in_dim3A_2833 = arith.constant 0.000000e+00 : f32
        %broadcast_in_dim3A_2834 = vector.broadcast %broadcast_in_dim3A_2833 : f32 to vector<16xf32>
        %eq3A_2835 = arith.cmpi eq, %gather3A_81, %gather3A : vector<16xi32>
        %jit3A_2836 = arith.constant 1.000000e+00 : f32
        %jit3A_2837 = arith.constant 0.000000e+00 : f32
        %broadcast_in_dim3A_2838 = vector.broadcast %jit3A_2836 : f32 to vector<16xf32>
        %broadcast_in_dim3A_2839 = vector.broadcast %jit3A_2837 : f32 to vector<16xf32>
        %select_n3A_2840 = arith.select %eq3A_2835, %broadcast_in_dim3A_2838, %broadcast_in_dim3A_2839 : vector<16xi1>, vector<16xf32>
        %add3A_2841 = arith.addf %broadcast_in_dim3A_2834, %select_n3A_2840 : vector<16xf32>
        %eq3A_2842 = arith.cmpi eq, %gather3A_81, %gather3A_27 : vector<16xi32>
        %jit3A_2843 = arith.constant 1.000000e+00 : f32
        %jit3A_2844 = arith.constant 0.000000e+00 : f32
        %broadcast_in_dim3A_2845 = vector.broadcast %jit3A_2843 : f32 to vector<16xf32>
        %broadcast_in_dim3A_2846 = vector.broadcast %jit3A_2844 : f32 to vector<16xf32>
        %select_n3A_2847 = arith.select %eq3A_2842, %broadcast_in_dim3A_2845, %broadcast_in_dim3A_2846 : vector<16xi1>, vector<16xf32>
        %add3A_2848 = arith.addf %add3A_2841, %select_n3A_2847 : vector<16xf32>
        %eq3A_2849 = arith.cmpi eq, %gather3A_81, %gather3A_30 : vector<16xi32>
        %jit3A_2850 = arith.constant 1.000000e+00 : f32
        %jit3A_2851 = arith.constant 0.000000e+00 : f32
        %broadcast_in_dim3A_2852 = vector.broadcast %jit3A_2850 : f32 to vector<16xf32>
        %broadcast_in_dim3A_2853 = vector.broadcast %jit3A_2851 : f32 to vector<16xf32>
        %select_n3A_2854 = arith.select %eq3A_2849, %broadcast_in_dim3A_2852, %broadcast_in_dim3A_2853 : vector<16xi1>, vector<16xf32>
        %add3A_2855 = arith.addf %add3A_2848, %select_n3A_2854 : vector<16xf32>
        %eq3A_2856 = arith.cmpi eq, %gather3A_81, %gather3A_33 : vector<16xi32>
        %jit3A_2857 = arith.constant 1.000000e+00 : f32
        %jit3A_2858 = arith.constant 0.000000e+00 : f32
        %broadcast_in_dim3A_2859 = vector.broadcast %jit3A_2857 : f32 to vector<16xf32>
        %broadcast_in_dim3A_2860 = vector.broadcast %jit3A_2858 : f32 to vector<16xf32>
        %select_n3A_2861 = arith.select %eq3A_2856, %broadcast_in_dim3A_2859, %broadcast_in_dim3A_2860 : vector<16xi1>, vector<16xf32>
        %add3A_2862 = arith.addf %add3A_2855, %select_n3A_2861 : vector<16xf32>
        %eq3A_2863 = arith.cmpi eq, %gather3A_81, %gather3A_36 : vector<16xi32>
        %jit3A_2864 = arith.constant 1.000000e+00 : f32
        %jit3A_2865 = arith.constant 0.000000e+00 : f32
        %broadcast_in_dim3A_2866 = vector.broadcast %jit3A_2864 : f32 to vector<16xf32>
        %broadcast_in_dim3A_2867 = vector.broadcast %jit3A_2865 : f32 to vector<16xf32>
        %select_n3A_2868 = arith.select %eq3A_2863, %broadcast_in_dim3A_2866, %broadcast_in_dim3A_2867 : vector<16xi1>, vector<16xf32>
        %add3A_2869 = arith.addf %add3A_2862, %select_n3A_2868 : vector<16xf32>
        %eq3A_2870 = arith.cmpi eq, %gather3A_81, %gather3A_39 : vector<16xi32>
        %jit3A_2871 = arith.constant 1.000000e+00 : f32
        %jit3A_2872 = arith.constant 0.000000e+00 : f32
        %broadcast_in_dim3A_2873 = vector.broadcast %jit3A_2871 : f32 to vector<16xf32>
        %broadcast_in_dim3A_2874 = vector.broadcast %jit3A_2872 : f32 to vector<16xf32>
        %select_n3A_2875 = arith.select %eq3A_2870, %broadcast_in_dim3A_2873, %broadcast_in_dim3A_2874 : vector<16xi1>, vector<16xf32>
        %add3A_2876 = arith.addf %add3A_2869, %select_n3A_2875 : vector<16xf32>
        %eq3A_2877 = arith.cmpi eq, %gather3A_81, %gather3A_42 : vector<16xi32>
        %jit3A_2878 = arith.constant 1.000000e+00 : f32
        %jit3A_2879 = arith.constant 0.000000e+00 : f32
        %broadcast_in_dim3A_2880 = vector.broadcast %jit3A_2878 : f32 to vector<16xf32>
        %broadcast_in_dim3A_2881 = vector.broadcast %jit3A_2879 : f32 to vector<16xf32>
        %select_n3A_2882 = arith.select %eq3A_2877, %broadcast_in_dim3A_2880, %broadcast_in_dim3A_2881 : vector<16xi1>, vector<16xf32>
        %add3A_2883 = arith.addf %add3A_2876, %select_n3A_2882 : vector<16xf32>
        %eq3A_2884 = arith.cmpi eq, %gather3A_81, %gather3A_45 : vector<16xi32>
        %jit3A_2885 = arith.constant 1.000000e+00 : f32
        %jit3A_2886 = arith.constant 0.000000e+00 : f32
        %broadcast_in_dim3A_2887 = vector.broadcast %jit3A_2885 : f32 to vector<16xf32>
        %broadcast_in_dim3A_2888 = vector.broadcast %jit3A_2886 : f32 to vector<16xf32>
        %select_n3A_2889 = arith.select %eq3A_2884, %broadcast_in_dim3A_2887, %broadcast_in_dim3A_2888 : vector<16xi1>, vector<16xf32>
        %add3A_2890 = arith.addf %add3A_2883, %select_n3A_2889 : vector<16xf32>
        %eq3A_2891 = arith.cmpi eq, %gather3A_81, %gather3A_48 : vector<16xi32>
        %jit3A_2892 = arith.constant 1.000000e+00 : f32
        %jit3A_2893 = arith.constant 0.000000e+00 : f32
        %broadcast_in_dim3A_2894 = vector.broadcast %jit3A_2892 : f32 to vector<16xf32>
        %broadcast_in_dim3A_2895 = vector.broadcast %jit3A_2893 : f32 to vector<16xf32>
        %select_n3A_2896 = arith.select %eq3A_2891, %broadcast_in_dim3A_2894, %broadcast_in_dim3A_2895 : vector<16xi1>, vector<16xf32>
        %add3A_2897 = arith.addf %add3A_2890, %select_n3A_2896 : vector<16xf32>
        %eq3A_2898 = arith.cmpi eq, %gather3A_81, %gather3A_51 : vector<16xi32>
        %jit3A_2899 = arith.constant 1.000000e+00 : f32
        %jit3A_2900 = arith.constant 0.000000e+00 : f32
        %broadcast_in_dim3A_2901 = vector.broadcast %jit3A_2899 : f32 to vector<16xf32>
        %broadcast_in_dim3A_2902 = vector.broadcast %jit3A_2900 : f32 to vector<16xf32>
        %select_n3A_2903 = arith.select %eq3A_2898, %broadcast_in_dim3A_2901, %broadcast_in_dim3A_2902 : vector<16xi1>, vector<16xf32>
        %add3A_2904 = arith.addf %add3A_2897, %select_n3A_2903 : vector<16xf32>
        %eq3A_2905 = arith.cmpi eq, %gather3A_81, %gather3A_54 : vector<16xi32>
        %jit3A_2906 = arith.constant 1.000000e+00 : f32
        %jit3A_2907 = arith.constant 0.000000e+00 : f32
        %broadcast_in_dim3A_2908 = vector.broadcast %jit3A_2906 : f32 to vector<16xf32>
        %broadcast_in_dim3A_2909 = vector.broadcast %jit3A_2907 : f32 to vector<16xf32>
        %select_n3A_2910 = arith.select %eq3A_2905, %broadcast_in_dim3A_2908, %broadcast_in_dim3A_2909 : vector<16xi1>, vector<16xf32>
        %add3A_2911 = arith.addf %add3A_2904, %select_n3A_2910 : vector<16xf32>
        %eq3A_2912 = arith.cmpi eq, %gather3A_81, %gather3A_57 : vector<16xi32>
        %jit3A_2913 = arith.constant 1.000000e+00 : f32
        %jit3A_2914 = arith.constant 0.000000e+00 : f32
        %broadcast_in_dim3A_2915 = vector.broadcast %jit3A_2913 : f32 to vector<16xf32>
        %broadcast_in_dim3A_2916 = vector.broadcast %jit3A_2914 : f32 to vector<16xf32>
        %select_n3A_2917 = arith.select %eq3A_2912, %broadcast_in_dim3A_2915, %broadcast_in_dim3A_2916 : vector<16xi1>, vector<16xf32>
        %add3A_2918 = arith.addf %add3A_2911, %select_n3A_2917 : vector<16xf32>
        %eq3A_2919 = arith.cmpi eq, %gather3A_81, %gather3A_60 : vector<16xi32>
        %jit3A_2920 = arith.constant 1.000000e+00 : f32
        %jit3A_2921 = arith.constant 0.000000e+00 : f32
        %broadcast_in_dim3A_2922 = vector.broadcast %jit3A_2920 : f32 to vector<16xf32>
        %broadcast_in_dim3A_2923 = vector.broadcast %jit3A_2921 : f32 to vector<16xf32>
        %select_n3A_2924 = arith.select %eq3A_2919, %broadcast_in_dim3A_2922, %broadcast_in_dim3A_2923 : vector<16xi1>, vector<16xf32>
        %add3A_2925 = arith.addf %add3A_2918, %select_n3A_2924 : vector<16xf32>
        %eq3A_2926 = arith.cmpi eq, %gather3A_81, %gather3A_63 : vector<16xi32>
        %jit3A_2927 = arith.constant 1.000000e+00 : f32
        %jit3A_2928 = arith.constant 0.000000e+00 : f32
        %broadcast_in_dim3A_2929 = vector.broadcast %jit3A_2927 : f32 to vector<16xf32>
        %broadcast_in_dim3A_2930 = vector.broadcast %jit3A_2928 : f32 to vector<16xf32>
        %select_n3A_2931 = arith.select %eq3A_2926, %broadcast_in_dim3A_2929, %broadcast_in_dim3A_2930 : vector<16xi1>, vector<16xf32>
        %add3A_2932 = arith.addf %add3A_2925, %select_n3A_2931 : vector<16xf32>
        %eq3A_2933 = arith.cmpi eq, %gather3A_81, %gather3A_66 : vector<16xi32>
        %jit3A_2934 = arith.constant 1.000000e+00 : f32
        %jit3A_2935 = arith.constant 0.000000e+00 : f32
        %broadcast_in_dim3A_2936 = vector.broadcast %jit3A_2934 : f32 to vector<16xf32>
        %broadcast_in_dim3A_2937 = vector.broadcast %jit3A_2935 : f32 to vector<16xf32>
        %select_n3A_2938 = arith.select %eq3A_2933, %broadcast_in_dim3A_2936, %broadcast_in_dim3A_2937 : vector<16xi1>, vector<16xf32>
        %add3A_2939 = arith.addf %add3A_2932, %select_n3A_2938 : vector<16xf32>
        %eq3A_2940 = arith.cmpi eq, %gather3A_81, %gather3A_69 : vector<16xi32>
        %jit3A_2941 = arith.constant 1.000000e+00 : f32
        %jit3A_2942 = arith.constant 0.000000e+00 : f32
        %broadcast_in_dim3A_2943 = vector.broadcast %jit3A_2941 : f32 to vector<16xf32>
        %broadcast_in_dim3A_2944 = vector.broadcast %jit3A_2942 : f32 to vector<16xf32>
        %select_n3A_2945 = arith.select %eq3A_2940, %broadcast_in_dim3A_2943, %broadcast_in_dim3A_2944 : vector<16xi1>, vector<16xf32>
        %add3A_2946 = arith.addf %add3A_2939, %select_n3A_2945 : vector<16xf32>
        %eq3A_2947 = arith.cmpi eq, %gather3A_81, %gather3A_72 : vector<16xi32>
        %jit3A_2948 = arith.constant 1.000000e+00 : f32
        %jit3A_2949 = arith.constant 0.000000e+00 : f32
        %broadcast_in_dim3A_2950 = vector.broadcast %jit3A_2948 : f32 to vector<16xf32>
        %broadcast_in_dim3A_2951 = vector.broadcast %jit3A_2949 : f32 to vector<16xf32>
        %select_n3A_2952 = arith.select %eq3A_2947, %broadcast_in_dim3A_2950, %broadcast_in_dim3A_2951 : vector<16xi1>, vector<16xf32>
        %add3A_2953 = arith.addf %add3A_2946, %select_n3A_2952 : vector<16xf32>
        %eq3A_2954 = arith.cmpi eq, %gather3A_81, %gather3A_75 : vector<16xi32>
        %jit3A_2955 = arith.constant 1.000000e+00 : f32
        %jit3A_2956 = arith.constant 0.000000e+00 : f32
        %broadcast_in_dim3A_2957 = vector.broadcast %jit3A_2955 : f32 to vector<16xf32>
        %broadcast_in_dim3A_2958 = vector.broadcast %jit3A_2956 : f32 to vector<16xf32>
        %select_n3A_2959 = arith.select %eq3A_2954, %broadcast_in_dim3A_2957, %broadcast_in_dim3A_2958 : vector<16xi1>, vector<16xf32>
        %add3A_2960 = arith.addf %add3A_2953, %select_n3A_2959 : vector<16xf32>
        %eq3A_2961 = arith.cmpi eq, %gather3A_81, %gather3A_78 : vector<16xi32>
        %jit3A_2962 = arith.constant 1.000000e+00 : f32
        %jit3A_2963 = arith.constant 0.000000e+00 : f32
        %broadcast_in_dim3A_2964 = vector.broadcast %jit3A_2962 : f32 to vector<16xf32>
        %broadcast_in_dim3A_2965 = vector.broadcast %jit3A_2963 : f32 to vector<16xf32>
        %select_n3A_2966 = arith.select %eq3A_2961, %broadcast_in_dim3A_2964, %broadcast_in_dim3A_2965 : vector<16xi1>, vector<16xf32>
        %add3A_2967 = arith.addf %add3A_2960, %select_n3A_2966 : vector<16xf32>
        %eq3A_2968 = arith.cmpi eq, %gather3A_81, %gather3A_81 : vector<16xi32>
        %jit3A_2969 = arith.constant 1.000000e+00 : f32
        %jit3A_2970 = arith.constant 0.000000e+00 : f32
        %broadcast_in_dim3A_2971 = vector.broadcast %jit3A_2969 : f32 to vector<16xf32>
        %broadcast_in_dim3A_2972 = vector.broadcast %jit3A_2970 : f32 to vector<16xf32>
        %select_n3A_2973 = arith.select %eq3A_2968, %broadcast_in_dim3A_2971, %broadcast_in_dim3A_2972 : vector<16xi1>, vector<16xf32>
        %add3A_2974 = arith.addf %add3A_2967, %select_n3A_2973 : vector<16xf32>
        %div3A_2975 = arith.constant 1.000000e+00 : f32
        %div3A_2976 = vector.broadcast %div3A_2975 : f32 to vector<16xf32>
        %div3A_2977 = arith.divf %div3A_2976, %add3A_2974 : vector<16xf32>
        %add3A_2978 = arith.addf %div3A_222, %div3A_367 : vector<16xf32>
        %add3A_2979 = arith.addf %div3A_512, %div3A_657 : vector<16xf32>
        %add3A_2980 = arith.addf %div3A_802, %div3A_947 : vector<16xf32>
        %add3A_2981 = arith.addf %div3A_1092, %div3A_1237 : vector<16xf32>
        %add3A_2982 = arith.addf %div3A_1382, %div3A_1527 : vector<16xf32>
        %add3A_2983 = arith.addf %div3A_1672, %div3A_1817 : vector<16xf32>
        %add3A_2984 = arith.addf %div3A_1962, %div3A_2107 : vector<16xf32>
        %add3A_2985 = arith.addf %div3A_2252, %div3A_2397 : vector<16xf32>
        %add3A_2986 = arith.addf %div3A_2542, %div3A_2687 : vector<16xf32>
        %add3A_2987 = arith.addf %div3A_2832, %div3A_2977 : vector<16xf32>
        %add3A_2988 = arith.addf %add3A_2978, %add3A_2979 : vector<16xf32>
        %add3A_2989 = arith.addf %add3A_2980, %add3A_2981 : vector<16xf32>
        %add3A_2990 = arith.addf %add3A_2982, %add3A_2983 : vector<16xf32>
        %add3A_2991 = arith.addf %add3A_2984, %add3A_2985 : vector<16xf32>
        %add3A_2992 = arith.addf %add3A_2986, %add3A_2987 : vector<16xf32>
        %add3A_2993 = arith.addf %add3A_2988, %add3A_2989 : vector<16xf32>
        %add3A_2994 = arith.addf %add3A_2990, %add3A_2991 : vector<16xf32>
        %add3A_2995 = arith.addf %add3A_2993, %add3A_2994 : vector<16xf32>
        %add3A_2996 = arith.addf %add3A_2995, %add3A_2992 : vector<16xf32>
        %div3A_2997 = arith.constant 1.000000e+00 : f32
        %div3A_2998 = vector.broadcast %div3A_2997 : f32 to vector<16xf32>
        %div3A_2999 = arith.divf %div3A_2998, %add3A_2996 : vector<16xf32>
        %mul3A_3000 = arith.mulf %div3A_222, %div3A_2999 : vector<16xf32>
        %mul3A_3001 = arith.mulf %div3A_367, %div3A_2999 : vector<16xf32>
        %mul3A_3002 = arith.mulf %div3A_512, %div3A_2999 : vector<16xf32>
        %mul3A_3003 = arith.mulf %div3A_657, %div3A_2999 : vector<16xf32>
        %mul3A_3004 = arith.mulf %div3A_802, %div3A_2999 : vector<16xf32>
        %mul3A_3005 = arith.mulf %div3A_947, %div3A_2999 : vector<16xf32>
        %mul3A_3006 = arith.mulf %div3A_1092, %div3A_2999 : vector<16xf32>
        %mul3A_3007 = arith.mulf %div3A_1237, %div3A_2999 : vector<16xf32>
        %mul3A_3008 = arith.mulf %div3A_1382, %div3A_2999 : vector<16xf32>
        %mul3A_3009 = arith.mulf %div3A_1527, %div3A_2999 : vector<16xf32>
        %mul3A_3010 = arith.mulf %div3A_1672, %div3A_2999 : vector<16xf32>
        %mul3A_3011 = arith.mulf %div3A_1817, %div3A_2999 : vector<16xf32>
        %mul3A_3012 = arith.mulf %div3A_1962, %div3A_2999 : vector<16xf32>
        %mul3A_3013 = arith.mulf %div3A_2107, %div3A_2999 : vector<16xf32>
        %mul3A_3014 = arith.mulf %div3A_2252, %div3A_2999 : vector<16xf32>
        %mul3A_3015 = arith.mulf %div3A_2397, %div3A_2999 : vector<16xf32>
        %mul3A_3016 = arith.mulf %div3A_2542, %div3A_2999 : vector<16xf32>
        %mul3A_3017 = arith.mulf %div3A_2687, %div3A_2999 : vector<16xf32>
        %mul3A_3018 = arith.mulf %div3A_2832, %div3A_2999 : vector<16xf32>
        %mul3A_3019 = arith.mulf %div3A_2977, %div3A_2999 : vector<16xf32>
        %mul3A_3020 = arith.constant 50 : i32
        %mul3A_3021 = vector.broadcast %mul3A_3020 : i32 to vector<16xi32>
        %mul3A_3022 = arith.muli %gather3A, %mul3A_3021 : vector<16xi32>
        %mul3A_3023 = arith.constant 50 : i32
        %mul3A_3024 = vector.broadcast %mul3A_3023 : i32 to vector<16xi32>
        %mul3A_3025 = arith.muli %gather3A_27, %mul3A_3024 : vector<16xi32>
        %mul3A_3026 = arith.constant 50 : i32
        %mul3A_3027 = vector.broadcast %mul3A_3026 : i32 to vector<16xi32>
        %mul3A_3028 = arith.muli %gather3A_30, %mul3A_3027 : vector<16xi32>
        %mul3A_3029 = arith.constant 50 : i32
        %mul3A_3030 = vector.broadcast %mul3A_3029 : i32 to vector<16xi32>
        %mul3A_3031 = arith.muli %gather3A_33, %mul3A_3030 : vector<16xi32>
        %mul3A_3032 = arith.constant 50 : i32
        %mul3A_3033 = vector.broadcast %mul3A_3032 : i32 to vector<16xi32>
        %mul3A_3034 = arith.muli %gather3A_36, %mul3A_3033 : vector<16xi32>
        %mul3A_3035 = arith.constant 50 : i32
        %mul3A_3036 = vector.broadcast %mul3A_3035 : i32 to vector<16xi32>
        %mul3A_3037 = arith.muli %gather3A_39, %mul3A_3036 : vector<16xi32>
        %mul3A_3038 = arith.constant 50 : i32
        %mul3A_3039 = vector.broadcast %mul3A_3038 : i32 to vector<16xi32>
        %mul3A_3040 = arith.muli %gather3A_42, %mul3A_3039 : vector<16xi32>
        %mul3A_3041 = arith.constant 50 : i32
        %mul3A_3042 = vector.broadcast %mul3A_3041 : i32 to vector<16xi32>
        %mul3A_3043 = arith.muli %gather3A_45, %mul3A_3042 : vector<16xi32>
        %mul3A_3044 = arith.constant 50 : i32
        %mul3A_3045 = vector.broadcast %mul3A_3044 : i32 to vector<16xi32>
        %mul3A_3046 = arith.muli %gather3A_48, %mul3A_3045 : vector<16xi32>
        %mul3A_3047 = arith.constant 50 : i32
        %mul3A_3048 = vector.broadcast %mul3A_3047 : i32 to vector<16xi32>
        %mul3A_3049 = arith.muli %gather3A_51, %mul3A_3048 : vector<16xi32>
        %mul3A_3050 = arith.constant 50 : i32
        %mul3A_3051 = vector.broadcast %mul3A_3050 : i32 to vector<16xi32>
        %mul3A_3052 = arith.muli %gather3A_54, %mul3A_3051 : vector<16xi32>
        %mul3A_3053 = arith.constant 50 : i32
        %mul3A_3054 = vector.broadcast %mul3A_3053 : i32 to vector<16xi32>
        %mul3A_3055 = arith.muli %gather3A_57, %mul3A_3054 : vector<16xi32>
        %mul3A_3056 = arith.constant 50 : i32
        %mul3A_3057 = vector.broadcast %mul3A_3056 : i32 to vector<16xi32>
        %mul3A_3058 = arith.muli %gather3A_60, %mul3A_3057 : vector<16xi32>
        %mul3A_3059 = arith.constant 50 : i32
        %mul3A_3060 = vector.broadcast %mul3A_3059 : i32 to vector<16xi32>
        %mul3A_3061 = arith.muli %gather3A_63, %mul3A_3060 : vector<16xi32>
        %mul3A_3062 = arith.constant 50 : i32
        %mul3A_3063 = vector.broadcast %mul3A_3062 : i32 to vector<16xi32>
        %mul3A_3064 = arith.muli %gather3A_66, %mul3A_3063 : vector<16xi32>
        %mul3A_3065 = arith.constant 50 : i32
        %mul3A_3066 = vector.broadcast %mul3A_3065 : i32 to vector<16xi32>
        %mul3A_3067 = arith.muli %gather3A_69, %mul3A_3066 : vector<16xi32>
        %mul3A_3068 = arith.constant 50 : i32
        %mul3A_3069 = vector.broadcast %mul3A_3068 : i32 to vector<16xi32>
        %mul3A_3070 = arith.muli %gather3A_72, %mul3A_3069 : vector<16xi32>
        %mul3A_3071 = arith.constant 50 : i32
        %mul3A_3072 = vector.broadcast %mul3A_3071 : i32 to vector<16xi32>
        %mul3A_3073 = arith.muli %gather3A_75, %mul3A_3072 : vector<16xi32>
        %mul3A_3074 = arith.constant 50 : i32
        %mul3A_3075 = vector.broadcast %mul3A_3074 : i32 to vector<16xi32>
        %mul3A_3076 = arith.muli %gather3A_78, %mul3A_3075 : vector<16xi32>
        %mul3A_3077 = arith.constant 50 : i32
        %mul3A_3078 = vector.broadcast %mul3A_3077 : i32 to vector<16xi32>
        %mul3A_3079 = arith.muli %gather3A_81, %mul3A_3078 : vector<16xi32>
        %mul3A_3080 = arith.constant 50 : i32
        %mul3A_3081 = vector.broadcast %mul3A_3080 : i32 to vector<16xi32>
        %mul3A_3082 = arith.muli %add3A_23, %mul3A_3081 : vector<16xi32>
        %parallel_loop3A = arith.constant 0 : i32
        %parallel_loop3A_3083 = arith.constant 50 : i32
        %parallel_loop3A_3084 = arith.constant 1 : i32
        %parallel_loop3A_3085:21 = scf.for %parallel_loop3A_3086 = %parallel_loop3A to %parallel_loop3A_3083 step %parallel_loop3A_3084 iter_args(%parallel_loop3A_3087 = %mul3A_3022, %parallel_loop3A_3088 = %mul3A_3025, %parallel_loop3A_3089 = %mul3A_3028, %parallel_loop3A_3090 = %mul3A_3031, %parallel_loop3A_3091 = %mul3A_3034, %parallel_loop3A_3092 = %mul3A_3037, %parallel_loop3A_3093 = %mul3A_3040, %parallel_loop3A_3094 = %mul3A_3043, %parallel_loop3A_3095 = %mul3A_3046, %parallel_loop3A_3096 = %mul3A_3049, %parallel_loop3A_3097 = %mul3A_3052, %parallel_loop3A_3098 = %mul3A_3055, %parallel_loop3A_3099 = %mul3A_3058, %parallel_loop3A_3100 = %mul3A_3061, %parallel_loop3A_3101 = %mul3A_3064, %parallel_loop3A_3102 = %mul3A_3067, %parallel_loop3A_3103 = %mul3A_3070, %parallel_loop3A_3104 = %mul3A_3073, %parallel_loop3A_3105 = %mul3A_3076, %parallel_loop3A_3106 = %mul3A_3079, %parallel_loop3A_3107 = %mul3A_3082) -> (vector<16xi32>, vector<16xi32>, vector<16xi32>, vector<16xi32>, vector<16xi32>, vector<16xi32>, vector<16xi32>, vector<16xi32>, vector<16xi32>, vector<16xi32>, vector<16xi32>, vector<16xi32>, vector<16xi32>, vector<16xi32>, vector<16xi32>, vector<16xi32>, vector<16xi32>, vector<16xi32>, vector<16xi32>, vector<16xi32>, vector<16xi32>)  : i32 {
          %parallel_loop3A_3108 = tpu.vector_load_idx %arg6[%parallel_loop3A_3087] : memref<50000xf32, #tpu.memory_space<vmem>>[vector<16xi32>], vector<16xf32>,
          %parallel_loop3A_3109 = arith.mulf %mul3A_3000, %parallel_loop3A_3108 : vector<16xf32>
          %parallel_loop3A_3110 = tpu.vector_load_idx %arg6[%parallel_loop3A_3088] : memref<50000xf32, #tpu.memory_space<vmem>>[vector<16xi32>], vector<16xf32>,
          %parallel_loop3A_3111 = arith.mulf %mul3A_3001, %parallel_loop3A_3110 : vector<16xf32>
          %parallel_loop3A_3112 = tpu.vector_load_idx %arg6[%parallel_loop3A_3089] : memref<50000xf32, #tpu.memory_space<vmem>>[vector<16xi32>], vector<16xf32>,
          %parallel_loop3A_3113 = arith.mulf %mul3A_3002, %parallel_loop3A_3112 : vector<16xf32>
          %parallel_loop3A_3114 = tpu.vector_load_idx %arg6[%parallel_loop3A_3090] : memref<50000xf32, #tpu.memory_space<vmem>>[vector<16xi32>], vector<16xf32>,
          %parallel_loop3A_3115 = arith.mulf %mul3A_3003, %parallel_loop3A_3114 : vector<16xf32>
          %parallel_loop3A_3116 = tpu.vector_load_idx %arg6[%parallel_loop3A_3091] : memref<50000xf32, #tpu.memory_space<vmem>>[vector<16xi32>], vector<16xf32>,
          %parallel_loop3A_3117 = arith.mulf %mul3A_3004, %parallel_loop3A_3116 : vector<16xf32>
          %parallel_loop3A_3118 = tpu.vector_load_idx %arg6[%parallel_loop3A_3092] : memref<50000xf32, #tpu.memory_space<vmem>>[vector<16xi32>], vector<16xf32>,
          %parallel_loop3A_3119 = arith.mulf %mul3A_3005, %parallel_loop3A_3118 : vector<16xf32>
          %parallel_loop3A_3120 = tpu.vector_load_idx %arg6[%parallel_loop3A_3093] : memref<50000xf32, #tpu.memory_space<vmem>>[vector<16xi32>], vector<16xf32>,
          %parallel_loop3A_3121 = arith.mulf %mul3A_3006, %parallel_loop3A_3120 : vector<16xf32>
          %parallel_loop3A_3122 = tpu.vector_load_idx %arg6[%parallel_loop3A_3094] : memref<50000xf32, #tpu.memory_space<vmem>>[vector<16xi32>], vector<16xf32>,
          %parallel_loop3A_3123 = arith.mulf %mul3A_3007, %parallel_loop3A_3122 : vector<16xf32>
          %parallel_loop3A_3124 = tpu.vector_load_idx %arg6[%parallel_loop3A_3095] : memref<50000xf32, #tpu.memory_space<vmem>>[vector<16xi32>], vector<16xf32>,
          %parallel_loop3A_3125 = arith.mulf %mul3A_3008, %parallel_loop3A_3124 : vector<16xf32>
          %parallel_loop3A_3126 = tpu.vector_load_idx %arg6[%parallel_loop3A_3096] : memref<50000xf32, #tpu.memory_space<vmem>>[vector<16xi32>], vector<16xf32>,
          %parallel_loop3A_3127 = arith.mulf %mul3A_3009, %parallel_loop3A_3126 : vector<16xf32>
          %parallel_loop3A_3128 = tpu.vector_load_idx %arg6[%parallel_loop3A_3097] : memref<50000xf32, #tpu.memory_space<vmem>>[vector<16xi32>], vector<16xf32>,
          %parallel_loop3A_3129 = arith.mulf %mul3A_3010, %parallel_loop3A_3128 : vector<16xf32>
          %parallel_loop3A_3130 = tpu.vector_load_idx %arg6[%parallel_loop3A_3098] : memref<50000xf32, #tpu.memory_space<vmem>>[vector<16xi32>], vector<16xf32>,
          %parallel_loop3A_3131 = arith.mulf %mul3A_3011, %parallel_loop3A_3130 : vector<16xf32>
          %parallel_loop3A_3132 = tpu.vector_load_idx %arg6[%parallel_loop3A_3099] : memref<50000xf32, #tpu.memory_space<vmem>>[vector<16xi32>], vector<16xf32>,
          %parallel_loop3A_3133 = arith.mulf %mul3A_3012, %parallel_loop3A_3132 : vector<16xf32>
          %parallel_loop3A_3134 = tpu.vector_load_idx %arg6[%parallel_loop3A_3100] : memref<50000xf32, #tpu.memory_space<vmem>>[vector<16xi32>], vector<16xf32>,
          %parallel_loop3A_3135 = arith.mulf %mul3A_3013, %parallel_loop3A_3134 : vector<16xf32>
          %parallel_loop3A_3136 = tpu.vector_load_idx %arg6[%parallel_loop3A_3101] : memref<50000xf32, #tpu.memory_space<vmem>>[vector<16xi32>], vector<16xf32>,
          %parallel_loop3A_3137 = arith.mulf %mul3A_3014, %parallel_loop3A_3136 : vector<16xf32>
          %parallel_loop3A_3138 = tpu.vector_load_idx %arg6[%parallel_loop3A_3102] : memref<50000xf32, #tpu.memory_space<vmem>>[vector<16xi32>], vector<16xf32>,
          %parallel_loop3A_3139 = arith.mulf %mul3A_3015, %parallel_loop3A_3138 : vector<16xf32>
          %parallel_loop3A_3140 = tpu.vector_load_idx %arg6[%parallel_loop3A_3103] : memref<50000xf32, #tpu.memory_space<vmem>>[vector<16xi32>], vector<16xf32>,
          %parallel_loop3A_3141 = arith.mulf %mul3A_3016, %parallel_loop3A_3140 : vector<16xf32>
          %parallel_loop3A_3142 = tpu.vector_load_idx %arg6[%parallel_loop3A_3104] : memref<50000xf32, #tpu.memory_space<vmem>>[vector<16xi32>], vector<16xf32>,
          %parallel_loop3A_3143 = arith.mulf %mul3A_3017, %parallel_loop3A_3142 : vector<16xf32>
          %parallel_loop3A_3144 = tpu.vector_load_idx %arg6[%parallel_loop3A_3105] : memref<50000xf32, #tpu.memory_space<vmem>>[vector<16xi32>], vector<16xf32>,
          %parallel_loop3A_3145 = arith.mulf %mul3A_3018, %parallel_loop3A_3144 : vector<16xf32>
          %parallel_loop3A_3146 = tpu.vector_load_idx %arg6[%parallel_loop3A_3106] : memref<50000xf32, #tpu.memory_space<vmem>>[vector<16xi32>], vector<16xf32>,
          %parallel_loop3A_3147 = arith.mulf %mul3A_3019, %parallel_loop3A_3146 : vector<16xf32>
          %parallel_loop3A_3148 = arith.addf %parallel_loop3A_3109, %parallel_loop3A_3111 : vector<16xf32>
          %parallel_loop3A_3149 = arith.addf %parallel_loop3A_3113, %parallel_loop3A_3115 : vector<16xf32>
          %parallel_loop3A_3150 = arith.addf %parallel_loop3A_3117, %parallel_loop3A_3119 : vector<16xf32>
          %parallel_loop3A_3151 = arith.addf %parallel_loop3A_3121, %parallel_loop3A_3123 : vector<16xf32>
          %parallel_loop3A_3152 = arith.addf %parallel_loop3A_3125, %parallel_loop3A_3127 : vector<16xf32>
          %parallel_loop3A_3153 = arith.addf %parallel_loop3A_3129, %parallel_loop3A_3131 : vector<16xf32>
          %parallel_loop3A_3154 = arith.addf %parallel_loop3A_3133, %parallel_loop3A_3135 : vector<16xf32>
          %parallel_loop3A_3155 = arith.addf %parallel_loop3A_3137, %parallel_loop3A_3139 : vector<16xf32>
          %parallel_loop3A_3156 = arith.addf %parallel_loop3A_3141, %parallel_loop3A_3143 : vector<16xf32>
          %parallel_loop3A_3157 = arith.addf %parallel_loop3A_3145, %parallel_loop3A_3147 : vector<16xf32>
          %parallel_loop3A_3158 = arith.addf %parallel_loop3A_3148, %parallel_loop3A_3149 : vector<16xf32>
          %parallel_loop3A_3159 = arith.addf %parallel_loop3A_3150, %parallel_loop3A_3151 : vector<16xf32>
          %parallel_loop3A_3160 = arith.addf %parallel_loop3A_3152, %parallel_loop3A_3153 : vector<16xf32>
          %parallel_loop3A_3161 = arith.addf %parallel_loop3A_3154, %parallel_loop3A_3155 : vector<16xf32>
          %parallel_loop3A_3162 = arith.addf %parallel_loop3A_3156, %parallel_loop3A_3157 : vector<16xf32>
          %parallel_loop3A_3163 = arith.addf %parallel_loop3A_3158, %parallel_loop3A_3159 : vector<16xf32>
          %parallel_loop3A_3164 = arith.addf %parallel_loop3A_3160, %parallel_loop3A_3161 : vector<16xf32>
          %parallel_loop3A_3165 = arith.addf %parallel_loop3A_3163, %parallel_loop3A_3164 : vector<16xf32>
          %parallel_loop3A_3166 = arith.addf %parallel_loop3A_3165, %parallel_loop3A_3162 : vector<16xf32>
          tpu.vector_store_idx %arg7[%parallel_loop3A_3107], %parallel_loop3A_3166 : memref<40000xf32, #tpu.memory_space<vmem>>[vector<16xi32>], vector<16xf32>,
          %parallel_loop3A_3167 = arith.constant 1 : i32
          %parallel_loop3A_3168 = vector.broadcast %parallel_loop3A_3167 : i32 to vector<16xi32>
          %parallel_loop3A_3169 = arith.addi %parallel_loop3A_3087, %parallel_loop3A_3168 : vector<16xi32>
          %parallel_loop3A_3170 = arith.constant 1 : i32
          %parallel_loop3A_3171 = vector.broadcast %parallel_loop3A_3170 : i32 to vector<16xi32>
          %parallel_loop3A_3172 = arith.addi %parallel_loop3A_3088, %parallel_loop3A_3171 : vector<16xi32>
          %parallel_loop3A_3173 = arith.constant 1 : i32
          %parallel_loop3A_3174 = vector.broadcast %parallel_loop3A_3173 : i32 to vector<16xi32>
          %parallel_loop3A_3175 = arith.addi %parallel_loop3A_3089, %parallel_loop3A_3174 : vector<16xi32>
          %parallel_loop3A_3176 = arith.constant 1 : i32
          %parallel_loop3A_3177 = vector.broadcast %parallel_loop3A_3176 : i32 to vector<16xi32>
          %parallel_loop3A_3178 = arith.addi %parallel_loop3A_3090, %parallel_loop3A_3177 : vector<16xi32>
          %parallel_loop3A_3179 = arith.constant 1 : i32
          %parallel_loop3A_3180 = vector.broadcast %parallel_loop3A_3179 : i32 to vector<16xi32>
          %parallel_loop3A_3181 = arith.addi %parallel_loop3A_3091, %parallel_loop3A_3180 : vector<16xi32>
          %parallel_loop3A_3182 = arith.constant 1 : i32
          %parallel_loop3A_3183 = vector.broadcast %parallel_loop3A_3182 : i32 to vector<16xi32>
          %parallel_loop3A_3184 = arith.addi %parallel_loop3A_3092, %parallel_loop3A_3183 : vector<16xi32>
          %parallel_loop3A_3185 = arith.constant 1 : i32
          %parallel_loop3A_3186 = vector.broadcast %parallel_loop3A_3185 : i32 to vector<16xi32>
          %parallel_loop3A_3187 = arith.addi %parallel_loop3A_3093, %parallel_loop3A_3186 : vector<16xi32>
          %parallel_loop3A_3188 = arith.constant 1 : i32
          %parallel_loop3A_3189 = vector.broadcast %parallel_loop3A_3188 : i32 to vector<16xi32>
          %parallel_loop3A_3190 = arith.addi %parallel_loop3A_3094, %parallel_loop3A_3189 : vector<16xi32>
          %parallel_loop3A_3191 = arith.constant 1 : i32
          %parallel_loop3A_3192 = vector.broadcast %parallel_loop3A_3191 : i32 to vector<16xi32>
          %parallel_loop3A_3193 = arith.addi %parallel_loop3A_3095, %parallel_loop3A_3192 : vector<16xi32>
          %parallel_loop3A_3194 = arith.constant 1 : i32
          %parallel_loop3A_3195 = vector.broadcast %parallel_loop3A_3194 : i32 to vector<16xi32>
          %parallel_loop3A_3196 = arith.addi %parallel_loop3A_3096, %parallel_loop3A_3195 : vector<16xi32>
          %parallel_loop3A_3197 = arith.constant 1 : i32
          %parallel_loop3A_3198 = vector.broadcast %parallel_loop3A_3197 : i32 to vector<16xi32>
          %parallel_loop3A_3199 = arith.addi %parallel_loop3A_3097, %parallel_loop3A_3198 : vector<16xi32>
          %parallel_loop3A_3200 = arith.constant 1 : i32
          %parallel_loop3A_3201 = vector.broadcast %parallel_loop3A_3200 : i32 to vector<16xi32>
          %parallel_loop3A_3202 = arith.addi %parallel_loop3A_3098, %parallel_loop3A_3201 : vector<16xi32>
          %parallel_loop3A_3203 = arith.constant 1 : i32
          %parallel_loop3A_3204 = vector.broadcast %parallel_loop3A_3203 : i32 to vector<16xi32>
          %parallel_loop3A_3205 = arith.addi %parallel_loop3A_3099, %parallel_loop3A_3204 : vector<16xi32>
          %parallel_loop3A_3206 = arith.constant 1 : i32
          %parallel_loop3A_3207 = vector.broadcast %parallel_loop3A_3206 : i32 to vector<16xi32>
          %parallel_loop3A_3208 = arith.addi %parallel_loop3A_3100, %parallel_loop3A_3207 : vector<16xi32>
          %parallel_loop3A_3209 = arith.constant 1 : i32
          %parallel_loop3A_3210 = vector.broadcast %parallel_loop3A_3209 : i32 to vector<16xi32>
          %parallel_loop3A_3211 = arith.addi %parallel_loop3A_3101, %parallel_loop3A_3210 : vector<16xi32>
          %parallel_loop3A_3212 = arith.constant 1 : i32
          %parallel_loop3A_3213 = vector.broadcast %parallel_loop3A_3212 : i32 to vector<16xi32>
          %parallel_loop3A_3214 = arith.addi %parallel_loop3A_3102, %parallel_loop3A_3213 : vector<16xi32>
          %parallel_loop3A_3215 = arith.constant 1 : i32
          %parallel_loop3A_3216 = vector.broadcast %parallel_loop3A_3215 : i32 to vector<16xi32>
          %parallel_loop3A_3217 = arith.addi %parallel_loop3A_3103, %parallel_loop3A_3216 : vector<16xi32>
          %parallel_loop3A_3218 = arith.constant 1 : i32
          %parallel_loop3A_3219 = vector.broadcast %parallel_loop3A_3218 : i32 to vector<16xi32>
          %parallel_loop3A_3220 = arith.addi %parallel_loop3A_3104, %parallel_loop3A_3219 : vector<16xi32>
          %parallel_loop3A_3221 = arith.constant 1 : i32
          %parallel_loop3A_3222 = vector.broadcast %parallel_loop3A_3221 : i32 to vector<16xi32>
          %parallel_loop3A_3223 = arith.addi %parallel_loop3A_3105, %parallel_loop3A_3222 : vector<16xi32>
          %parallel_loop3A_3224 = arith.constant 1 : i32
          %parallel_loop3A_3225 = vector.broadcast %parallel_loop3A_3224 : i32 to vector<16xi32>
          %parallel_loop3A_3226 = arith.addi %parallel_loop3A_3106, %parallel_loop3A_3225 : vector<16xi32>
          %parallel_loop3A_3227 = arith.constant 1 : i32
          %parallel_loop3A_3228 = vector.broadcast %parallel_loop3A_3227 : i32 to vector<16xi32>
          %parallel_loop3A_3229 = arith.addi %parallel_loop3A_3107, %parallel_loop3A_3228 : vector<16xi32>
          scf.yield %parallel_loop3A_3169, %parallel_loop3A_3172, %parallel_loop3A_3175, %parallel_loop3A_3178, %parallel_loop3A_3181, %parallel_loop3A_3184, %parallel_loop3A_3187, %parallel_loop3A_3190, %parallel_loop3A_3193, %parallel_loop3A_3196, %parallel_loop3A_3199, %parallel_loop3A_3202, %parallel_loop3A_3205, %parallel_loop3A_3208, %parallel_loop3A_3211, %parallel_loop3A_3214, %parallel_loop3A_3217, %parallel_loop3A_3220, %parallel_loop3A_3223, %parallel_loop3A_3226, %parallel_loop3A_3229 : vector<16xi32>, vector<16xi32>, vector<16xi32>, vector<16xi32>, vector<16xi32>, vector<16xi32>, vector<16xi32>, vector<16xi32>, vector<16xi32>, vector<16xi32>, vector<16xi32>, vector<16xi32>, vector<16xi32>, vector<16xi32>, vector<16xi32>, vector<16xi32>, vector<16xi32>, vector<16xi32>, vector<16xi32>, vector<16xi32>, vector<16xi32>
        } {sc.loop_unroll_factor = 1 : i64, sc.parallel_access}
      }
      %scan3A_16 = arith.constant 50 : i32
      %mul3A_17 = arith.constant 50 : i32
      %mul3A_18 = arith.muli %add3A_11, %mul3A_17 : i32
      "tpu.region"() ({
        %run_scoped3A = tpu.sem_alloc : memref<!tpu.dma_semaphore, #tpu.memory_space<semaphore_mem>>
        %dma_start3A = tpu.memref_slice %arg4[%mul3A_18] : memref<2560000xf32, #tpu.memory_space<hbm>> -> memref<40000xf32, #tpu.memory_space<hbm>>
        %dma_start3A_19 = tpu.memref_slice %arg4[%mul3A_18] : memref<2560000xf32, #tpu.memory_space<hbm>> -> memref<40000xf32, #tpu.memory_space<hbm>>
        tpu.enqueue_dma source(%arg7 : memref<40000xf32, #tpu.memory_space<vmem>>) target(%dma_start3A_19 : memref<40000xf32, #tpu.memory_space<hbm>>) target_semaphore(%run_scoped3A : memref<!tpu.dma_semaphore, #tpu.memory_space<semaphore_mem>>)
        %dma_wait3A = tpu.memref_slice %arg4[%mul3A_18] : memref<2560000xf32, #tpu.memory_space<hbm>> -> memref<40000xf32, #tpu.memory_space<hbm>>
        %dma_wait3A_20 = tpu.memref_slice %arg4[%mul3A_18] : memref<2560000xf32, #tpu.memory_space<hbm>> -> memref<40000xf32, #tpu.memory_space<hbm>>
        tpu.wait_dma2 semaphore(%run_scoped3A : memref<!tpu.dma_semaphore, #tpu.memory_space<semaphore_mem>>) src(%arg7 : memref<40000xf32, #tpu.memory_space<vmem>>) dst(%dma_wait3A_20 : memref<40000xf32, #tpu.memory_space<hbm>>)
        tpu.yield
      }) : () -> ()
    }
    %scan3A_5 = arith.constant 2 : i32
    return
  }
}

</mosaic_0001>

<sc_bundles>
// kernel: kernel.3.cloned.1.call-start
scs
__scs_entry_jumppad:
0x0: {  	(pc) =	sbr.rel $0x88, $3  }
0x1: {  	(tag) =	ssettag $0x0;
	lr =	simm.s32 $0x1  }
0x2: {  	[smem:$0x3F9F] =	sst lr;
	_ =	strace $0xD0000000  }
0x3: {  	_ = 	snop  }
0x4: {  	_ = 	snop  }
0x5: {  	_ = 	snop  }
0x6: {  	_ = 	snop  }
0x7: {  	_ = 	snop  }
__scs_overlays_trampoline_lowered:
0x8: {  	[smem:$0x3FAE] =	sst s0  }
0x9: {  	[smem:$0x3FAF] =	sst s1  }
0xa: {  	[smem:$0x3FB0] =	sst s2  }
0xb: {  	[smem:$0x3FB1] =	sst s3  }
0xc: {  	[smem:$0x3FB2] =	sst s4  }
0xd: {  	[smem:$0x3FB3] =	sst s5  }
0xe: {  	[smem:$0x3FB4] =	sst s6  }
0xf: {  	[smem:$0x3FB5] =	sst s7  }
0x10: {  	[smem:$0x3FB6] =	sst s8  }
0x11: {  	[smem:$0x3FB7] =	sst s9;
	s0 =	simm.s32 @!p0 $0x0  }
0x12: {  	s1 =	sld [smem:$0x3F9D];
	s0 =	simm.s32 @p0 $0x1  }
0x13: {  	[smem:$0x3FB8] =	sst s0;
	s0 =	simm.s32 @!p1 $0x0  }
0x14: {  	s2 =	sld [smem:$0x3F9C];
	s0 =	simm.s32 @p1 $0x1  }
0x15: {  	[smem:$0x3FB9] =	sst s0;
	s0 =	simm.s32 @!p2 $0x0  }
0x16: {  	s3 =	sld [smem:$0x3FDB];
	s0 =	simm.s32 @p2 $0x1  }
0x17: {  	s4 =	simm.s32 $0x1BF5;
	[smem:$0x3FBB] =	sst s0  }
0x18: {  	s0 =	sld [smem:$0x3F9E];
	_ =	swait.ge [sflag:s4], $0x0  }
0x19: {  	s7 =	sld [smem:$0x3F9F]  }
0x1a: {  	s8 =	sadd.s32 $0xFFFFE003, lr  }
0x1b: {  	s9 =	sadd.s32 $0xFFFFFEF7, lr;
	s5 =	simm.s32 $0xFFFFFFFF;
	p2 =	slt.u32 s8, $0xFFFFF086  }
0x1c: {  	p1 =	slt.u32 s9, $0xF7A;
	s5 =	simm.s32 @!p2 $0x0  }
0x1d: {  	s5 =	simm.s32 @p1 $0x1;
	p0 =	seq.s32 s7, s2  }
0x1e: {  	s7 =	smul.u32 @!p0 $0xF7A, s2;
	p2 =	seq.s32 @!p0 s5, $0x0  }
0x1f: {  	s9 =	smul.u32 $0xF7A, s1;
	s8 =	simm.s32 @!p0 $0x1BF5;
	p2 =	por !p2, p0  }
0x20: {  	[sflag:s8] =	ssyncset.s32 @!p0 $0xFFFFF086;
	s6 =	sadd.s32 @!p0 s3, s7;
	s7 =	simm.s32 @!p0 $0x108  }
0x21: {  	s3 =	sadd.s32 s3, s9;
	s6 =	sadd.s32 @!p0 $0x88, s6;
	s7 =	simm.s32 @p2 $0x1082  }
0x22: {  	[simem:s7], [sflag:s8] =	dma.local @!p0 [hbm:s6], $0xF7A  }
0x23: {  	s9 =	sor.u32 $0xD0000000, s2;
	s6 =	simm.s32 $0x108;
	_ =	swait.ge @!p0 [sflag:s8], $0x0  }
0x24: {  	s3 =	sadd.s32 $0x88, s3;
	s6 =	simm.s32 @!p1 $0x1082;
	[sflag:s4] =	ssyncset.s32 $0xFFFFF086  }
0x25: {  	[simem:s6], [sflag:s4] =	dma.local [hbm:s3], $0xF7A  }
0x26: {  	[smem:$0x3F9F] =	sst s1;
	(tag) =	ssettag s2;
	_ =	strace s9  }
0x27: {  	s1 =	sld [smem:$0x3FAF]  }
0x28: {  	s2 =	sld [smem:$0x3FB0]  }
0x29: {  	s4 =	sld [smem:$0x3FB2]  }
0x2a: {  	p0 =	seq.s32 s5, $0x0;
	s5 =	sld [smem:$0x3FB3]  }
0x2b: {  	s6 =	sld [smem:$0x3FB4]  }
0x2c: {  	s7 =	sld [smem:$0x3FB5]  }
0x2d: {  	s3 =	simm.s32 $0x108;
	s8 =	sld [smem:$0x3FB6]  }
0x2e: {  	s3 =	simm.s32 @!p0 $0x1082;
	s9 =	sld [smem:$0x3FB7]  }
0x2f: {  	lr =	sadd.s32 s0, s3;
	s0 =	sld [smem:$0x3FAE]  }
0x30: {  	s3 =	sld [smem:$0x3FB1]  }
0x31: {  	[smem:$0x3FBA] =	sst s10  }
0x32: {  	s10 =	sld [smem:$0x3FB8];
	_ =	sdelay $0x3  }
0x33: {  	p0 =	seq.s32 s10, $0x1;
	s10 =	sld [smem:$0x3FBA];
	_ =	sdelay $0x3  }
0x34: {  	[smem:$0x3FBA] =	sst s10  }
0x35: {  	s10 =	sld [smem:$0x3FB9];
	_ =	sdelay $0x3  }
0x36: {  	p1 =	seq.s32 s10, $0x1;
	s10 =	sld [smem:$0x3FBA];
	_ =	sdelay $0x3  }
0x37: {  	[smem:$0x3FBA] =	sst s10  }
0x38: {  	s10 =	sld [smem:$0x3FBB]  }
0x39: {  	_ = 	snop;
	(pc) =	sbr.ind lr, $3  }
0x3a: {  	_ = 	snop  }
0x3b: {  	_ = 	snop  }
0x3c: {  	p2 =	seq.s32 s10, $0x1;
	s10 =	sld [smem:$0x3FBA]  }
0x3d: {  	_ =	shalt  }
0x3e: {  	_ =	shalt  }
0x3f: {  	_ =	shalt  }
0x40: {  	_ =	shalt  }
0x41: {  	_ =	shalt  }
0x42: {  	_ =	shalt  }
0x43: {  	_ =	shalt  }
0x44: {  	_ =	shalt  }
0x45: {  	_ =	shalt  }
0x46: {  	_ =	shalt  }
0x47: {  	_ =	shalt  }
0x48: {  	_ =	shalt  }
0x49: {  	_ =	shalt  }
0x4a: {  	_ =	shalt  }
0x4b: {  	_ =	shalt  }
0x4c: {  	_ =	shalt  }
0x4d: {  	_ =	shalt  }
0x4e: {  	_ =	shalt  }
0x4f: {  	_ =	shalt  }
0x50: {  	_ =	shalt  }
0x51: {  	_ =	shalt  }
0x52: {  	_ =	shalt  }
0x53: {  	_ =	shalt  }
0x54: {  	_ =	shalt  }
0x55: {  	_ =	shalt  }
0x56: {  	_ =	shalt  }
0x57: {  	_ =	shalt  }
0x58: {  	_ =	shalt  }
0x59: {  	_ =	shalt  }
0x5a: {  	_ =	shalt  }
0x5b: {  	_ =	shalt  }
0x5c: {  	_ =	shalt  }
0x5d: {  	_ =	shalt  }
0x5e: {  	_ =	shalt  }
0x5f: {  	_ =	shalt  }
0x60: {  	_ =	shalt  }
0x61: {  	_ =	shalt  }
0x62: {  	_ =	shalt  }
0x63: {  	_ =	shalt  }
0x64: {  	_ =	shalt  }
0x65: {  	_ =	shalt  }
0x66: {  	_ =	shalt  }
0x67: {  	_ =	shalt  }
0x68: {  	_ =	shalt  }
0x69: {  	_ =	shalt  }
0x6a: {  	_ =	shalt  }
0x6b: {  	_ =	shalt  }
0x6c: {  	_ =	shalt  }
0x6d: {  	_ =	shalt  }
0x6e: {  	_ =	shalt  }
0x6f: {  	_ =	shalt  }
0x70: {  	_ =	shalt  }
0x71: {  	_ =	shalt  }
0x72: {  	_ =	shalt  }
0x73: {  	_ =	shalt  }
0x74: {  	_ =	shalt  }
0x75: {  	_ =	shalt  }
0x76: {  	_ =	shalt  }
0x77: {  	_ =	shalt  }
0x78: {  	_ =	shalt  }
0x79: {  	_ =	shalt  }
0x7a: {  	_ =	shalt  }
0x7b: {  	_ =	shalt  }
0x7c: {  	_ =	shalt  }
0x7d: {  	_ =	shalt  }
0x7e: {  	_ =	shalt  }
0x7f: {  	_ =	shalt  }
0x80: {  	_ =	shalt  }
0x81: {  	_ =	shalt  }
0x82: {  	_ =	shalt  }
0x83: {  	_ =	shalt  }
0x84: {  	_ =	shalt  }
0x85: {  	_ =	shalt  }
0x86: {  	_ =	shalt  }
0x87: {  	_ =	shalt  }
.Lfunc_end0:
.L_simem_size_0:
called_computation_lowered:
.L_overlay_start_0:
0x88: {  	s2 =	sld [smem:$0x3FD9]  }
0x89: {  	s3 =	sld [smem:$0x3FFE];
	_ =	sdelay $0x1  }
0x8a: {  	s1 =	srdreg.scid  }
0x8b: {  	s0 =	sand.u32 $0x1, s1  }
0x8c: {  	s17 =	sshll.u32 s0, $0xA;
	s2 =	sadd.s32 s3, s2  }
0x8d: {  	s2 =	sadd.s32 s2, s17  }
0x8e: {  	[smem:$0x3FC6] =	sst s2  }
0x8f: {  	_ = 	snop  }
0x90: {  	s2 =	sld [smem:$0x3FD0];
	(tm) =	ssettm $0x1  }
0x91: {  	s18 =	sld [smem:$0x3FFB];
	_ =	sdelay $0x3  }
0x92: {  	_ =	strace s18  }
0x93: {  	s3 =	sld [smem:$0x3FFC];
	_ =	sdelay $0x3  }
0x94: {  	_ =	strace s3  }
0x95: {  	s3 =	sld [smem:$0x3FFD];
	_ =	sdelay $0x3  }
0x96: {  	_ =	strace s3  }
0x97: {  	_ =	strace $0x8FFFFFFF  }
0x98: {  	s19 =	sld [smem:$0x3FDB];
	_ =	sdelay $0x1  }
0x99: {  	s4 =	simm.s32 $_scs_section_size  }
0x9a: {  	s5 =	simm.s32 $_size__tile_overlayer_lowered;
	s6 =	simm.s32 $_tile_overlayer_lowered  }
0x9b: {  	s22 =	simm.s32 $0x1BFF;
	s21 =	sshll.u32 s6, $0x1;
	s3 =	sadd.s32 s4, s19  }
0x9c: {  	s7 =	simm.s32 $0x0;
	s20 =	sshll.u32 s5, $0x1;
	s5 =	sadd.s32 s21, s3  }
0x9d: {  	[timem:s7], [sflag:s22] =	dma.local [hbm:s5], s20  }
0x9e: {  	_ =	swait.ge [sflag:s22], s20  }
0x9f: {  	s4 =	ssub.s32 $0x0, s20;
	[sflag:s22] =	ssyncset.done $0x0  }
0xa0: {  	[sflag:s22] =	ssyncadd.s32 s4;
	_ =	sdelay $0x1  }
0xa1: {  	s23 =	simm.s32 $0x1B8B  }
0xa2: {  	_ =	swait.ge [sflag:s23], $0x1  }
0xa3: {  	[sflag:s23] =	ssyncset.done $0x0  }
0xa4: {  	s25 =	simm.s32 $0x1B8E;
	s24 =	sld [smem:$0x3FFE];
	[sflag:s23] =	ssyncadd.s32 $0xFFFFFFFF  }
0xa5: {  	s26 =	simm.s32 $execute0_lowered;
	[smem:$0x3FD2] =	sst s25  }
0xa6: {  	s5 =	sshll.u32 s26, $0x1;
	_ =	strace $0x80000046;
	[dreg:$0x1] =	wrdreg $0xFFFFFFFF  }
0xa7: {  	s28 =	simm.s32 $_size_execute0_lowered;
	s3 =	sadd.s32 s3, s5;
	[dreg:$0x0] =	wrdreg $0x0  }
0xa8: {  	s5 =	sshll.u32 s28, $0x1;
	[dreg:$0x2] =	wrdreg s3  }
0xa9: {  	[dreg:$0x3] =	wrdreg s5  }
0xaa: {  	[dreg:$0x4] =	wrdreg $0xC0  }
0xab: {  	_ =	task [dreg:s7], $0x5FFFF  }
0xac: {  	[dreg:$0x1] =	wrdreg $0xFFFFFFFF  }
0xad: {  	[dreg:$0x0] =	wrdreg $0x60  }
0xae: {  	[dreg:$0x2] =	wrdreg s24  }
0xaf: {  	[dreg:$0x3] =	wrdreg s2  }
0xb0: {  	[dreg:$0x4] =	wrdreg $0x9  }
0xb1: {  	_ =	task.clear_ibuf [dreg:s7], $0x5FFFF;
	_ =	strace $0x90000046  }
0xb2: {  	s29 =	simm.s32 $0x9;
	_ =	strace $0x80000048  }
0xb3: {  	_ =	swait.ge [sflag:s29], $0x1  }
0xb4: {  	[sflag:s29] =	ssyncadd.s32 $0xFFFFFFFF  }
0xb5: {  	_ =	strace $0x90000048  }
0xb6: {  	_ =	sfence  }
0xb7: {  	s30 =	sld [smem:$0x0];
	_ =	sdelay $0x2  }
0xb8: {  	s31 =	sshll.u32 s1, $0xD;
	s1 =	sshrl.u32 s1, $0x2  }
0xb9: {  	s3 =	sand.u32 $0x4000, s31;
	s1 =	sadd.s32 s1, s30  }
0xba: {  	s0 =	sor.u32 s3, s0;
	s1 =	sshll.u32 s1, $0x11  }
0xbb: {  	s0 =	sor.u32 s1, s0  }
0xbc: {  	s0 =	sadd.s32 $0x8F2B, s0  }
0xbd: {  	[sflag:s0] =	ssyncadd.remote.s32 $0x1  }
0xbe: {  	_ =	sfence.sel $0xFFFF  }
0xbf: {  	[dreg:$0x0] =	wrdreg $0xFFFFFFFF;
	(pc) =	sbr.abs _section_cstart, $3  }
0xc0: {  	[dreg:$0x1] =	wrdreg $0xFFFFFFFF  }
0xc1: {  	_ =	task.clear_ibuf [dreg:s7], $0x2FFFF;
	_ =	strace $0x9FFFFFFF  }
0xc2: {  	(tm) =	ssettm $0x7FFFFFFF  }
0xc3: {  	_ =	shalt  }
tec
execute0_lowered:
.L_overlay_start_1:
0x0: {  	(tag) =	ssettag $0x1  }
0x1: {  	s5 =	rddreg [dreg:$0x0]  }
0x2: {  	s1 =	rddreg [dreg:$0x1]  }
0x3: {  	s0 =	rddreg [dreg:$0x2];
	s2 =	simm.s32 $0x0  }
0x4: {  	s3 =	srdreg.scid;
	s10 =	simm.s32 $0x10E50;
	s11 =	simm.s32 $0x0  }
0x5: {  	[smem:$0x7FF] =	sst s2;
	s6 =	sand.u32 $0x1, s3;
	s3 =	stileid.u32  }
0x6: {  	s4 =	sadd.s32 $0xC8600, s5;
	s5 =	sadd.s32 $0x600, s5;
	s7 =	ssub.s32 $0x2, s6  }
0x7: {  	_ =	strace $0x80000047;
	s9 =	sshll.u32 s3, $0x1;
	s8 =	sshrl.u32 s7, $0x1  }
0x8: {  	s6 =	sor.u32 s6, s9;
	s9 =	simm.s32 $0x1;
	s7 =	ssub.s32 s7, s8  }
0x9: {  	v2 =	vimm.f32 $0.0e+00;
	s6 =	smul.u32 $0x640, s6;
	s8 =	simm.s32 $0x4B00;
	s7 =	smax.u32 s7, $0x1  }
.LBB2_1:
0xa: {  	[tilespmem:s8], [sflag:$0x1] =	stream.linear.gather [hbm4b:s5+s2], $0xC350, $0x38;
	[tilespmem:$0x1AA90] =	vst v63  }
0xb: {  	_ =	swait.ge [sflag:s9], $0xC350  }
0xc: {  	[sflag:s9] =	ssyncset.done $0x0  }
0xd: {  	p1 =	por $0x1, $0x1;
	s12 =	simm.s32 $0x0;
	[sflag:s9] =	ssyncadd.s32 $0xFFFF3CB0  }
.LBB2_2:
0xe: {  	s12 =	sadd.s32 s6, s12  }
0xf: {  	s13 =	smul.u32 $0x3, s12;
	_ =	sdelay $0x1  }
0x10: {  	s14 =	sadd.s32 s4, s13;
	s13 =	simm.s32 $0x0  }
0x11: {  	[tilespmem:s13], [sflag:$0x1] =	stream.linear.gather [hbm4b:s14+s13], $0x4B00, $0x38;
	[tilespmem:$0x1AA90] =	vst v63  }
0x12: {  	_ =	swait.ge [sflag:s9], $0x4B00  }
0x13: {  	[sflag:s9] =	ssyncset.done $0x0  }
0x14: {  	p0 =	por p1, p1;
	[sflag:s9] =	ssyncadd.s32 $0xFFFFB500  }
.LBB2_3:
0x15: {  	s14 =	sshll.u32 s13, $0x4;
	v0 =	vlaneseq.u32  }
0x16: {  	v0 =	vor.u32 s14, v0  }
0x17: {  	[tilespmem:$0x1FFF0] =	vst v0;
	v0 =	vmul.u32 $0x18, v0;
	_ =	sdelay $0x1  }
0x18: {  	v1 =	vor.u32 $0x1, v0  }
0x19: {  	v5 =	vor.u32 $0x2, v0;
	_ =	sdelay $0x1  }
0x1a: {  	v7 =	vor.u32 $0x3, v0  }
0x1b: {  	v9 =	vld.idx.msk [tilespmem:v0+s2+$0x0], $0xffff  }
0x1c: {  	v37 =	vld.idx.msk [tilespmem:v1+s2+$0x0], $0xffff;
	v1 =	vor.u32 $0x4, v0  }
0x1d: {  	v35 =	vld.idx.msk [tilespmem:v5+s2+$0x0], $0xffff  }
0x1e: {  	v8 =	vor.u32 $0x5, v0  }
0x1f: {  	v10 =	vor.u32 $0x6, v0;
	v12 =	vld.idx.msk [tilespmem:v7+s2+$0x0], $0xffff  }
0x20: {  	v11 =	vadd.s32 $0x8, v0  }
0x21: {  	v3 =	vimm.f32 $1.000000000e+00;
	v15 =	vadd.s32 $0xB, v0;
	v36 =	vld.idx.msk [tilespmem:v1+s2+$0x0], $0xffff  }
0x22: {  	v1 =	vor.u32 $0x7, v0;
	vm0 =	veq.s32 v9, v37;
	vm1 =	veq.s32 v9, v35  }
0x23: {  	v14 =	vadd.s32 $0x9, v0;
	v7 =	vld.idx.msk [tilespmem:v8+s2+$0x0], $0xffff;
	v24 =	vsel vm0, $0x40000000, v3;
	v25 =	vsel vm1, $0x3F800000, v2  }
0x24: {  	v8 =	vld.idx.msk [tilespmem:v10+s2+$0x0], $0xffff;
	vm9 =	veq.s32 v9, v12;
	v13 =	vadd.f32 v25, v24  }
0x25: {  	v11 =	vld.idx.msk [tilespmem:v11+s2+$0x0], $0xffff;
	v33 =	vsel vm9, $0x3F800000, v2  }
0x26: {  	v18 =	vld.idx.msk [tilespmem:v15+s2+$0x0], $0xffff;
	v15 =	vadd.s32 $0xE, v0;
	v13 =	vadd.f32 v33, v13;
	vm10 =	veq.s32 v9, v36  }
0x27: {  	v10 =	vld.idx.msk [tilespmem:v1+s2+$0x0], $0xffff;
	v49 =	vsel vm10, $0x3F800000, v2  }
0x28: {  	v14 =	vld.idx.msk [tilespmem:v14+s2+$0x0], $0xffff;
	vm11 =	veq.s32 v9, v7;
	v1 =	vadd.s32 $0xA, v0;
	v13 =	vadd.f32 v49, v13  }
0x29: {  	v58 =	vsel vm11, $0x3F800000, v2  }
0x2a: {  	vm12 =	veq.s32 v9, v8;
	v13 =	vadd.f32 v58, v13  }
0x2b: {  	v17 =	vadd.s32 $0xC, v0;
	v20 =	vld.idx.msk [tilespmem:v15+s2+$0x0], $0xffff;
	v53 =	vsel vm12, $0x3F800000, v2  }
0x2c: {  	v21 =	vadd.s32 $0x11, v0;
	vm13 =	veq.s32 v9, v10;
	v13 =	vadd.f32 v53, v13  }
0x2d: {  	vm14 =	veq.s32 v9, v11;
	vm15 =	veq.s32 v9, v14;
	v16 =	vld.idx.msk [tilespmem:v1+s2+$0x0], $0xffff;
	v43 =	vsel vm13, $0x3F800000, v2  }
0x2e: {  	vm5 =	veq.s32 v9, v18;
	v1 =	vadd.s32 $0xD, v0;
	v13 =	vadd.f32 v43, v13  }
0x2f: {  	v39 =	vsel vm14, $0x3F800000, v2;
	v38 =	vsel vm15, $0x3F800000, v2;
	v44 =	vsel vm5, $0x3F800000, v2  }
0x30: {  	vm11 =	veq.s32 v37, v35;
	vm8 =	veq.s32 v9, v20;
	v19 =	vadd.f32 v39, v13  }
0x31: {  	vm5 =	veq.s32 v35, v12;
	vm15 =	veq.s32 v37, v36;
	v3 =	vsel vm8, $0x3F800000, v2;
	v13 =	vld.idx.msk [tilespmem:v17+s2+$0x0], $0xffff  }
0x32: {  	v17 =	vadd.s32 $0xF, v0;
	vm4 =	veq.s32 v9, v16;
	v19 =	vadd.f32 v38, v19  }
0x33: {  	v63 =	vsel vm15, $0x3F800000, v2;
	vm15 =	veq.s32 v35, v11;
	v22 =	vld.idx.msk [tilespmem:v1+s2+$0x0], $0xffff;
	v47 =	vsel vm4, $0x3F800000, v2  }
0x34: {  	vm13 =	veq.s32 v37, v12;
	v1 =	vadd.s32 $0x10, v0;
	v19 =	vadd.f32 v47, v19  }
0x35: {  	v32 =	vsel vm15, $0x3F800000, v2;
	vm8 =	veq.s32 v37, v10;
	v30 =	vsel vm13, $0x3F800000, v2  }
0x36: {  	vm13 =	veq.s32 v35, v10;
	vm6 =	veq.s32 v9, v13;
	v15 =	vadd.f32 v44, v19  }
0x37: {  	v29 =	vsel vm8, $0x3F800000, v2;
	v27 =	vsel vm13, $0x3F800000, v2;
	v23 =	vld.idx.msk [tilespmem:v17+s2+$0x0], $0xffff;
	v45 =	vsel vm6, $0x3F800000, v2  }
0x38: {  	vm4 =	veq.s32 v37, v7;
	vm7 =	veq.s32 v9, v22;
	v17 =	vadd.f32 v45, v15  }
0x39: {  	vm8 =	veq.s32 v37, v22;
	v19 =	vadd.s32 $0x12, v0;
	v40 =	vsel vm7, $0x3F800000, v2;
	v15 =	vld.idx.msk [tilespmem:v1+s2+$0x0], $0xffff  }
0x3a: {  	v0 =	vadd.s32 $0x13, v0;
	vm6 =	veq.s32 v37, v8;
	v1 =	vadd.f32 v40, v17  }
0x3b: {  	vm7 =	veq.s32 v35, v36;
	v50 =	vsel vm8, $0x3F800000, v2;
	v26 =	vsel vm6, $0x3F800000, v2  }
0x3c: {  	v6 =	vsel vm7, $0x3F800000, v2;
	vm9 =	veq.s32 v9, v23;
	v1 =	vadd.f32 v3, v1  }
0x3d: {  	[tilespmem:$0x1FF60] =	vst v3;
	vm6 =	veq.s32 v37, v13;
	vm7 =	veq.s32 v35, v16;
	v3 =	vsel vm9, $0x3F800000, v2  }
0x3e: {  	v54 =	vsel vm6, $0x3F800000, v2;
	vm10 =	veq.s32 v9, v15;
	v1 =	vadd.f32 v3, v1  }
0x3f: {  	v55 =	vsel vm7, $0x3F800000, v2;
	v17 =	vld.idx.msk [tilespmem:v21+s2+$0x0], $0xffff;
	vm13 =	veq.s32 v37, v23;
	[tilespmem:$0x1FF70] =	vst v3;
	v3 =	vsel vm10, $0x3F800000, v2  }
0x40: {  	v21 =	vld.idx.msk [tilespmem:v0+s2+$0x0], $0xffff;
	v41 =	vsel vm13, $0x3F800000, v2;
	v0 =	vadd.f32 v3, v1;
	v1 =	vsel vm11, $0x3F800000, v2  }
0x41: {  	vm13 =	veq.s32 v12, v7;
	vm9 =	veq.s32 v35, v7;
	v28 =	vadd.f32 v1, v24  }
0x42: {  	v4 =	vsel vm9, $0x3F800000, v2;
	vm9 =	veq.s32 v35, v18;
	v1 =	vadd.f32 v1, v25  }
0x43: {  	v19 =	vld.idx.msk [tilespmem:v19+s2+$0x0], $0xffff;
	vm15 =	veq.s32 v37, v15;
	vm6 =	veq.s32 v35, v15;
	v28 =	vadd.f32 v30, v28  }
0x44: {  	vm10 =	veq.s32 v37, v11;
	v59 =	vsel vm9, $0x3F800000, v2;
	v1 =	vadd.f32 $1.000000000e+00, v1  }
0x45: {  	vm12 =	veq.s32 v9, v17;
	v25 =	vadd.f32 v63, v28;
	v28 =	vsel vm5, $0x3F800000, v2  }
0x46: {  	v61 =	vsel vm10, $0x3F800000, v2;
	vm10 =	veq.s32 v37, v20;
	v1 =	vadd.f32 v1, v28  }
0x47: {  	[tilespmem:$0x1FF80] =	vst v3;
	vm8 =	veq.s32 v35, v17;
	v3 =	vsel vm12, $0x3F800000, v2;
	v24 =	vsel vm4, $0x3F800000, v2  }
0x48: {  	vm14 =	veq.s32 v9, v19;
	v25 =	vadd.f32 v24, v25;
	v1 =	vadd.f32 v1, v6  }
0x49: {  	vm0 =	veq.s32 v9, v21;
	vm11 =	veq.s32 v35, v8;
	vm12 =	veq.s32 v37, v14  }
0x4a: {  	v46 =	vsel vm10, $0x3F800000, v2;
	v25 =	vadd.f32 v26, v25;
	v1 =	vadd.f32 v1, v4  }
0x4b: {  	vm7 =	veq.s32 v37, v19;
	vm9 =	veq.s32 v37, v21;
	v5 =	vsel vm11, $0x3F800000, v2  }
0x4c: {  	vm10 =	veq.s32 v35, v19;
	v25 =	vadd.f32 v29, v25;
	v1 =	vadd.f32 v1, v5  }
0x4d: {  	v60 =	vsel vm12, $0x3F800000, v2;
	vm4 =	veq.s32 v37, v18;
	vm11 =	veq.s32 v35, v13  }
0x4e: {  	vm12 =	veq.s32 v35, v22;
	v25 =	vadd.f32 v61, v25;
	v34 =	vadd.f32 v1, v27  }
0x4f: {  	[tilespmem:$0x1FF90] =	vst v3;
	v0 =	vadd.f32 v3, v0;
	v3 =	vsel vm14, $0x3F800000, v2;
	vm14 =	veq.s32 v37, v16  }
0x50: {  	vm5 =	veq.s32 v35, v14;
	v25 =	vadd.f32 v60, v25;
	v34 =	vadd.f32 v34, v32  }
0x51: {  	v57 =	vsel vm4, $0x3F800000, v2;
	v52 =	vsel vm14, $0x3F800000, v2;
	v62 =	vsel vm5, $0x3F800000, v2  }
0x52: {  	v56 =	vsel vm11, $0x3F800000, v2;
	v25 =	vadd.f32 v52, v25;
	v34 =	vadd.f32 v34, v62  }
0x53: {  	v51 =	vsel vm12, $0x3F800000, v2;
	vm4 =	veq.s32 v35, v23;
	vm11 =	veq.s32 v35, v21  }
0x54: {  	vm12 =	veq.s32 v12, v36;
	v25 =	vadd.f32 v57, v25;
	v34 =	vadd.f32 v34, v55  }
0x55: {  	vm14 =	veq.s32 v35, v20;
	v42 =	vsel vm4, $0x3F800000, v2;
	v31 =	vadd.f32 v3, v0  }
0x56: {  	vm4 =	veq.s32 v36, v7;
	v25 =	vadd.f32 v54, v25;
	v34 =	vadd.f32 v34, v59  }
0x57: {  	[tilespmem:$0x1FFB0] =	vst v3;
	v0 =	vsel vm0, $0x3F800000, v2;
	v3 =	vadd.f32 v30, v33;
	v48 =	vsel vm14, $0x3F800000, v2  }
0x58: {  	v33 =	vsel vm6, $0x3F800000, v2;
	v25 =	vadd.f32 v50, v25;
	v34 =	vadd.f32 v34, v56  }
0x59: {  	vm14 =	veq.s32 v12, v8;
	v47 =	vadd.f32 v52, v47;
	v31 =	vadd.f32 v0, v31  }
0x5a: {  	vm6 =	veq.s32 v12, v14;
	v25 =	vadd.f32 v46, v25;
	v30 =	vadd.f32 v34, v51  }
0x5b: {  	vm5 =	veq.s32 v37, v17;
	v3 =	vadd.f32 v3, v28;
	v28 =	vsel vm11, $0x3F800000, v2  }
0x5c: {  	vm11 =	veq.s32 v12, v13;
	v25 =	vadd.f32 v41, v25;
	v30 =	vadd.f32 v30, v48  }
0x5d: {  	v47 =	vadd.f32 v47, v55;
	v24 =	vadd.f32 v24, v58;
	v34 =	vsel vm15, $0x3F800000, v2  }
0x5e: {  	[tilespmem:$0x1FFD0] =	vst v0;
	v0 =	vsel vm5, $0x3F800000, v2;
	v25 =	vadd.f32 v34, v25;
	v30 =	vadd.f32 v30, v42  }
0x5f: {  	vm5 =	veq.s32 v12, v11;
	(erf) = vrcp.f32 v31;
	v31 =	vsel vm10, $0x3F800000, v2  }
0x60: {  	[tilespmem:$0x1FFA0] =	vst v0;
	vm10 =	veq.s32 v7, v8;
	v25 =	vadd.f32 v0, v25;
	v0 =	vadd.f32 v30, v33  }
0x61: {  	v1 =	vsel vm7, $0x3F800000, v2;
	v57 =	vadd.f32 v57, v44;
	v30 =	vsel vm8, $0x3F800000, v2  }
0x62: {  	vm7 =	veq.s32 v36, v8;
	[tilespmem:$0x1FFC0] =	vst v1;
	v1 =	vadd.f32 v1, v25;
	v0 =	vadd.f32 v0, v30  }
0x63: {  	v57 =	vadd.f32 v57, v59;
	vm15 =	veq.s32 v12, v10;
	v25 =	vsel vm9, $0x3F800000, v2  }
0x64: {  	vm9 =	veq.s32 v12, v18;
	v1 =	vadd.f32 v25, v1;
	v0 =	vadd.f32 v0, v31  }
0x65: {  	vm8 =	veq.s32 v12, v16;
	[tilespmem:$0x1FFE0] =	vst v25;
	v25 =	vsel vm9, $0x3F800000, v2;
	vm9 =	veq.s32 v7, v11  }
0x66: {  	(erf) = vrcp.f32 v1;
	v1 =	vadd.f32 $1.000000000e+00, v3;
	v0 =	vadd.f32 v0, v28  }
0x67: {  	v3 =	vadd.f32 v63, v49;
	v63 =	vsel vm12, $0x3F800000, v2;
	v49 =	vsel vm10, $0x3F800000, v2  }
0x68: {  	vm12 =	veq.s32 v12, v22;
	(erf) = vrcp.f32 v0;
	v0 =	vadd.f32 v1, v63  }
0x69: {  	v1 =	vadd.f32 v3, v6;
	v3 =	vadd.f32 v24, v4;
	v4 =	vsel vm13, $0x3F800000, v2  }
0x6a: {  	vm10 =	veq.s32 v12, v19;
	v6 =	vadd.f32 v26, v53;
	v0 =	vadd.f32 v0, v4  }
0x6b: {  	v1 =	vadd.f32 v1, v63;
	v3 =	vadd.f32 v3, v4;
	v4 =	vsel vm14, $0x3F800000, v2  }
0x6c: {  	v24 =	vsel vm4, $0x3F800000, v2;
	v26 =	vsel vm6, $0x3F800000, v2;
	v0 =	vadd.f32 v0, v4  }
0x6d: {  	v5 =	vadd.f32 v6, v5;
	v6 =	vsel vm15, $0x3F800000, v2;
	v1 =	vadd.f32 $1.000000000e+00, v1  }
0x6e: {  	vm13 =	veq.s32 v36, v10;
	vm4 =	veq.s32 v7, v10;
	v0 =	vadd.f32 v0, v6  }
0x6f: {  	v3 =	vadd.f32 v3, v24;
	v1 =	vadd.f32 v1, v24;
	v24 =	vsel vm5, $0x3F800000, v2  }
0x70: {  	vm6 =	veq.s32 v12, v15;
	v53 =	vsel vm13, $0x3F800000, v2;
	v0 =	vadd.f32 v0, v24  }
0x71: {  	vm13 =	veq.s32 v36, v14;
	v63 =	vsel vm11, $0x3F800000, v2;
	v4 =	vadd.f32 v5, v4  }
0x72: {  	v5 =	vadd.f32 v29, v43;
	v29 =	vsel vm7, $0x3F800000, v2;
	v0 =	vadd.f32 v0, v26  }
0x73: {  	v4 =	vadd.f32 v4, v29;
	v1 =	vadd.f32 v1, v29;
	v29 =	vsel vm8, $0x3F800000, v2  }
0x74: {  	vm14 =	veq.s32 v12, v20;
	v5 =	vadd.f32 v5, v27;
	v27 =	vadd.f32 v0, v29  }
0x75: {  	vm15 =	veq.s32 v12, v23;
	vm11 =	veq.s32 v12, v21;
	v58 =	vsel vm14, $0x3F800000, v2  }
0x76: {  	vm14 =	veq.s32 v36, v16;
	vm5 =	veq.s32 v36, v11;
	v27 =	vadd.f32 v27, v25  }
0x77: {  	vm7 =	veq.s32 v12, v17;
	v3 =	vadd.f32 $1.000000000e+00, v3;
	v43 =	vsel vm5, $0x3F800000, v2  }
0x78: {  	vm5 =	veq.s32 v7, v14;
	v5 =	vadd.f32 v5, v6;
	v6 =	vadd.f32 v27, v63  }
0x79: {  	v3 =	vadd.f32 v3, v49;
	v27 =	vadd.f32 v61, v39;
	v61 =	vsel vm12, $0x3F800000, v2  }
0x7a: {  	v4 =	vadd.f32 v4, v49;
	v49 =	vsel vm6, $0x3F800000, v2;
	v6 =	vadd.f32 v6, v61  }
0x7b: {  	vm8 =	veq.s32 v8, v10;
	v1 =	vadd.f32 v1, v53;
	v5 =	vadd.f32 v5, v53  }
0x7c: {  	vm6 =	veq.s32 v36, v13;
	v4 =	vadd.f32 $1.000000000e+00, v4;
	v6 =	vadd.f32 v6, v58  }
0x7d: {  	v53 =	vsel vm15, $0x3F800000, v2;
	v1 =	vadd.f32 v1, v43;
	v27 =	vadd.f32 v27, v32  }
0x7e: {  	vm15 =	veq.s32 v10, v11;
	v29 =	vadd.f32 v47, v29;
	v6 =	vadd.f32 v6, v53  }
0x7f: {  	v39 =	vsel vm10, $0x3F800000, v2;
	vm12 =	veq.s32 v8, v11;
	v24 =	vadd.f32 v27, v24  }
0x80: {  	vm10 =	veq.s32 v10, v14;
	v27 =	vsel vm4, $0x3F800000, v2;
	v6 =	vadd.f32 v6, v49  }
0x81: {  	v3 =	vadd.f32 v3, v27;
	v24 =	vadd.f32 v24, v43;
	v43 =	vsel vm7, $0x3F800000, v2  }
0x82: {  	v5 =	vadd.f32 v5, v27;
	v27 =	vsel vm8, $0x3F800000, v2;
	v6 =	vadd.f32 v6, v43  }
0x83: {  	vm4 =	veq.s32 v36, v18;
	vm8 =	veq.s32 v36, v22;
	v32 =	vadd.f32 v4, v27  }
0x84: {  	v4 =	vsel vm9, $0x3F800000, v2;
	v5 =	vadd.f32 v5, v27;
	v6 =	vadd.f32 v6, v39  }
0x85: {  	v3 =	vadd.f32 v3, v4;
	v24 =	vadd.f32 v24, v4;
	v4 =	vsel vm11, $0x3F800000, v2  }
0x86: {  	v27 =	vadd.f32 v60, v38;
	v60 =	vsel vm12, $0x3F800000, v2;
	v6 =	vadd.f32 v6, v4  }
0x87: {  	vm7 =	veq.s32 v8, v14;
	v32 =	vadd.f32 v32, v60;
	v24 =	vadd.f32 v24, v60  }
0x88: {  	v60 =	vsel vm13, $0x3F800000, v2;
	(erf) = vrcp.f32 v6;
	v6 =	vadd.f32 v27, v62  }
0x89: {  	v52 =	vsel vm8, $0x3F800000, v2;
	vm9 =	veq.s32 v36, v20;
	v1 =	vadd.f32 v1, v60  }
0x8a: {  	v5 =	vadd.f32 $1.000000000e+00, v5;
	v6 =	vadd.f32 v6, v26;
	v26 =	vsel vm14, $0x3F800000, v2  }
0x8b: {  	vm8 =	veq.s32 v11, v16;
	v27 =	vsel vm15, $0x3F800000, v2;
	v1 =	vadd.f32 v1, v26  }
0x8c: {  	v5 =	vadd.f32 v5, v27;
	v24 =	vadd.f32 v24, v27;
	v27 =	vsel vm4, $0x3F800000, v2  }
0x8d: {  	v38 =	vsel vm6, $0x3F800000, v2;
	vm12 =	veq.s32 v36, v15;
	v1 =	vadd.f32 v1, v27  }
0x8e: {  	vm6 =	veq.s32 v11, v14;
	vm11 =	veq.s32 v36, v23;
	v6 =	vadd.f32 v6, v60  }
0x8f: {  	v55 =	vsel vm12, $0x3F800000, v2;
	v62 =	vsel vm5, $0x3F800000, v2;
	v1 =	vadd.f32 v1, v38  }
0x90: {  	v0 =	vsel vm6, $0x3F800000, v2;
	vm12 =	veq.s32 v10, v18;
	v6 =	vadd.f32 v6, v62  }
0x91: {  	vm6 =	veq.s32 v16, v18;
	v60 =	vsel vm7, $0x3F800000, v2;
	v1 =	vadd.f32 v1, v52  }
0x92: {  	v3 =	vadd.f32 v3, v62;
	v62 =	vsel vm9, $0x3F800000, v2;
	v6 =	vadd.f32 v6, v60  }
0x93: {  	v32 =	vadd.f32 v32, v60;
	v60 =	vsel vm10, $0x3F800000, v2;
	v1 =	vadd.f32 v1, v62  }
0x94: {  	v5 =	vadd.f32 v5, v60;
	v6 =	vadd.f32 v6, v60;
	v60 =	vsel vm11, $0x3F800000, v2  }
0x95: {  	vm13 =	veq.s32 v7, v16;
	vm15 =	veq.s32 v8, v16;
	v1 =	vadd.f32 v1, v60  }
0x96: {  	vm5 =	veq.s32 v36, v21;
	vm4 =	veq.s32 v36, v19;
	v26 =	vadd.f32 v29, v26  }
0x97: {  	vm14 =	veq.s32 v36, v17;
	v29 =	vsel vm13, $0x3F800000, v2;
	v1 =	vadd.f32 v1, v55  }
0x98: {  	v3 =	vadd.f32 v3, v29;
	v29 =	vadd.f32 v26, v29;
	v26 =	vsel vm14, $0x3F800000, v2  }
0x99: {  	v47 =	vsel vm15, $0x3F800000, v2;
	v44 =	vsel vm5, $0x3F800000, v2;
	v1 =	vadd.f32 v1, v26  }
0x9a: {  	v32 =	vadd.f32 v32, v47;
	v29 =	vadd.f32 v29, v47;
	v47 =	vsel vm4, $0x3F800000, v2  }
0x9b: {  	vm15 =	veq.s32 v14, v18;
	v24 =	vadd.f32 $1.000000000e+00, v24;
	v1 =	vadd.f32 v1, v47  }
0x9c: {  	vm5 =	veq.s32 v7, v22;
	vm13 =	veq.s32 v11, v18;
	vm7 =	veq.s32 v10, v16  }
0x9d: {  	v24 =	vadd.f32 v24, v0;
	v59 =	vsel vm7, $0x3F800000, v2;
	v1 =	vadd.f32 v1, v44  }
0x9e: {  	vm14 =	veq.s32 v7, v13;
	vm9 =	veq.s32 v14, v16;
	v0 =	vadd.f32 v6, v0  }
0x9f: {  	(erf) = vrcp.f32 v1;
	v1 =	vadd.f32 v5, v59;
	v5 =	vadd.f32 v29, v59  }
0xa0: {  	v6 =	vadd.f32 v57, v25;
	v25 =	vsel vm8, $0x3F800000, v2;
	v0 =	vadd.f32 $1.000000000e+00, v0  }
0xa1: {  	v24 =	vadd.f32 v24, v25;
	v5 =	vadd.f32 v5, v25;
	v25 =	vsel vm9, $0x3F800000, v2  }
0xa2: {  	vm10 =	veq.s32 v7, v18;
	v6 =	vadd.f32 v6, v27;
	v0 =	vadd.f32 v0, v25  }
0xa3: {  	v27 =	vsel vm10, $0x3F800000, v2;
	v5 =	vadd.f32 v5, v25;
	v25 =	vadd.f32 v54, v45  }
0xa4: {  	vm7 =	veq.s32 v10, v13;
	vm11 =	veq.s32 v8, v18;
	v6 =	vadd.f32 v6, v27  }
0xa5: {  	v3 =	vadd.f32 v3, v27;
	v27 =	vsel vm11, $0x3F800000, v2;
	v25 =	vadd.f32 v25, v56  }
0xa6: {  	vm4 =	veq.s32 v8, v13;
	vm8 =	veq.s32 v7, v20;
	v6 =	vadd.f32 v6, v27  }
0xa7: {  	v29 =	vadd.f32 v32, v27;
	v27 =	vsel vm12, $0x3F800000, v2;
	v25 =	vadd.f32 v25, v63  }
0xa8: {  	v57 =	vadd.f32 v50, v40;
	vm10 =	veq.s32 v11, v13;
	v6 =	vadd.f32 v6, v27  }
0xa9: {  	v1 =	vadd.f32 v1, v27;
	v27 =	vsel vm13, $0x3F800000, v2;
	v25 =	vadd.f32 v25, v38  }
0xaa: {  	v24 =	vadd.f32 v24, v27;
	v6 =	vadd.f32 v6, v27;
	v45 =	vsel vm14, $0x3F800000, v2  }
0xab: {  	v27 =	vsel vm15, $0x3F800000, v2;
	v3 =	vadd.f32 v3, v45;
	v25 =	vadd.f32 v25, v45  }
0xac: {  	v0 =	vadd.f32 v0, v27;
	v6 =	vadd.f32 v6, v27;
	v27 =	vsel vm4, $0x3F800000, v2  }
0xad: {  	v29 =	vadd.f32 v29, v27;
	v25 =	vadd.f32 v25, v27;
	v27 =	vsel vm5, $0x3F800000, v2  }
0xae: {  	vm11 =	veq.s32 v7, v15;
	v32 =	vsel vm8, $0x3F800000, v2;
	v3 =	vadd.f32 v3, v27  }
0xaf: {  	vm12 =	veq.s32 v7, v17;
	v54 =	vsel vm6, $0x3F800000, v2;
	v5 =	vadd.f32 $1.000000000e+00, v5  }
0xb0: {  	vm9 =	veq.s32 v7, v23;
	v6 =	vadd.f32 v6, v54;
	v3 =	vadd.f32 v3, v32  }
0xb1: {  	v5 =	vadd.f32 v5, v54;
	v54 =	vsel vm9, $0x3F800000, v2;
	v38 =	vadd.f32 v57, v51  }
0xb2: {  	v59 =	vsel vm10, $0x3F800000, v2;
	v50 =	vsel vm12, $0x3F800000, v2;
	v3 =	vadd.f32 v3, v54  }
0xb3: {  	vm13 =	veq.s32 v14, v13;
	v51 =	vsel vm11, $0x3F800000, v2;
	v38 =	vadd.f32 v38, v61  }
0xb4: {  	vm15 =	veq.s32 v7, v21;
	vm14 =	veq.s32 v7, v19;
	v3 =	vadd.f32 v3, v51  }
0xb5: {  	v40 =	vsel vm15, $0x3F800000, v2;
	v56 =	vsel vm7, $0x3F800000, v2;
	v38 =	vadd.f32 v38, v52  }
0xb6: {  	vm4 =	veq.s32 v8, v22;
	v25 =	vadd.f32 v25, v56;
	v3 =	vadd.f32 v3, v50  }
0xb7: {  	v1 =	vadd.f32 v1, v56;
	v45 =	vsel vm14, $0x3F800000, v2;
	v27 =	vadd.f32 v38, v27  }
0xb8: {  	v56 =	vsel vm4, $0x3F800000, v2;
	v25 =	vadd.f32 v25, v59;
	v3 =	vadd.f32 v3, v45  }
0xb9: {  	vm6 =	veq.s32 v10, v22;
	v63 =	vsel vm13, $0x3F800000, v2;
	v27 =	vadd.f32 v27, v56  }
0xba: {  	vm5 =	veq.s32 v16, v13;
	v25 =	vadd.f32 v25, v63;
	v3 =	vadd.f32 v3, v40  }
0xbb: {  	v24 =	vadd.f32 v24, v59;
	v57 =	vsel vm5, $0x3F800000, v2;
	v59 =	vsel vm6, $0x3F800000, v2  }
0xbc: {  	(erf) = vrcp.f32 v3;
	v3 =	vadd.f32 v25, v57;
	v25 =	vadd.f32 v27, v59;
	v27 =	vld [tilespmem:$0x1FF60]  }
0xbd: {  	vm8 =	veq.s32 v18, v13;
	vm10 =	veq.s32 v16, v22;
	vm12 =	veq.s32 v8, v20  }
0xbe: {  	vm15 =	veq.s32 v11, v20;
	vm7 =	veq.s32 v11, v22;
	vm9 =	veq.s32 v14, v22  }
0xbf: {  	vm13 =	veq.s32 v10, v20;
	v0 =	vadd.f32 v0, v63;
	v6 =	vadd.f32 $1.000000000e+00, v6  }
0xc0: {  	vm11 =	veq.s32 v18, v22;
	v61 =	vsel vm7, $0x3F800000, v2;
	vm14 =	veq.s32 v13, v22  }
0xc1: {  	vm7 =	veq.s32 v18, v20;
	v24 =	vadd.f32 v24, v61;
	v27 =	vadd.f32 v46, v27  }
0xc2: {  	v52 =	vsel vm11, $0x3F800000, v2;
	vm11 =	veq.s32 v10, v23;
	vm5 =	veq.s32 v8, v23  }
0xc3: {  	v5 =	vadd.f32 v5, v57;
	vm4 =	veq.s32 v14, v20;
	v27 =	vadd.f32 v27, v48  }
0xc4: {  	v29 =	vadd.f32 v29, v56;
	v56 =	vsel vm12, $0x3F800000, v2;
	vm6 =	veq.s32 v16, v20  }
0xc5: {  	v1 =	vadd.f32 v1, v59;
	v63 =	vsel vm8, $0x3F800000, v2;
	v27 =	vadd.f32 v27, v58  }
0xc6: {  	vm12 =	veq.s32 v8, v19;
	v29 =	vadd.f32 v29, v56;
	v6 =	vadd.f32 v6, v63  }
0xc7: {  	vm8 =	veq.s32 v8, v15;
	v25 =	vadd.f32 v25, v61;
	v61 =	vld [tilespmem:$0x1FF70];
	v27 =	vadd.f32 v27, v62  }
0xc8: {  	v6 =	vadd.f32 v6, v52;
	v57 =	vsel vm13, $0x3F800000, v2;
	v59 =	vsel vm15, $0x3F800000, v2  }
0xc9: {  	vm13 =	veq.s32 v22, v20;
	v1 =	vadd.f32 v1, v57;
	v27 =	vadd.f32 v27, v32  }
0xca: {  	v24 =	vadd.f32 v24, v59;
	v3 =	vadd.f32 v3, v63;
	v63 =	vsel vm5, $0x3F800000, v2  }
0xcb: {  	vm15 =	veq.s32 v8, v21;
	v29 =	vadd.f32 v29, v63;
	v27 =	vadd.f32 v27, v56  }
0xcc: {  	v3 =	vadd.f32 $1.000000000e+00, v3;
	v46 =	vsel vm9, $0x3F800000, v2;
	v32 =	vadd.f32 v41, v61  }
0xcd: {  	vm5 =	veq.s32 v16, v23;
	v0 =	vadd.f32 v0, v46;
	v27 =	vadd.f32 v27, v57  }
0xce: {  	vm9 =	veq.s32 v8, v17;
	v25 =	vadd.f32 v25, v46;
	v32 =	vadd.f32 v32, v42  }
0xcf: {  	v48 =	vsel vm10, $0x3F800000, v2;
	vm10 =	veq.s32 v13, v20;
	v27 =	vadd.f32 v27, v59  }
0xd0: {  	v25 =	vadd.f32 v25, v48;
	v62 =	vsel vm4, $0x3F800000, v2;
	v32 =	vadd.f32 v32, v53  }
0xd1: {  	v5 =	vadd.f32 v5, v48;
	v48 =	vsel vm6, $0x3F800000, v2;
	v27 =	vadd.f32 v27, v62  }
0xd2: {  	v58 =	vsel vm14, $0x3F800000, v2;
	v25 =	vadd.f32 v25, v52;
	v32 =	vadd.f32 v32, v60  }
0xd3: {  	vm6 =	veq.s32 v10, v15;
	v3 =	vadd.f32 v3, v58;
	v27 =	vadd.f32 v27, v48  }
0xd4: {  	v5 =	vadd.f32 v5, v48;
	v52 =	vsel vm7, $0x3F800000, v2;
	v32 =	vadd.f32 v32, v54  }
0xd5: {  	vm14 =	veq.s32 v11, v23;
	v25 =	vadd.f32 v25, v58;
	v27 =	vadd.f32 v27, v52  }
0xd6: {  	v0 =	vadd.f32 v0, v62;
	v53 =	vsel vm10, $0x3F800000, v2;
	v32 =	vadd.f32 v32, v63  }
0xd7: {  	v25 =	vadd.f32 $1.000000000e+00, v25;
	v57 =	vsel vm11, $0x3F800000, v2;
	v27 =	vadd.f32 v27, v53  }
0xd8: {  	v38 =	vadd.f32 v1, v57;
	v1 =	vsel vm13, $0x3F800000, v2;
	v32 =	vadd.f32 v32, v57  }
0xd9: {  	v25 =	vadd.f32 v25, v1;
	v27 =	vadd.f32 v27, v1;
	v1 =	vsel vm14, $0x3F800000, v2  }
0xda: {  	vm4 =	veq.s32 v14, v23;
	v24 =	vadd.f32 v24, v1;
	v1 =	vadd.f32 v32, v1  }
0xdb: {  	vm7 =	veq.s32 v10, v17;
	v6 =	vadd.f32 v6, v52;
	v58 =	vsel vm4, $0x3F800000, v2  }
0xdc: {  	vm4 =	veq.s32 v11, v19;
	v52 =	vadd.f32 v0, v58;
	v0 =	vadd.f32 v1, v58;
	v1 =	vld [tilespmem:$0x1FF80]  }
0xdd: {  	v41 =	vsel vm9, $0x3F800000, v2;
	v42 =	vsel vm8, $0x3F800000, v2;
	vm8 =	veq.s32 v18, v23  }
0xde: {  	vm9 =	veq.s32 v13, v23;
	v29 =	vadd.f32 v29, v42;
	v61 =	vsel vm8, $0x3F800000, v2  }
0xdf: {  	vm8 =	veq.s32 v14, v19;
	v6 =	vadd.f32 v6, v61;
	vm10 =	veq.s32 v10, v19  }
0xe0: {  	vm11 =	veq.s32 v10, v21;
	v56 =	vadd.f32 v3, v53;
	v3 =	vsel vm12, $0x3F800000, v2  }
0xe1: {  	v29 =	vadd.f32 v29, v41;
	vm12 =	veq.s32 v22, v23;
	v1 =	vadd.f32 v34, v1  }
0xe2: {  	vm13 =	veq.s32 v11, v15;
	v59 =	vsel vm5, $0x3F800000, v2;
	v60 =	vsel vm6, $0x3F800000, v2  }
0xe3: {  	vm5 =	veq.s32 v11, v21;
	vm6 =	veq.s32 v14, v15;
	v1 =	vadd.f32 v1, v33  }
0xe4: {  	v5 =	vadd.f32 v5, v59;
	v29 =	vadd.f32 v29, v3;
	v46 =	vsel vm5, $0x3F800000, v2  }
0xe5: {  	v62 =	vsel vm9, $0x3F800000, v2;
	vm9 =	veq.s32 v14, v21;
	v1 =	vadd.f32 v1, v49  }
0xe6: {  	vm5 =	veq.s32 v18, v21;
	v54 =	vsel vm9, $0x3F800000, v2;
	v0 =	vadd.f32 v0, v59  }
0xe7: {  	vm9 =	veq.s32 v13, v21;
	v48 =	vadd.f32 v56, v62;
	v63 =	vadd.f32 v1, v55  }
0xe8: {  	v57 =	vsel vm12, $0x3F800000, v2;
	vm12 =	veq.s32 v16, v19;
	v0 =	vadd.f32 v0, v61  }
0xe9: {  	v25 =	vadd.f32 v25, v57;
	vm14 =	veq.s32 v11, v17;
	v34 =	vadd.f32 v63, v51  }
0xea: {  	v32 =	vsel vm15, $0x3F800000, v2;
	vm15 =	veq.s32 v20, v23;
	v0 =	vadd.f32 v0, v62  }
0xeb: {  	v27 =	vadd.f32 $1.000000000e+00, v27;
	v58 =	vsel vm13, $0x3F800000, v2;
	v34 =	vadd.f32 v34, v42  }
0xec: {  	vm13 =	veq.s32 v16, v21;
	v61 =	vld [tilespmem:$0x1FFA0];
	v53 =	vadd.f32 v0, v57;
	v0 =	vadd.f32 v29, v32  }
0xed: {  	v59 =	vsel vm15, $0x3F800000, v2;
	v29 =	vadd.f32 v38, v60;
	v34 =	vadd.f32 v34, v60;
	v60 =	vld [tilespmem:$0x1FF90]  }
0xee: {  	v24 =	vadd.f32 v24, v58;
	vm15 =	veq.s32 v18, v17;
	v27 =	vadd.f32 v27, v59  }
0xef: {  	v62 =	vsel vm6, $0x3F800000, v2;
	vm6 =	veq.s32 v13, v15;
	v33 =	vsel vm7, $0x3F800000, v2  }
0xf0: {  	v52 =	vadd.f32 v52, v62;
	vm7 =	veq.s32 v14, v17;
	v38 =	vsel vm14, $0x3F800000, v2  }
0xf1: {  	vm14 =	veq.s32 v18, v15;
	v24 =	vadd.f32 v24, v38;
	v29 =	vadd.f32 v29, v33  }
0xf2: {  	v49 =	vsel vm10, $0x3F800000, v2;
	v42 =	vadd.f32 v53, v59;
	v53 =	vadd.f32 v61, v60  }
0xf3: {  	vm10 =	veq.s32 v16, v15;
	(erf) = vrcp.f32 v0;
	v1 =	vsel vm11, $0x3F800000, v2  }
0xf4: {  	vm11 =	veq.s32 v16, v17;
	v29 =	vadd.f32 v29, v49;
	v30 =	vadd.f32 v53, v30  }
0xf5: {  	v55 =	vsel vm11, $0x3F800000, v2;
	vm11 =	veq.s32 v22, v17;
	v51 =	vsel vm4, $0x3F800000, v2  }
0xf6: {  	v63 =	vsel vm7, $0x3F800000, v2;
	vm4 =	veq.s32 v18, v19;
	v30 =	vadd.f32 v30, v43  }
0xf7: {  	vm7 =	veq.s32 v13, v17;
	v29 =	vadd.f32 v29, v1;
	v24 =	vadd.f32 v24, v51  }
0xf8: {  	v52 =	vadd.f32 v52, v63;
	v57 =	vsel vm4, $0x3F800000, v2;
	v26 =	vadd.f32 v30, v26  }
0xf9: {  	v59 =	vsel vm10, $0x3F800000, v2;
	v24 =	vadd.f32 v24, v46;
	v34 =	vadd.f32 v34, v58;
	v60 =	vld [tilespmem:$0x1FFB0]  }
0xfa: {  	vm4 =	veq.s32 v20, v19;
	v5 =	vadd.f32 v5, v59;
	v61 =	vld [tilespmem:$0x1FFC0];
	v26 =	vadd.f32 v26, v50  }
0xfb: {  	vm10 =	veq.s32 v22, v15;
	v42 =	vadd.f32 $1.000000000e+00, v42;
	v34 =	vadd.f32 v34, v62  }
0xfc: {  	(erf) = vrcp.f32 v29;
	v5 =	vadd.f32 v5, v55;
	v26 =	vadd.f32 v26, v41  }
0xfd: {  	(erf) = vrcp.f32 v24;
	v34 =	vadd.f32 v34, v59;
	v59 =	vsel vm11, $0x3F800000, v2  }
0xfe: {  	vm11 =	veq.s32 v15, v19;
	v53 =	vsel vm9, $0x3F800000, v2;
	v26 =	vadd.f32 v26, v33  }
0xff: {  	vm9 =	veq.s32 v23, v21;
	v43 =	vsel vm8, $0x3F800000, v2;
	v56 =	vadd.f32 v61, v60  }
0x100: {  	vm8 =	veq.s32 v13, v19;
	v30 =	vadd.f32 v52, v43;
	v26 =	vadd.f32 v26, v38  }
0x101: {  	v62 =	vld [tilespmem:$0x1FFD0];
	v52 =	vsel vm13, $0x3F800000, v2;
	vm13 =	veq.s32 v22, v21;
	v31 =	vadd.f32 v56, v31  }
0x102: {  	v56 =	vsel vm6, $0x3F800000, v2;
	vm6 =	veq.s32 v23, v15;
	v26 =	vadd.f32 v26, v63;
	v63 =	vld [tilespmem:$0x1FFE0]  }
0x103: {  	v50 =	vsel vm12, $0x3F800000, v2;
	v30 =	vadd.f32 v30, v54;
	v48 =	vadd.f32 v48, v56  }
0x104: {  	vm12 =	veq.s32 v22, v19;
	v5 =	vadd.f32 v5, v50;
	v31 =	vadd.f32 v31, v39  }
0x105: {  	v39 =	vsel vm7, $0x3F800000, v2;
	vm7 =	veq.s32 v23, v17;
	v41 =	vsel vm14, $0x3F800000, v2  }
0x106: {  	v48 =	vadd.f32 v48, v39;
	vm14 =	veq.s32 v20, v15;
	v6 =	vadd.f32 v6, v41  }
0x107: {  	(erf) = vrcp.f32 v30;
	v5 =	vadd.f32 v5, v52;
	v58 =	vadd.f32 v63, v62  }
0x108: {  	v31 =	vadd.f32 v31, v47;
	v47 =	vsel vm8, $0x3F800000, v2;
	v24 =	vadd.f32 v34, v41  }
0x109: {  	v33 =	vsel vm15, $0x3F800000, v2;
	v60 =	vadd.f32 v48, v47;
	v28 =	vadd.f32 v58, v28  }
0x10a: {  	v6 =	vadd.f32 v6, v33;
	v31 =	vadd.f32 v31, v45;
	v45 =	vsel vm10, $0x3F800000, v2  }
0x10b: {  	(erf) = vrcp.f32 v5;
	v5 =	vadd.f32 v24, v56;
	v4 =	vadd.f32 v28, v4  }
0x10c: {  	vm8 =	veq.s32 v23, v19;
	v25 =	vadd.f32 v25, v45;
	v3 =	vadd.f32 v31, v3  }
0x10d: {  	vm15 =	veq.s32 v20, v17;
	v6 =	vadd.f32 v6, v57;
	v4 =	vadd.f32 v4, v44  }
0x10e: {  	vm10 =	veq.s32 v15, v17;
	v5 =	vadd.f32 v5, v45;
	v3 =	vadd.f32 v3, v49  }
0x10f: {  	v38 =	vsel vm5, $0x3F800000, v2;
	v25 =	vadd.f32 v25, v59;
	v4 =	vadd.f32 v4, v40  }
0x110: {  	vm5 =	veq.s32 v20, v21;
	v6 =	vadd.f32 v6, v38;
	v3 =	vadd.f32 v3, v51  }
0x111: {  	v49 =	vsel vm14, $0x3F800000, v2;
	v26 =	vadd.f32 v26, v55;
	v4 =	vadd.f32 v4, v32  }
0x112: {  	v31 =	vsel vm12, $0x3F800000, v2;
	v27 =	vadd.f32 v27, v49;
	v3 =	vadd.f32 v3, v43  }
0x113: {  	v26 =	vadd.f32 v26, v33;
	v62 =	vsel vm6, $0x3F800000, v2;
	v1 =	vadd.f32 v4, v1  }
0x114: {  	v24 =	vpop (erf);
	(erf) = vrcp.f32 v6;
	v42 =	vadd.f32 v42, v62;
	v3 =	vadd.f32 v3, v50  }
0x115: {  	v63 =	vsel vm7, $0x3F800000, v2;
	v6 =	vadd.f32 v26, v39;
	v1 =	vadd.f32 v1, v46  }
0x116: {  	v42 =	vadd.f32 v42, v63;
	v28 =	vsel vm15, $0x3F800000, v2;
	v3 =	vadd.f32 v3, v57  }
0x117: {  	v61 =	vsel vm5, $0x3F800000, v2;
	v27 =	vadd.f32 v27, v28;
	v1 =	vadd.f32 v1, v54  }
0x118: {  	vm12 =	veq.s32 v15, v21;
	v44 =	vadd.f32 v60, v53;
	v3 =	vadd.f32 v3, v47  }
0x119: {  	v51 =	vsel vm4, $0x3F800000, v2;
	v4 =	vadd.f32 v25, v31;
	v1 =	vadd.f32 v1, v52  }
0x11a: {  	v58 =	vsel vm13, $0x3F800000, v2;
	v3 =	vadd.f32 v3, v31;
	v25 =	vadd.f32 v27, v51  }
0x11b: {  	v26 =	vpop (erf);
	(erf) = vrcp.f32 v44;
	v4 =	vadd.f32 v4, v58;
	v1 =	vadd.f32 v1, v38  }
0x11c: {  	v3 =	vadd.f32 v3, v51;
	v27 =	vsel vm8, $0x3F800000, v2;
	v0 =	vadd.f32 v25, v61  }
0x11d: {  	v29 =	vpop (erf);
	(erf) = vrcp.f32 v4;
	v4 =	vadd.f32 v6, v59;
	v1 =	vadd.f32 v1, v53  }
0x11e: {  	v42 =	vadd.f32 v42, v27;
	(erf) = vrcp.f32 v0;
	v0 =	vadd.f32 v5, v49  }
0x11f: {  	vm14 =	veq.s32 v17, v21;
	v4 =	vadd.f32 v4, v28;
	v1 =	vadd.f32 v1, v58  }
0x120: {  	vm13 =	veq.s32 v17, v19;
	v3 =	vadd.f32 v3, v27;
	v0 =	vadd.f32 v0, v62  }
0x121: {  	v60 =	vsel vm9, $0x3F800000, v2;
	v4 =	vadd.f32 v4, v63;
	v1 =	vadd.f32 v1, v61  }
0x122: {  	v25 =	vadd.f32 v42, v60;
	v5 =	vsel vm10, $0x3F800000, v2;
	v0 =	vadd.f32 $1.000000000e+00, v0  }
0x123: {  	v6 =	vsel vm11, $0x3F800000, v2;
	v4 =	vadd.f32 v4, v5;
	v1 =	vadd.f32 v1, v60  }
0x124: {  	v3 =	vadd.f32 v3, v6;
	v0 =	vadd.f32 v0, v5;
	v5 =	vsel vm12, $0x3F800000, v2  }
0x125: {  	v27 =	vsel vm13, $0x3F800000, v2;
	v4 =	vadd.f32 $1.000000000e+00, v4;
	v1 =	vadd.f32 v1, v5  }
0x126: {  	v3 =	vadd.f32 v3, v27;
	v0 =	vadd.f32 v0, v6;
	v6 =	vsel vm14, $0x3F800000, v2  }
0x127: {  	vm15 =	veq.s32 v19, v21;
	v28 =	vpop (erf);
	v4 =	vadd.f32 v4, v27;
	v1 =	vadd.f32 v1, v6  }
0x128: {  	v30 =	vpop (erf);
	v3 =	vadd.f32 $1.000000000e+00, v3;
	v0 =	vadd.f32 v0, v5;
	v5 =	vsel vm15, $0x3F800000, v2  }
0x129: {  	(erf) = vrcp.f32 v25;
	v27 =	vpop (erf);
	v4 =	vadd.f32 v4, v6;
	v1 =	vadd.f32 v1, v5  }
0x12a: {  	v31 =	vpop (erf);
	(erf) = vrcp.f32 v0;
	v0 =	vadd.f32 v3, v5  }
0x12b: {  	v6 =	vpop (erf);
	v1 =	vadd.f32 $1.000000000e+00, v1  }
0x12c: {  	(erf) = vrcp.f32 v4;
	v3 =	vpop (erf)  }
0x12d: {  	(erf) = vrcp.f32 v0;
	v4 =	vpop (erf)  }
0x12e: {  	v0 =	vpop (erf);
	(erf) = vrcp.f32 v1  }
0x12f: {  	v1 =	vpop (erf)  }
0x130: {  	v5 =	vpop (erf)  }
0x131: {  	v25 =	vadd.f32 v26, v24;
	v61 =	vadd.f32 v28, v29;
	v32 =	vpop (erf)  }
0x132: {  	v62 =	vadd.f32 v27, v30;
	v63 =	vadd.f32 v6, v31;
	v33 =	vpop (erf)  }
0x133: {  	v48 =	vadd.f32 v4, v3;
	v49 =	vadd.f32 v1, v0;
	v38 =	vpop (erf)  }
0x134: {  	v50 =	vadd.f32 v32, v5;
	v41 =	vpop (erf);
	v51 =	vadd.f32 v38, v33  }
0x135: {  	v25 =	vadd.f32 v61, v25;
	v52 =	vadd.f32 v63, v62;
	v44 =	vpop (erf)  }
0x136: {  	v53 =	vadd.f32 v49, v48;
	v47 =	vpop (erf);
	v54 =	vadd.f32 v51, v50  }
0x137: {  	v25 =	vadd.f32 v52, v25;
	v55 =	vadd.f32 v44, v41;
	v39 =	vpop (erf)  }
0x138: {  	v56 =	vadd.f32 v39, v47;
	v57 =	vadd.f32 v54, v53;
	_ =	sdelay $0x1  }
0x139: {  	v58 =	vadd.f32 v56, v55;
	v25 =	vadd.f32 v57, v25;
	_ =	sdelay $0x1  }
0x13a: {  	v25 =	vadd.f32 v58, v25;
	_ =	sdelay $0x1  }
0x13b: {  	(erf) = vrcp.f32 v25;
	_ =	sdelay $0x5  }
0x13c: {  	v61 =	vmul.u32 $0x32, v18  }
0x13d: {  	v60 =	vmul.u32 $0x32, v23  }
0x13e: {  	v35 =	vmul.u32 $0x32, v35;
	v37 =	vmul.u32 $0x32, v37;
	v62 =	vmul.u32 $0x32, v20  }
0x13f: {  	v34 =	vmul.u32 $0x32, v7;
	v45 =	vmul.u32 $0x32, v16;
	v42 =	vmul.u32 $0x32, v12;
	v59 =	vpop (erf)  }
0x140: {  	v52 =	vmul.u32 $0x32, v22;
	v24 =	vmul.f32 v59, v24;
	v12 =	vmul.f32 v59, v26  }
0x141: {  	v50 =	vmul.u32 $0x32, v9;
	v25 =	vmul.f32 v59, v29;
	v26 =	vmul.f32 v59, v28  }
0x142: {  	v40 =	vld.idx.msk [tilespmem:v61+s8+$0x0], $0xffff;
	v51 =	vmul.u32 $0x32, v11;
	v23 =	vmul.f32 v59, v30;
	v22 =	vmul.f32 v59, v27  }
0x143: {  	v63 =	vld.idx.msk [tilespmem:v60+s8+$0x0], $0xffff;
	v11 =	vadd.s32 $0x1, v61;
	v27 =	vmul.f32 v59, v31;
	v16 =	vmul.f32 v59, v6  }
0x144: {  	v54 =	vld.idx.msk [tilespmem:v62+s8+$0x0], $0xffff;
	v56 =	vmul.u32 $0x32, v19;
	v28 =	vmul.f32 v59, v3;
	v29 =	vmul.f32 v59, v0  }
0x145: {  	v30 =	vmul.f32 v59, v1;
	v1 =	vmul.u32 $0x32, v14;
	v0 =	vld.idx.msk [tilespmem:v42+s8+$0x0], $0xffff;
	v14 =	vmul.f32 v59, v32  }
0x146: {  	v55 =	vmul.u32 $0x32, v21;
	v32 =	vmul.f32 v59, v33;
	v33 =	vmul.f32 v59, v38;
	v38 =	vld.idx.msk [tilespmem:v52+s8+$0x0], $0xffff  }
0x147: {  	v21 =	vadd.s32 $0x1, v35;
	v18 =	vmul.f32 v59, v4;
	v9 =	vmul.f32 v59, v41;
	v41 =	vld.idx.msk [tilespmem:v45+s8+$0x0], $0xffff  }
0x148: {  	v6 =	vmul.f32 v59, v44;
	v7 =	vmul.f32 v59, v39;
	v39 =	vmul.u32 $0x32, v8;
	v44 =	vld.idx.msk [tilespmem:v50+s8+$0x0], $0xffff  }
0x149: {  	v20 =	vmul.f32 v59, v47;
	v47 =	vmul.u32 $0x32, v36;
	v36 =	vmul.u32 $0x32, v13;
	v3 =	vld [tilespmem:$0x1FFF0]  }
0x14a: {  	v31 =	vmul.f32 v59, v5;
	v4 =	vmul.u32 $0x32, v10;
	v10 =	vadd.s32 $0x1, v60;
	v60 =	vld.idx.msk [tilespmem:v34+s8+$0x0], $0xffff  }
0x14b: {  	v5 =	vmul.u32 $0x32, v15;
	v59 =	vmul.u32 $0x32, v17;
	v8 =	vadd.s32 $0x1, v62;
	v62 =	vld.idx.msk [tilespmem:v51+s8+$0x0], $0xffff  }
0x14c: {  	v15 =	vadd.s32 $0x1, v45;
	v58 =	vmul.f32 v63, v33;
	v57 =	vmul.f32 v0, v26;
	v0 =	vld.idx.msk [tilespmem:v35+s8+$0x0], $0xffff  }
0x14d: {  	v13 =	vadd.s32 $0x1, v36;
	v48 =	vmul.f32 v40, v30;
	v17 =	vadd.s32 $0x1, v39;
	v53 =	vld.idx.msk [tilespmem:v1+s8+$0x0], $0xffff  }
0x14e: {  	v54 =	vmul.f32 v54, v32;
	v3 =	vmul.u32 $0x32, v3;
	v61 =	vmul.f32 v38, v14;
	v45 =	vld.idx.msk [tilespmem:v39+s8+$0x0], $0xffff  }
0x14f: {  	v43 =	vmul.f32 v44, v24;
	v49 =	vmul.f32 v41, v29;
	v35 =	vadd.s32 $0x1, v47;
	v40 =	vld.idx.msk [tilespmem:v36+s8+$0x0], $0xffff  }
0x150: {  	v38 =	vadd.s32 $0x1, v42;
	v42 =	vadd.s32 $0x1, v59;
	v41 =	vld.idx.msk [tilespmem:v4+s8+$0x0], $0xffff;
	v36 =	vadd.s32 $0x1, v55  }
0x151: {  	v39 =	vadd.s32 $0x1, v50;
	v50 =	vmul.f32 v60, v22;
	v44 =	vadd.f32 v48, v49;
	v48 =	vld.idx.msk [tilespmem:v37+s8+$0x0], $0xffff  }
0x152: {  	v49 =	vld.idx.msk [tilespmem:v47+s8+$0x0], $0xffff;
	v47 =	vadd.f32 v58, v54;
	v63 =	vmul.f32 v0, v25;
	v0 =	vadd.s32 $0x1, v37  }
0x153: {  	v37 =	vadd.s32 $0x1, v1;
	v1 =	vadd.s32 $0x1, v51;
	v51 =	vld.idx.msk [tilespmem:v56+s8+$0x0], $0xffff;
	v54 =	vmul.f32 v45, v27  }
0x154: {  	v45 =	vld.idx.msk [tilespmem:v55+s8+$0x0], $0xffff;
	v46 =	vadd.f32 v57, v63;
	v63 =	vmul.f32 v40, v31;
	v40 =	vadd.s32 $0x1, v52  }
0x155: {  	v19 =	vadd.s32 $0x1, v3;
	v55 =	vmul.f32 v53, v18;
	v53 =	vld.idx.msk [tilespmem:v5+s8+$0x0], $0xffff;
	v57 =	vmul.f32 v41, v16  }
0x156: {  	s14 =	simm.s32 $0x31;
	v58 =	vmul.f32 v62, v28;
	v52 =	vld.idx.msk [tilespmem:v59+s8+$0x0], $0xffff;
	v41 =	vadd.s32 $0x1, v56;
	v56 =	vadd.f32 v61, v63  }
.LBB2_4:
0x157: {  	v59 =	vld.idx.msk [tilespmem:v38+s8+$0x0], $0xffff;
	p1 =	sne.s32 s14, $0x1;
	s14 =	sadd.s32 $0xFFFFFFFF, s14;
	v48 =	vmul.f32 v48, v12;
	v54 =	vadd.f32 v57, v54;
	v5 =	vadd.s32 $0x1, v5;
	v57 =	vmovc v8  }
0x158: {  	v49 =	vmul.f32 v49, v23;
	v4 =	vadd.s32 $0x1, v4;
	v60 =	vld.idx.msk [tilespmem:v10+s8+$0x0], $0xffff;
	v55 =	vadd.f32 v55, v58;
	v58 =	vmovc v13  }
0x159: {  	v34 =	vadd.s32 $0x1, v34;
	v47 =	vadd.f32 v47, v56;
	v56 =	vmovc v19;
	v61 =	vld.idx.msk [tilespmem:v40+s8+$0x0], $0xffff;
	v43 =	vadd.f32 v48, v43  }
0x15a: {  	v62 =	vmul.f32 v51, v20;
	v49 =	vadd.f32 v50, v49;
	v48 =	vld.idx.msk [tilespmem:v15+s8+$0x0], $0xffff;
	v44 =	vadd.f32 v44, v55  }
0x15b: {  	v45 =	vmul.f32 v45, v7;
	v52 =	vmul.f32 v52, v6;
	v50 =	vld.idx.msk [tilespmem:v11+s8+$0x0], $0xffff;
	v43 =	vadd.f32 v46, v43  }
0x15c: {  	v53 =	vmul.f32 v53, v9;
	v49 =	vadd.f32 v54, v49;
	v46 =	vld.idx.msk [tilespmem:v39+s8+$0x0], $0xffff;
	v44 =	vadd.f32 v47, v44  }
0x15d: {  	v8 =	vadd.s32 $0x1, v8;
	v10 =	vadd.s32 $0x1, v10;
	v51 =	vmovc v36;
	v45 =	vadd.f32 v45, v62;
	v47 =	vmovc v35;
	v55 =	vld.idx.msk [tilespmem:v37+s8+$0x0], $0xffff  }
0x15e: {  	v59 =	vmul.f32 v59, v26;
	v43 =	vadd.f32 v49, v43;
	v54 =	vld.idx.msk [tilespmem:v57+s8+$0x0], $0xffff;
	v57 =	vmul.f32 v60, v33  }
0x15f: {  	v13 =	vadd.s32 $0x1, v13;
	v11 =	vadd.s32 $0x1, v11;
	v52 =	vadd.f32 v52, v53;
	v49 =	vld.idx.msk [tilespmem:v21+s8+$0x0], $0xffff  }
0x160: {  	v15 =	vadd.s32 $0x1, v15;
	v60 =	vmul.f32 v61, v14;
	v44 =	vadd.f32 v44, v43;
	v53 =	vld.idx.msk [tilespmem:v34+s8+$0x0], $0xffff  }
0x161: {  	v45 =	vadd.f32 v45, v52;
	v50 =	vmul.f32 v50, v30;
	v61 =	vld.idx.msk [tilespmem:v17+s8+$0x0], $0xffff;
	v17 =	vadd.s32 $0x1, v17  }
0x162: {  	v19 =	vadd.s32 $0x1, v19;
	v43 =	vmul.f32 v46, v24;
	v46 =	vmul.f32 v48, v29;
	v52 =	vld.idx.msk [tilespmem:v58+s8+$0x0], $0xffff  }
0x163: {  	v35 =	vadd.s32 $0x1, v35;
	v21 =	vadd.s32 $0x1, v21;
	v45 =	vadd.f32 v45, v44;
	v58 =	vld.idx.msk [tilespmem:v4+s8+$0x0], $0xffff  }
0x164: {  	v36 =	vadd.s32 $0x1, v36;
	v54 =	vmul.f32 v54, v32;
	v44 =	vadd.f32 v50, v46;
	v62 =	vld.idx.msk [tilespmem:v1+s8+$0x0], $0xffff  }
0x165: {  	v37 =	vadd.s32 $0x1, v37;
	v46 =	vmul.f32 v49, v25;
	v48 =	vld.idx.msk [tilespmem:v0+s8+$0x0], $0xffff;
	v0 =	vadd.s32 $0x1, v0;
	[tilespmem:v3+s10+$0x0] =	vst.idx.msk $0xffff, v45  }
.Ltmp0:
0x166: {  	v38 =	vadd.s32 $0x1, v38;
	v1 =	vadd.s32 $0x1, v1;
	v3 =	vmovc v56;
	v49 =	vld.idx.msk [tilespmem:v47+s8+$0x0], $0xffff;
	v47 =	vadd.f32 v57, v54;
	(pc) =	sbr.rel @p1 .LBB2_4-.Ltmp0, $4  }
0x167: {  	v39 =	vadd.s32 $0x1, v39;
	v54 =	vmul.f32 v61, v27;
	v46 =	vadd.f32 v59, v46;
	v45 =	vld.idx.msk [tilespmem:v51+s8+$0x0], $0xffff  }
0x168: {  	v40 =	vadd.s32 $0x1, v40;
	v50 =	vmul.f32 v53, v22;
	v56 =	vmul.f32 v52, v31;
	v51 =	vld.idx.msk [tilespmem:v41+s8+$0x0], $0xffff  }
0x169: {  	v55 =	vmul.f32 v55, v18;
	v57 =	vmul.f32 v58, v16;
	v41 =	vadd.s32 $0x1, v41;
	v52 =	vld.idx.msk [tilespmem:v42+s8+$0x0], $0xffff  }
0x16a: {  	v58 =	vmul.f32 v62, v28;
	v56 =	vadd.f32 v60, v56;
	v42 =	vadd.s32 $0x1, v42;
	v53 =	vld.idx.msk [tilespmem:v5+s8+$0x0], $0xffff  }
0x16b: {  	v0 =	vmul.f32 v48, v12;
	v1 =	vadd.f32 v57, v54;
	v4 =	vmul.f32 v49, v23  }
0x16c: {  	v5 =	vadd.f32 v55, v58;
	v8 =	vadd.f32 v47, v56  }
0x16d: {  	v7 =	vmul.f32 v45, v7;
	v0 =	vadd.f32 v0, v43;
	v4 =	vadd.f32 v50, v4  }
0x16e: {  	v10 =	vmul.f32 v51, v20;
	v5 =	vadd.f32 v44, v5;
	v6 =	vmul.f32 v52, v6  }
0x16f: {  	v0 =	vadd.f32 v46, v0;
	v9 =	vmul.f32 v53, v9;
	v1 =	vadd.f32 v1, v4  }
0x170: {  	v63 =	vadd.f32 v7, v10;
	v62 =	vadd.f32 v8, v5  }
0x171: {  	s13 =	sadd.s32 $0x1, s13;
	v0 =	vadd.f32 v1, v0;
	v1 =	vadd.f32 v6, v9  }
0x172: {  	p1 =	sne.s32 s13, $0x32  }
.Ltmp1:
0x173: {  	v0 =	vadd.f32 v62, v0;
	v1 =	vadd.f32 v63, v1;
	(pc) =	sbr.rel @p1 .LBB2_3-.Ltmp1, $3  }
0x174: {  	_ = 	snop  }
0x175: {  	v0 =	vadd.f32 v1, v0;
	_ =	sdelay $0x1  }
0x176: {  	[tilespmem:v3+s10+$0x0] =	vst.idx.msk $0xffff, v0  }
0x177: {  	s12 =	smul.u32 $0x32, s12;
	_ =	sdelay $0x1  }
0x178: {  	s12 =	sshrl.u32 s12, $0x3  }
.Ltmp2:
0x179: {  	s12 =	sadd.s32 s1, s12;
	(pc) =	sbr.rel @p0 .LBB2_2-.Ltmp2, $4  }
0x17a: {  	[hbm4b:s12+s2] =	stream.linear.scatter [tilespmem:s10], [sflag:$0x1], $0x9C40, $0x38;
	[tilespmem:$0x1AA90] =	vst v63  }
0x17b: {  	_ =	swait.ge [sflag:s9], $0x9C40  }
0x17c: {  	[sflag:s9] =	ssyncset.done $0x0  }
0x17d: {  	p1 =	por $0x0, $0x0;
	s12 =	simm.s32 $0x320;
	[sflag:s9] =	ssyncadd.s32 $0xFFFF63C0  }
0x17e: {  	s11 =	sadd.s32 $0x1, s11  }
0x17f: {  	p0 =	sne.s32 s11, s7  }
.Ltmp3:
0x180: {  	_ = 	snop;
	(pc) =	sbr.rel @p0 .LBB2_1-.Ltmp3, $1  }
0x181: {  	_ =	sdelay $0x3  }
0x182: {  	_ =	sfence.sel $0x180000  }
0x183: {  	[bflag:$0x0] =	sbarrier.arrive $0xFFFF  }
0x184: {  	p0 =	sne.s32 s3, $0x0;
	_ =	strace $0x90000047  }
0x185: {  	s0 =	sadd.s32 @!p0 $0x100000, s0;
	[bflag:$0x2] =	sbarrier.arrive $0xFFFF  }
0x186: {  	[sflag:s0] =	ssyncadd.tile.s32 @!p0 $0x1;
	_ =	shalt  }
.Lfunc_end2:
_tile_overlayer_lowered:
.L_overlay_start_2:
0x187: {  	(tag) =	ssettag $0x2  }
0x188: {  	s0 =	rddreg [dreg:$0x0];
	s2 =	stileid.u32  }
0x189: {  	s1 =	rddreg [dreg:$0x1];
	p0 =	sne.s32 s2, $0x0  }
0x18a: {  	s3 =	rddreg [dreg:$0x2];
	[bflag:$0x3] =	sbarrier.arrive $0xFFFF;
	s2 =	simm.s32 @!p0 $0x1C01  }
0x18b: {  	[timem:s3], [sflag:s2] =	dma.local @!p0 [hbm:s0], s1  }
0x18c: {  	s0 =	simm.s32 @!p0 $0x1  }
0x18d: {  	_ =	swait.ge @!p0 [sflag:s0], s1  }
0x18e: {  	s1 =	ssub.s32 @!p0 $0x0, s1;
	[sflag:s0] =	ssyncset.done @!p0 $0x0  }
0x18f: {  	[sflag:s0] =	ssyncadd.s32 @!p0 s1  }
0x190: {  	[bflag:$0x3] =	sbarrier.arrive $0xFFFF  }
0x191: {  	_ =	shalt  }

</sc_bundles>
